<compile_context>
chip_gen: v7x
topology: tpu7x:2x2x1
jax: 0.10.2.dev20260603
libtpu: 0.0.44.dev20260713+nightly
codegen_flags: <defaults>
</compile_context>

<pallas_src>
import functools

import jax
import jax.numpy as jnp
from jax import lax
from jax.experimental import pallas as pl
from jax.experimental.pallas import tpu as pltpu
from jax.experimental.pallas import tpu_sc as plsc

_N_FIELDS = 26
_VOCAB = 1000
_EMB = 128
_BATCH = 4096
_N_NUM = 13
_OUT_W = _N_FIELDS * _EMB + _N_NUM

_NW = 32
_ROWS = _BATCH // _NW
_LANES = 16
_NB = 5


def _body(xt_hbm, xnum_hbm, table_hbm, out_hbm, idx_v, rows_v, xn_v, gsem, wsem, nsem):
    wid = lax.axis_index("s") * 2 + lax.axis_index("c")
    b0 = wid * _ROWS
    pltpu.sync_copy(xnum_hbm.at[pl.ds(b0, _ROWS)], xn_v)
    ncopy = pltpu.make_async_copy(
        xn_v, out_hbm.at[pl.ds(b0, _ROWS), pl.ds(_N_FIELDS * _EMB, _N_NUM)], nsem
    )
    ncopy.start()
    pltpu.sync_copy(xt_hbm.at[:, pl.ds(b0, _ROWS)], idx_v)
    for f in range(1, _N_FIELDS):
        off = f * _VOCAB
        for j in range(_ROWS // _LANES):
            sl = pl.ds(j * _LANES, _LANES)
            idx_v[f, sl] = idx_v[f, sl] + off

    gd = [None] * _N_FIELDS
    wd = [None] * _N_FIELDS

    def gstart(f):
        s = f % _NB
        gd[f] = pltpu.make_async_copy(
            table_hbm.at[idx_v.at[f]], rows_v.at[s], gsem.at[s]
        )
        gd[f].start()

    def wstart(f):
        s = f % _NB
        wd[f] = pltpu.make_async_copy(
            rows_v.at[s],
            out_hbm.at[pl.ds(b0, _ROWS), pl.ds(f * _EMB, _EMB)],
            wsem.at[s],
        )
        wd[f].start()

    for f in range(_NB - 1):
        gstart(f)
    for f in range(_N_FIELDS):
        gd[f].wait()
        wstart(f)
        wd[f].wait()
        nf = f + _NB - 1
        if nf < _N_FIELDS:
            gstart(nf)
    ncopy.wait()


@jax.jit
def kernel(x_cat, x_num, tables):
    xt = x_cat.astype(jnp.int32).T
    table = tables.reshape(_N_FIELDS * _VOCAB, _EMB)
    run = functools.partial(
        pl.kernel,
        out_type=jax.ShapeDtypeStruct((_BATCH, _OUT_W), jnp.float32),
        mesh=plsc.VectorSubcoreMesh(core_axis_name="c", subcore_axis_name="s"),
        compiler_params=pltpu.CompilerParams(use_tc_tiling_on_sc=True),
        scratch_types=[
            pltpu.VMEM((_N_FIELDS, _ROWS), jnp.int32),
            pltpu.VMEM((_NB, _ROWS, _EMB), jnp.float32),
            pltpu.VMEM((_ROWS, _N_NUM), jnp.float32),
            pltpu.SemaphoreType.DMA((_NB,)),
            pltpu.SemaphoreType.DMA((_NB,)),
            pltpu.SemaphoreType.DMA,
        ],
    )(_body)
    return run(xt, x_num, table)

# --- scband reference (transcript-rebuilt; emitter-appended) ---
"""Pipeline reference for scband-tab-encoder-37099927503118 (READ-ONLY COPY).

The authoritative reference and input builder live on the scoring server;
editing this copy changes nothing except your own understanding.
"""

import jax, jax.numpy as jnp
import numpy as np

N_FIELDS = 26
VOCAB = 1000
EMB = 128
BATCH = 4096
N_NUM = 13


def setup_inputs(seed: int = 0) -> dict:
    key = jax.random.key(seed)
    k1, k2, k3 = jax.random.split(key, 3)
    x_cat = jax.random.randint(k1, (BATCH, N_FIELDS), 0, VOCAB, dtype=jnp.int64) if jax.config.jax_enable_x64 else jax.random.randint(k1, (BATCH, N_FIELDS), 0, VOCAB, dtype=jnp.int32)
    x_num = jax.random.normal(k2, (BATCH, N_NUM), dtype=jnp.float32)
    # One embedding table per categorical field, stacked: [N_FIELDS, VOCAB, EMB]
    tables = jax.random.normal(k3, (N_FIELDS, VOCAB, EMB), dtype=jnp.float32) * 0.02
    return {"x_cat": x_cat, "x_num": x_num, "tables": tables}


def reference(x_cat, x_num, tables):
    # Embed each categorical column with its own table, concat, then append numeric feats.
    embs = [jnp.take(tables[i], x_cat[:, i], axis=0) for i in range(N_FIELDS)]
    e = jnp.concatenate(embs, axis=1)
    return jnp.concatenate([e, x_num], axis=1)

if __name__ == "__main__":
    import jax
    _d = setup_inputs()
    print(jax.jit(kernel)(*tuple(_d.values())))

</pallas_src>

<mosaic_0001>
#map = affine_map<(d0, d1) -> (0, 0)>
module attributes {stable_mosaic.version = 14 : i64} {
  func.func @_body(%arg0: i32, %arg1: i32, %arg2: memref<26x4096xi32, #tpu.memory_space<hbm>>, %arg3: memref<4096x13xf32, #tpu.memory_space<hbm>>, %arg4: memref<26000x128xf32, #tpu.memory_space<hbm>>, %arg5: memref<4096x3341xf32, #tpu.memory_space<hbm>>, %arg6: memref<26x128xi32, #tpu.memory_space<vmem>>, %arg7: memref<5x128x128xf32, #tpu.memory_space<vmem>>, %arg8: memref<128x13xf32, #tpu.memory_space<vmem>>, %arg9: memref<5x!tpu.dma_semaphore, #tpu.memory_space<semaphore_mem>>, %arg10: memref<5x!tpu.dma_semaphore, #tpu.memory_space<semaphore_mem>>, %arg11: memref<!tpu.dma_semaphore, #tpu.memory_space<semaphore_mem>>) attributes {dimension_semantics = [#tpu.dimension_semantics<core_parallel>, #tpu.dimension_semantics<subcore_parallel>], iteration_bounds = array<i64: 2, 16>, scalar_prefetch = 0 : i64, scratch_operands = 6 : i64, tpu.core_type = #tpu.core_type<sc_vector_subcore>, window_params = [{transform_indices = #map}, {transform_indices = #map}, {transform_indices = #map}, {transform_indices = #map}]} {
    %mul3A = arith.constant 2 : i32
    %mul3A_0 = arith.muli %arg1, %mul3A : i32
    %add3A = arith.addi %mul3A_0, %arg0 : i32
    %mul3A_1 = arith.constant 128 : i32
    %mul3A_2 = arith.muli %add3A, %mul3A_1 : i32
    "tpu.region"() ({
      %run_scoped3A = tpu.sem_alloc : memref<!tpu.dma_semaphore, #tpu.memory_space<semaphore_mem>>
      %dma_start3A_4419 = arith.constant 0 : i32
      %dma_start3A_4420 = tpu.memref_slice %arg3[%mul3A_2, %dma_start3A_4419] : memref<4096x13xf32, #tpu.memory_space<hbm>> -> memref<128x13xf32, #tpu.memory_space<hbm>>
      %dma_start3A_4421 = arith.constant 0 : i32
      %dma_start3A_4422 = tpu.memref_slice %arg3[%mul3A_2, %dma_start3A_4421] : memref<4096x13xf32, #tpu.memory_space<hbm>> -> memref<128x13xf32, #tpu.memory_space<hbm>>
      tpu.enqueue_dma source(%dma_start3A_4422 : memref<128x13xf32, #tpu.memory_space<hbm>>) target(%arg8 : memref<128x13xf32, #tpu.memory_space<vmem>>) target_semaphore(%run_scoped3A : memref<!tpu.dma_semaphore, #tpu.memory_space<semaphore_mem>>)
      %dma_wait3A_4423 = arith.constant 0 : i32
      %dma_wait3A_4424 = tpu.memref_slice %arg3[%mul3A_2, %dma_wait3A_4423] : memref<4096x13xf32, #tpu.memory_space<hbm>> -> memref<128x13xf32, #tpu.memory_space<hbm>>
      %dma_wait3A_4425 = arith.constant 0 : i32
      %dma_wait3A_4426 = tpu.memref_slice %arg3[%mul3A_2, %dma_wait3A_4425] : memref<4096x13xf32, #tpu.memory_space<hbm>> -> memref<128x13xf32, #tpu.memory_space<hbm>>
      tpu.wait_dma2 semaphore(%run_scoped3A : memref<!tpu.dma_semaphore, #tpu.memory_space<semaphore_mem>>) src(%dma_wait3A_4426 : memref<128x13xf32, #tpu.memory_space<hbm>>) dst(%arg8 : memref<128x13xf32, #tpu.memory_space<vmem>>)
      tpu.yield
    }) : () -> ()
    %dma_start3A = arith.constant 3328 : i32
    %dma_start3A_3 = tpu.memref_slice %arg5[%mul3A_2, %dma_start3A] : memref<4096x3341xf32, #tpu.memory_space<hbm>> -> memref<128x13xf32, #tpu.memory_space<hbm>>
    %dma_start3A_4 = arith.constant 3328 : i32
    %dma_start3A_5 = tpu.memref_slice %arg5[%mul3A_2, %dma_start3A_4] : memref<4096x3341xf32, #tpu.memory_space<hbm>> -> memref<128x13xf32, #tpu.memory_space<hbm>>
    tpu.enqueue_dma source(%arg8 : memref<128x13xf32, #tpu.memory_space<vmem>>) target(%dma_start3A_5 : memref<128x13xf32, #tpu.memory_space<hbm>>) target_semaphore(%arg11 : memref<!tpu.dma_semaphore, #tpu.memory_space<semaphore_mem>>)
    "tpu.region"() ({
      %run_scoped3A = tpu.sem_alloc : memref<!tpu.dma_semaphore, #tpu.memory_space<semaphore_mem>>
      %dma_start3A_4419 = arith.constant 0 : i32
      %dma_start3A_4420 = tpu.memref_slice %arg2[%dma_start3A_4419, %mul3A_2] : memref<26x4096xi32, #tpu.memory_space<hbm>> -> memref<26x128xi32, #tpu.memory_space<hbm>>
      %dma_start3A_4421 = arith.constant 0 : i32
      %dma_start3A_4422 = tpu.memref_slice %arg2[%dma_start3A_4421, %mul3A_2] : memref<26x4096xi32, #tpu.memory_space<hbm>> -> memref<26x128xi32, #tpu.memory_space<hbm>>
      tpu.enqueue_dma source(%dma_start3A_4422 : memref<26x128xi32, #tpu.memory_space<hbm>>) target(%arg6 : memref<26x128xi32, #tpu.memory_space<vmem>>) target_semaphore(%run_scoped3A : memref<!tpu.dma_semaphore, #tpu.memory_space<semaphore_mem>>)
      %dma_wait3A_4423 = arith.constant 0 : i32
      %dma_wait3A_4424 = tpu.memref_slice %arg2[%dma_wait3A_4423, %mul3A_2] : memref<26x4096xi32, #tpu.memory_space<hbm>> -> memref<26x128xi32, #tpu.memory_space<hbm>>
      %dma_wait3A_4425 = arith.constant 0 : i32
      %dma_wait3A_4426 = tpu.memref_slice %arg2[%dma_wait3A_4425, %mul3A_2] : memref<26x4096xi32, #tpu.memory_space<hbm>> -> memref<26x128xi32, #tpu.memory_space<hbm>>
      tpu.wait_dma2 semaphore(%run_scoped3A : memref<!tpu.dma_semaphore, #tpu.memory_space<semaphore_mem>>) src(%dma_wait3A_4426 : memref<26x128xi32, #tpu.memory_space<hbm>>) dst(%arg6 : memref<26x128xi32, #tpu.memory_space<vmem>>)
      tpu.yield
    }) : () -> ()
    %get3A = arith.constant 1 : i32
    %get3A_6 = arith.index_cast %get3A : i32 to index
    %get3A_7 = arith.constant 0 : index
    %get3A_8 = tpu.vector_load %arg6[%get3A_6, %get3A_7] {strides = array<i32>} : memref<26x128xi32, #tpu.memory_space<vmem>>, vector<1x16xi32>,
    %get3A_9 = vector.shape_cast %get3A_8 : vector<1x16xi32> to vector<16xi32>
    %add3A_10 = arith.constant 1000 : i32
    %add3A_11 = vector.broadcast %add3A_10 : i32 to vector<16xi32>
    %add3A_12 = arith.addi %get3A_9, %add3A_11 : vector<16xi32>
    %swap3A = arith.constant 1 : i32
    %swap3A_13 = arith.index_cast %swap3A : i32 to index
    %swap3A_14 = arith.constant 0 : index
    %swap3A_15 = tpu.vector_load %arg6[%swap3A_13, %swap3A_14] {strides = array<i32>} : memref<26x128xi32, #tpu.memory_space<vmem>>, vector<1x16xi32>,
    %swap3A_16 = vector.shape_cast %swap3A_15 : vector<1x16xi32> to vector<16xi32>
    %swap3A_17 = vector.shape_cast %add3A_12 : vector<16xi32> to vector<1x16xi32>
    tpu.vector_store %arg6[%swap3A_13, %swap3A_14], %swap3A_17 {strides = array<i32>} : memref<26x128xi32, #tpu.memory_space<vmem>>, vector<1x16xi32>,
    %get3A_18 = arith.constant 1 : i32
    %get3A_19 = arith.index_cast %get3A_18 : i32 to index
    %get3A_20 = arith.constant 16 : index
    %get3A_21 = tpu.vector_load %arg6[%get3A_19, %get3A_20] {strides = array<i32>} : memref<26x128xi32, #tpu.memory_space<vmem>>, vector<1x16xi32>,
    %get3A_22 = vector.shape_cast %get3A_21 : vector<1x16xi32> to vector<16xi32>
    %add3A_23 = arith.constant 1000 : i32
    %add3A_24 = vector.broadcast %add3A_23 : i32 to vector<16xi32>
    %add3A_25 = arith.addi %get3A_22, %add3A_24 : vector<16xi32>
    %swap3A_26 = arith.constant 1 : i32
    %swap3A_27 = arith.index_cast %swap3A_26 : i32 to index
    %swap3A_28 = arith.constant 16 : index
    %swap3A_29 = tpu.vector_load %arg6[%swap3A_27, %swap3A_28] {strides = array<i32>} : memref<26x128xi32, #tpu.memory_space<vmem>>, vector<1x16xi32>,
    %swap3A_30 = vector.shape_cast %swap3A_29 : vector<1x16xi32> to vector<16xi32>
    %swap3A_31 = vector.shape_cast %add3A_25 : vector<16xi32> to vector<1x16xi32>
    tpu.vector_store %arg6[%swap3A_27, %swap3A_28], %swap3A_31 {strides = array<i32>} : memref<26x128xi32, #tpu.memory_space<vmem>>, vector<1x16xi32>,
    %get3A_32 = arith.constant 1 : i32
    %get3A_33 = arith.index_cast %get3A_32 : i32 to index
    %get3A_34 = arith.constant 32 : index
    %get3A_35 = tpu.vector_load %arg6[%get3A_33, %get3A_34] {strides = array<i32>} : memref<26x128xi32, #tpu.memory_space<vmem>>, vector<1x16xi32>,
    %get3A_36 = vector.shape_cast %get3A_35 : vector<1x16xi32> to vector<16xi32>
    %add3A_37 = arith.constant 1000 : i32
    %add3A_38 = vector.broadcast %add3A_37 : i32 to vector<16xi32>
    %add3A_39 = arith.addi %get3A_36, %add3A_38 : vector<16xi32>
    %swap3A_40 = arith.constant 1 : i32
    %swap3A_41 = arith.index_cast %swap3A_40 : i32 to index
    %swap3A_42 = arith.constant 32 : index
    %swap3A_43 = tpu.vector_load %arg6[%swap3A_41, %swap3A_42] {strides = array<i32>} : memref<26x128xi32, #tpu.memory_space<vmem>>, vector<1x16xi32>,
    %swap3A_44 = vector.shape_cast %swap3A_43 : vector<1x16xi32> to vector<16xi32>
    %swap3A_45 = vector.shape_cast %add3A_39 : vector<16xi32> to vector<1x16xi32>
    tpu.vector_store %arg6[%swap3A_41, %swap3A_42], %swap3A_45 {strides = array<i32>} : memref<26x128xi32, #tpu.memory_space<vmem>>, vector<1x16xi32>,
    %get3A_46 = arith.constant 1 : i32
    %get3A_47 = arith.index_cast %get3A_46 : i32 to index
    %get3A_48 = arith.constant 48 : index
    %get3A_49 = tpu.vector_load %arg6[%get3A_47, %get3A_48] {strides = array<i32>} : memref<26x128xi32, #tpu.memory_space<vmem>>, vector<1x16xi32>,
    %get3A_50 = vector.shape_cast %get3A_49 : vector<1x16xi32> to vector<16xi32>
    %add3A_51 = arith.constant 1000 : i32
    %add3A_52 = vector.broadcast %add3A_51 : i32 to vector<16xi32>
    %add3A_53 = arith.addi %get3A_50, %add3A_52 : vector<16xi32>
    %swap3A_54 = arith.constant 1 : i32
    %swap3A_55 = arith.index_cast %swap3A_54 : i32 to index
    %swap3A_56 = arith.constant 48 : index
    %swap3A_57 = tpu.vector_load %arg6[%swap3A_55, %swap3A_56] {strides = array<i32>} : memref<26x128xi32, #tpu.memory_space<vmem>>, vector<1x16xi32>,
    %swap3A_58 = vector.shape_cast %swap3A_57 : vector<1x16xi32> to vector<16xi32>
    %swap3A_59 = vector.shape_cast %add3A_53 : vector<16xi32> to vector<1x16xi32>
    tpu.vector_store %arg6[%swap3A_55, %swap3A_56], %swap3A_59 {strides = array<i32>} : memref<26x128xi32, #tpu.memory_space<vmem>>, vector<1x16xi32>,
    %get3A_60 = arith.constant 1 : i32
    %get3A_61 = arith.index_cast %get3A_60 : i32 to index
    %get3A_62 = arith.constant 64 : index
    %get3A_63 = tpu.vector_load %arg6[%get3A_61, %get3A_62] {strides = array<i32>} : memref<26x128xi32, #tpu.memory_space<vmem>>, vector<1x16xi32>,
    %get3A_64 = vector.shape_cast %get3A_63 : vector<1x16xi32> to vector<16xi32>
    %add3A_65 = arith.constant 1000 : i32
    %add3A_66 = vector.broadcast %add3A_65 : i32 to vector<16xi32>
    %add3A_67 = arith.addi %get3A_64, %add3A_66 : vector<16xi32>
    %swap3A_68 = arith.constant 1 : i32
    %swap3A_69 = arith.index_cast %swap3A_68 : i32 to index
    %swap3A_70 = arith.constant 64 : index
    %swap3A_71 = tpu.vector_load %arg6[%swap3A_69, %swap3A_70] {strides = array<i32>} : memref<26x128xi32, #tpu.memory_space<vmem>>, vector<1x16xi32>,
    %swap3A_72 = vector.shape_cast %swap3A_71 : vector<1x16xi32> to vector<16xi32>
    %swap3A_73 = vector.shape_cast %add3A_67 : vector<16xi32> to vector<1x16xi32>
    tpu.vector_store %arg6[%swap3A_69, %swap3A_70], %swap3A_73 {strides = array<i32>} : memref<26x128xi32, #tpu.memory_space<vmem>>, vector<1x16xi32>,
    %get3A_74 = arith.constant 1 : i32
    %get3A_75 = arith.index_cast %get3A_74 : i32 to index
    %get3A_76 = arith.constant 80 : index
    %get3A_77 = tpu.vector_load %arg6[%get3A_75, %get3A_76] {strides = array<i32>} : memref<26x128xi32, #tpu.memory_space<vmem>>, vector<1x16xi32>,
    %get3A_78 = vector.shape_cast %get3A_77 : vector<1x16xi32> to vector<16xi32>
    %add3A_79 = arith.constant 1000 : i32
    %add3A_80 = vector.broadcast %add3A_79 : i32 to vector<16xi32>
    %add3A_81 = arith.addi %get3A_78, %add3A_80 : vector<16xi32>
    %swap3A_82 = arith.constant 1 : i32
    %swap3A_83 = arith.index_cast %swap3A_82 : i32 to index
    %swap3A_84 = arith.constant 80 : index
    %swap3A_85 = tpu.vector_load %arg6[%swap3A_83, %swap3A_84] {strides = array<i32>} : memref<26x128xi32, #tpu.memory_space<vmem>>, vector<1x16xi32>,
    %swap3A_86 = vector.shape_cast %swap3A_85 : vector<1x16xi32> to vector<16xi32>
    %swap3A_87 = vector.shape_cast %add3A_81 : vector<16xi32> to vector<1x16xi32>
    tpu.vector_store %arg6[%swap3A_83, %swap3A_84], %swap3A_87 {strides = array<i32>} : memref<26x128xi32, #tpu.memory_space<vmem>>, vector<1x16xi32>,
    %get3A_88 = arith.constant 1 : i32
    %get3A_89 = arith.index_cast %get3A_88 : i32 to index
    %get3A_90 = arith.constant 96 : index
    %get3A_91 = tpu.vector_load %arg6[%get3A_89, %get3A_90] {strides = array<i32>} : memref<26x128xi32, #tpu.memory_space<vmem>>, vector<1x16xi32>,
    %get3A_92 = vector.shape_cast %get3A_91 : vector<1x16xi32> to vector<16xi32>
    %add3A_93 = arith.constant 1000 : i32
    %add3A_94 = vector.broadcast %add3A_93 : i32 to vector<16xi32>
    %add3A_95 = arith.addi %get3A_92, %add3A_94 : vector<16xi32>
    %swap3A_96 = arith.constant 1 : i32
    %swap3A_97 = arith.index_cast %swap3A_96 : i32 to index
    %swap3A_98 = arith.constant 96 : index
    %swap3A_99 = tpu.vector_load %arg6[%swap3A_97, %swap3A_98] {strides = array<i32>} : memref<26x128xi32, #tpu.memory_space<vmem>>, vector<1x16xi32>,
    %swap3A_100 = vector.shape_cast %swap3A_99 : vector<1x16xi32> to vector<16xi32>
    %swap3A_101 = vector.shape_cast %add3A_95 : vector<16xi32> to vector<1x16xi32>
    tpu.vector_store %arg6[%swap3A_97, %swap3A_98], %swap3A_101 {strides = array<i32>} : memref<26x128xi32, #tpu.memory_space<vmem>>, vector<1x16xi32>,
    %get3A_102 = arith.constant 1 : i32
    %get3A_103 = arith.index_cast %get3A_102 : i32 to index
    %get3A_104 = arith.constant 112 : index
    %get3A_105 = tpu.vector_load %arg6[%get3A_103, %get3A_104] {strides = array<i32>} : memref<26x128xi32, #tpu.memory_space<vmem>>, vector<1x16xi32>,
    %get3A_106 = vector.shape_cast %get3A_105 : vector<1x16xi32> to vector<16xi32>
    %add3A_107 = arith.constant 1000 : i32
    %add3A_108 = vector.broadcast %add3A_107 : i32 to vector<16xi32>
    %add3A_109 = arith.addi %get3A_106, %add3A_108 : vector<16xi32>
    %swap3A_110 = arith.constant 1 : i32
    %swap3A_111 = arith.index_cast %swap3A_110 : i32 to index
    %swap3A_112 = arith.constant 112 : index
    %swap3A_113 = tpu.vector_load %arg6[%swap3A_111, %swap3A_112] {strides = array<i32>} : memref<26x128xi32, #tpu.memory_space<vmem>>, vector<1x16xi32>,
    %swap3A_114 = vector.shape_cast %swap3A_113 : vector<1x16xi32> to vector<16xi32>
    %swap3A_115 = vector.shape_cast %add3A_109 : vector<16xi32> to vector<1x16xi32>
    tpu.vector_store %arg6[%swap3A_111, %swap3A_112], %swap3A_115 {strides = array<i32>} : memref<26x128xi32, #tpu.memory_space<vmem>>, vector<1x16xi32>,
    %get3A_116 = arith.constant 2 : i32
    %get3A_117 = arith.index_cast %get3A_116 : i32 to index
    %get3A_118 = arith.constant 0 : index
    %get3A_119 = tpu.vector_load %arg6[%get3A_117, %get3A_118] {strides = array<i32>} : memref<26x128xi32, #tpu.memory_space<vmem>>, vector<1x16xi32>,
    %get3A_120 = vector.shape_cast %get3A_119 : vector<1x16xi32> to vector<16xi32>
    %add3A_121 = arith.constant 2000 : i32
    %add3A_122 = vector.broadcast %add3A_121 : i32 to vector<16xi32>
    %add3A_123 = arith.addi %get3A_120, %add3A_122 : vector<16xi32>
    %swap3A_124 = arith.constant 2 : i32
    %swap3A_125 = arith.index_cast %swap3A_124 : i32 to index
    %swap3A_126 = arith.constant 0 : index
    %swap3A_127 = tpu.vector_load %arg6[%swap3A_125, %swap3A_126] {strides = array<i32>} : memref<26x128xi32, #tpu.memory_space<vmem>>, vector<1x16xi32>,
    %swap3A_128 = vector.shape_cast %swap3A_127 : vector<1x16xi32> to vector<16xi32>
    %swap3A_129 = vector.shape_cast %add3A_123 : vector<16xi32> to vector<1x16xi32>
    tpu.vector_store %arg6[%swap3A_125, %swap3A_126], %swap3A_129 {strides = array<i32>} : memref<26x128xi32, #tpu.memory_space<vmem>>, vector<1x16xi32>,
    %get3A_130 = arith.constant 2 : i32
    %get3A_131 = arith.index_cast %get3A_130 : i32 to index
    %get3A_132 = arith.constant 16 : index
    %get3A_133 = tpu.vector_load %arg6[%get3A_131, %get3A_132] {strides = array<i32>} : memref<26x128xi32, #tpu.memory_space<vmem>>, vector<1x16xi32>,
    %get3A_134 = vector.shape_cast %get3A_133 : vector<1x16xi32> to vector<16xi32>
    %add3A_135 = arith.constant 2000 : i32
    %add3A_136 = vector.broadcast %add3A_135 : i32 to vector<16xi32>
    %add3A_137 = arith.addi %get3A_134, %add3A_136 : vector<16xi32>
    %swap3A_138 = arith.constant 2 : i32
    %swap3A_139 = arith.index_cast %swap3A_138 : i32 to index
    %swap3A_140 = arith.constant 16 : index
    %swap3A_141 = tpu.vector_load %arg6[%swap3A_139, %swap3A_140] {strides = array<i32>} : memref<26x128xi32, #tpu.memory_space<vmem>>, vector<1x16xi32>,
    %swap3A_142 = vector.shape_cast %swap3A_141 : vector<1x16xi32> to vector<16xi32>
    %swap3A_143 = vector.shape_cast %add3A_137 : vector<16xi32> to vector<1x16xi32>
    tpu.vector_store %arg6[%swap3A_139, %swap3A_140], %swap3A_143 {strides = array<i32>} : memref<26x128xi32, #tpu.memory_space<vmem>>, vector<1x16xi32>,
    %get3A_144 = arith.constant 2 : i32
    %get3A_145 = arith.index_cast %get3A_144 : i32 to index
    %get3A_146 = arith.constant 32 : index
    %get3A_147 = tpu.vector_load %arg6[%get3A_145, %get3A_146] {strides = array<i32>} : memref<26x128xi32, #tpu.memory_space<vmem>>, vector<1x16xi32>,
    %get3A_148 = vector.shape_cast %get3A_147 : vector<1x16xi32> to vector<16xi32>
    %add3A_149 = arith.constant 2000 : i32
    %add3A_150 = vector.broadcast %add3A_149 : i32 to vector<16xi32>
    %add3A_151 = arith.addi %get3A_148, %add3A_150 : vector<16xi32>
    %swap3A_152 = arith.constant 2 : i32
    %swap3A_153 = arith.index_cast %swap3A_152 : i32 to index
    %swap3A_154 = arith.constant 32 : index
    %swap3A_155 = tpu.vector_load %arg6[%swap3A_153, %swap3A_154] {strides = array<i32>} : memref<26x128xi32, #tpu.memory_space<vmem>>, vector<1x16xi32>,
    %swap3A_156 = vector.shape_cast %swap3A_155 : vector<1x16xi32> to vector<16xi32>
    %swap3A_157 = vector.shape_cast %add3A_151 : vector<16xi32> to vector<1x16xi32>
    tpu.vector_store %arg6[%swap3A_153, %swap3A_154], %swap3A_157 {strides = array<i32>} : memref<26x128xi32, #tpu.memory_space<vmem>>, vector<1x16xi32>,
    %get3A_158 = arith.constant 2 : i32
    %get3A_159 = arith.index_cast %get3A_158 : i32 to index
    %get3A_160 = arith.constant 48 : index
    %get3A_161 = tpu.vector_load %arg6[%get3A_159, %get3A_160] {strides = array<i32>} : memref<26x128xi32, #tpu.memory_space<vmem>>, vector<1x16xi32>,
    %get3A_162 = vector.shape_cast %get3A_161 : vector<1x16xi32> to vector<16xi32>
    %add3A_163 = arith.constant 2000 : i32
    %add3A_164 = vector.broadcast %add3A_163 : i32 to vector<16xi32>
    %add3A_165 = arith.addi %get3A_162, %add3A_164 : vector<16xi32>
    %swap3A_166 = arith.constant 2 : i32
    %swap3A_167 = arith.index_cast %swap3A_166 : i32 to index
    %swap3A_168 = arith.constant 48 : index
    %swap3A_169 = tpu.vector_load %arg6[%swap3A_167, %swap3A_168] {strides = array<i32>} : memref<26x128xi32, #tpu.memory_space<vmem>>, vector<1x16xi32>,
    %swap3A_170 = vector.shape_cast %swap3A_169 : vector<1x16xi32> to vector<16xi32>
    %swap3A_171 = vector.shape_cast %add3A_165 : vector<16xi32> to vector<1x16xi32>
    tpu.vector_store %arg6[%swap3A_167, %swap3A_168], %swap3A_171 {strides = array<i32>} : memref<26x128xi32, #tpu.memory_space<vmem>>, vector<1x16xi32>,
    %get3A_172 = arith.constant 2 : i32
    %get3A_173 = arith.index_cast %get3A_172 : i32 to index
    %get3A_174 = arith.constant 64 : index
    %get3A_175 = tpu.vector_load %arg6[%get3A_173, %get3A_174] {strides = array<i32>} : memref<26x128xi32, #tpu.memory_space<vmem>>, vector<1x16xi32>,
    %get3A_176 = vector.shape_cast %get3A_175 : vector<1x16xi32> to vector<16xi32>
    %add3A_177 = arith.constant 2000 : i32
    %add3A_178 = vector.broadcast %add3A_177 : i32 to vector<16xi32>
    %add3A_179 = arith.addi %get3A_176, %add3A_178 : vector<16xi32>
    %swap3A_180 = arith.constant 2 : i32
    %swap3A_181 = arith.index_cast %swap3A_180 : i32 to index
    %swap3A_182 = arith.constant 64 : index
    %swap3A_183 = tpu.vector_load %arg6[%swap3A_181, %swap3A_182] {strides = array<i32>} : memref<26x128xi32, #tpu.memory_space<vmem>>, vector<1x16xi32>,
    %swap3A_184 = vector.shape_cast %swap3A_183 : vector<1x16xi32> to vector<16xi32>
    %swap3A_185 = vector.shape_cast %add3A_179 : vector<16xi32> to vector<1x16xi32>
    tpu.vector_store %arg6[%swap3A_181, %swap3A_182], %swap3A_185 {strides = array<i32>} : memref<26x128xi32, #tpu.memory_space<vmem>>, vector<1x16xi32>,
    %get3A_186 = arith.constant 2 : i32
    %get3A_187 = arith.index_cast %get3A_186 : i32 to index
    %get3A_188 = arith.constant 80 : index
    %get3A_189 = tpu.vector_load %arg6[%get3A_187, %get3A_188] {strides = array<i32>} : memref<26x128xi32, #tpu.memory_space<vmem>>, vector<1x16xi32>,
    %get3A_190 = vector.shape_cast %get3A_189 : vector<1x16xi32> to vector<16xi32>
    %add3A_191 = arith.constant 2000 : i32
    %add3A_192 = vector.broadcast %add3A_191 : i32 to vector<16xi32>
    %add3A_193 = arith.addi %get3A_190, %add3A_192 : vector<16xi32>
    %swap3A_194 = arith.constant 2 : i32
    %swap3A_195 = arith.index_cast %swap3A_194 : i32 to index
    %swap3A_196 = arith.constant 80 : index
    %swap3A_197 = tpu.vector_load %arg6[%swap3A_195, %swap3A_196] {strides = array<i32>} : memref<26x128xi32, #tpu.memory_space<vmem>>, vector<1x16xi32>,
    %swap3A_198 = vector.shape_cast %swap3A_197 : vector<1x16xi32> to vector<16xi32>
    %swap3A_199 = vector.shape_cast %add3A_193 : vector<16xi32> to vector<1x16xi32>
    tpu.vector_store %arg6[%swap3A_195, %swap3A_196], %swap3A_199 {strides = array<i32>} : memref<26x128xi32, #tpu.memory_space<vmem>>, vector<1x16xi32>,
    %get3A_200 = arith.constant 2 : i32
    %get3A_201 = arith.index_cast %get3A_200 : i32 to index
    %get3A_202 = arith.constant 96 : index
    %get3A_203 = tpu.vector_load %arg6[%get3A_201, %get3A_202] {strides = array<i32>} : memref<26x128xi32, #tpu.memory_space<vmem>>, vector<1x16xi32>,
    %get3A_204 = vector.shape_cast %get3A_203 : vector<1x16xi32> to vector<16xi32>
    %add3A_205 = arith.constant 2000 : i32
    %add3A_206 = vector.broadcast %add3A_205 : i32 to vector<16xi32>
    %add3A_207 = arith.addi %get3A_204, %add3A_206 : vector<16xi32>
    %swap3A_208 = arith.constant 2 : i32
    %swap3A_209 = arith.index_cast %swap3A_208 : i32 to index
    %swap3A_210 = arith.constant 96 : index
    %swap3A_211 = tpu.vector_load %arg6[%swap3A_209, %swap3A_210] {strides = array<i32>} : memref<26x128xi32, #tpu.memory_space<vmem>>, vector<1x16xi32>,
    %swap3A_212 = vector.shape_cast %swap3A_211 : vector<1x16xi32> to vector<16xi32>
    %swap3A_213 = vector.shape_cast %add3A_207 : vector<16xi32> to vector<1x16xi32>
    tpu.vector_store %arg6[%swap3A_209, %swap3A_210], %swap3A_213 {strides = array<i32>} : memref<26x128xi32, #tpu.memory_space<vmem>>, vector<1x16xi32>,
    %get3A_214 = arith.constant 2 : i32
    %get3A_215 = arith.index_cast %get3A_214 : i32 to index
    %get3A_216 = arith.constant 112 : index
    %get3A_217 = tpu.vector_load %arg6[%get3A_215, %get3A_216] {strides = array<i32>} : memref<26x128xi32, #tpu.memory_space<vmem>>, vector<1x16xi32>,
    %get3A_218 = vector.shape_cast %get3A_217 : vector<1x16xi32> to vector<16xi32>
    %add3A_219 = arith.constant 2000 : i32
    %add3A_220 = vector.broadcast %add3A_219 : i32 to vector<16xi32>
    %add3A_221 = arith.addi %get3A_218, %add3A_220 : vector<16xi32>
    %swap3A_222 = arith.constant 2 : i32
    %swap3A_223 = arith.index_cast %swap3A_222 : i32 to index
    %swap3A_224 = arith.constant 112 : index
    %swap3A_225 = tpu.vector_load %arg6[%swap3A_223, %swap3A_224] {strides = array<i32>} : memref<26x128xi32, #tpu.memory_space<vmem>>, vector<1x16xi32>,
    %swap3A_226 = vector.shape_cast %swap3A_225 : vector<1x16xi32> to vector<16xi32>
    %swap3A_227 = vector.shape_cast %add3A_221 : vector<16xi32> to vector<1x16xi32>
    tpu.vector_store %arg6[%swap3A_223, %swap3A_224], %swap3A_227 {strides = array<i32>} : memref<26x128xi32, #tpu.memory_space<vmem>>, vector<1x16xi32>,
    %get3A_228 = arith.constant 3 : i32
    %get3A_229 = arith.index_cast %get3A_228 : i32 to index
    %get3A_230 = arith.constant 0 : index
    %get3A_231 = tpu.vector_load %arg6[%get3A_229, %get3A_230] {strides = array<i32>} : memref<26x128xi32, #tpu.memory_space<vmem>>, vector<1x16xi32>,
    %get3A_232 = vector.shape_cast %get3A_231 : vector<1x16xi32> to vector<16xi32>
    %add3A_233 = arith.constant 3000 : i32
    %add3A_234 = vector.broadcast %add3A_233 : i32 to vector<16xi32>
    %add3A_235 = arith.addi %get3A_232, %add3A_234 : vector<16xi32>
    %swap3A_236 = arith.constant 3 : i32
    %swap3A_237 = arith.index_cast %swap3A_236 : i32 to index
    %swap3A_238 = arith.constant 0 : index
    %swap3A_239 = tpu.vector_load %arg6[%swap3A_237, %swap3A_238] {strides = array<i32>} : memref<26x128xi32, #tpu.memory_space<vmem>>, vector<1x16xi32>,
    %swap3A_240 = vector.shape_cast %swap3A_239 : vector<1x16xi32> to vector<16xi32>
    %swap3A_241 = vector.shape_cast %add3A_235 : vector<16xi32> to vector<1x16xi32>
    tpu.vector_store %arg6[%swap3A_237, %swap3A_238], %swap3A_241 {strides = array<i32>} : memref<26x128xi32, #tpu.memory_space<vmem>>, vector<1x16xi32>,
    %get3A_242 = arith.constant 3 : i32
    %get3A_243 = arith.index_cast %get3A_242 : i32 to index
    %get3A_244 = arith.constant 16 : index
    %get3A_245 = tpu.vector_load %arg6[%get3A_243, %get3A_244] {strides = array<i32>} : memref<26x128xi32, #tpu.memory_space<vmem>>, vector<1x16xi32>,
    %get3A_246 = vector.shape_cast %get3A_245 : vector<1x16xi32> to vector<16xi32>
    %add3A_247 = arith.constant 3000 : i32
    %add3A_248 = vector.broadcast %add3A_247 : i32 to vector<16xi32>
    %add3A_249 = arith.addi %get3A_246, %add3A_248 : vector<16xi32>
    %swap3A_250 = arith.constant 3 : i32
    %swap3A_251 = arith.index_cast %swap3A_250 : i32 to index
    %swap3A_252 = arith.constant 16 : index
    %swap3A_253 = tpu.vector_load %arg6[%swap3A_251, %swap3A_252] {strides = array<i32>} : memref<26x128xi32, #tpu.memory_space<vmem>>, vector<1x16xi32>,
    %swap3A_254 = vector.shape_cast %swap3A_253 : vector<1x16xi32> to vector<16xi32>
    %swap3A_255 = vector.shape_cast %add3A_249 : vector<16xi32> to vector<1x16xi32>
    tpu.vector_store %arg6[%swap3A_251, %swap3A_252], %swap3A_255 {strides = array<i32>} : memref<26x128xi32, #tpu.memory_space<vmem>>, vector<1x16xi32>,
    %get3A_256 = arith.constant 3 : i32
    %get3A_257 = arith.index_cast %get3A_256 : i32 to index
    %get3A_258 = arith.constant 32 : index
    %get3A_259 = tpu.vector_load %arg6[%get3A_257, %get3A_258] {strides = array<i32>} : memref<26x128xi32, #tpu.memory_space<vmem>>, vector<1x16xi32>,
    %get3A_260 = vector.shape_cast %get3A_259 : vector<1x16xi32> to vector<16xi32>
    %add3A_261 = arith.constant 3000 : i32
    %add3A_262 = vector.broadcast %add3A_261 : i32 to vector<16xi32>
    %add3A_263 = arith.addi %get3A_260, %add3A_262 : vector<16xi32>
    %swap3A_264 = arith.constant 3 : i32
    %swap3A_265 = arith.index_cast %swap3A_264 : i32 to index
    %swap3A_266 = arith.constant 32 : index
    %swap3A_267 = tpu.vector_load %arg6[%swap3A_265, %swap3A_266] {strides = array<i32>} : memref<26x128xi32, #tpu.memory_space<vmem>>, vector<1x16xi32>,
    %swap3A_268 = vector.shape_cast %swap3A_267 : vector<1x16xi32> to vector<16xi32>
    %swap3A_269 = vector.shape_cast %add3A_263 : vector<16xi32> to vector<1x16xi32>
    tpu.vector_store %arg6[%swap3A_265, %swap3A_266], %swap3A_269 {strides = array<i32>} : memref<26x128xi32, #tpu.memory_space<vmem>>, vector<1x16xi32>,
    %get3A_270 = arith.constant 3 : i32
    %get3A_271 = arith.index_cast %get3A_270 : i32 to index
    %get3A_272 = arith.constant 48 : index
    %get3A_273 = tpu.vector_load %arg6[%get3A_271, %get3A_272] {strides = array<i32>} : memref<26x128xi32, #tpu.memory_space<vmem>>, vector<1x16xi32>,
    %get3A_274 = vector.shape_cast %get3A_273 : vector<1x16xi32> to vector<16xi32>
    %add3A_275 = arith.constant 3000 : i32
    %add3A_276 = vector.broadcast %add3A_275 : i32 to vector<16xi32>
    %add3A_277 = arith.addi %get3A_274, %add3A_276 : vector<16xi32>
    %swap3A_278 = arith.constant 3 : i32
    %swap3A_279 = arith.index_cast %swap3A_278 : i32 to index
    %swap3A_280 = arith.constant 48 : index
    %swap3A_281 = tpu.vector_load %arg6[%swap3A_279, %swap3A_280] {strides = array<i32>} : memref<26x128xi32, #tpu.memory_space<vmem>>, vector<1x16xi32>,
    %swap3A_282 = vector.shape_cast %swap3A_281 : vector<1x16xi32> to vector<16xi32>
    %swap3A_283 = vector.shape_cast %add3A_277 : vector<16xi32> to vector<1x16xi32>
    tpu.vector_store %arg6[%swap3A_279, %swap3A_280], %swap3A_283 {strides = array<i32>} : memref<26x128xi32, #tpu.memory_space<vmem>>, vector<1x16xi32>,
    %get3A_284 = arith.constant 3 : i32
    %get3A_285 = arith.index_cast %get3A_284 : i32 to index
    %get3A_286 = arith.constant 64 : index
    %get3A_287 = tpu.vector_load %arg6[%get3A_285, %get3A_286] {strides = array<i32>} : memref<26x128xi32, #tpu.memory_space<vmem>>, vector<1x16xi32>,
    %get3A_288 = vector.shape_cast %get3A_287 : vector<1x16xi32> to vector<16xi32>
    %add3A_289 = arith.constant 3000 : i32
    %add3A_290 = vector.broadcast %add3A_289 : i32 to vector<16xi32>
    %add3A_291 = arith.addi %get3A_288, %add3A_290 : vector<16xi32>
    %swap3A_292 = arith.constant 3 : i32
    %swap3A_293 = arith.index_cast %swap3A_292 : i32 to index
    %swap3A_294 = arith.constant 64 : index
    %swap3A_295 = tpu.vector_load %arg6[%swap3A_293, %swap3A_294] {strides = array<i32>} : memref<26x128xi32, #tpu.memory_space<vmem>>, vector<1x16xi32>,
    %swap3A_296 = vector.shape_cast %swap3A_295 : vector<1x16xi32> to vector<16xi32>
    %swap3A_297 = vector.shape_cast %add3A_291 : vector<16xi32> to vector<1x16xi32>
    tpu.vector_store %arg6[%swap3A_293, %swap3A_294], %swap3A_297 {strides = array<i32>} : memref<26x128xi32, #tpu.memory_space<vmem>>, vector<1x16xi32>,
    %get3A_298 = arith.constant 3 : i32
    %get3A_299 = arith.index_cast %get3A_298 : i32 to index
    %get3A_300 = arith.constant 80 : index
    %get3A_301 = tpu.vector_load %arg6[%get3A_299, %get3A_300] {strides = array<i32>} : memref<26x128xi32, #tpu.memory_space<vmem>>, vector<1x16xi32>,
    %get3A_302 = vector.shape_cast %get3A_301 : vector<1x16xi32> to vector<16xi32>
    %add3A_303 = arith.constant 3000 : i32
    %add3A_304 = vector.broadcast %add3A_303 : i32 to vector<16xi32>
    %add3A_305 = arith.addi %get3A_302, %add3A_304 : vector<16xi32>
    %swap3A_306 = arith.constant 3 : i32
    %swap3A_307 = arith.index_cast %swap3A_306 : i32 to index
    %swap3A_308 = arith.constant 80 : index
    %swap3A_309 = tpu.vector_load %arg6[%swap3A_307, %swap3A_308] {strides = array<i32>} : memref<26x128xi32, #tpu.memory_space<vmem>>, vector<1x16xi32>,
    %swap3A_310 = vector.shape_cast %swap3A_309 : vector<1x16xi32> to vector<16xi32>
    %swap3A_311 = vector.shape_cast %add3A_305 : vector<16xi32> to vector<1x16xi32>
    tpu.vector_store %arg6[%swap3A_307, %swap3A_308], %swap3A_311 {strides = array<i32>} : memref<26x128xi32, #tpu.memory_space<vmem>>, vector<1x16xi32>,
    %get3A_312 = arith.constant 3 : i32
    %get3A_313 = arith.index_cast %get3A_312 : i32 to index
    %get3A_314 = arith.constant 96 : index
    %get3A_315 = tpu.vector_load %arg6[%get3A_313, %get3A_314] {strides = array<i32>} : memref<26x128xi32, #tpu.memory_space<vmem>>, vector<1x16xi32>,
    %get3A_316 = vector.shape_cast %get3A_315 : vector<1x16xi32> to vector<16xi32>
    %add3A_317 = arith.constant 3000 : i32
    %add3A_318 = vector.broadcast %add3A_317 : i32 to vector<16xi32>
    %add3A_319 = arith.addi %get3A_316, %add3A_318 : vector<16xi32>
    %swap3A_320 = arith.constant 3 : i32
    %swap3A_321 = arith.index_cast %swap3A_320 : i32 to index
    %swap3A_322 = arith.constant 96 : index
    %swap3A_323 = tpu.vector_load %arg6[%swap3A_321, %swap3A_322] {strides = array<i32>} : memref<26x128xi32, #tpu.memory_space<vmem>>, vector<1x16xi32>,
    %swap3A_324 = vector.shape_cast %swap3A_323 : vector<1x16xi32> to vector<16xi32>
    %swap3A_325 = vector.shape_cast %add3A_319 : vector<16xi32> to vector<1x16xi32>
    tpu.vector_store %arg6[%swap3A_321, %swap3A_322], %swap3A_325 {strides = array<i32>} : memref<26x128xi32, #tpu.memory_space<vmem>>, vector<1x16xi32>,
    %get3A_326 = arith.constant 3 : i32
    %get3A_327 = arith.index_cast %get3A_326 : i32 to index
    %get3A_328 = arith.constant 112 : index
    %get3A_329 = tpu.vector_load %arg6[%get3A_327, %get3A_328] {strides = array<i32>} : memref<26x128xi32, #tpu.memory_space<vmem>>, vector<1x16xi32>,
    %get3A_330 = vector.shape_cast %get3A_329 : vector<1x16xi32> to vector<16xi32>
    %add3A_331 = arith.constant 3000 : i32
    %add3A_332 = vector.broadcast %add3A_331 : i32 to vector<16xi32>
    %add3A_333 = arith.addi %get3A_330, %add3A_332 : vector<16xi32>
    %swap3A_334 = arith.constant 3 : i32
    %swap3A_335 = arith.index_cast %swap3A_334 : i32 to index
    %swap3A_336 = arith.constant 112 : index
    %swap3A_337 = tpu.vector_load %arg6[%swap3A_335, %swap3A_336] {strides = array<i32>} : memref<26x128xi32, #tpu.memory_space<vmem>>, vector<1x16xi32>,
    %swap3A_338 = vector.shape_cast %swap3A_337 : vector<1x16xi32> to vector<16xi32>
    %swap3A_339 = vector.shape_cast %add3A_333 : vector<16xi32> to vector<1x16xi32>
    tpu.vector_store %arg6[%swap3A_335, %swap3A_336], %swap3A_339 {strides = array<i32>} : memref<26x128xi32, #tpu.memory_space<vmem>>, vector<1x16xi32>,
    %get3A_340 = arith.constant 4 : i32
    %get3A_341 = arith.index_cast %get3A_340 : i32 to index
    %get3A_342 = arith.constant 0 : index
    %get3A_343 = tpu.vector_load %arg6[%get3A_341, %get3A_342] {strides = array<i32>} : memref<26x128xi32, #tpu.memory_space<vmem>>, vector<1x16xi32>,
    %get3A_344 = vector.shape_cast %get3A_343 : vector<1x16xi32> to vector<16xi32>
    %add3A_345 = arith.constant 4000 : i32
    %add3A_346 = vector.broadcast %add3A_345 : i32 to vector<16xi32>
    %add3A_347 = arith.addi %get3A_344, %add3A_346 : vector<16xi32>
    %swap3A_348 = arith.constant 4 : i32
    %swap3A_349 = arith.index_cast %swap3A_348 : i32 to index
    %swap3A_350 = arith.constant 0 : index
    %swap3A_351 = tpu.vector_load %arg6[%swap3A_349, %swap3A_350] {strides = array<i32>} : memref<26x128xi32, #tpu.memory_space<vmem>>, vector<1x16xi32>,
    %swap3A_352 = vector.shape_cast %swap3A_351 : vector<1x16xi32> to vector<16xi32>
    %swap3A_353 = vector.shape_cast %add3A_347 : vector<16xi32> to vector<1x16xi32>
    tpu.vector_store %arg6[%swap3A_349, %swap3A_350], %swap3A_353 {strides = array<i32>} : memref<26x128xi32, #tpu.memory_space<vmem>>, vector<1x16xi32>,
    %get3A_354 = arith.constant 4 : i32
    %get3A_355 = arith.index_cast %get3A_354 : i32 to index
    %get3A_356 = arith.constant 16 : index
    %get3A_357 = tpu.vector_load %arg6[%get3A_355, %get3A_356] {strides = array<i32>} : memref<26x128xi32, #tpu.memory_space<vmem>>, vector<1x16xi32>,
    %get3A_358 = vector.shape_cast %get3A_357 : vector<1x16xi32> to vector<16xi32>
    %add3A_359 = arith.constant 4000 : i32
    %add3A_360 = vector.broadcast %add3A_359 : i32 to vector<16xi32>
    %add3A_361 = arith.addi %get3A_358, %add3A_360 : vector<16xi32>
    %swap3A_362 = arith.constant 4 : i32
    %swap3A_363 = arith.index_cast %swap3A_362 : i32 to index
    %swap3A_364 = arith.constant 16 : index
    %swap3A_365 = tpu.vector_load %arg6[%swap3A_363, %swap3A_364] {strides = array<i32>} : memref<26x128xi32, #tpu.memory_space<vmem>>, vector<1x16xi32>,
    %swap3A_366 = vector.shape_cast %swap3A_365 : vector<1x16xi32> to vector<16xi32>
    %swap3A_367 = vector.shape_cast %add3A_361 : vector<16xi32> to vector<1x16xi32>
    tpu.vector_store %arg6[%swap3A_363, %swap3A_364], %swap3A_367 {strides = array<i32>} : memref<26x128xi32, #tpu.memory_space<vmem>>, vector<1x16xi32>,
    %get3A_368 = arith.constant 4 : i32
    %get3A_369 = arith.index_cast %get3A_368 : i32 to index
    %get3A_370 = arith.constant 32 : index
    %get3A_371 = tpu.vector_load %arg6[%get3A_369, %get3A_370] {strides = array<i32>} : memref<26x128xi32, #tpu.memory_space<vmem>>, vector<1x16xi32>,
    %get3A_372 = vector.shape_cast %get3A_371 : vector<1x16xi32> to vector<16xi32>
    %add3A_373 = arith.constant 4000 : i32
    %add3A_374 = vector.broadcast %add3A_373 : i32 to vector<16xi32>
    %add3A_375 = arith.addi %get3A_372, %add3A_374 : vector<16xi32>
    %swap3A_376 = arith.constant 4 : i32
    %swap3A_377 = arith.index_cast %swap3A_376 : i32 to index
    %swap3A_378 = arith.constant 32 : index
    %swap3A_379 = tpu.vector_load %arg6[%swap3A_377, %swap3A_378] {strides = array<i32>} : memref<26x128xi32, #tpu.memory_space<vmem>>, vector<1x16xi32>,
    %swap3A_380 = vector.shape_cast %swap3A_379 : vector<1x16xi32> to vector<16xi32>
    %swap3A_381 = vector.shape_cast %add3A_375 : vector<16xi32> to vector<1x16xi32>
    tpu.vector_store %arg6[%swap3A_377, %swap3A_378], %swap3A_381 {strides = array<i32>} : memref<26x128xi32, #tpu.memory_space<vmem>>, vector<1x16xi32>,
    %get3A_382 = arith.constant 4 : i32
    %get3A_383 = arith.index_cast %get3A_382 : i32 to index
    %get3A_384 = arith.constant 48 : index
    %get3A_385 = tpu.vector_load %arg6[%get3A_383, %get3A_384] {strides = array<i32>} : memref<26x128xi32, #tpu.memory_space<vmem>>, vector<1x16xi32>,
    %get3A_386 = vector.shape_cast %get3A_385 : vector<1x16xi32> to vector<16xi32>
    %add3A_387 = arith.constant 4000 : i32
    %add3A_388 = vector.broadcast %add3A_387 : i32 to vector<16xi32>
    %add3A_389 = arith.addi %get3A_386, %add3A_388 : vector<16xi32>
    %swap3A_390 = arith.constant 4 : i32
    %swap3A_391 = arith.index_cast %swap3A_390 : i32 to index
    %swap3A_392 = arith.constant 48 : index
    %swap3A_393 = tpu.vector_load %arg6[%swap3A_391, %swap3A_392] {strides = array<i32>} : memref<26x128xi32, #tpu.memory_space<vmem>>, vector<1x16xi32>,
    %swap3A_394 = vector.shape_cast %swap3A_393 : vector<1x16xi32> to vector<16xi32>
    %swap3A_395 = vector.shape_cast %add3A_389 : vector<16xi32> to vector<1x16xi32>
    tpu.vector_store %arg6[%swap3A_391, %swap3A_392], %swap3A_395 {strides = array<i32>} : memref<26x128xi32, #tpu.memory_space<vmem>>, vector<1x16xi32>,
    %get3A_396 = arith.constant 4 : i32
    %get3A_397 = arith.index_cast %get3A_396 : i32 to index
    %get3A_398 = arith.constant 64 : index
    %get3A_399 = tpu.vector_load %arg6[%get3A_397, %get3A_398] {strides = array<i32>} : memref<26x128xi32, #tpu.memory_space<vmem>>, vector<1x16xi32>,
    %get3A_400 = vector.shape_cast %get3A_399 : vector<1x16xi32> to vector<16xi32>
    %add3A_401 = arith.constant 4000 : i32
    %add3A_402 = vector.broadcast %add3A_401 : i32 to vector<16xi32>
    %add3A_403 = arith.addi %get3A_400, %add3A_402 : vector<16xi32>
    %swap3A_404 = arith.constant 4 : i32
    %swap3A_405 = arith.index_cast %swap3A_404 : i32 to index
    %swap3A_406 = arith.constant 64 : index
    %swap3A_407 = tpu.vector_load %arg6[%swap3A_405, %swap3A_406] {strides = array<i32>} : memref<26x128xi32, #tpu.memory_space<vmem>>, vector<1x16xi32>,
    %swap3A_408 = vector.shape_cast %swap3A_407 : vector<1x16xi32> to vector<16xi32>
    %swap3A_409 = vector.shape_cast %add3A_403 : vector<16xi32> to vector<1x16xi32>
    tpu.vector_store %arg6[%swap3A_405, %swap3A_406], %swap3A_409 {strides = array<i32>} : memref<26x128xi32, #tpu.memory_space<vmem>>, vector<1x16xi32>,
    %get3A_410 = arith.constant 4 : i32
    %get3A_411 = arith.index_cast %get3A_410 : i32 to index
    %get3A_412 = arith.constant 80 : index
    %get3A_413 = tpu.vector_load %arg6[%get3A_411, %get3A_412] {strides = array<i32>} : memref<26x128xi32, #tpu.memory_space<vmem>>, vector<1x16xi32>,
    %get3A_414 = vector.shape_cast %get3A_413 : vector<1x16xi32> to vector<16xi32>
    %add3A_415 = arith.constant 4000 : i32
    %add3A_416 = vector.broadcast %add3A_415 : i32 to vector<16xi32>
    %add3A_417 = arith.addi %get3A_414, %add3A_416 : vector<16xi32>
    %swap3A_418 = arith.constant 4 : i32
    %swap3A_419 = arith.index_cast %swap3A_418 : i32 to index
    %swap3A_420 = arith.constant 80 : index
    %swap3A_421 = tpu.vector_load %arg6[%swap3A_419, %swap3A_420] {strides = array<i32>} : memref<26x128xi32, #tpu.memory_space<vmem>>, vector<1x16xi32>,
    %swap3A_422 = vector.shape_cast %swap3A_421 : vector<1x16xi32> to vector<16xi32>
    %swap3A_423 = vector.shape_cast %add3A_417 : vector<16xi32> to vector<1x16xi32>
    tpu.vector_store %arg6[%swap3A_419, %swap3A_420], %swap3A_423 {strides = array<i32>} : memref<26x128xi32, #tpu.memory_space<vmem>>, vector<1x16xi32>,
    %get3A_424 = arith.constant 4 : i32
    %get3A_425 = arith.index_cast %get3A_424 : i32 to index
    %get3A_426 = arith.constant 96 : index
    %get3A_427 = tpu.vector_load %arg6[%get3A_425, %get3A_426] {strides = array<i32>} : memref<26x128xi32, #tpu.memory_space<vmem>>, vector<1x16xi32>,
    %get3A_428 = vector.shape_cast %get3A_427 : vector<1x16xi32> to vector<16xi32>
    %add3A_429 = arith.constant 4000 : i32
    %add3A_430 = vector.broadcast %add3A_429 : i32 to vector<16xi32>
    %add3A_431 = arith.addi %get3A_428, %add3A_430 : vector<16xi32>
    %swap3A_432 = arith.constant 4 : i32
    %swap3A_433 = arith.index_cast %swap3A_432 : i32 to index
    %swap3A_434 = arith.constant 96 : index
    %swap3A_435 = tpu.vector_load %arg6[%swap3A_433, %swap3A_434] {strides = array<i32>} : memref<26x128xi32, #tpu.memory_space<vmem>>, vector<1x16xi32>,
    %swap3A_436 = vector.shape_cast %swap3A_435 : vector<1x16xi32> to vector<16xi32>
    %swap3A_437 = vector.shape_cast %add3A_431 : vector<16xi32> to vector<1x16xi32>
    tpu.vector_store %arg6[%swap3A_433, %swap3A_434], %swap3A_437 {strides = array<i32>} : memref<26x128xi32, #tpu.memory_space<vmem>>, vector<1x16xi32>,
    %get3A_438 = arith.constant 4 : i32
    %get3A_439 = arith.index_cast %get3A_438 : i32 to index
    %get3A_440 = arith.constant 112 : index
    %get3A_441 = tpu.vector_load %arg6[%get3A_439, %get3A_440] {strides = array<i32>} : memref<26x128xi32, #tpu.memory_space<vmem>>, vector<1x16xi32>,
    %get3A_442 = vector.shape_cast %get3A_441 : vector<1x16xi32> to vector<16xi32>
    %add3A_443 = arith.constant 4000 : i32
    %add3A_444 = vector.broadcast %add3A_443 : i32 to vector<16xi32>
    %add3A_445 = arith.addi %get3A_442, %add3A_444 : vector<16xi32>
    %swap3A_446 = arith.constant 4 : i32
    %swap3A_447 = arith.index_cast %swap3A_446 : i32 to index
    %swap3A_448 = arith.constant 112 : index
    %swap3A_449 = tpu.vector_load %arg6[%swap3A_447, %swap3A_448] {strides = array<i32>} : memref<26x128xi32, #tpu.memory_space<vmem>>, vector<1x16xi32>,
    %swap3A_450 = vector.shape_cast %swap3A_449 : vector<1x16xi32> to vector<16xi32>
    %swap3A_451 = vector.shape_cast %add3A_445 : vector<16xi32> to vector<1x16xi32>
    tpu.vector_store %arg6[%swap3A_447, %swap3A_448], %swap3A_451 {strides = array<i32>} : memref<26x128xi32, #tpu.memory_space<vmem>>, vector<1x16xi32>,
    %get3A_452 = arith.constant 5 : i32
    %get3A_453 = arith.index_cast %get3A_452 : i32 to index
    %get3A_454 = arith.constant 0 : index
    %get3A_455 = tpu.vector_load %arg6[%get3A_453, %get3A_454] {strides = array<i32>} : memref<26x128xi32, #tpu.memory_space<vmem>>, vector<1x16xi32>,
    %get3A_456 = vector.shape_cast %get3A_455 : vector<1x16xi32> to vector<16xi32>
    %add3A_457 = arith.constant 5000 : i32
    %add3A_458 = vector.broadcast %add3A_457 : i32 to vector<16xi32>
    %add3A_459 = arith.addi %get3A_456, %add3A_458 : vector<16xi32>
    %swap3A_460 = arith.constant 5 : i32
    %swap3A_461 = arith.index_cast %swap3A_460 : i32 to index
    %swap3A_462 = arith.constant 0 : index
    %swap3A_463 = tpu.vector_load %arg6[%swap3A_461, %swap3A_462] {strides = array<i32>} : memref<26x128xi32, #tpu.memory_space<vmem>>, vector<1x16xi32>,
    %swap3A_464 = vector.shape_cast %swap3A_463 : vector<1x16xi32> to vector<16xi32>
    %swap3A_465 = vector.shape_cast %add3A_459 : vector<16xi32> to vector<1x16xi32>
    tpu.vector_store %arg6[%swap3A_461, %swap3A_462], %swap3A_465 {strides = array<i32>} : memref<26x128xi32, #tpu.memory_space<vmem>>, vector<1x16xi32>,
    %get3A_466 = arith.constant 5 : i32
    %get3A_467 = arith.index_cast %get3A_466 : i32 to index
    %get3A_468 = arith.constant 16 : index
    %get3A_469 = tpu.vector_load %arg6[%get3A_467, %get3A_468] {strides = array<i32>} : memref<26x128xi32, #tpu.memory_space<vmem>>, vector<1x16xi32>,
    %get3A_470 = vector.shape_cast %get3A_469 : vector<1x16xi32> to vector<16xi32>
    %add3A_471 = arith.constant 5000 : i32
    %add3A_472 = vector.broadcast %add3A_471 : i32 to vector<16xi32>
    %add3A_473 = arith.addi %get3A_470, %add3A_472 : vector<16xi32>
    %swap3A_474 = arith.constant 5 : i32
    %swap3A_475 = arith.index_cast %swap3A_474 : i32 to index
    %swap3A_476 = arith.constant 16 : index
    %swap3A_477 = tpu.vector_load %arg6[%swap3A_475, %swap3A_476] {strides = array<i32>} : memref<26x128xi32, #tpu.memory_space<vmem>>, vector<1x16xi32>,
    %swap3A_478 = vector.shape_cast %swap3A_477 : vector<1x16xi32> to vector<16xi32>
    %swap3A_479 = vector.shape_cast %add3A_473 : vector<16xi32> to vector<1x16xi32>
    tpu.vector_store %arg6[%swap3A_475, %swap3A_476], %swap3A_479 {strides = array<i32>} : memref<26x128xi32, #tpu.memory_space<vmem>>, vector<1x16xi32>,
    %get3A_480 = arith.constant 5 : i32
    %get3A_481 = arith.index_cast %get3A_480 : i32 to index
    %get3A_482 = arith.constant 32 : index
    %get3A_483 = tpu.vector_load %arg6[%get3A_481, %get3A_482] {strides = array<i32>} : memref<26x128xi32, #tpu.memory_space<vmem>>, vector<1x16xi32>,
    %get3A_484 = vector.shape_cast %get3A_483 : vector<1x16xi32> to vector<16xi32>
    %add3A_485 = arith.constant 5000 : i32
    %add3A_486 = vector.broadcast %add3A_485 : i32 to vector<16xi32>
    %add3A_487 = arith.addi %get3A_484, %add3A_486 : vector<16xi32>
    %swap3A_488 = arith.constant 5 : i32
    %swap3A_489 = arith.index_cast %swap3A_488 : i32 to index
    %swap3A_490 = arith.constant 32 : index
    %swap3A_491 = tpu.vector_load %arg6[%swap3A_489, %swap3A_490] {strides = array<i32>} : memref<26x128xi32, #tpu.memory_space<vmem>>, vector<1x16xi32>,
    %swap3A_492 = vector.shape_cast %swap3A_491 : vector<1x16xi32> to vector<16xi32>
    %swap3A_493 = vector.shape_cast %add3A_487 : vector<16xi32> to vector<1x16xi32>
    tpu.vector_store %arg6[%swap3A_489, %swap3A_490], %swap3A_493 {strides = array<i32>} : memref<26x128xi32, #tpu.memory_space<vmem>>, vector<1x16xi32>,
    %get3A_494 = arith.constant 5 : i32
    %get3A_495 = arith.index_cast %get3A_494 : i32 to index
    %get3A_496 = arith.constant 48 : index
    %get3A_497 = tpu.vector_load %arg6[%get3A_495, %get3A_496] {strides = array<i32>} : memref<26x128xi32, #tpu.memory_space<vmem>>, vector<1x16xi32>,
    %get3A_498 = vector.shape_cast %get3A_497 : vector<1x16xi32> to vector<16xi32>
    %add3A_499 = arith.constant 5000 : i32
    %add3A_500 = vector.broadcast %add3A_499 : i32 to vector<16xi32>
    %add3A_501 = arith.addi %get3A_498, %add3A_500 : vector<16xi32>
    %swap3A_502 = arith.constant 5 : i32
    %swap3A_503 = arith.index_cast %swap3A_502 : i32 to index
    %swap3A_504 = arith.constant 48 : index
    %swap3A_505 = tpu.vector_load %arg6[%swap3A_503, %swap3A_504] {strides = array<i32>} : memref<26x128xi32, #tpu.memory_space<vmem>>, vector<1x16xi32>,
    %swap3A_506 = vector.shape_cast %swap3A_505 : vector<1x16xi32> to vector<16xi32>
    %swap3A_507 = vector.shape_cast %add3A_501 : vector<16xi32> to vector<1x16xi32>
    tpu.vector_store %arg6[%swap3A_503, %swap3A_504], %swap3A_507 {strides = array<i32>} : memref<26x128xi32, #tpu.memory_space<vmem>>, vector<1x16xi32>,
    %get3A_508 = arith.constant 5 : i32
    %get3A_509 = arith.index_cast %get3A_508 : i32 to index
    %get3A_510 = arith.constant 64 : index
    %get3A_511 = tpu.vector_load %arg6[%get3A_509, %get3A_510] {strides = array<i32>} : memref<26x128xi32, #tpu.memory_space<vmem>>, vector<1x16xi32>,
    %get3A_512 = vector.shape_cast %get3A_511 : vector<1x16xi32> to vector<16xi32>
    %add3A_513 = arith.constant 5000 : i32
    %add3A_514 = vector.broadcast %add3A_513 : i32 to vector<16xi32>
    %add3A_515 = arith.addi %get3A_512, %add3A_514 : vector<16xi32>
    %swap3A_516 = arith.constant 5 : i32
    %swap3A_517 = arith.index_cast %swap3A_516 : i32 to index
    %swap3A_518 = arith.constant 64 : index
    %swap3A_519 = tpu.vector_load %arg6[%swap3A_517, %swap3A_518] {strides = array<i32>} : memref<26x128xi32, #tpu.memory_space<vmem>>, vector<1x16xi32>,
    %swap3A_520 = vector.shape_cast %swap3A_519 : vector<1x16xi32> to vector<16xi32>
    %swap3A_521 = vector.shape_cast %add3A_515 : vector<16xi32> to vector<1x16xi32>
    tpu.vector_store %arg6[%swap3A_517, %swap3A_518], %swap3A_521 {strides = array<i32>} : memref<26x128xi32, #tpu.memory_space<vmem>>, vector<1x16xi32>,
    %get3A_522 = arith.constant 5 : i32
    %get3A_523 = arith.index_cast %get3A_522 : i32 to index
    %get3A_524 = arith.constant 80 : index
    %get3A_525 = tpu.vector_load %arg6[%get3A_523, %get3A_524] {strides = array<i32>} : memref<26x128xi32, #tpu.memory_space<vmem>>, vector<1x16xi32>,
    %get3A_526 = vector.shape_cast %get3A_525 : vector<1x16xi32> to vector<16xi32>
    %add3A_527 = arith.constant 5000 : i32
    %add3A_528 = vector.broadcast %add3A_527 : i32 to vector<16xi32>
    %add3A_529 = arith.addi %get3A_526, %add3A_528 : vector<16xi32>
    %swap3A_530 = arith.constant 5 : i32
    %swap3A_531 = arith.index_cast %swap3A_530 : i32 to index
    %swap3A_532 = arith.constant 80 : index
    %swap3A_533 = tpu.vector_load %arg6[%swap3A_531, %swap3A_532] {strides = array<i32>} : memref<26x128xi32, #tpu.memory_space<vmem>>, vector<1x16xi32>,
    %swap3A_534 = vector.shape_cast %swap3A_533 : vector<1x16xi32> to vector<16xi32>
    %swap3A_535 = vector.shape_cast %add3A_529 : vector<16xi32> to vector<1x16xi32>
    tpu.vector_store %arg6[%swap3A_531, %swap3A_532], %swap3A_535 {strides = array<i32>} : memref<26x128xi32, #tpu.memory_space<vmem>>, vector<1x16xi32>,
    %get3A_536 = arith.constant 5 : i32
    %get3A_537 = arith.index_cast %get3A_536 : i32 to index
    %get3A_538 = arith.constant 96 : index
    %get3A_539 = tpu.vector_load %arg6[%get3A_537, %get3A_538] {strides = array<i32>} : memref<26x128xi32, #tpu.memory_space<vmem>>, vector<1x16xi32>,
    %get3A_540 = vector.shape_cast %get3A_539 : vector<1x16xi32> to vector<16xi32>
    %add3A_541 = arith.constant 5000 : i32
    %add3A_542 = vector.broadcast %add3A_541 : i32 to vector<16xi32>
    %add3A_543 = arith.addi %get3A_540, %add3A_542 : vector<16xi32>
    %swap3A_544 = arith.constant 5 : i32
    %swap3A_545 = arith.index_cast %swap3A_544 : i32 to index
    %swap3A_546 = arith.constant 96 : index
    %swap3A_547 = tpu.vector_load %arg6[%swap3A_545, %swap3A_546] {strides = array<i32>} : memref<26x128xi32, #tpu.memory_space<vmem>>, vector<1x16xi32>,
    %swap3A_548 = vector.shape_cast %swap3A_547 : vector<1x16xi32> to vector<16xi32>
    %swap3A_549 = vector.shape_cast %add3A_543 : vector<16xi32> to vector<1x16xi32>
    tpu.vector_store %arg6[%swap3A_545, %swap3A_546], %swap3A_549 {strides = array<i32>} : memref<26x128xi32, #tpu.memory_space<vmem>>, vector<1x16xi32>,
    %get3A_550 = arith.constant 5 : i32
    %get3A_551 = arith.index_cast %get3A_550 : i32 to index
    %get3A_552 = arith.constant 112 : index
    %get3A_553 = tpu.vector_load %arg6[%get3A_551, %get3A_552] {strides = array<i32>} : memref<26x128xi32, #tpu.memory_space<vmem>>, vector<1x16xi32>,
    %get3A_554 = vector.shape_cast %get3A_553 : vector<1x16xi32> to vector<16xi32>
    %add3A_555 = arith.constant 5000 : i32
    %add3A_556 = vector.broadcast %add3A_555 : i32 to vector<16xi32>
    %add3A_557 = arith.addi %get3A_554, %add3A_556 : vector<16xi32>
    %swap3A_558 = arith.constant 5 : i32
    %swap3A_559 = arith.index_cast %swap3A_558 : i32 to index
    %swap3A_560 = arith.constant 112 : index
    %swap3A_561 = tpu.vector_load %arg6[%swap3A_559, %swap3A_560] {strides = array<i32>} : memref<26x128xi32, #tpu.memory_space<vmem>>, vector<1x16xi32>,
    %swap3A_562 = vector.shape_cast %swap3A_561 : vector<1x16xi32> to vector<16xi32>
    %swap3A_563 = vector.shape_cast %add3A_557 : vector<16xi32> to vector<1x16xi32>
    tpu.vector_store %arg6[%swap3A_559, %swap3A_560], %swap3A_563 {strides = array<i32>} : memref<26x128xi32, #tpu.memory_space<vmem>>, vector<1x16xi32>,
    %get3A_564 = arith.constant 6 : i32
    %get3A_565 = arith.index_cast %get3A_564 : i32 to index
    %get3A_566 = arith.constant 0 : index
    %get3A_567 = tpu.vector_load %arg6[%get3A_565, %get3A_566] {strides = array<i32>} : memref<26x128xi32, #tpu.memory_space<vmem>>, vector<1x16xi32>,
    %get3A_568 = vector.shape_cast %get3A_567 : vector<1x16xi32> to vector<16xi32>
    %add3A_569 = arith.constant 6000 : i32
    %add3A_570 = vector.broadcast %add3A_569 : i32 to vector<16xi32>
    %add3A_571 = arith.addi %get3A_568, %add3A_570 : vector<16xi32>
    %swap3A_572 = arith.constant 6 : i32
    %swap3A_573 = arith.index_cast %swap3A_572 : i32 to index
    %swap3A_574 = arith.constant 0 : index
    %swap3A_575 = tpu.vector_load %arg6[%swap3A_573, %swap3A_574] {strides = array<i32>} : memref<26x128xi32, #tpu.memory_space<vmem>>, vector<1x16xi32>,
    %swap3A_576 = vector.shape_cast %swap3A_575 : vector<1x16xi32> to vector<16xi32>
    %swap3A_577 = vector.shape_cast %add3A_571 : vector<16xi32> to vector<1x16xi32>
    tpu.vector_store %arg6[%swap3A_573, %swap3A_574], %swap3A_577 {strides = array<i32>} : memref<26x128xi32, #tpu.memory_space<vmem>>, vector<1x16xi32>,
    %get3A_578 = arith.constant 6 : i32
    %get3A_579 = arith.index_cast %get3A_578 : i32 to index
    %get3A_580 = arith.constant 16 : index
    %get3A_581 = tpu.vector_load %arg6[%get3A_579, %get3A_580] {strides = array<i32>} : memref<26x128xi32, #tpu.memory_space<vmem>>, vector<1x16xi32>,
    %get3A_582 = vector.shape_cast %get3A_581 : vector<1x16xi32> to vector<16xi32>
    %add3A_583 = arith.constant 6000 : i32
    %add3A_584 = vector.broadcast %add3A_583 : i32 to vector<16xi32>
    %add3A_585 = arith.addi %get3A_582, %add3A_584 : vector<16xi32>
    %swap3A_586 = arith.constant 6 : i32
    %swap3A_587 = arith.index_cast %swap3A_586 : i32 to index
    %swap3A_588 = arith.constant 16 : index
    %swap3A_589 = tpu.vector_load %arg6[%swap3A_587, %swap3A_588] {strides = array<i32>} : memref<26x128xi32, #tpu.memory_space<vmem>>, vector<1x16xi32>,
    %swap3A_590 = vector.shape_cast %swap3A_589 : vector<1x16xi32> to vector<16xi32>
    %swap3A_591 = vector.shape_cast %add3A_585 : vector<16xi32> to vector<1x16xi32>
    tpu.vector_store %arg6[%swap3A_587, %swap3A_588], %swap3A_591 {strides = array<i32>} : memref<26x128xi32, #tpu.memory_space<vmem>>, vector<1x16xi32>,
    %get3A_592 = arith.constant 6 : i32
    %get3A_593 = arith.index_cast %get3A_592 : i32 to index
    %get3A_594 = arith.constant 32 : index
    %get3A_595 = tpu.vector_load %arg6[%get3A_593, %get3A_594] {strides = array<i32>} : memref<26x128xi32, #tpu.memory_space<vmem>>, vector<1x16xi32>,
    %get3A_596 = vector.shape_cast %get3A_595 : vector<1x16xi32> to vector<16xi32>
    %add3A_597 = arith.constant 6000 : i32
    %add3A_598 = vector.broadcast %add3A_597 : i32 to vector<16xi32>
    %add3A_599 = arith.addi %get3A_596, %add3A_598 : vector<16xi32>
    %swap3A_600 = arith.constant 6 : i32
    %swap3A_601 = arith.index_cast %swap3A_600 : i32 to index
    %swap3A_602 = arith.constant 32 : index
    %swap3A_603 = tpu.vector_load %arg6[%swap3A_601, %swap3A_602] {strides = array<i32>} : memref<26x128xi32, #tpu.memory_space<vmem>>, vector<1x16xi32>,
    %swap3A_604 = vector.shape_cast %swap3A_603 : vector<1x16xi32> to vector<16xi32>
    %swap3A_605 = vector.shape_cast %add3A_599 : vector<16xi32> to vector<1x16xi32>
    tpu.vector_store %arg6[%swap3A_601, %swap3A_602], %swap3A_605 {strides = array<i32>} : memref<26x128xi32, #tpu.memory_space<vmem>>, vector<1x16xi32>,
    %get3A_606 = arith.constant 6 : i32
    %get3A_607 = arith.index_cast %get3A_606 : i32 to index
    %get3A_608 = arith.constant 48 : index
    %get3A_609 = tpu.vector_load %arg6[%get3A_607, %get3A_608] {strides = array<i32>} : memref<26x128xi32, #tpu.memory_space<vmem>>, vector<1x16xi32>,
    %get3A_610 = vector.shape_cast %get3A_609 : vector<1x16xi32> to vector<16xi32>
    %add3A_611 = arith.constant 6000 : i32
    %add3A_612 = vector.broadcast %add3A_611 : i32 to vector<16xi32>
    %add3A_613 = arith.addi %get3A_610, %add3A_612 : vector<16xi32>
    %swap3A_614 = arith.constant 6 : i32
    %swap3A_615 = arith.index_cast %swap3A_614 : i32 to index
    %swap3A_616 = arith.constant 48 : index
    %swap3A_617 = tpu.vector_load %arg6[%swap3A_615, %swap3A_616] {strides = array<i32>} : memref<26x128xi32, #tpu.memory_space<vmem>>, vector<1x16xi32>,
    %swap3A_618 = vector.shape_cast %swap3A_617 : vector<1x16xi32> to vector<16xi32>
    %swap3A_619 = vector.shape_cast %add3A_613 : vector<16xi32> to vector<1x16xi32>
    tpu.vector_store %arg6[%swap3A_615, %swap3A_616], %swap3A_619 {strides = array<i32>} : memref<26x128xi32, #tpu.memory_space<vmem>>, vector<1x16xi32>,
    %get3A_620 = arith.constant 6 : i32
    %get3A_621 = arith.index_cast %get3A_620 : i32 to index
    %get3A_622 = arith.constant 64 : index
    %get3A_623 = tpu.vector_load %arg6[%get3A_621, %get3A_622] {strides = array<i32>} : memref<26x128xi32, #tpu.memory_space<vmem>>, vector<1x16xi32>,
    %get3A_624 = vector.shape_cast %get3A_623 : vector<1x16xi32> to vector<16xi32>
    %add3A_625 = arith.constant 6000 : i32
    %add3A_626 = vector.broadcast %add3A_625 : i32 to vector<16xi32>
    %add3A_627 = arith.addi %get3A_624, %add3A_626 : vector<16xi32>
    %swap3A_628 = arith.constant 6 : i32
    %swap3A_629 = arith.index_cast %swap3A_628 : i32 to index
    %swap3A_630 = arith.constant 64 : index
    %swap3A_631 = tpu.vector_load %arg6[%swap3A_629, %swap3A_630] {strides = array<i32>} : memref<26x128xi32, #tpu.memory_space<vmem>>, vector<1x16xi32>,
    %swap3A_632 = vector.shape_cast %swap3A_631 : vector<1x16xi32> to vector<16xi32>
    %swap3A_633 = vector.shape_cast %add3A_627 : vector<16xi32> to vector<1x16xi32>
    tpu.vector_store %arg6[%swap3A_629, %swap3A_630], %swap3A_633 {strides = array<i32>} : memref<26x128xi32, #tpu.memory_space<vmem>>, vector<1x16xi32>,
    %get3A_634 = arith.constant 6 : i32
    %get3A_635 = arith.index_cast %get3A_634 : i32 to index
    %get3A_636 = arith.constant 80 : index
    %get3A_637 = tpu.vector_load %arg6[%get3A_635, %get3A_636] {strides = array<i32>} : memref<26x128xi32, #tpu.memory_space<vmem>>, vector<1x16xi32>,
    %get3A_638 = vector.shape_cast %get3A_637 : vector<1x16xi32> to vector<16xi32>
    %add3A_639 = arith.constant 6000 : i32
    %add3A_640 = vector.broadcast %add3A_639 : i32 to vector<16xi32>
    %add3A_641 = arith.addi %get3A_638, %add3A_640 : vector<16xi32>
    %swap3A_642 = arith.constant 6 : i32
    %swap3A_643 = arith.index_cast %swap3A_642 : i32 to index
    %swap3A_644 = arith.constant 80 : index
    %swap3A_645 = tpu.vector_load %arg6[%swap3A_643, %swap3A_644] {strides = array<i32>} : memref<26x128xi32, #tpu.memory_space<vmem>>, vector<1x16xi32>,
    %swap3A_646 = vector.shape_cast %swap3A_645 : vector<1x16xi32> to vector<16xi32>
    %swap3A_647 = vector.shape_cast %add3A_641 : vector<16xi32> to vector<1x16xi32>
    tpu.vector_store %arg6[%swap3A_643, %swap3A_644], %swap3A_647 {strides = array<i32>} : memref<26x128xi32, #tpu.memory_space<vmem>>, vector<1x16xi32>,
    %get3A_648 = arith.constant 6 : i32
    %get3A_649 = arith.index_cast %get3A_648 : i32 to index
    %get3A_650 = arith.constant 96 : index
    %get3A_651 = tpu.vector_load %arg6[%get3A_649, %get3A_650] {strides = array<i32>} : memref<26x128xi32, #tpu.memory_space<vmem>>, vector<1x16xi32>,
    %get3A_652 = vector.shape_cast %get3A_651 : vector<1x16xi32> to vector<16xi32>
    %add3A_653 = arith.constant 6000 : i32
    %add3A_654 = vector.broadcast %add3A_653 : i32 to vector<16xi32>
    %add3A_655 = arith.addi %get3A_652, %add3A_654 : vector<16xi32>
    %swap3A_656 = arith.constant 6 : i32
    %swap3A_657 = arith.index_cast %swap3A_656 : i32 to index
    %swap3A_658 = arith.constant 96 : index
    %swap3A_659 = tpu.vector_load %arg6[%swap3A_657, %swap3A_658] {strides = array<i32>} : memref<26x128xi32, #tpu.memory_space<vmem>>, vector<1x16xi32>,
    %swap3A_660 = vector.shape_cast %swap3A_659 : vector<1x16xi32> to vector<16xi32>
    %swap3A_661 = vector.shape_cast %add3A_655 : vector<16xi32> to vector<1x16xi32>
    tpu.vector_store %arg6[%swap3A_657, %swap3A_658], %swap3A_661 {strides = array<i32>} : memref<26x128xi32, #tpu.memory_space<vmem>>, vector<1x16xi32>,
    %get3A_662 = arith.constant 6 : i32
    %get3A_663 = arith.index_cast %get3A_662 : i32 to index
    %get3A_664 = arith.constant 112 : index
    %get3A_665 = tpu.vector_load %arg6[%get3A_663, %get3A_664] {strides = array<i32>} : memref<26x128xi32, #tpu.memory_space<vmem>>, vector<1x16xi32>,
    %get3A_666 = vector.shape_cast %get3A_665 : vector<1x16xi32> to vector<16xi32>
    %add3A_667 = arith.constant 6000 : i32
    %add3A_668 = vector.broadcast %add3A_667 : i32 to vector<16xi32>
    %add3A_669 = arith.addi %get3A_666, %add3A_668 : vector<16xi32>
    %swap3A_670 = arith.constant 6 : i32
    %swap3A_671 = arith.index_cast %swap3A_670 : i32 to index
    %swap3A_672 = arith.constant 112 : index
    %swap3A_673 = tpu.vector_load %arg6[%swap3A_671, %swap3A_672] {strides = array<i32>} : memref<26x128xi32, #tpu.memory_space<vmem>>, vector<1x16xi32>,
    %swap3A_674 = vector.shape_cast %swap3A_673 : vector<1x16xi32> to vector<16xi32>
    %swap3A_675 = vector.shape_cast %add3A_669 : vector<16xi32> to vector<1x16xi32>
    tpu.vector_store %arg6[%swap3A_671, %swap3A_672], %swap3A_675 {strides = array<i32>} : memref<26x128xi32, #tpu.memory_space<vmem>>, vector<1x16xi32>,
    %get3A_676 = arith.constant 7 : i32
    %get3A_677 = arith.index_cast %get3A_676 : i32 to index
    %get3A_678 = arith.constant 0 : index
    %get3A_679 = tpu.vector_load %arg6[%get3A_677, %get3A_678] {strides = array<i32>} : memref<26x128xi32, #tpu.memory_space<vmem>>, vector<1x16xi32>,
    %get3A_680 = vector.shape_cast %get3A_679 : vector<1x16xi32> to vector<16xi32>
    %add3A_681 = arith.constant 7000 : i32
    %add3A_682 = vector.broadcast %add3A_681 : i32 to vector<16xi32>
    %add3A_683 = arith.addi %get3A_680, %add3A_682 : vector<16xi32>
    %swap3A_684 = arith.constant 7 : i32
    %swap3A_685 = arith.index_cast %swap3A_684 : i32 to index
    %swap3A_686 = arith.constant 0 : index
    %swap3A_687 = tpu.vector_load %arg6[%swap3A_685, %swap3A_686] {strides = array<i32>} : memref<26x128xi32, #tpu.memory_space<vmem>>, vector<1x16xi32>,
    %swap3A_688 = vector.shape_cast %swap3A_687 : vector<1x16xi32> to vector<16xi32>
    %swap3A_689 = vector.shape_cast %add3A_683 : vector<16xi32> to vector<1x16xi32>
    tpu.vector_store %arg6[%swap3A_685, %swap3A_686], %swap3A_689 {strides = array<i32>} : memref<26x128xi32, #tpu.memory_space<vmem>>, vector<1x16xi32>,
    %get3A_690 = arith.constant 7 : i32
    %get3A_691 = arith.index_cast %get3A_690 : i32 to index
    %get3A_692 = arith.constant 16 : index
    %get3A_693 = tpu.vector_load %arg6[%get3A_691, %get3A_692] {strides = array<i32>} : memref<26x128xi32, #tpu.memory_space<vmem>>, vector<1x16xi32>,
    %get3A_694 = vector.shape_cast %get3A_693 : vector<1x16xi32> to vector<16xi32>
    %add3A_695 = arith.constant 7000 : i32
    %add3A_696 = vector.broadcast %add3A_695 : i32 to vector<16xi32>
    %add3A_697 = arith.addi %get3A_694, %add3A_696 : vector<16xi32>
    %swap3A_698 = arith.constant 7 : i32
    %swap3A_699 = arith.index_cast %swap3A_698 : i32 to index
    %swap3A_700 = arith.constant 16 : index
    %swap3A_701 = tpu.vector_load %arg6[%swap3A_699, %swap3A_700] {strides = array<i32>} : memref<26x128xi32, #tpu.memory_space<vmem>>, vector<1x16xi32>,
    %swap3A_702 = vector.shape_cast %swap3A_701 : vector<1x16xi32> to vector<16xi32>
    %swap3A_703 = vector.shape_cast %add3A_697 : vector<16xi32> to vector<1x16xi32>
    tpu.vector_store %arg6[%swap3A_699, %swap3A_700], %swap3A_703 {strides = array<i32>} : memref<26x128xi32, #tpu.memory_space<vmem>>, vector<1x16xi32>,
    %get3A_704 = arith.constant 7 : i32
    %get3A_705 = arith.index_cast %get3A_704 : i32 to index
    %get3A_706 = arith.constant 32 : index
    %get3A_707 = tpu.vector_load %arg6[%get3A_705, %get3A_706] {strides = array<i32>} : memref<26x128xi32, #tpu.memory_space<vmem>>, vector<1x16xi32>,
    %get3A_708 = vector.shape_cast %get3A_707 : vector<1x16xi32> to vector<16xi32>
    %add3A_709 = arith.constant 7000 : i32
    %add3A_710 = vector.broadcast %add3A_709 : i32 to vector<16xi32>
    %add3A_711 = arith.addi %get3A_708, %add3A_710 : vector<16xi32>
    %swap3A_712 = arith.constant 7 : i32
    %swap3A_713 = arith.index_cast %swap3A_712 : i32 to index
    %swap3A_714 = arith.constant 32 : index
    %swap3A_715 = tpu.vector_load %arg6[%swap3A_713, %swap3A_714] {strides = array<i32>} : memref<26x128xi32, #tpu.memory_space<vmem>>, vector<1x16xi32>,
    %swap3A_716 = vector.shape_cast %swap3A_715 : vector<1x16xi32> to vector<16xi32>
    %swap3A_717 = vector.shape_cast %add3A_711 : vector<16xi32> to vector<1x16xi32>
    tpu.vector_store %arg6[%swap3A_713, %swap3A_714], %swap3A_717 {strides = array<i32>} : memref<26x128xi32, #tpu.memory_space<vmem>>, vector<1x16xi32>,
    %get3A_718 = arith.constant 7 : i32
    %get3A_719 = arith.index_cast %get3A_718 : i32 to index
    %get3A_720 = arith.constant 48 : index
    %get3A_721 = tpu.vector_load %arg6[%get3A_719, %get3A_720] {strides = array<i32>} : memref<26x128xi32, #tpu.memory_space<vmem>>, vector<1x16xi32>,
    %get3A_722 = vector.shape_cast %get3A_721 : vector<1x16xi32> to vector<16xi32>
    %add3A_723 = arith.constant 7000 : i32
    %add3A_724 = vector.broadcast %add3A_723 : i32 to vector<16xi32>
    %add3A_725 = arith.addi %get3A_722, %add3A_724 : vector<16xi32>
    %swap3A_726 = arith.constant 7 : i32
    %swap3A_727 = arith.index_cast %swap3A_726 : i32 to index
    %swap3A_728 = arith.constant 48 : index
    %swap3A_729 = tpu.vector_load %arg6[%swap3A_727, %swap3A_728] {strides = array<i32>} : memref<26x128xi32, #tpu.memory_space<vmem>>, vector<1x16xi32>,
    %swap3A_730 = vector.shape_cast %swap3A_729 : vector<1x16xi32> to vector<16xi32>
    %swap3A_731 = vector.shape_cast %add3A_725 : vector<16xi32> to vector<1x16xi32>
    tpu.vector_store %arg6[%swap3A_727, %swap3A_728], %swap3A_731 {strides = array<i32>} : memref<26x128xi32, #tpu.memory_space<vmem>>, vector<1x16xi32>,
    %get3A_732 = arith.constant 7 : i32
    %get3A_733 = arith.index_cast %get3A_732 : i32 to index
    %get3A_734 = arith.constant 64 : index
    %get3A_735 = tpu.vector_load %arg6[%get3A_733, %get3A_734] {strides = array<i32>} : memref<26x128xi32, #tpu.memory_space<vmem>>, vector<1x16xi32>,
    %get3A_736 = vector.shape_cast %get3A_735 : vector<1x16xi32> to vector<16xi32>
    %add3A_737 = arith.constant 7000 : i32
    %add3A_738 = vector.broadcast %add3A_737 : i32 to vector<16xi32>
    %add3A_739 = arith.addi %get3A_736, %add3A_738 : vector<16xi32>
    %swap3A_740 = arith.constant 7 : i32
    %swap3A_741 = arith.index_cast %swap3A_740 : i32 to index
    %swap3A_742 = arith.constant 64 : index
    %swap3A_743 = tpu.vector_load %arg6[%swap3A_741, %swap3A_742] {strides = array<i32>} : memref<26x128xi32, #tpu.memory_space<vmem>>, vector<1x16xi32>,
    %swap3A_744 = vector.shape_cast %swap3A_743 : vector<1x16xi32> to vector<16xi32>
    %swap3A_745 = vector.shape_cast %add3A_739 : vector<16xi32> to vector<1x16xi32>
    tpu.vector_store %arg6[%swap3A_741, %swap3A_742], %swap3A_745 {strides = array<i32>} : memref<26x128xi32, #tpu.memory_space<vmem>>, vector<1x16xi32>,
    %get3A_746 = arith.constant 7 : i32
    %get3A_747 = arith.index_cast %get3A_746 : i32 to index
    %get3A_748 = arith.constant 80 : index
    %get3A_749 = tpu.vector_load %arg6[%get3A_747, %get3A_748] {strides = array<i32>} : memref<26x128xi32, #tpu.memory_space<vmem>>, vector<1x16xi32>,
    %get3A_750 = vector.shape_cast %get3A_749 : vector<1x16xi32> to vector<16xi32>
    %add3A_751 = arith.constant 7000 : i32
    %add3A_752 = vector.broadcast %add3A_751 : i32 to vector<16xi32>
    %add3A_753 = arith.addi %get3A_750, %add3A_752 : vector<16xi32>
    %swap3A_754 = arith.constant 7 : i32
    %swap3A_755 = arith.index_cast %swap3A_754 : i32 to index
    %swap3A_756 = arith.constant 80 : index
    %swap3A_757 = tpu.vector_load %arg6[%swap3A_755, %swap3A_756] {strides = array<i32>} : memref<26x128xi32, #tpu.memory_space<vmem>>, vector<1x16xi32>,
    %swap3A_758 = vector.shape_cast %swap3A_757 : vector<1x16xi32> to vector<16xi32>
    %swap3A_759 = vector.shape_cast %add3A_753 : vector<16xi32> to vector<1x16xi32>
    tpu.vector_store %arg6[%swap3A_755, %swap3A_756], %swap3A_759 {strides = array<i32>} : memref<26x128xi32, #tpu.memory_space<vmem>>, vector<1x16xi32>,
    %get3A_760 = arith.constant 7 : i32
    %get3A_761 = arith.index_cast %get3A_760 : i32 to index
    %get3A_762 = arith.constant 96 : index
    %get3A_763 = tpu.vector_load %arg6[%get3A_761, %get3A_762] {strides = array<i32>} : memref<26x128xi32, #tpu.memory_space<vmem>>, vector<1x16xi32>,
    %get3A_764 = vector.shape_cast %get3A_763 : vector<1x16xi32> to vector<16xi32>
    %add3A_765 = arith.constant 7000 : i32
    %add3A_766 = vector.broadcast %add3A_765 : i32 to vector<16xi32>
    %add3A_767 = arith.addi %get3A_764, %add3A_766 : vector<16xi32>
    %swap3A_768 = arith.constant 7 : i32
    %swap3A_769 = arith.index_cast %swap3A_768 : i32 to index
    %swap3A_770 = arith.constant 96 : index
    %swap3A_771 = tpu.vector_load %arg6[%swap3A_769, %swap3A_770] {strides = array<i32>} : memref<26x128xi32, #tpu.memory_space<vmem>>, vector<1x16xi32>,
    %swap3A_772 = vector.shape_cast %swap3A_771 : vector<1x16xi32> to vector<16xi32>
    %swap3A_773 = vector.shape_cast %add3A_767 : vector<16xi32> to vector<1x16xi32>
    tpu.vector_store %arg6[%swap3A_769, %swap3A_770], %swap3A_773 {strides = array<i32>} : memref<26x128xi32, #tpu.memory_space<vmem>>, vector<1x16xi32>,
    %get3A_774 = arith.constant 7 : i32
    %get3A_775 = arith.index_cast %get3A_774 : i32 to index
    %get3A_776 = arith.constant 112 : index
    %get3A_777 = tpu.vector_load %arg6[%get3A_775, %get3A_776] {strides = array<i32>} : memref<26x128xi32, #tpu.memory_space<vmem>>, vector<1x16xi32>,
    %get3A_778 = vector.shape_cast %get3A_777 : vector<1x16xi32> to vector<16xi32>
    %add3A_779 = arith.constant 7000 : i32
    %add3A_780 = vector.broadcast %add3A_779 : i32 to vector<16xi32>
    %add3A_781 = arith.addi %get3A_778, %add3A_780 : vector<16xi32>
    %swap3A_782 = arith.constant 7 : i32
    %swap3A_783 = arith.index_cast %swap3A_782 : i32 to index
    %swap3A_784 = arith.constant 112 : index
    %swap3A_785 = tpu.vector_load %arg6[%swap3A_783, %swap3A_784] {strides = array<i32>} : memref<26x128xi32, #tpu.memory_space<vmem>>, vector<1x16xi32>,
    %swap3A_786 = vector.shape_cast %swap3A_785 : vector<1x16xi32> to vector<16xi32>
    %swap3A_787 = vector.shape_cast %add3A_781 : vector<16xi32> to vector<1x16xi32>
    tpu.vector_store %arg6[%swap3A_783, %swap3A_784], %swap3A_787 {strides = array<i32>} : memref<26x128xi32, #tpu.memory_space<vmem>>, vector<1x16xi32>,
    %get3A_788 = arith.constant 8 : i32
    %get3A_789 = arith.index_cast %get3A_788 : i32 to index
    %get3A_790 = arith.constant 0 : index
    %get3A_791 = tpu.vector_load %arg6[%get3A_789, %get3A_790] {strides = array<i32>} : memref<26x128xi32, #tpu.memory_space<vmem>>, vector<1x16xi32>,
    %get3A_792 = vector.shape_cast %get3A_791 : vector<1x16xi32> to vector<16xi32>
    %add3A_793 = arith.constant 8000 : i32
    %add3A_794 = vector.broadcast %add3A_793 : i32 to vector<16xi32>
    %add3A_795 = arith.addi %get3A_792, %add3A_794 : vector<16xi32>
    %swap3A_796 = arith.constant 8 : i32
    %swap3A_797 = arith.index_cast %swap3A_796 : i32 to index
    %swap3A_798 = arith.constant 0 : index
    %swap3A_799 = tpu.vector_load %arg6[%swap3A_797, %swap3A_798] {strides = array<i32>} : memref<26x128xi32, #tpu.memory_space<vmem>>, vector<1x16xi32>,
    %swap3A_800 = vector.shape_cast %swap3A_799 : vector<1x16xi32> to vector<16xi32>
    %swap3A_801 = vector.shape_cast %add3A_795 : vector<16xi32> to vector<1x16xi32>
    tpu.vector_store %arg6[%swap3A_797, %swap3A_798], %swap3A_801 {strides = array<i32>} : memref<26x128xi32, #tpu.memory_space<vmem>>, vector<1x16xi32>,
    %get3A_802 = arith.constant 8 : i32
    %get3A_803 = arith.index_cast %get3A_802 : i32 to index
    %get3A_804 = arith.constant 16 : index
    %get3A_805 = tpu.vector_load %arg6[%get3A_803, %get3A_804] {strides = array<i32>} : memref<26x128xi32, #tpu.memory_space<vmem>>, vector<1x16xi32>,
    %get3A_806 = vector.shape_cast %get3A_805 : vector<1x16xi32> to vector<16xi32>
    %add3A_807 = arith.constant 8000 : i32
    %add3A_808 = vector.broadcast %add3A_807 : i32 to vector<16xi32>
    %add3A_809 = arith.addi %get3A_806, %add3A_808 : vector<16xi32>
    %swap3A_810 = arith.constant 8 : i32
    %swap3A_811 = arith.index_cast %swap3A_810 : i32 to index
    %swap3A_812 = arith.constant 16 : index
    %swap3A_813 = tpu.vector_load %arg6[%swap3A_811, %swap3A_812] {strides = array<i32>} : memref<26x128xi32, #tpu.memory_space<vmem>>, vector<1x16xi32>,
    %swap3A_814 = vector.shape_cast %swap3A_813 : vector<1x16xi32> to vector<16xi32>
    %swap3A_815 = vector.shape_cast %add3A_809 : vector<16xi32> to vector<1x16xi32>
    tpu.vector_store %arg6[%swap3A_811, %swap3A_812], %swap3A_815 {strides = array<i32>} : memref<26x128xi32, #tpu.memory_space<vmem>>, vector<1x16xi32>,
    %get3A_816 = arith.constant 8 : i32
    %get3A_817 = arith.index_cast %get3A_816 : i32 to index
    %get3A_818 = arith.constant 32 : index
    %get3A_819 = tpu.vector_load %arg6[%get3A_817, %get3A_818] {strides = array<i32>} : memref<26x128xi32, #tpu.memory_space<vmem>>, vector<1x16xi32>,
    %get3A_820 = vector.shape_cast %get3A_819 : vector<1x16xi32> to vector<16xi32>
    %add3A_821 = arith.constant 8000 : i32
    %add3A_822 = vector.broadcast %add3A_821 : i32 to vector<16xi32>
    %add3A_823 = arith.addi %get3A_820, %add3A_822 : vector<16xi32>
    %swap3A_824 = arith.constant 8 : i32
    %swap3A_825 = arith.index_cast %swap3A_824 : i32 to index
    %swap3A_826 = arith.constant 32 : index
    %swap3A_827 = tpu.vector_load %arg6[%swap3A_825, %swap3A_826] {strides = array<i32>} : memref<26x128xi32, #tpu.memory_space<vmem>>, vector<1x16xi32>,
    %swap3A_828 = vector.shape_cast %swap3A_827 : vector<1x16xi32> to vector<16xi32>
    %swap3A_829 = vector.shape_cast %add3A_823 : vector<16xi32> to vector<1x16xi32>
    tpu.vector_store %arg6[%swap3A_825, %swap3A_826], %swap3A_829 {strides = array<i32>} : memref<26x128xi32, #tpu.memory_space<vmem>>, vector<1x16xi32>,
    %get3A_830 = arith.constant 8 : i32
    %get3A_831 = arith.index_cast %get3A_830 : i32 to index
    %get3A_832 = arith.constant 48 : index
    %get3A_833 = tpu.vector_load %arg6[%get3A_831, %get3A_832] {strides = array<i32>} : memref<26x128xi32, #tpu.memory_space<vmem>>, vector<1x16xi32>,
    %get3A_834 = vector.shape_cast %get3A_833 : vector<1x16xi32> to vector<16xi32>
    %add3A_835 = arith.constant 8000 : i32
    %add3A_836 = vector.broadcast %add3A_835 : i32 to vector<16xi32>
    %add3A_837 = arith.addi %get3A_834, %add3A_836 : vector<16xi32>
    %swap3A_838 = arith.constant 8 : i32
    %swap3A_839 = arith.index_cast %swap3A_838 : i32 to index
    %swap3A_840 = arith.constant 48 : index
    %swap3A_841 = tpu.vector_load %arg6[%swap3A_839, %swap3A_840] {strides = array<i32>} : memref<26x128xi32, #tpu.memory_space<vmem>>, vector<1x16xi32>,
    %swap3A_842 = vector.shape_cast %swap3A_841 : vector<1x16xi32> to vector<16xi32>
    %swap3A_843 = vector.shape_cast %add3A_837 : vector<16xi32> to vector<1x16xi32>
    tpu.vector_store %arg6[%swap3A_839, %swap3A_840], %swap3A_843 {strides = array<i32>} : memref<26x128xi32, #tpu.memory_space<vmem>>, vector<1x16xi32>,
    %get3A_844 = arith.constant 8 : i32
    %get3A_845 = arith.index_cast %get3A_844 : i32 to index
    %get3A_846 = arith.constant 64 : index
    %get3A_847 = tpu.vector_load %arg6[%get3A_845, %get3A_846] {strides = array<i32>} : memref<26x128xi32, #tpu.memory_space<vmem>>, vector<1x16xi32>,
    %get3A_848 = vector.shape_cast %get3A_847 : vector<1x16xi32> to vector<16xi32>
    %add3A_849 = arith.constant 8000 : i32
    %add3A_850 = vector.broadcast %add3A_849 : i32 to vector<16xi32>
    %add3A_851 = arith.addi %get3A_848, %add3A_850 : vector<16xi32>
    %swap3A_852 = arith.constant 8 : i32
    %swap3A_853 = arith.index_cast %swap3A_852 : i32 to index
    %swap3A_854 = arith.constant 64 : index
    %swap3A_855 = tpu.vector_load %arg6[%swap3A_853, %swap3A_854] {strides = array<i32>} : memref<26x128xi32, #tpu.memory_space<vmem>>, vector<1x16xi32>,
    %swap3A_856 = vector.shape_cast %swap3A_855 : vector<1x16xi32> to vector<16xi32>
    %swap3A_857 = vector.shape_cast %add3A_851 : vector<16xi32> to vector<1x16xi32>
    tpu.vector_store %arg6[%swap3A_853, %swap3A_854], %swap3A_857 {strides = array<i32>} : memref<26x128xi32, #tpu.memory_space<vmem>>, vector<1x16xi32>,
    %get3A_858 = arith.constant 8 : i32
    %get3A_859 = arith.index_cast %get3A_858 : i32 to index
    %get3A_860 = arith.constant 80 : index
    %get3A_861 = tpu.vector_load %arg6[%get3A_859, %get3A_860] {strides = array<i32>} : memref<26x128xi32, #tpu.memory_space<vmem>>, vector<1x16xi32>,
    %get3A_862 = vector.shape_cast %get3A_861 : vector<1x16xi32> to vector<16xi32>
    %add3A_863 = arith.constant 8000 : i32
    %add3A_864 = vector.broadcast %add3A_863 : i32 to vector<16xi32>
    %add3A_865 = arith.addi %get3A_862, %add3A_864 : vector<16xi32>
    %swap3A_866 = arith.constant 8 : i32
    %swap3A_867 = arith.index_cast %swap3A_866 : i32 to index
    %swap3A_868 = arith.constant 80 : index
    %swap3A_869 = tpu.vector_load %arg6[%swap3A_867, %swap3A_868] {strides = array<i32>} : memref<26x128xi32, #tpu.memory_space<vmem>>, vector<1x16xi32>,
    %swap3A_870 = vector.shape_cast %swap3A_869 : vector<1x16xi32> to vector<16xi32>
    %swap3A_871 = vector.shape_cast %add3A_865 : vector<16xi32> to vector<1x16xi32>
    tpu.vector_store %arg6[%swap3A_867, %swap3A_868], %swap3A_871 {strides = array<i32>} : memref<26x128xi32, #tpu.memory_space<vmem>>, vector<1x16xi32>,
    %get3A_872 = arith.constant 8 : i32
    %get3A_873 = arith.index_cast %get3A_872 : i32 to index
    %get3A_874 = arith.constant 96 : index
    %get3A_875 = tpu.vector_load %arg6[%get3A_873, %get3A_874] {strides = array<i32>} : memref<26x128xi32, #tpu.memory_space<vmem>>, vector<1x16xi32>,
    %get3A_876 = vector.shape_cast %get3A_875 : vector<1x16xi32> to vector<16xi32>
    %add3A_877 = arith.constant 8000 : i32
    %add3A_878 = vector.broadcast %add3A_877 : i32 to vector<16xi32>
    %add3A_879 = arith.addi %get3A_876, %add3A_878 : vector<16xi32>
    %swap3A_880 = arith.constant 8 : i32
    %swap3A_881 = arith.index_cast %swap3A_880 : i32 to index
    %swap3A_882 = arith.constant 96 : index
    %swap3A_883 = tpu.vector_load %arg6[%swap3A_881, %swap3A_882] {strides = array<i32>} : memref<26x128xi32, #tpu.memory_space<vmem>>, vector<1x16xi32>,
    %swap3A_884 = vector.shape_cast %swap3A_883 : vector<1x16xi32> to vector<16xi32>
    %swap3A_885 = vector.shape_cast %add3A_879 : vector<16xi32> to vector<1x16xi32>
    tpu.vector_store %arg6[%swap3A_881, %swap3A_882], %swap3A_885 {strides = array<i32>} : memref<26x128xi32, #tpu.memory_space<vmem>>, vector<1x16xi32>,
    %get3A_886 = arith.constant 8 : i32
    %get3A_887 = arith.index_cast %get3A_886 : i32 to index
    %get3A_888 = arith.constant 112 : index
    %get3A_889 = tpu.vector_load %arg6[%get3A_887, %get3A_888] {strides = array<i32>} : memref<26x128xi32, #tpu.memory_space<vmem>>, vector<1x16xi32>,
    %get3A_890 = vector.shape_cast %get3A_889 : vector<1x16xi32> to vector<16xi32>
    %add3A_891 = arith.constant 8000 : i32
    %add3A_892 = vector.broadcast %add3A_891 : i32 to vector<16xi32>
    %add3A_893 = arith.addi %get3A_890, %add3A_892 : vector<16xi32>
    %swap3A_894 = arith.constant 8 : i32
    %swap3A_895 = arith.index_cast %swap3A_894 : i32 to index
    %swap3A_896 = arith.constant 112 : index
    %swap3A_897 = tpu.vector_load %arg6[%swap3A_895, %swap3A_896] {strides = array<i32>} : memref<26x128xi32, #tpu.memory_space<vmem>>, vector<1x16xi32>,
    %swap3A_898 = vector.shape_cast %swap3A_897 : vector<1x16xi32> to vector<16xi32>
    %swap3A_899 = vector.shape_cast %add3A_893 : vector<16xi32> to vector<1x16xi32>
    tpu.vector_store %arg6[%swap3A_895, %swap3A_896], %swap3A_899 {strides = array<i32>} : memref<26x128xi32, #tpu.memory_space<vmem>>, vector<1x16xi32>,
    %get3A_900 = arith.constant 9 : i32
    %get3A_901 = arith.index_cast %get3A_900 : i32 to index
    %get3A_902 = arith.constant 0 : index
    %get3A_903 = tpu.vector_load %arg6[%get3A_901, %get3A_902] {strides = array<i32>} : memref<26x128xi32, #tpu.memory_space<vmem>>, vector<1x16xi32>,
    %get3A_904 = vector.shape_cast %get3A_903 : vector<1x16xi32> to vector<16xi32>
    %add3A_905 = arith.constant 9000 : i32
    %add3A_906 = vector.broadcast %add3A_905 : i32 to vector<16xi32>
    %add3A_907 = arith.addi %get3A_904, %add3A_906 : vector<16xi32>
    %swap3A_908 = arith.constant 9 : i32
    %swap3A_909 = arith.index_cast %swap3A_908 : i32 to index
    %swap3A_910 = arith.constant 0 : index
    %swap3A_911 = tpu.vector_load %arg6[%swap3A_909, %swap3A_910] {strides = array<i32>} : memref<26x128xi32, #tpu.memory_space<vmem>>, vector<1x16xi32>,
    %swap3A_912 = vector.shape_cast %swap3A_911 : vector<1x16xi32> to vector<16xi32>
    %swap3A_913 = vector.shape_cast %add3A_907 : vector<16xi32> to vector<1x16xi32>
    tpu.vector_store %arg6[%swap3A_909, %swap3A_910], %swap3A_913 {strides = array<i32>} : memref<26x128xi32, #tpu.memory_space<vmem>>, vector<1x16xi32>,
    %get3A_914 = arith.constant 9 : i32
    %get3A_915 = arith.index_cast %get3A_914 : i32 to index
    %get3A_916 = arith.constant 16 : index
    %get3A_917 = tpu.vector_load %arg6[%get3A_915, %get3A_916] {strides = array<i32>} : memref<26x128xi32, #tpu.memory_space<vmem>>, vector<1x16xi32>,
    %get3A_918 = vector.shape_cast %get3A_917 : vector<1x16xi32> to vector<16xi32>
    %add3A_919 = arith.constant 9000 : i32
    %add3A_920 = vector.broadcast %add3A_919 : i32 to vector<16xi32>
    %add3A_921 = arith.addi %get3A_918, %add3A_920 : vector<16xi32>
    %swap3A_922 = arith.constant 9 : i32
    %swap3A_923 = arith.index_cast %swap3A_922 : i32 to index
    %swap3A_924 = arith.constant 16 : index
    %swap3A_925 = tpu.vector_load %arg6[%swap3A_923, %swap3A_924] {strides = array<i32>} : memref<26x128xi32, #tpu.memory_space<vmem>>, vector<1x16xi32>,
    %swap3A_926 = vector.shape_cast %swap3A_925 : vector<1x16xi32> to vector<16xi32>
    %swap3A_927 = vector.shape_cast %add3A_921 : vector<16xi32> to vector<1x16xi32>
    tpu.vector_store %arg6[%swap3A_923, %swap3A_924], %swap3A_927 {strides = array<i32>} : memref<26x128xi32, #tpu.memory_space<vmem>>, vector<1x16xi32>,
    %get3A_928 = arith.constant 9 : i32
    %get3A_929 = arith.index_cast %get3A_928 : i32 to index
    %get3A_930 = arith.constant 32 : index
    %get3A_931 = tpu.vector_load %arg6[%get3A_929, %get3A_930] {strides = array<i32>} : memref<26x128xi32, #tpu.memory_space<vmem>>, vector<1x16xi32>,
    %get3A_932 = vector.shape_cast %get3A_931 : vector<1x16xi32> to vector<16xi32>
    %add3A_933 = arith.constant 9000 : i32
    %add3A_934 = vector.broadcast %add3A_933 : i32 to vector<16xi32>
    %add3A_935 = arith.addi %get3A_932, %add3A_934 : vector<16xi32>
    %swap3A_936 = arith.constant 9 : i32
    %swap3A_937 = arith.index_cast %swap3A_936 : i32 to index
    %swap3A_938 = arith.constant 32 : index
    %swap3A_939 = tpu.vector_load %arg6[%swap3A_937, %swap3A_938] {strides = array<i32>} : memref<26x128xi32, #tpu.memory_space<vmem>>, vector<1x16xi32>,
    %swap3A_940 = vector.shape_cast %swap3A_939 : vector<1x16xi32> to vector<16xi32>
    %swap3A_941 = vector.shape_cast %add3A_935 : vector<16xi32> to vector<1x16xi32>
    tpu.vector_store %arg6[%swap3A_937, %swap3A_938], %swap3A_941 {strides = array<i32>} : memref<26x128xi32, #tpu.memory_space<vmem>>, vector<1x16xi32>,
    %get3A_942 = arith.constant 9 : i32
    %get3A_943 = arith.index_cast %get3A_942 : i32 to index
    %get3A_944 = arith.constant 48 : index
    %get3A_945 = tpu.vector_load %arg6[%get3A_943, %get3A_944] {strides = array<i32>} : memref<26x128xi32, #tpu.memory_space<vmem>>, vector<1x16xi32>,
    %get3A_946 = vector.shape_cast %get3A_945 : vector<1x16xi32> to vector<16xi32>
    %add3A_947 = arith.constant 9000 : i32
    %add3A_948 = vector.broadcast %add3A_947 : i32 to vector<16xi32>
    %add3A_949 = arith.addi %get3A_946, %add3A_948 : vector<16xi32>
    %swap3A_950 = arith.constant 9 : i32
    %swap3A_951 = arith.index_cast %swap3A_950 : i32 to index
    %swap3A_952 = arith.constant 48 : index
    %swap3A_953 = tpu.vector_load %arg6[%swap3A_951, %swap3A_952] {strides = array<i32>} : memref<26x128xi32, #tpu.memory_space<vmem>>, vector<1x16xi32>,
    %swap3A_954 = vector.shape_cast %swap3A_953 : vector<1x16xi32> to vector<16xi32>
    %swap3A_955 = vector.shape_cast %add3A_949 : vector<16xi32> to vector<1x16xi32>
    tpu.vector_store %arg6[%swap3A_951, %swap3A_952], %swap3A_955 {strides = array<i32>} : memref<26x128xi32, #tpu.memory_space<vmem>>, vector<1x16xi32>,
    %get3A_956 = arith.constant 9 : i32
    %get3A_957 = arith.index_cast %get3A_956 : i32 to index
    %get3A_958 = arith.constant 64 : index
    %get3A_959 = tpu.vector_load %arg6[%get3A_957, %get3A_958] {strides = array<i32>} : memref<26x128xi32, #tpu.memory_space<vmem>>, vector<1x16xi32>,
    %get3A_960 = vector.shape_cast %get3A_959 : vector<1x16xi32> to vector<16xi32>
    %add3A_961 = arith.constant 9000 : i32
    %add3A_962 = vector.broadcast %add3A_961 : i32 to vector<16xi32>
    %add3A_963 = arith.addi %get3A_960, %add3A_962 : vector<16xi32>
    %swap3A_964 = arith.constant 9 : i32
    %swap3A_965 = arith.index_cast %swap3A_964 : i32 to index
    %swap3A_966 = arith.constant 64 : index
    %swap3A_967 = tpu.vector_load %arg6[%swap3A_965, %swap3A_966] {strides = array<i32>} : memref<26x128xi32, #tpu.memory_space<vmem>>, vector<1x16xi32>,
    %swap3A_968 = vector.shape_cast %swap3A_967 : vector<1x16xi32> to vector<16xi32>
    %swap3A_969 = vector.shape_cast %add3A_963 : vector<16xi32> to vector<1x16xi32>
    tpu.vector_store %arg6[%swap3A_965, %swap3A_966], %swap3A_969 {strides = array<i32>} : memref<26x128xi32, #tpu.memory_space<vmem>>, vector<1x16xi32>,
    %get3A_970 = arith.constant 9 : i32
    %get3A_971 = arith.index_cast %get3A_970 : i32 to index
    %get3A_972 = arith.constant 80 : index
    %get3A_973 = tpu.vector_load %arg6[%get3A_971, %get3A_972] {strides = array<i32>} : memref<26x128xi32, #tpu.memory_space<vmem>>, vector<1x16xi32>,
    %get3A_974 = vector.shape_cast %get3A_973 : vector<1x16xi32> to vector<16xi32>
    %add3A_975 = arith.constant 9000 : i32
    %add3A_976 = vector.broadcast %add3A_975 : i32 to vector<16xi32>
    %add3A_977 = arith.addi %get3A_974, %add3A_976 : vector<16xi32>
    %swap3A_978 = arith.constant 9 : i32
    %swap3A_979 = arith.index_cast %swap3A_978 : i32 to index
    %swap3A_980 = arith.constant 80 : index
    %swap3A_981 = tpu.vector_load %arg6[%swap3A_979, %swap3A_980] {strides = array<i32>} : memref<26x128xi32, #tpu.memory_space<vmem>>, vector<1x16xi32>,
    %swap3A_982 = vector.shape_cast %swap3A_981 : vector<1x16xi32> to vector<16xi32>
    %swap3A_983 = vector.shape_cast %add3A_977 : vector<16xi32> to vector<1x16xi32>
    tpu.vector_store %arg6[%swap3A_979, %swap3A_980], %swap3A_983 {strides = array<i32>} : memref<26x128xi32, #tpu.memory_space<vmem>>, vector<1x16xi32>,
    %get3A_984 = arith.constant 9 : i32
    %get3A_985 = arith.index_cast %get3A_984 : i32 to index
    %get3A_986 = arith.constant 96 : index
    %get3A_987 = tpu.vector_load %arg6[%get3A_985, %get3A_986] {strides = array<i32>} : memref<26x128xi32, #tpu.memory_space<vmem>>, vector<1x16xi32>,
    %get3A_988 = vector.shape_cast %get3A_987 : vector<1x16xi32> to vector<16xi32>
    %add3A_989 = arith.constant 9000 : i32
    %add3A_990 = vector.broadcast %add3A_989 : i32 to vector<16xi32>
    %add3A_991 = arith.addi %get3A_988, %add3A_990 : vector<16xi32>
    %swap3A_992 = arith.constant 9 : i32
    %swap3A_993 = arith.index_cast %swap3A_992 : i32 to index
    %swap3A_994 = arith.constant 96 : index
    %swap3A_995 = tpu.vector_load %arg6[%swap3A_993, %swap3A_994] {strides = array<i32>} : memref<26x128xi32, #tpu.memory_space<vmem>>, vector<1x16xi32>,
    %swap3A_996 = vector.shape_cast %swap3A_995 : vector<1x16xi32> to vector<16xi32>
    %swap3A_997 = vector.shape_cast %add3A_991 : vector<16xi32> to vector<1x16xi32>
    tpu.vector_store %arg6[%swap3A_993, %swap3A_994], %swap3A_997 {strides = array<i32>} : memref<26x128xi32, #tpu.memory_space<vmem>>, vector<1x16xi32>,
    %get3A_998 = arith.constant 9 : i32
    %get3A_999 = arith.index_cast %get3A_998 : i32 to index
    %get3A_1000 = arith.constant 112 : index
    %get3A_1001 = tpu.vector_load %arg6[%get3A_999, %get3A_1000] {strides = array<i32>} : memref<26x128xi32, #tpu.memory_space<vmem>>, vector<1x16xi32>,
    %get3A_1002 = vector.shape_cast %get3A_1001 : vector<1x16xi32> to vector<16xi32>
    %add3A_1003 = arith.constant 9000 : i32
    %add3A_1004 = vector.broadcast %add3A_1003 : i32 to vector<16xi32>
    %add3A_1005 = arith.addi %get3A_1002, %add3A_1004 : vector<16xi32>
    %swap3A_1006 = arith.constant 9 : i32
    %swap3A_1007 = arith.index_cast %swap3A_1006 : i32 to index
    %swap3A_1008 = arith.constant 112 : index
    %swap3A_1009 = tpu.vector_load %arg6[%swap3A_1007, %swap3A_1008] {strides = array<i32>} : memref<26x128xi32, #tpu.memory_space<vmem>>, vector<1x16xi32>,
    %swap3A_1010 = vector.shape_cast %swap3A_1009 : vector<1x16xi32> to vector<16xi32>
    %swap3A_1011 = vector.shape_cast %add3A_1005 : vector<16xi32> to vector<1x16xi32>
    tpu.vector_store %arg6[%swap3A_1007, %swap3A_1008], %swap3A_1011 {strides = array<i32>} : memref<26x128xi32, #tpu.memory_space<vmem>>, vector<1x16xi32>,
    %get3A_1012 = arith.constant 10 : i32
    %get3A_1013 = arith.index_cast %get3A_1012 : i32 to index
    %get3A_1014 = arith.constant 0 : index
    %get3A_1015 = tpu.vector_load %arg6[%get3A_1013, %get3A_1014] {strides = array<i32>} : memref<26x128xi32, #tpu.memory_space<vmem>>, vector<1x16xi32>,
    %get3A_1016 = vector.shape_cast %get3A_1015 : vector<1x16xi32> to vector<16xi32>
    %add3A_1017 = arith.constant 10000 : i32
    %add3A_1018 = vector.broadcast %add3A_1017 : i32 to vector<16xi32>
    %add3A_1019 = arith.addi %get3A_1016, %add3A_1018 : vector<16xi32>
    %swap3A_1020 = arith.constant 10 : i32
    %swap3A_1021 = arith.index_cast %swap3A_1020 : i32 to index
    %swap3A_1022 = arith.constant 0 : index
    %swap3A_1023 = tpu.vector_load %arg6[%swap3A_1021, %swap3A_1022] {strides = array<i32>} : memref<26x128xi32, #tpu.memory_space<vmem>>, vector<1x16xi32>,
    %swap3A_1024 = vector.shape_cast %swap3A_1023 : vector<1x16xi32> to vector<16xi32>
    %swap3A_1025 = vector.shape_cast %add3A_1019 : vector<16xi32> to vector<1x16xi32>
    tpu.vector_store %arg6[%swap3A_1021, %swap3A_1022], %swap3A_1025 {strides = array<i32>} : memref<26x128xi32, #tpu.memory_space<vmem>>, vector<1x16xi32>,
    %get3A_1026 = arith.constant 10 : i32
    %get3A_1027 = arith.index_cast %get3A_1026 : i32 to index
    %get3A_1028 = arith.constant 16 : index
    %get3A_1029 = tpu.vector_load %arg6[%get3A_1027, %get3A_1028] {strides = array<i32>} : memref<26x128xi32, #tpu.memory_space<vmem>>, vector<1x16xi32>,
    %get3A_1030 = vector.shape_cast %get3A_1029 : vector<1x16xi32> to vector<16xi32>
    %add3A_1031 = arith.constant 10000 : i32
    %add3A_1032 = vector.broadcast %add3A_1031 : i32 to vector<16xi32>
    %add3A_1033 = arith.addi %get3A_1030, %add3A_1032 : vector<16xi32>
    %swap3A_1034 = arith.constant 10 : i32
    %swap3A_1035 = arith.index_cast %swap3A_1034 : i32 to index
    %swap3A_1036 = arith.constant 16 : index
    %swap3A_1037 = tpu.vector_load %arg6[%swap3A_1035, %swap3A_1036] {strides = array<i32>} : memref<26x128xi32, #tpu.memory_space<vmem>>, vector<1x16xi32>,
    %swap3A_1038 = vector.shape_cast %swap3A_1037 : vector<1x16xi32> to vector<16xi32>
    %swap3A_1039 = vector.shape_cast %add3A_1033 : vector<16xi32> to vector<1x16xi32>
    tpu.vector_store %arg6[%swap3A_1035, %swap3A_1036], %swap3A_1039 {strides = array<i32>} : memref<26x128xi32, #tpu.memory_space<vmem>>, vector<1x16xi32>,
    %get3A_1040 = arith.constant 10 : i32
    %get3A_1041 = arith.index_cast %get3A_1040 : i32 to index
    %get3A_1042 = arith.constant 32 : index
    %get3A_1043 = tpu.vector_load %arg6[%get3A_1041, %get3A_1042] {strides = array<i32>} : memref<26x128xi32, #tpu.memory_space<vmem>>, vector<1x16xi32>,
    %get3A_1044 = vector.shape_cast %get3A_1043 : vector<1x16xi32> to vector<16xi32>
    %add3A_1045 = arith.constant 10000 : i32
    %add3A_1046 = vector.broadcast %add3A_1045 : i32 to vector<16xi32>
    %add3A_1047 = arith.addi %get3A_1044, %add3A_1046 : vector<16xi32>
    %swap3A_1048 = arith.constant 10 : i32
    %swap3A_1049 = arith.index_cast %swap3A_1048 : i32 to index
    %swap3A_1050 = arith.constant 32 : index
    %swap3A_1051 = tpu.vector_load %arg6[%swap3A_1049, %swap3A_1050] {strides = array<i32>} : memref<26x128xi32, #tpu.memory_space<vmem>>, vector<1x16xi32>,
    %swap3A_1052 = vector.shape_cast %swap3A_1051 : vector<1x16xi32> to vector<16xi32>
    %swap3A_1053 = vector.shape_cast %add3A_1047 : vector<16xi32> to vector<1x16xi32>
    tpu.vector_store %arg6[%swap3A_1049, %swap3A_1050], %swap3A_1053 {strides = array<i32>} : memref<26x128xi32, #tpu.memory_space<vmem>>, vector<1x16xi32>,
    %get3A_1054 = arith.constant 10 : i32
    %get3A_1055 = arith.index_cast %get3A_1054 : i32 to index
    %get3A_1056 = arith.constant 48 : index
    %get3A_1057 = tpu.vector_load %arg6[%get3A_1055, %get3A_1056] {strides = array<i32>} : memref<26x128xi32, #tpu.memory_space<vmem>>, vector<1x16xi32>,
    %get3A_1058 = vector.shape_cast %get3A_1057 : vector<1x16xi32> to vector<16xi32>
    %add3A_1059 = arith.constant 10000 : i32
    %add3A_1060 = vector.broadcast %add3A_1059 : i32 to vector<16xi32>
    %add3A_1061 = arith.addi %get3A_1058, %add3A_1060 : vector<16xi32>
    %swap3A_1062 = arith.constant 10 : i32
    %swap3A_1063 = arith.index_cast %swap3A_1062 : i32 to index
    %swap3A_1064 = arith.constant 48 : index
    %swap3A_1065 = tpu.vector_load %arg6[%swap3A_1063, %swap3A_1064] {strides = array<i32>} : memref<26x128xi32, #tpu.memory_space<vmem>>, vector<1x16xi32>,
    %swap3A_1066 = vector.shape_cast %swap3A_1065 : vector<1x16xi32> to vector<16xi32>
    %swap3A_1067 = vector.shape_cast %add3A_1061 : vector<16xi32> to vector<1x16xi32>
    tpu.vector_store %arg6[%swap3A_1063, %swap3A_1064], %swap3A_1067 {strides = array<i32>} : memref<26x128xi32, #tpu.memory_space<vmem>>, vector<1x16xi32>,
    %get3A_1068 = arith.constant 10 : i32
    %get3A_1069 = arith.index_cast %get3A_1068 : i32 to index
    %get3A_1070 = arith.constant 64 : index
    %get3A_1071 = tpu.vector_load %arg6[%get3A_1069, %get3A_1070] {strides = array<i32>} : memref<26x128xi32, #tpu.memory_space<vmem>>, vector<1x16xi32>,
    %get3A_1072 = vector.shape_cast %get3A_1071 : vector<1x16xi32> to vector<16xi32>
    %add3A_1073 = arith.constant 10000 : i32
    %add3A_1074 = vector.broadcast %add3A_1073 : i32 to vector<16xi32>
    %add3A_1075 = arith.addi %get3A_1072, %add3A_1074 : vector<16xi32>
    %swap3A_1076 = arith.constant 10 : i32
    %swap3A_1077 = arith.index_cast %swap3A_1076 : i32 to index
    %swap3A_1078 = arith.constant 64 : index
    %swap3A_1079 = tpu.vector_load %arg6[%swap3A_1077, %swap3A_1078] {strides = array<i32>} : memref<26x128xi32, #tpu.memory_space<vmem>>, vector<1x16xi32>,
    %swap3A_1080 = vector.shape_cast %swap3A_1079 : vector<1x16xi32> to vector<16xi32>
    %swap3A_1081 = vector.shape_cast %add3A_1075 : vector<16xi32> to vector<1x16xi32>
    tpu.vector_store %arg6[%swap3A_1077, %swap3A_1078], %swap3A_1081 {strides = array<i32>} : memref<26x128xi32, #tpu.memory_space<vmem>>, vector<1x16xi32>,
    %get3A_1082 = arith.constant 10 : i32
    %get3A_1083 = arith.index_cast %get3A_1082 : i32 to index
    %get3A_1084 = arith.constant 80 : index
    %get3A_1085 = tpu.vector_load %arg6[%get3A_1083, %get3A_1084] {strides = array<i32>} : memref<26x128xi32, #tpu.memory_space<vmem>>, vector<1x16xi32>,
    %get3A_1086 = vector.shape_cast %get3A_1085 : vector<1x16xi32> to vector<16xi32>
    %add3A_1087 = arith.constant 10000 : i32
    %add3A_1088 = vector.broadcast %add3A_1087 : i32 to vector<16xi32>
    %add3A_1089 = arith.addi %get3A_1086, %add3A_1088 : vector<16xi32>
    %swap3A_1090 = arith.constant 10 : i32
    %swap3A_1091 = arith.index_cast %swap3A_1090 : i32 to index
    %swap3A_1092 = arith.constant 80 : index
    %swap3A_1093 = tpu.vector_load %arg6[%swap3A_1091, %swap3A_1092] {strides = array<i32>} : memref<26x128xi32, #tpu.memory_space<vmem>>, vector<1x16xi32>,
    %swap3A_1094 = vector.shape_cast %swap3A_1093 : vector<1x16xi32> to vector<16xi32>
    %swap3A_1095 = vector.shape_cast %add3A_1089 : vector<16xi32> to vector<1x16xi32>
    tpu.vector_store %arg6[%swap3A_1091, %swap3A_1092], %swap3A_1095 {strides = array<i32>} : memref<26x128xi32, #tpu.memory_space<vmem>>, vector<1x16xi32>,
    %get3A_1096 = arith.constant 10 : i32
    %get3A_1097 = arith.index_cast %get3A_1096 : i32 to index
    %get3A_1098 = arith.constant 96 : index
    %get3A_1099 = tpu.vector_load %arg6[%get3A_1097, %get3A_1098] {strides = array<i32>} : memref<26x128xi32, #tpu.memory_space<vmem>>, vector<1x16xi32>,
    %get3A_1100 = vector.shape_cast %get3A_1099 : vector<1x16xi32> to vector<16xi32>
    %add3A_1101 = arith.constant 10000 : i32
    %add3A_1102 = vector.broadcast %add3A_1101 : i32 to vector<16xi32>
    %add3A_1103 = arith.addi %get3A_1100, %add3A_1102 : vector<16xi32>
    %swap3A_1104 = arith.constant 10 : i32
    %swap3A_1105 = arith.index_cast %swap3A_1104 : i32 to index
    %swap3A_1106 = arith.constant 96 : index
    %swap3A_1107 = tpu.vector_load %arg6[%swap3A_1105, %swap3A_1106] {strides = array<i32>} : memref<26x128xi32, #tpu.memory_space<vmem>>, vector<1x16xi32>,
    %swap3A_1108 = vector.shape_cast %swap3A_1107 : vector<1x16xi32> to vector<16xi32>
    %swap3A_1109 = vector.shape_cast %add3A_1103 : vector<16xi32> to vector<1x16xi32>
    tpu.vector_store %arg6[%swap3A_1105, %swap3A_1106], %swap3A_1109 {strides = array<i32>} : memref<26x128xi32, #tpu.memory_space<vmem>>, vector<1x16xi32>,
    %get3A_1110 = arith.constant 10 : i32
    %get3A_1111 = arith.index_cast %get3A_1110 : i32 to index
    %get3A_1112 = arith.constant 112 : index
    %get3A_1113 = tpu.vector_load %arg6[%get3A_1111, %get3A_1112] {strides = array<i32>} : memref<26x128xi32, #tpu.memory_space<vmem>>, vector<1x16xi32>,
    %get3A_1114 = vector.shape_cast %get3A_1113 : vector<1x16xi32> to vector<16xi32>
    %add3A_1115 = arith.constant 10000 : i32
    %add3A_1116 = vector.broadcast %add3A_1115 : i32 to vector<16xi32>
    %add3A_1117 = arith.addi %get3A_1114, %add3A_1116 : vector<16xi32>
    %swap3A_1118 = arith.constant 10 : i32
    %swap3A_1119 = arith.index_cast %swap3A_1118 : i32 to index
    %swap3A_1120 = arith.constant 112 : index
    %swap3A_1121 = tpu.vector_load %arg6[%swap3A_1119, %swap3A_1120] {strides = array<i32>} : memref<26x128xi32, #tpu.memory_space<vmem>>, vector<1x16xi32>,
    %swap3A_1122 = vector.shape_cast %swap3A_1121 : vector<1x16xi32> to vector<16xi32>
    %swap3A_1123 = vector.shape_cast %add3A_1117 : vector<16xi32> to vector<1x16xi32>
    tpu.vector_store %arg6[%swap3A_1119, %swap3A_1120], %swap3A_1123 {strides = array<i32>} : memref<26x128xi32, #tpu.memory_space<vmem>>, vector<1x16xi32>,
    %get3A_1124 = arith.constant 11 : i32
    %get3A_1125 = arith.index_cast %get3A_1124 : i32 to index
    %get3A_1126 = arith.constant 0 : index
    %get3A_1127 = tpu.vector_load %arg6[%get3A_1125, %get3A_1126] {strides = array<i32>} : memref<26x128xi32, #tpu.memory_space<vmem>>, vector<1x16xi32>,
    %get3A_1128 = vector.shape_cast %get3A_1127 : vector<1x16xi32> to vector<16xi32>
    %add3A_1129 = arith.constant 11000 : i32
    %add3A_1130 = vector.broadcast %add3A_1129 : i32 to vector<16xi32>
    %add3A_1131 = arith.addi %get3A_1128, %add3A_1130 : vector<16xi32>
    %swap3A_1132 = arith.constant 11 : i32
    %swap3A_1133 = arith.index_cast %swap3A_1132 : i32 to index
    %swap3A_1134 = arith.constant 0 : index
    %swap3A_1135 = tpu.vector_load %arg6[%swap3A_1133, %swap3A_1134] {strides = array<i32>} : memref<26x128xi32, #tpu.memory_space<vmem>>, vector<1x16xi32>,
    %swap3A_1136 = vector.shape_cast %swap3A_1135 : vector<1x16xi32> to vector<16xi32>
    %swap3A_1137 = vector.shape_cast %add3A_1131 : vector<16xi32> to vector<1x16xi32>
    tpu.vector_store %arg6[%swap3A_1133, %swap3A_1134], %swap3A_1137 {strides = array<i32>} : memref<26x128xi32, #tpu.memory_space<vmem>>, vector<1x16xi32>,
    %get3A_1138 = arith.constant 11 : i32
    %get3A_1139 = arith.index_cast %get3A_1138 : i32 to index
    %get3A_1140 = arith.constant 16 : index
    %get3A_1141 = tpu.vector_load %arg6[%get3A_1139, %get3A_1140] {strides = array<i32>} : memref<26x128xi32, #tpu.memory_space<vmem>>, vector<1x16xi32>,
    %get3A_1142 = vector.shape_cast %get3A_1141 : vector<1x16xi32> to vector<16xi32>
    %add3A_1143 = arith.constant 11000 : i32
    %add3A_1144 = vector.broadcast %add3A_1143 : i32 to vector<16xi32>
    %add3A_1145 = arith.addi %get3A_1142, %add3A_1144 : vector<16xi32>
    %swap3A_1146 = arith.constant 11 : i32
    %swap3A_1147 = arith.index_cast %swap3A_1146 : i32 to index
    %swap3A_1148 = arith.constant 16 : index
    %swap3A_1149 = tpu.vector_load %arg6[%swap3A_1147, %swap3A_1148] {strides = array<i32>} : memref<26x128xi32, #tpu.memory_space<vmem>>, vector<1x16xi32>,
    %swap3A_1150 = vector.shape_cast %swap3A_1149 : vector<1x16xi32> to vector<16xi32>
    %swap3A_1151 = vector.shape_cast %add3A_1145 : vector<16xi32> to vector<1x16xi32>
    tpu.vector_store %arg6[%swap3A_1147, %swap3A_1148], %swap3A_1151 {strides = array<i32>} : memref<26x128xi32, #tpu.memory_space<vmem>>, vector<1x16xi32>,
    %get3A_1152 = arith.constant 11 : i32
    %get3A_1153 = arith.index_cast %get3A_1152 : i32 to index
    %get3A_1154 = arith.constant 32 : index
    %get3A_1155 = tpu.vector_load %arg6[%get3A_1153, %get3A_1154] {strides = array<i32>} : memref<26x128xi32, #tpu.memory_space<vmem>>, vector<1x16xi32>,
    %get3A_1156 = vector.shape_cast %get3A_1155 : vector<1x16xi32> to vector<16xi32>
    %add3A_1157 = arith.constant 11000 : i32
    %add3A_1158 = vector.broadcast %add3A_1157 : i32 to vector<16xi32>
    %add3A_1159 = arith.addi %get3A_1156, %add3A_1158 : vector<16xi32>
    %swap3A_1160 = arith.constant 11 : i32
    %swap3A_1161 = arith.index_cast %swap3A_1160 : i32 to index
    %swap3A_1162 = arith.constant 32 : index
    %swap3A_1163 = tpu.vector_load %arg6[%swap3A_1161, %swap3A_1162] {strides = array<i32>} : memref<26x128xi32, #tpu.memory_space<vmem>>, vector<1x16xi32>,
    %swap3A_1164 = vector.shape_cast %swap3A_1163 : vector<1x16xi32> to vector<16xi32>
    %swap3A_1165 = vector.shape_cast %add3A_1159 : vector<16xi32> to vector<1x16xi32>
    tpu.vector_store %arg6[%swap3A_1161, %swap3A_1162], %swap3A_1165 {strides = array<i32>} : memref<26x128xi32, #tpu.memory_space<vmem>>, vector<1x16xi32>,
    %get3A_1166 = arith.constant 11 : i32
    %get3A_1167 = arith.index_cast %get3A_1166 : i32 to index
    %get3A_1168 = arith.constant 48 : index
    %get3A_1169 = tpu.vector_load %arg6[%get3A_1167, %get3A_1168] {strides = array<i32>} : memref<26x128xi32, #tpu.memory_space<vmem>>, vector<1x16xi32>,
    %get3A_1170 = vector.shape_cast %get3A_1169 : vector<1x16xi32> to vector<16xi32>
    %add3A_1171 = arith.constant 11000 : i32
    %add3A_1172 = vector.broadcast %add3A_1171 : i32 to vector<16xi32>
    %add3A_1173 = arith.addi %get3A_1170, %add3A_1172 : vector<16xi32>
    %swap3A_1174 = arith.constant 11 : i32
    %swap3A_1175 = arith.index_cast %swap3A_1174 : i32 to index
    %swap3A_1176 = arith.constant 48 : index
    %swap3A_1177 = tpu.vector_load %arg6[%swap3A_1175, %swap3A_1176] {strides = array<i32>} : memref<26x128xi32, #tpu.memory_space<vmem>>, vector<1x16xi32>,
    %swap3A_1178 = vector.shape_cast %swap3A_1177 : vector<1x16xi32> to vector<16xi32>
    %swap3A_1179 = vector.shape_cast %add3A_1173 : vector<16xi32> to vector<1x16xi32>
    tpu.vector_store %arg6[%swap3A_1175, %swap3A_1176], %swap3A_1179 {strides = array<i32>} : memref<26x128xi32, #tpu.memory_space<vmem>>, vector<1x16xi32>,
    %get3A_1180 = arith.constant 11 : i32
    %get3A_1181 = arith.index_cast %get3A_1180 : i32 to index
    %get3A_1182 = arith.constant 64 : index
    %get3A_1183 = tpu.vector_load %arg6[%get3A_1181, %get3A_1182] {strides = array<i32>} : memref<26x128xi32, #tpu.memory_space<vmem>>, vector<1x16xi32>,
    %get3A_1184 = vector.shape_cast %get3A_1183 : vector<1x16xi32> to vector<16xi32>
    %add3A_1185 = arith.constant 11000 : i32
    %add3A_1186 = vector.broadcast %add3A_1185 : i32 to vector<16xi32>
    %add3A_1187 = arith.addi %get3A_1184, %add3A_1186 : vector<16xi32>
    %swap3A_1188 = arith.constant 11 : i32
    %swap3A_1189 = arith.index_cast %swap3A_1188 : i32 to index
    %swap3A_1190 = arith.constant 64 : index
    %swap3A_1191 = tpu.vector_load %arg6[%swap3A_1189, %swap3A_1190] {strides = array<i32>} : memref<26x128xi32, #tpu.memory_space<vmem>>, vector<1x16xi32>,
    %swap3A_1192 = vector.shape_cast %swap3A_1191 : vector<1x16xi32> to vector<16xi32>
    %swap3A_1193 = vector.shape_cast %add3A_1187 : vector<16xi32> to vector<1x16xi32>
    tpu.vector_store %arg6[%swap3A_1189, %swap3A_1190], %swap3A_1193 {strides = array<i32>} : memref<26x128xi32, #tpu.memory_space<vmem>>, vector<1x16xi32>,
    %get3A_1194 = arith.constant 11 : i32
    %get3A_1195 = arith.index_cast %get3A_1194 : i32 to index
    %get3A_1196 = arith.constant 80 : index
    %get3A_1197 = tpu.vector_load %arg6[%get3A_1195, %get3A_1196] {strides = array<i32>} : memref<26x128xi32, #tpu.memory_space<vmem>>, vector<1x16xi32>,
    %get3A_1198 = vector.shape_cast %get3A_1197 : vector<1x16xi32> to vector<16xi32>
    %add3A_1199 = arith.constant 11000 : i32
    %add3A_1200 = vector.broadcast %add3A_1199 : i32 to vector<16xi32>
    %add3A_1201 = arith.addi %get3A_1198, %add3A_1200 : vector<16xi32>
    %swap3A_1202 = arith.constant 11 : i32
    %swap3A_1203 = arith.index_cast %swap3A_1202 : i32 to index
    %swap3A_1204 = arith.constant 80 : index
    %swap3A_1205 = tpu.vector_load %arg6[%swap3A_1203, %swap3A_1204] {strides = array<i32>} : memref<26x128xi32, #tpu.memory_space<vmem>>, vector<1x16xi32>,
    %swap3A_1206 = vector.shape_cast %swap3A_1205 : vector<1x16xi32> to vector<16xi32>
    %swap3A_1207 = vector.shape_cast %add3A_1201 : vector<16xi32> to vector<1x16xi32>
    tpu.vector_store %arg6[%swap3A_1203, %swap3A_1204], %swap3A_1207 {strides = array<i32>} : memref<26x128xi32, #tpu.memory_space<vmem>>, vector<1x16xi32>,
    %get3A_1208 = arith.constant 11 : i32
    %get3A_1209 = arith.index_cast %get3A_1208 : i32 to index
    %get3A_1210 = arith.constant 96 : index
    %get3A_1211 = tpu.vector_load %arg6[%get3A_1209, %get3A_1210] {strides = array<i32>} : memref<26x128xi32, #tpu.memory_space<vmem>>, vector<1x16xi32>,
    %get3A_1212 = vector.shape_cast %get3A_1211 : vector<1x16xi32> to vector<16xi32>
    %add3A_1213 = arith.constant 11000 : i32
    %add3A_1214 = vector.broadcast %add3A_1213 : i32 to vector<16xi32>
    %add3A_1215 = arith.addi %get3A_1212, %add3A_1214 : vector<16xi32>
    %swap3A_1216 = arith.constant 11 : i32
    %swap3A_1217 = arith.index_cast %swap3A_1216 : i32 to index
    %swap3A_1218 = arith.constant 96 : index
    %swap3A_1219 = tpu.vector_load %arg6[%swap3A_1217, %swap3A_1218] {strides = array<i32>} : memref<26x128xi32, #tpu.memory_space<vmem>>, vector<1x16xi32>,
    %swap3A_1220 = vector.shape_cast %swap3A_1219 : vector<1x16xi32> to vector<16xi32>
    %swap3A_1221 = vector.shape_cast %add3A_1215 : vector<16xi32> to vector<1x16xi32>
    tpu.vector_store %arg6[%swap3A_1217, %swap3A_1218], %swap3A_1221 {strides = array<i32>} : memref<26x128xi32, #tpu.memory_space<vmem>>, vector<1x16xi32>,
    %get3A_1222 = arith.constant 11 : i32
    %get3A_1223 = arith.index_cast %get3A_1222 : i32 to index
    %get3A_1224 = arith.constant 112 : index
    %get3A_1225 = tpu.vector_load %arg6[%get3A_1223, %get3A_1224] {strides = array<i32>} : memref<26x128xi32, #tpu.memory_space<vmem>>, vector<1x16xi32>,
    %get3A_1226 = vector.shape_cast %get3A_1225 : vector<1x16xi32> to vector<16xi32>
    %add3A_1227 = arith.constant 11000 : i32
    %add3A_1228 = vector.broadcast %add3A_1227 : i32 to vector<16xi32>
    %add3A_1229 = arith.addi %get3A_1226, %add3A_1228 : vector<16xi32>
    %swap3A_1230 = arith.constant 11 : i32
    %swap3A_1231 = arith.index_cast %swap3A_1230 : i32 to index
    %swap3A_1232 = arith.constant 112 : index
    %swap3A_1233 = tpu.vector_load %arg6[%swap3A_1231, %swap3A_1232] {strides = array<i32>} : memref<26x128xi32, #tpu.memory_space<vmem>>, vector<1x16xi32>,
    %swap3A_1234 = vector.shape_cast %swap3A_1233 : vector<1x16xi32> to vector<16xi32>
    %swap3A_1235 = vector.shape_cast %add3A_1229 : vector<16xi32> to vector<1x16xi32>
    tpu.vector_store %arg6[%swap3A_1231, %swap3A_1232], %swap3A_1235 {strides = array<i32>} : memref<26x128xi32, #tpu.memory_space<vmem>>, vector<1x16xi32>,
    %get3A_1236 = arith.constant 12 : i32
    %get3A_1237 = arith.index_cast %get3A_1236 : i32 to index
    %get3A_1238 = arith.constant 0 : index
    %get3A_1239 = tpu.vector_load %arg6[%get3A_1237, %get3A_1238] {strides = array<i32>} : memref<26x128xi32, #tpu.memory_space<vmem>>, vector<1x16xi32>,
    %get3A_1240 = vector.shape_cast %get3A_1239 : vector<1x16xi32> to vector<16xi32>
    %add3A_1241 = arith.constant 12000 : i32
    %add3A_1242 = vector.broadcast %add3A_1241 : i32 to vector<16xi32>
    %add3A_1243 = arith.addi %get3A_1240, %add3A_1242 : vector<16xi32>
    %swap3A_1244 = arith.constant 12 : i32
    %swap3A_1245 = arith.index_cast %swap3A_1244 : i32 to index
    %swap3A_1246 = arith.constant 0 : index
    %swap3A_1247 = tpu.vector_load %arg6[%swap3A_1245, %swap3A_1246] {strides = array<i32>} : memref<26x128xi32, #tpu.memory_space<vmem>>, vector<1x16xi32>,
    %swap3A_1248 = vector.shape_cast %swap3A_1247 : vector<1x16xi32> to vector<16xi32>
    %swap3A_1249 = vector.shape_cast %add3A_1243 : vector<16xi32> to vector<1x16xi32>
    tpu.vector_store %arg6[%swap3A_1245, %swap3A_1246], %swap3A_1249 {strides = array<i32>} : memref<26x128xi32, #tpu.memory_space<vmem>>, vector<1x16xi32>,
    %get3A_1250 = arith.constant 12 : i32
    %get3A_1251 = arith.index_cast %get3A_1250 : i32 to index
    %get3A_1252 = arith.constant 16 : index
    %get3A_1253 = tpu.vector_load %arg6[%get3A_1251, %get3A_1252] {strides = array<i32>} : memref<26x128xi32, #tpu.memory_space<vmem>>, vector<1x16xi32>,
    %get3A_1254 = vector.shape_cast %get3A_1253 : vector<1x16xi32> to vector<16xi32>
    %add3A_1255 = arith.constant 12000 : i32
    %add3A_1256 = vector.broadcast %add3A_1255 : i32 to vector<16xi32>
    %add3A_1257 = arith.addi %get3A_1254, %add3A_1256 : vector<16xi32>
    %swap3A_1258 = arith.constant 12 : i32
    %swap3A_1259 = arith.index_cast %swap3A_1258 : i32 to index
    %swap3A_1260 = arith.constant 16 : index
    %swap3A_1261 = tpu.vector_load %arg6[%swap3A_1259, %swap3A_1260] {strides = array<i32>} : memref<26x128xi32, #tpu.memory_space<vmem>>, vector<1x16xi32>,
    %swap3A_1262 = vector.shape_cast %swap3A_1261 : vector<1x16xi32> to vector<16xi32>
    %swap3A_1263 = vector.shape_cast %add3A_1257 : vector<16xi32> to vector<1x16xi32>
    tpu.vector_store %arg6[%swap3A_1259, %swap3A_1260], %swap3A_1263 {strides = array<i32>} : memref<26x128xi32, #tpu.memory_space<vmem>>, vector<1x16xi32>,
    %get3A_1264 = arith.constant 12 : i32
    %get3A_1265 = arith.index_cast %get3A_1264 : i32 to index
    %get3A_1266 = arith.constant 32 : index
    %get3A_1267 = tpu.vector_load %arg6[%get3A_1265, %get3A_1266] {strides = array<i32>} : memref<26x128xi32, #tpu.memory_space<vmem>>, vector<1x16xi32>,
    %get3A_1268 = vector.shape_cast %get3A_1267 : vector<1x16xi32> to vector<16xi32>
    %add3A_1269 = arith.constant 12000 : i32
    %add3A_1270 = vector.broadcast %add3A_1269 : i32 to vector<16xi32>
    %add3A_1271 = arith.addi %get3A_1268, %add3A_1270 : vector<16xi32>
    %swap3A_1272 = arith.constant 12 : i32
    %swap3A_1273 = arith.index_cast %swap3A_1272 : i32 to index
    %swap3A_1274 = arith.constant 32 : index
    %swap3A_1275 = tpu.vector_load %arg6[%swap3A_1273, %swap3A_1274] {strides = array<i32>} : memref<26x128xi32, #tpu.memory_space<vmem>>, vector<1x16xi32>,
    %swap3A_1276 = vector.shape_cast %swap3A_1275 : vector<1x16xi32> to vector<16xi32>
    %swap3A_1277 = vector.shape_cast %add3A_1271 : vector<16xi32> to vector<1x16xi32>
    tpu.vector_store %arg6[%swap3A_1273, %swap3A_1274], %swap3A_1277 {strides = array<i32>} : memref<26x128xi32, #tpu.memory_space<vmem>>, vector<1x16xi32>,
    %get3A_1278 = arith.constant 12 : i32
    %get3A_1279 = arith.index_cast %get3A_1278 : i32 to index
    %get3A_1280 = arith.constant 48 : index
    %get3A_1281 = tpu.vector_load %arg6[%get3A_1279, %get3A_1280] {strides = array<i32>} : memref<26x128xi32, #tpu.memory_space<vmem>>, vector<1x16xi32>,
    %get3A_1282 = vector.shape_cast %get3A_1281 : vector<1x16xi32> to vector<16xi32>
    %add3A_1283 = arith.constant 12000 : i32
    %add3A_1284 = vector.broadcast %add3A_1283 : i32 to vector<16xi32>
    %add3A_1285 = arith.addi %get3A_1282, %add3A_1284 : vector<16xi32>
    %swap3A_1286 = arith.constant 12 : i32
    %swap3A_1287 = arith.index_cast %swap3A_1286 : i32 to index
    %swap3A_1288 = arith.constant 48 : index
    %swap3A_1289 = tpu.vector_load %arg6[%swap3A_1287, %swap3A_1288] {strides = array<i32>} : memref<26x128xi32, #tpu.memory_space<vmem>>, vector<1x16xi32>,
    %swap3A_1290 = vector.shape_cast %swap3A_1289 : vector<1x16xi32> to vector<16xi32>
    %swap3A_1291 = vector.shape_cast %add3A_1285 : vector<16xi32> to vector<1x16xi32>
    tpu.vector_store %arg6[%swap3A_1287, %swap3A_1288], %swap3A_1291 {strides = array<i32>} : memref<26x128xi32, #tpu.memory_space<vmem>>, vector<1x16xi32>,
    %get3A_1292 = arith.constant 12 : i32
    %get3A_1293 = arith.index_cast %get3A_1292 : i32 to index
    %get3A_1294 = arith.constant 64 : index
    %get3A_1295 = tpu.vector_load %arg6[%get3A_1293, %get3A_1294] {strides = array<i32>} : memref<26x128xi32, #tpu.memory_space<vmem>>, vector<1x16xi32>,
    %get3A_1296 = vector.shape_cast %get3A_1295 : vector<1x16xi32> to vector<16xi32>
    %add3A_1297 = arith.constant 12000 : i32
    %add3A_1298 = vector.broadcast %add3A_1297 : i32 to vector<16xi32>
    %add3A_1299 = arith.addi %get3A_1296, %add3A_1298 : vector<16xi32>
    %swap3A_1300 = arith.constant 12 : i32
    %swap3A_1301 = arith.index_cast %swap3A_1300 : i32 to index
    %swap3A_1302 = arith.constant 64 : index
    %swap3A_1303 = tpu.vector_load %arg6[%swap3A_1301, %swap3A_1302] {strides = array<i32>} : memref<26x128xi32, #tpu.memory_space<vmem>>, vector<1x16xi32>,
    %swap3A_1304 = vector.shape_cast %swap3A_1303 : vector<1x16xi32> to vector<16xi32>
    %swap3A_1305 = vector.shape_cast %add3A_1299 : vector<16xi32> to vector<1x16xi32>
    tpu.vector_store %arg6[%swap3A_1301, %swap3A_1302], %swap3A_1305 {strides = array<i32>} : memref<26x128xi32, #tpu.memory_space<vmem>>, vector<1x16xi32>,
    %get3A_1306 = arith.constant 12 : i32
    %get3A_1307 = arith.index_cast %get3A_1306 : i32 to index
    %get3A_1308 = arith.constant 80 : index
    %get3A_1309 = tpu.vector_load %arg6[%get3A_1307, %get3A_1308] {strides = array<i32>} : memref<26x128xi32, #tpu.memory_space<vmem>>, vector<1x16xi32>,
    %get3A_1310 = vector.shape_cast %get3A_1309 : vector<1x16xi32> to vector<16xi32>
    %add3A_1311 = arith.constant 12000 : i32
    %add3A_1312 = vector.broadcast %add3A_1311 : i32 to vector<16xi32>
    %add3A_1313 = arith.addi %get3A_1310, %add3A_1312 : vector<16xi32>
    %swap3A_1314 = arith.constant 12 : i32
    %swap3A_1315 = arith.index_cast %swap3A_1314 : i32 to index
    %swap3A_1316 = arith.constant 80 : index
    %swap3A_1317 = tpu.vector_load %arg6[%swap3A_1315, %swap3A_1316] {strides = array<i32>} : memref<26x128xi32, #tpu.memory_space<vmem>>, vector<1x16xi32>,
    %swap3A_1318 = vector.shape_cast %swap3A_1317 : vector<1x16xi32> to vector<16xi32>
    %swap3A_1319 = vector.shape_cast %add3A_1313 : vector<16xi32> to vector<1x16xi32>
    tpu.vector_store %arg6[%swap3A_1315, %swap3A_1316], %swap3A_1319 {strides = array<i32>} : memref<26x128xi32, #tpu.memory_space<vmem>>, vector<1x16xi32>,
    %get3A_1320 = arith.constant 12 : i32
    %get3A_1321 = arith.index_cast %get3A_1320 : i32 to index
    %get3A_1322 = arith.constant 96 : index
    %get3A_1323 = tpu.vector_load %arg6[%get3A_1321, %get3A_1322] {strides = array<i32>} : memref<26x128xi32, #tpu.memory_space<vmem>>, vector<1x16xi32>,
    %get3A_1324 = vector.shape_cast %get3A_1323 : vector<1x16xi32> to vector<16xi32>
    %add3A_1325 = arith.constant 12000 : i32
    %add3A_1326 = vector.broadcast %add3A_1325 : i32 to vector<16xi32>
    %add3A_1327 = arith.addi %get3A_1324, %add3A_1326 : vector<16xi32>
    %swap3A_1328 = arith.constant 12 : i32
    %swap3A_1329 = arith.index_cast %swap3A_1328 : i32 to index
    %swap3A_1330 = arith.constant 96 : index
    %swap3A_1331 = tpu.vector_load %arg6[%swap3A_1329, %swap3A_1330] {strides = array<i32>} : memref<26x128xi32, #tpu.memory_space<vmem>>, vector<1x16xi32>,
    %swap3A_1332 = vector.shape_cast %swap3A_1331 : vector<1x16xi32> to vector<16xi32>
    %swap3A_1333 = vector.shape_cast %add3A_1327 : vector<16xi32> to vector<1x16xi32>
    tpu.vector_store %arg6[%swap3A_1329, %swap3A_1330], %swap3A_1333 {strides = array<i32>} : memref<26x128xi32, #tpu.memory_space<vmem>>, vector<1x16xi32>,
    %get3A_1334 = arith.constant 12 : i32
    %get3A_1335 = arith.index_cast %get3A_1334 : i32 to index
    %get3A_1336 = arith.constant 112 : index
    %get3A_1337 = tpu.vector_load %arg6[%get3A_1335, %get3A_1336] {strides = array<i32>} : memref<26x128xi32, #tpu.memory_space<vmem>>, vector<1x16xi32>,
    %get3A_1338 = vector.shape_cast %get3A_1337 : vector<1x16xi32> to vector<16xi32>
    %add3A_1339 = arith.constant 12000 : i32
    %add3A_1340 = vector.broadcast %add3A_1339 : i32 to vector<16xi32>
    %add3A_1341 = arith.addi %get3A_1338, %add3A_1340 : vector<16xi32>
    %swap3A_1342 = arith.constant 12 : i32
    %swap3A_1343 = arith.index_cast %swap3A_1342 : i32 to index
    %swap3A_1344 = arith.constant 112 : index
    %swap3A_1345 = tpu.vector_load %arg6[%swap3A_1343, %swap3A_1344] {strides = array<i32>} : memref<26x128xi32, #tpu.memory_space<vmem>>, vector<1x16xi32>,
    %swap3A_1346 = vector.shape_cast %swap3A_1345 : vector<1x16xi32> to vector<16xi32>
    %swap3A_1347 = vector.shape_cast %add3A_1341 : vector<16xi32> to vector<1x16xi32>
    tpu.vector_store %arg6[%swap3A_1343, %swap3A_1344], %swap3A_1347 {strides = array<i32>} : memref<26x128xi32, #tpu.memory_space<vmem>>, vector<1x16xi32>,
    %get3A_1348 = arith.constant 13 : i32
    %get3A_1349 = arith.index_cast %get3A_1348 : i32 to index
    %get3A_1350 = arith.constant 0 : index
    %get3A_1351 = tpu.vector_load %arg6[%get3A_1349, %get3A_1350] {strides = array<i32>} : memref<26x128xi32, #tpu.memory_space<vmem>>, vector<1x16xi32>,
    %get3A_1352 = vector.shape_cast %get3A_1351 : vector<1x16xi32> to vector<16xi32>
    %add3A_1353 = arith.constant 13000 : i32
    %add3A_1354 = vector.broadcast %add3A_1353 : i32 to vector<16xi32>
    %add3A_1355 = arith.addi %get3A_1352, %add3A_1354 : vector<16xi32>
    %swap3A_1356 = arith.constant 13 : i32
    %swap3A_1357 = arith.index_cast %swap3A_1356 : i32 to index
    %swap3A_1358 = arith.constant 0 : index
    %swap3A_1359 = tpu.vector_load %arg6[%swap3A_1357, %swap3A_1358] {strides = array<i32>} : memref<26x128xi32, #tpu.memory_space<vmem>>, vector<1x16xi32>,
    %swap3A_1360 = vector.shape_cast %swap3A_1359 : vector<1x16xi32> to vector<16xi32>
    %swap3A_1361 = vector.shape_cast %add3A_1355 : vector<16xi32> to vector<1x16xi32>
    tpu.vector_store %arg6[%swap3A_1357, %swap3A_1358], %swap3A_1361 {strides = array<i32>} : memref<26x128xi32, #tpu.memory_space<vmem>>, vector<1x16xi32>,
    %get3A_1362 = arith.constant 13 : i32
    %get3A_1363 = arith.index_cast %get3A_1362 : i32 to index
    %get3A_1364 = arith.constant 16 : index
    %get3A_1365 = tpu.vector_load %arg6[%get3A_1363, %get3A_1364] {strides = array<i32>} : memref<26x128xi32, #tpu.memory_space<vmem>>, vector<1x16xi32>,
    %get3A_1366 = vector.shape_cast %get3A_1365 : vector<1x16xi32> to vector<16xi32>
    %add3A_1367 = arith.constant 13000 : i32
    %add3A_1368 = vector.broadcast %add3A_1367 : i32 to vector<16xi32>
    %add3A_1369 = arith.addi %get3A_1366, %add3A_1368 : vector<16xi32>
    %swap3A_1370 = arith.constant 13 : i32
    %swap3A_1371 = arith.index_cast %swap3A_1370 : i32 to index
    %swap3A_1372 = arith.constant 16 : index
    %swap3A_1373 = tpu.vector_load %arg6[%swap3A_1371, %swap3A_1372] {strides = array<i32>} : memref<26x128xi32, #tpu.memory_space<vmem>>, vector<1x16xi32>,
    %swap3A_1374 = vector.shape_cast %swap3A_1373 : vector<1x16xi32> to vector<16xi32>
    %swap3A_1375 = vector.shape_cast %add3A_1369 : vector<16xi32> to vector<1x16xi32>
    tpu.vector_store %arg6[%swap3A_1371, %swap3A_1372], %swap3A_1375 {strides = array<i32>} : memref<26x128xi32, #tpu.memory_space<vmem>>, vector<1x16xi32>,
    %get3A_1376 = arith.constant 13 : i32
    %get3A_1377 = arith.index_cast %get3A_1376 : i32 to index
    %get3A_1378 = arith.constant 32 : index
    %get3A_1379 = tpu.vector_load %arg6[%get3A_1377, %get3A_1378] {strides = array<i32>} : memref<26x128xi32, #tpu.memory_space<vmem>>, vector<1x16xi32>,
    %get3A_1380 = vector.shape_cast %get3A_1379 : vector<1x16xi32> to vector<16xi32>
    %add3A_1381 = arith.constant 13000 : i32
    %add3A_1382 = vector.broadcast %add3A_1381 : i32 to vector<16xi32>
    %add3A_1383 = arith.addi %get3A_1380, %add3A_1382 : vector<16xi32>
    %swap3A_1384 = arith.constant 13 : i32
    %swap3A_1385 = arith.index_cast %swap3A_1384 : i32 to index
    %swap3A_1386 = arith.constant 32 : index
    %swap3A_1387 = tpu.vector_load %arg6[%swap3A_1385, %swap3A_1386] {strides = array<i32>} : memref<26x128xi32, #tpu.memory_space<vmem>>, vector<1x16xi32>,
    %swap3A_1388 = vector.shape_cast %swap3A_1387 : vector<1x16xi32> to vector<16xi32>
    %swap3A_1389 = vector.shape_cast %add3A_1383 : vector<16xi32> to vector<1x16xi32>
    tpu.vector_store %arg6[%swap3A_1385, %swap3A_1386], %swap3A_1389 {strides = array<i32>} : memref<26x128xi32, #tpu.memory_space<vmem>>, vector<1x16xi32>,
    %get3A_1390 = arith.constant 13 : i32
    %get3A_1391 = arith.index_cast %get3A_1390 : i32 to index
    %get3A_1392 = arith.constant 48 : index
    %get3A_1393 = tpu.vector_load %arg6[%get3A_1391, %get3A_1392] {strides = array<i32>} : memref<26x128xi32, #tpu.memory_space<vmem>>, vector<1x16xi32>,
    %get3A_1394 = vector.shape_cast %get3A_1393 : vector<1x16xi32> to vector<16xi32>
    %add3A_1395 = arith.constant 13000 : i32
    %add3A_1396 = vector.broadcast %add3A_1395 : i32 to vector<16xi32>
    %add3A_1397 = arith.addi %get3A_1394, %add3A_1396 : vector<16xi32>
    %swap3A_1398 = arith.constant 13 : i32
    %swap3A_1399 = arith.index_cast %swap3A_1398 : i32 to index
    %swap3A_1400 = arith.constant 48 : index
    %swap3A_1401 = tpu.vector_load %arg6[%swap3A_1399, %swap3A_1400] {strides = array<i32>} : memref<26x128xi32, #tpu.memory_space<vmem>>, vector<1x16xi32>,
    %swap3A_1402 = vector.shape_cast %swap3A_1401 : vector<1x16xi32> to vector<16xi32>
    %swap3A_1403 = vector.shape_cast %add3A_1397 : vector<16xi32> to vector<1x16xi32>
    tpu.vector_store %arg6[%swap3A_1399, %swap3A_1400], %swap3A_1403 {strides = array<i32>} : memref<26x128xi32, #tpu.memory_space<vmem>>, vector<1x16xi32>,
    %get3A_1404 = arith.constant 13 : i32
    %get3A_1405 = arith.index_cast %get3A_1404 : i32 to index
    %get3A_1406 = arith.constant 64 : index
    %get3A_1407 = tpu.vector_load %arg6[%get3A_1405, %get3A_1406] {strides = array<i32>} : memref<26x128xi32, #tpu.memory_space<vmem>>, vector<1x16xi32>,
    %get3A_1408 = vector.shape_cast %get3A_1407 : vector<1x16xi32> to vector<16xi32>
    %add3A_1409 = arith.constant 13000 : i32
    %add3A_1410 = vector.broadcast %add3A_1409 : i32 to vector<16xi32>
    %add3A_1411 = arith.addi %get3A_1408, %add3A_1410 : vector<16xi32>
    %swap3A_1412 = arith.constant 13 : i32
    %swap3A_1413 = arith.index_cast %swap3A_1412 : i32 to index
    %swap3A_1414 = arith.constant 64 : index
    %swap3A_1415 = tpu.vector_load %arg6[%swap3A_1413, %swap3A_1414] {strides = array<i32>} : memref<26x128xi32, #tpu.memory_space<vmem>>, vector<1x16xi32>,
    %swap3A_1416 = vector.shape_cast %swap3A_1415 : vector<1x16xi32> to vector<16xi32>
    %swap3A_1417 = vector.shape_cast %add3A_1411 : vector<16xi32> to vector<1x16xi32>
    tpu.vector_store %arg6[%swap3A_1413, %swap3A_1414], %swap3A_1417 {strides = array<i32>} : memref<26x128xi32, #tpu.memory_space<vmem>>, vector<1x16xi32>,
    %get3A_1418 = arith.constant 13 : i32
    %get3A_1419 = arith.index_cast %get3A_1418 : i32 to index
    %get3A_1420 = arith.constant 80 : index
    %get3A_1421 = tpu.vector_load %arg6[%get3A_1419, %get3A_1420] {strides = array<i32>} : memref<26x128xi32, #tpu.memory_space<vmem>>, vector<1x16xi32>,
    %get3A_1422 = vector.shape_cast %get3A_1421 : vector<1x16xi32> to vector<16xi32>
    %add3A_1423 = arith.constant 13000 : i32
    %add3A_1424 = vector.broadcast %add3A_1423 : i32 to vector<16xi32>
    %add3A_1425 = arith.addi %get3A_1422, %add3A_1424 : vector<16xi32>
    %swap3A_1426 = arith.constant 13 : i32
    %swap3A_1427 = arith.index_cast %swap3A_1426 : i32 to index
    %swap3A_1428 = arith.constant 80 : index
    %swap3A_1429 = tpu.vector_load %arg6[%swap3A_1427, %swap3A_1428] {strides = array<i32>} : memref<26x128xi32, #tpu.memory_space<vmem>>, vector<1x16xi32>,
    %swap3A_1430 = vector.shape_cast %swap3A_1429 : vector<1x16xi32> to vector<16xi32>
    %swap3A_1431 = vector.shape_cast %add3A_1425 : vector<16xi32> to vector<1x16xi32>
    tpu.vector_store %arg6[%swap3A_1427, %swap3A_1428], %swap3A_1431 {strides = array<i32>} : memref<26x128xi32, #tpu.memory_space<vmem>>, vector<1x16xi32>,
    %get3A_1432 = arith.constant 13 : i32
    %get3A_1433 = arith.index_cast %get3A_1432 : i32 to index
    %get3A_1434 = arith.constant 96 : index
    %get3A_1435 = tpu.vector_load %arg6[%get3A_1433, %get3A_1434] {strides = array<i32>} : memref<26x128xi32, #tpu.memory_space<vmem>>, vector<1x16xi32>,
    %get3A_1436 = vector.shape_cast %get3A_1435 : vector<1x16xi32> to vector<16xi32>
    %add3A_1437 = arith.constant 13000 : i32
    %add3A_1438 = vector.broadcast %add3A_1437 : i32 to vector<16xi32>
    %add3A_1439 = arith.addi %get3A_1436, %add3A_1438 : vector<16xi32>
    %swap3A_1440 = arith.constant 13 : i32
    %swap3A_1441 = arith.index_cast %swap3A_1440 : i32 to index
    %swap3A_1442 = arith.constant 96 : index
    %swap3A_1443 = tpu.vector_load %arg6[%swap3A_1441, %swap3A_1442] {strides = array<i32>} : memref<26x128xi32, #tpu.memory_space<vmem>>, vector<1x16xi32>,
    %swap3A_1444 = vector.shape_cast %swap3A_1443 : vector<1x16xi32> to vector<16xi32>
    %swap3A_1445 = vector.shape_cast %add3A_1439 : vector<16xi32> to vector<1x16xi32>
    tpu.vector_store %arg6[%swap3A_1441, %swap3A_1442], %swap3A_1445 {strides = array<i32>} : memref<26x128xi32, #tpu.memory_space<vmem>>, vector<1x16xi32>,
    %get3A_1446 = arith.constant 13 : i32
    %get3A_1447 = arith.index_cast %get3A_1446 : i32 to index
    %get3A_1448 = arith.constant 112 : index
    %get3A_1449 = tpu.vector_load %arg6[%get3A_1447, %get3A_1448] {strides = array<i32>} : memref<26x128xi32, #tpu.memory_space<vmem>>, vector<1x16xi32>,
    %get3A_1450 = vector.shape_cast %get3A_1449 : vector<1x16xi32> to vector<16xi32>
    %add3A_1451 = arith.constant 13000 : i32
    %add3A_1452 = vector.broadcast %add3A_1451 : i32 to vector<16xi32>
    %add3A_1453 = arith.addi %get3A_1450, %add3A_1452 : vector<16xi32>
    %swap3A_1454 = arith.constant 13 : i32
    %swap3A_1455 = arith.index_cast %swap3A_1454 : i32 to index
    %swap3A_1456 = arith.constant 112 : index
    %swap3A_1457 = tpu.vector_load %arg6[%swap3A_1455, %swap3A_1456] {strides = array<i32>} : memref<26x128xi32, #tpu.memory_space<vmem>>, vector<1x16xi32>,
    %swap3A_1458 = vector.shape_cast %swap3A_1457 : vector<1x16xi32> to vector<16xi32>
    %swap3A_1459 = vector.shape_cast %add3A_1453 : vector<16xi32> to vector<1x16xi32>
    tpu.vector_store %arg6[%swap3A_1455, %swap3A_1456], %swap3A_1459 {strides = array<i32>} : memref<26x128xi32, #tpu.memory_space<vmem>>, vector<1x16xi32>,
    %get3A_1460 = arith.constant 14 : i32
    %get3A_1461 = arith.index_cast %get3A_1460 : i32 to index
    %get3A_1462 = arith.constant 0 : index
    %get3A_1463 = tpu.vector_load %arg6[%get3A_1461, %get3A_1462] {strides = array<i32>} : memref<26x128xi32, #tpu.memory_space<vmem>>, vector<1x16xi32>,
    %get3A_1464 = vector.shape_cast %get3A_1463 : vector<1x16xi32> to vector<16xi32>
    %add3A_1465 = arith.constant 14000 : i32
    %add3A_1466 = vector.broadcast %add3A_1465 : i32 to vector<16xi32>
    %add3A_1467 = arith.addi %get3A_1464, %add3A_1466 : vector<16xi32>
    %swap3A_1468 = arith.constant 14 : i32
    %swap3A_1469 = arith.index_cast %swap3A_1468 : i32 to index
    %swap3A_1470 = arith.constant 0 : index
    %swap3A_1471 = tpu.vector_load %arg6[%swap3A_1469, %swap3A_1470] {strides = array<i32>} : memref<26x128xi32, #tpu.memory_space<vmem>>, vector<1x16xi32>,
    %swap3A_1472 = vector.shape_cast %swap3A_1471 : vector<1x16xi32> to vector<16xi32>
    %swap3A_1473 = vector.shape_cast %add3A_1467 : vector<16xi32> to vector<1x16xi32>
    tpu.vector_store %arg6[%swap3A_1469, %swap3A_1470], %swap3A_1473 {strides = array<i32>} : memref<26x128xi32, #tpu.memory_space<vmem>>, vector<1x16xi32>,
    %get3A_1474 = arith.constant 14 : i32
    %get3A_1475 = arith.index_cast %get3A_1474 : i32 to index
    %get3A_1476 = arith.constant 16 : index
    %get3A_1477 = tpu.vector_load %arg6[%get3A_1475, %get3A_1476] {strides = array<i32>} : memref<26x128xi32, #tpu.memory_space<vmem>>, vector<1x16xi32>,
    %get3A_1478 = vector.shape_cast %get3A_1477 : vector<1x16xi32> to vector<16xi32>
    %add3A_1479 = arith.constant 14000 : i32
    %add3A_1480 = vector.broadcast %add3A_1479 : i32 to vector<16xi32>
    %add3A_1481 = arith.addi %get3A_1478, %add3A_1480 : vector<16xi32>
    %swap3A_1482 = arith.constant 14 : i32
    %swap3A_1483 = arith.index_cast %swap3A_1482 : i32 to index
    %swap3A_1484 = arith.constant 16 : index
    %swap3A_1485 = tpu.vector_load %arg6[%swap3A_1483, %swap3A_1484] {strides = array<i32>} : memref<26x128xi32, #tpu.memory_space<vmem>>, vector<1x16xi32>,
    %swap3A_1486 = vector.shape_cast %swap3A_1485 : vector<1x16xi32> to vector<16xi32>
    %swap3A_1487 = vector.shape_cast %add3A_1481 : vector<16xi32> to vector<1x16xi32>
    tpu.vector_store %arg6[%swap3A_1483, %swap3A_1484], %swap3A_1487 {strides = array<i32>} : memref<26x128xi32, #tpu.memory_space<vmem>>, vector<1x16xi32>,
    %get3A_1488 = arith.constant 14 : i32
    %get3A_1489 = arith.index_cast %get3A_1488 : i32 to index
    %get3A_1490 = arith.constant 32 : index
    %get3A_1491 = tpu.vector_load %arg6[%get3A_1489, %get3A_1490] {strides = array<i32>} : memref<26x128xi32, #tpu.memory_space<vmem>>, vector<1x16xi32>,
    %get3A_1492 = vector.shape_cast %get3A_1491 : vector<1x16xi32> to vector<16xi32>
    %add3A_1493 = arith.constant 14000 : i32
    %add3A_1494 = vector.broadcast %add3A_1493 : i32 to vector<16xi32>
    %add3A_1495 = arith.addi %get3A_1492, %add3A_1494 : vector<16xi32>
    %swap3A_1496 = arith.constant 14 : i32
    %swap3A_1497 = arith.index_cast %swap3A_1496 : i32 to index
    %swap3A_1498 = arith.constant 32 : index
    %swap3A_1499 = tpu.vector_load %arg6[%swap3A_1497, %swap3A_1498] {strides = array<i32>} : memref<26x128xi32, #tpu.memory_space<vmem>>, vector<1x16xi32>,
    %swap3A_1500 = vector.shape_cast %swap3A_1499 : vector<1x16xi32> to vector<16xi32>
    %swap3A_1501 = vector.shape_cast %add3A_1495 : vector<16xi32> to vector<1x16xi32>
    tpu.vector_store %arg6[%swap3A_1497, %swap3A_1498], %swap3A_1501 {strides = array<i32>} : memref<26x128xi32, #tpu.memory_space<vmem>>, vector<1x16xi32>,
    %get3A_1502 = arith.constant 14 : i32
    %get3A_1503 = arith.index_cast %get3A_1502 : i32 to index
    %get3A_1504 = arith.constant 48 : index
    %get3A_1505 = tpu.vector_load %arg6[%get3A_1503, %get3A_1504] {strides = array<i32>} : memref<26x128xi32, #tpu.memory_space<vmem>>, vector<1x16xi32>,
    %get3A_1506 = vector.shape_cast %get3A_1505 : vector<1x16xi32> to vector<16xi32>
    %add3A_1507 = arith.constant 14000 : i32
    %add3A_1508 = vector.broadcast %add3A_1507 : i32 to vector<16xi32>
    %add3A_1509 = arith.addi %get3A_1506, %add3A_1508 : vector<16xi32>
    %swap3A_1510 = arith.constant 14 : i32
    %swap3A_1511 = arith.index_cast %swap3A_1510 : i32 to index
    %swap3A_1512 = arith.constant 48 : index
    %swap3A_1513 = tpu.vector_load %arg6[%swap3A_1511, %swap3A_1512] {strides = array<i32>} : memref<26x128xi32, #tpu.memory_space<vmem>>, vector<1x16xi32>,
    %swap3A_1514 = vector.shape_cast %swap3A_1513 : vector<1x16xi32> to vector<16xi32>
    %swap3A_1515 = vector.shape_cast %add3A_1509 : vector<16xi32> to vector<1x16xi32>
    tpu.vector_store %arg6[%swap3A_1511, %swap3A_1512], %swap3A_1515 {strides = array<i32>} : memref<26x128xi32, #tpu.memory_space<vmem>>, vector<1x16xi32>,
    %get3A_1516 = arith.constant 14 : i32
    %get3A_1517 = arith.index_cast %get3A_1516 : i32 to index
    %get3A_1518 = arith.constant 64 : index
    %get3A_1519 = tpu.vector_load %arg6[%get3A_1517, %get3A_1518] {strides = array<i32>} : memref<26x128xi32, #tpu.memory_space<vmem>>, vector<1x16xi32>,
    %get3A_1520 = vector.shape_cast %get3A_1519 : vector<1x16xi32> to vector<16xi32>
    %add3A_1521 = arith.constant 14000 : i32
    %add3A_1522 = vector.broadcast %add3A_1521 : i32 to vector<16xi32>
    %add3A_1523 = arith.addi %get3A_1520, %add3A_1522 : vector<16xi32>
    %swap3A_1524 = arith.constant 14 : i32
    %swap3A_1525 = arith.index_cast %swap3A_1524 : i32 to index
    %swap3A_1526 = arith.constant 64 : index
    %swap3A_1527 = tpu.vector_load %arg6[%swap3A_1525, %swap3A_1526] {strides = array<i32>} : memref<26x128xi32, #tpu.memory_space<vmem>>, vector<1x16xi32>,
    %swap3A_1528 = vector.shape_cast %swap3A_1527 : vector<1x16xi32> to vector<16xi32>
    %swap3A_1529 = vector.shape_cast %add3A_1523 : vector<16xi32> to vector<1x16xi32>
    tpu.vector_store %arg6[%swap3A_1525, %swap3A_1526], %swap3A_1529 {strides = array<i32>} : memref<26x128xi32, #tpu.memory_space<vmem>>, vector<1x16xi32>,
    %get3A_1530 = arith.constant 14 : i32
    %get3A_1531 = arith.index_cast %get3A_1530 : i32 to index
    %get3A_1532 = arith.constant 80 : index
    %get3A_1533 = tpu.vector_load %arg6[%get3A_1531, %get3A_1532] {strides = array<i32>} : memref<26x128xi32, #tpu.memory_space<vmem>>, vector<1x16xi32>,
    %get3A_1534 = vector.shape_cast %get3A_1533 : vector<1x16xi32> to vector<16xi32>
    %add3A_1535 = arith.constant 14000 : i32
    %add3A_1536 = vector.broadcast %add3A_1535 : i32 to vector<16xi32>
    %add3A_1537 = arith.addi %get3A_1534, %add3A_1536 : vector<16xi32>
    %swap3A_1538 = arith.constant 14 : i32
    %swap3A_1539 = arith.index_cast %swap3A_1538 : i32 to index
    %swap3A_1540 = arith.constant 80 : index
    %swap3A_1541 = tpu.vector_load %arg6[%swap3A_1539, %swap3A_1540] {strides = array<i32>} : memref<26x128xi32, #tpu.memory_space<vmem>>, vector<1x16xi32>,
    %swap3A_1542 = vector.shape_cast %swap3A_1541 : vector<1x16xi32> to vector<16xi32>
    %swap3A_1543 = vector.shape_cast %add3A_1537 : vector<16xi32> to vector<1x16xi32>
    tpu.vector_store %arg6[%swap3A_1539, %swap3A_1540], %swap3A_1543 {strides = array<i32>} : memref<26x128xi32, #tpu.memory_space<vmem>>, vector<1x16xi32>,
    %get3A_1544 = arith.constant 14 : i32
    %get3A_1545 = arith.index_cast %get3A_1544 : i32 to index
    %get3A_1546 = arith.constant 96 : index
    %get3A_1547 = tpu.vector_load %arg6[%get3A_1545, %get3A_1546] {strides = array<i32>} : memref<26x128xi32, #tpu.memory_space<vmem>>, vector<1x16xi32>,
    %get3A_1548 = vector.shape_cast %get3A_1547 : vector<1x16xi32> to vector<16xi32>
    %add3A_1549 = arith.constant 14000 : i32
    %add3A_1550 = vector.broadcast %add3A_1549 : i32 to vector<16xi32>
    %add3A_1551 = arith.addi %get3A_1548, %add3A_1550 : vector<16xi32>
    %swap3A_1552 = arith.constant 14 : i32
    %swap3A_1553 = arith.index_cast %swap3A_1552 : i32 to index
    %swap3A_1554 = arith.constant 96 : index
    %swap3A_1555 = tpu.vector_load %arg6[%swap3A_1553, %swap3A_1554] {strides = array<i32>} : memref<26x128xi32, #tpu.memory_space<vmem>>, vector<1x16xi32>,
    %swap3A_1556 = vector.shape_cast %swap3A_1555 : vector<1x16xi32> to vector<16xi32>
    %swap3A_1557 = vector.shape_cast %add3A_1551 : vector<16xi32> to vector<1x16xi32>
    tpu.vector_store %arg6[%swap3A_1553, %swap3A_1554], %swap3A_1557 {strides = array<i32>} : memref<26x128xi32, #tpu.memory_space<vmem>>, vector<1x16xi32>,
    %get3A_1558 = arith.constant 14 : i32
    %get3A_1559 = arith.index_cast %get3A_1558 : i32 to index
    %get3A_1560 = arith.constant 112 : index
    %get3A_1561 = tpu.vector_load %arg6[%get3A_1559, %get3A_1560] {strides = array<i32>} : memref<26x128xi32, #tpu.memory_space<vmem>>, vector<1x16xi32>,
    %get3A_1562 = vector.shape_cast %get3A_1561 : vector<1x16xi32> to vector<16xi32>
    %add3A_1563 = arith.constant 14000 : i32
    %add3A_1564 = vector.broadcast %add3A_1563 : i32 to vector<16xi32>
    %add3A_1565 = arith.addi %get3A_1562, %add3A_1564 : vector<16xi32>
    %swap3A_1566 = arith.constant 14 : i32
    %swap3A_1567 = arith.index_cast %swap3A_1566 : i32 to index
    %swap3A_1568 = arith.constant 112 : index
    %swap3A_1569 = tpu.vector_load %arg6[%swap3A_1567, %swap3A_1568] {strides = array<i32>} : memref<26x128xi32, #tpu.memory_space<vmem>>, vector<1x16xi32>,
    %swap3A_1570 = vector.shape_cast %swap3A_1569 : vector<1x16xi32> to vector<16xi32>
    %swap3A_1571 = vector.shape_cast %add3A_1565 : vector<16xi32> to vector<1x16xi32>
    tpu.vector_store %arg6[%swap3A_1567, %swap3A_1568], %swap3A_1571 {strides = array<i32>} : memref<26x128xi32, #tpu.memory_space<vmem>>, vector<1x16xi32>,
    %get3A_1572 = arith.constant 15 : i32
    %get3A_1573 = arith.index_cast %get3A_1572 : i32 to index
    %get3A_1574 = arith.constant 0 : index
    %get3A_1575 = tpu.vector_load %arg6[%get3A_1573, %get3A_1574] {strides = array<i32>} : memref<26x128xi32, #tpu.memory_space<vmem>>, vector<1x16xi32>,
    %get3A_1576 = vector.shape_cast %get3A_1575 : vector<1x16xi32> to vector<16xi32>
    %add3A_1577 = arith.constant 15000 : i32
    %add3A_1578 = vector.broadcast %add3A_1577 : i32 to vector<16xi32>
    %add3A_1579 = arith.addi %get3A_1576, %add3A_1578 : vector<16xi32>
    %swap3A_1580 = arith.constant 15 : i32
    %swap3A_1581 = arith.index_cast %swap3A_1580 : i32 to index
    %swap3A_1582 = arith.constant 0 : index
    %swap3A_1583 = tpu.vector_load %arg6[%swap3A_1581, %swap3A_1582] {strides = array<i32>} : memref<26x128xi32, #tpu.memory_space<vmem>>, vector<1x16xi32>,
    %swap3A_1584 = vector.shape_cast %swap3A_1583 : vector<1x16xi32> to vector<16xi32>
    %swap3A_1585 = vector.shape_cast %add3A_1579 : vector<16xi32> to vector<1x16xi32>
    tpu.vector_store %arg6[%swap3A_1581, %swap3A_1582], %swap3A_1585 {strides = array<i32>} : memref<26x128xi32, #tpu.memory_space<vmem>>, vector<1x16xi32>,
    %get3A_1586 = arith.constant 15 : i32
    %get3A_1587 = arith.index_cast %get3A_1586 : i32 to index
    %get3A_1588 = arith.constant 16 : index
    %get3A_1589 = tpu.vector_load %arg6[%get3A_1587, %get3A_1588] {strides = array<i32>} : memref<26x128xi32, #tpu.memory_space<vmem>>, vector<1x16xi32>,
    %get3A_1590 = vector.shape_cast %get3A_1589 : vector<1x16xi32> to vector<16xi32>
    %add3A_1591 = arith.constant 15000 : i32
    %add3A_1592 = vector.broadcast %add3A_1591 : i32 to vector<16xi32>
    %add3A_1593 = arith.addi %get3A_1590, %add3A_1592 : vector<16xi32>
    %swap3A_1594 = arith.constant 15 : i32
    %swap3A_1595 = arith.index_cast %swap3A_1594 : i32 to index
    %swap3A_1596 = arith.constant 16 : index
    %swap3A_1597 = tpu.vector_load %arg6[%swap3A_1595, %swap3A_1596] {strides = array<i32>} : memref<26x128xi32, #tpu.memory_space<vmem>>, vector<1x16xi32>,
    %swap3A_1598 = vector.shape_cast %swap3A_1597 : vector<1x16xi32> to vector<16xi32>
    %swap3A_1599 = vector.shape_cast %add3A_1593 : vector<16xi32> to vector<1x16xi32>
    tpu.vector_store %arg6[%swap3A_1595, %swap3A_1596], %swap3A_1599 {strides = array<i32>} : memref<26x128xi32, #tpu.memory_space<vmem>>, vector<1x16xi32>,
    %get3A_1600 = arith.constant 15 : i32
    %get3A_1601 = arith.index_cast %get3A_1600 : i32 to index
    %get3A_1602 = arith.constant 32 : index
    %get3A_1603 = tpu.vector_load %arg6[%get3A_1601, %get3A_1602] {strides = array<i32>} : memref<26x128xi32, #tpu.memory_space<vmem>>, vector<1x16xi32>,
    %get3A_1604 = vector.shape_cast %get3A_1603 : vector<1x16xi32> to vector<16xi32>
    %add3A_1605 = arith.constant 15000 : i32
    %add3A_1606 = vector.broadcast %add3A_1605 : i32 to vector<16xi32>
    %add3A_1607 = arith.addi %get3A_1604, %add3A_1606 : vector<16xi32>
    %swap3A_1608 = arith.constant 15 : i32
    %swap3A_1609 = arith.index_cast %swap3A_1608 : i32 to index
    %swap3A_1610 = arith.constant 32 : index
    %swap3A_1611 = tpu.vector_load %arg6[%swap3A_1609, %swap3A_1610] {strides = array<i32>} : memref<26x128xi32, #tpu.memory_space<vmem>>, vector<1x16xi32>,
    %swap3A_1612 = vector.shape_cast %swap3A_1611 : vector<1x16xi32> to vector<16xi32>
    %swap3A_1613 = vector.shape_cast %add3A_1607 : vector<16xi32> to vector<1x16xi32>
    tpu.vector_store %arg6[%swap3A_1609, %swap3A_1610], %swap3A_1613 {strides = array<i32>} : memref<26x128xi32, #tpu.memory_space<vmem>>, vector<1x16xi32>,
    %get3A_1614 = arith.constant 15 : i32
    %get3A_1615 = arith.index_cast %get3A_1614 : i32 to index
    %get3A_1616 = arith.constant 48 : index
    %get3A_1617 = tpu.vector_load %arg6[%get3A_1615, %get3A_1616] {strides = array<i32>} : memref<26x128xi32, #tpu.memory_space<vmem>>, vector<1x16xi32>,
    %get3A_1618 = vector.shape_cast %get3A_1617 : vector<1x16xi32> to vector<16xi32>
    %add3A_1619 = arith.constant 15000 : i32
    %add3A_1620 = vector.broadcast %add3A_1619 : i32 to vector<16xi32>
    %add3A_1621 = arith.addi %get3A_1618, %add3A_1620 : vector<16xi32>
    %swap3A_1622 = arith.constant 15 : i32
    %swap3A_1623 = arith.index_cast %swap3A_1622 : i32 to index
    %swap3A_1624 = arith.constant 48 : index
    %swap3A_1625 = tpu.vector_load %arg6[%swap3A_1623, %swap3A_1624] {strides = array<i32>} : memref<26x128xi32, #tpu.memory_space<vmem>>, vector<1x16xi32>,
    %swap3A_1626 = vector.shape_cast %swap3A_1625 : vector<1x16xi32> to vector<16xi32>
    %swap3A_1627 = vector.shape_cast %add3A_1621 : vector<16xi32> to vector<1x16xi32>
    tpu.vector_store %arg6[%swap3A_1623, %swap3A_1624], %swap3A_1627 {strides = array<i32>} : memref<26x128xi32, #tpu.memory_space<vmem>>, vector<1x16xi32>,
    %get3A_1628 = arith.constant 15 : i32
    %get3A_1629 = arith.index_cast %get3A_1628 : i32 to index
    %get3A_1630 = arith.constant 64 : index
    %get3A_1631 = tpu.vector_load %arg6[%get3A_1629, %get3A_1630] {strides = array<i32>} : memref<26x128xi32, #tpu.memory_space<vmem>>, vector<1x16xi32>,
    %get3A_1632 = vector.shape_cast %get3A_1631 : vector<1x16xi32> to vector<16xi32>
    %add3A_1633 = arith.constant 15000 : i32
    %add3A_1634 = vector.broadcast %add3A_1633 : i32 to vector<16xi32>
    %add3A_1635 = arith.addi %get3A_1632, %add3A_1634 : vector<16xi32>
    %swap3A_1636 = arith.constant 15 : i32
    %swap3A_1637 = arith.index_cast %swap3A_1636 : i32 to index
    %swap3A_1638 = arith.constant 64 : index
    %swap3A_1639 = tpu.vector_load %arg6[%swap3A_1637, %swap3A_1638] {strides = array<i32>} : memref<26x128xi32, #tpu.memory_space<vmem>>, vector<1x16xi32>,
    %swap3A_1640 = vector.shape_cast %swap3A_1639 : vector<1x16xi32> to vector<16xi32>
    %swap3A_1641 = vector.shape_cast %add3A_1635 : vector<16xi32> to vector<1x16xi32>
    tpu.vector_store %arg6[%swap3A_1637, %swap3A_1638], %swap3A_1641 {strides = array<i32>} : memref<26x128xi32, #tpu.memory_space<vmem>>, vector<1x16xi32>,
    %get3A_1642 = arith.constant 15 : i32
    %get3A_1643 = arith.index_cast %get3A_1642 : i32 to index
    %get3A_1644 = arith.constant 80 : index
    %get3A_1645 = tpu.vector_load %arg6[%get3A_1643, %get3A_1644] {strides = array<i32>} : memref<26x128xi32, #tpu.memory_space<vmem>>, vector<1x16xi32>,
    %get3A_1646 = vector.shape_cast %get3A_1645 : vector<1x16xi32> to vector<16xi32>
    %add3A_1647 = arith.constant 15000 : i32
    %add3A_1648 = vector.broadcast %add3A_1647 : i32 to vector<16xi32>
    %add3A_1649 = arith.addi %get3A_1646, %add3A_1648 : vector<16xi32>
    %swap3A_1650 = arith.constant 15 : i32
    %swap3A_1651 = arith.index_cast %swap3A_1650 : i32 to index
    %swap3A_1652 = arith.constant 80 : index
    %swap3A_1653 = tpu.vector_load %arg6[%swap3A_1651, %swap3A_1652] {strides = array<i32>} : memref<26x128xi32, #tpu.memory_space<vmem>>, vector<1x16xi32>,
    %swap3A_1654 = vector.shape_cast %swap3A_1653 : vector<1x16xi32> to vector<16xi32>
    %swap3A_1655 = vector.shape_cast %add3A_1649 : vector<16xi32> to vector<1x16xi32>
    tpu.vector_store %arg6[%swap3A_1651, %swap3A_1652], %swap3A_1655 {strides = array<i32>} : memref<26x128xi32, #tpu.memory_space<vmem>>, vector<1x16xi32>,
    %get3A_1656 = arith.constant 15 : i32
    %get3A_1657 = arith.index_cast %get3A_1656 : i32 to index
    %get3A_1658 = arith.constant 96 : index
    %get3A_1659 = tpu.vector_load %arg6[%get3A_1657, %get3A_1658] {strides = array<i32>} : memref<26x128xi32, #tpu.memory_space<vmem>>, vector<1x16xi32>,
    %get3A_1660 = vector.shape_cast %get3A_1659 : vector<1x16xi32> to vector<16xi32>
    %add3A_1661 = arith.constant 15000 : i32
    %add3A_1662 = vector.broadcast %add3A_1661 : i32 to vector<16xi32>
    %add3A_1663 = arith.addi %get3A_1660, %add3A_1662 : vector<16xi32>
    %swap3A_1664 = arith.constant 15 : i32
    %swap3A_1665 = arith.index_cast %swap3A_1664 : i32 to index
    %swap3A_1666 = arith.constant 96 : index
    %swap3A_1667 = tpu.vector_load %arg6[%swap3A_1665, %swap3A_1666] {strides = array<i32>} : memref<26x128xi32, #tpu.memory_space<vmem>>, vector<1x16xi32>,
    %swap3A_1668 = vector.shape_cast %swap3A_1667 : vector<1x16xi32> to vector<16xi32>
    %swap3A_1669 = vector.shape_cast %add3A_1663 : vector<16xi32> to vector<1x16xi32>
    tpu.vector_store %arg6[%swap3A_1665, %swap3A_1666], %swap3A_1669 {strides = array<i32>} : memref<26x128xi32, #tpu.memory_space<vmem>>, vector<1x16xi32>,
    %get3A_1670 = arith.constant 15 : i32
    %get3A_1671 = arith.index_cast %get3A_1670 : i32 to index
    %get3A_1672 = arith.constant 112 : index
    %get3A_1673 = tpu.vector_load %arg6[%get3A_1671, %get3A_1672] {strides = array<i32>} : memref<26x128xi32, #tpu.memory_space<vmem>>, vector<1x16xi32>,
    %get3A_1674 = vector.shape_cast %get3A_1673 : vector<1x16xi32> to vector<16xi32>
    %add3A_1675 = arith.constant 15000 : i32
    %add3A_1676 = vector.broadcast %add3A_1675 : i32 to vector<16xi32>
    %add3A_1677 = arith.addi %get3A_1674, %add3A_1676 : vector<16xi32>
    %swap3A_1678 = arith.constant 15 : i32
    %swap3A_1679 = arith.index_cast %swap3A_1678 : i32 to index
    %swap3A_1680 = arith.constant 112 : index
    %swap3A_1681 = tpu.vector_load %arg6[%swap3A_1679, %swap3A_1680] {strides = array<i32>} : memref<26x128xi32, #tpu.memory_space<vmem>>, vector<1x16xi32>,
    %swap3A_1682 = vector.shape_cast %swap3A_1681 : vector<1x16xi32> to vector<16xi32>
    %swap3A_1683 = vector.shape_cast %add3A_1677 : vector<16xi32> to vector<1x16xi32>
    tpu.vector_store %arg6[%swap3A_1679, %swap3A_1680], %swap3A_1683 {strides = array<i32>} : memref<26x128xi32, #tpu.memory_space<vmem>>, vector<1x16xi32>,
    %get3A_1684 = arith.constant 16 : i32
    %get3A_1685 = arith.index_cast %get3A_1684 : i32 to index
    %get3A_1686 = arith.constant 0 : index
    %get3A_1687 = tpu.vector_load %arg6[%get3A_1685, %get3A_1686] {strides = array<i32>} : memref<26x128xi32, #tpu.memory_space<vmem>>, vector<1x16xi32>,
    %get3A_1688 = vector.shape_cast %get3A_1687 : vector<1x16xi32> to vector<16xi32>
    %add3A_1689 = arith.constant 16000 : i32
    %add3A_1690 = vector.broadcast %add3A_1689 : i32 to vector<16xi32>
    %add3A_1691 = arith.addi %get3A_1688, %add3A_1690 : vector<16xi32>
    %swap3A_1692 = arith.constant 16 : i32
    %swap3A_1693 = arith.index_cast %swap3A_1692 : i32 to index
    %swap3A_1694 = arith.constant 0 : index
    %swap3A_1695 = tpu.vector_load %arg6[%swap3A_1693, %swap3A_1694] {strides = array<i32>} : memref<26x128xi32, #tpu.memory_space<vmem>>, vector<1x16xi32>,
    %swap3A_1696 = vector.shape_cast %swap3A_1695 : vector<1x16xi32> to vector<16xi32>
    %swap3A_1697 = vector.shape_cast %add3A_1691 : vector<16xi32> to vector<1x16xi32>
    tpu.vector_store %arg6[%swap3A_1693, %swap3A_1694], %swap3A_1697 {strides = array<i32>} : memref<26x128xi32, #tpu.memory_space<vmem>>, vector<1x16xi32>,
    %get3A_1698 = arith.constant 16 : i32
    %get3A_1699 = arith.index_cast %get3A_1698 : i32 to index
    %get3A_1700 = arith.constant 16 : index
    %get3A_1701 = tpu.vector_load %arg6[%get3A_1699, %get3A_1700] {strides = array<i32>} : memref<26x128xi32, #tpu.memory_space<vmem>>, vector<1x16xi32>,
    %get3A_1702 = vector.shape_cast %get3A_1701 : vector<1x16xi32> to vector<16xi32>
    %add3A_1703 = arith.constant 16000 : i32
    %add3A_1704 = vector.broadcast %add3A_1703 : i32 to vector<16xi32>
    %add3A_1705 = arith.addi %get3A_1702, %add3A_1704 : vector<16xi32>
    %swap3A_1706 = arith.constant 16 : i32
    %swap3A_1707 = arith.index_cast %swap3A_1706 : i32 to index
    %swap3A_1708 = arith.constant 16 : index
    %swap3A_1709 = tpu.vector_load %arg6[%swap3A_1707, %swap3A_1708] {strides = array<i32>} : memref<26x128xi32, #tpu.memory_space<vmem>>, vector<1x16xi32>,
    %swap3A_1710 = vector.shape_cast %swap3A_1709 : vector<1x16xi32> to vector<16xi32>
    %swap3A_1711 = vector.shape_cast %add3A_1705 : vector<16xi32> to vector<1x16xi32>
    tpu.vector_store %arg6[%swap3A_1707, %swap3A_1708], %swap3A_1711 {strides = array<i32>} : memref<26x128xi32, #tpu.memory_space<vmem>>, vector<1x16xi32>,
    %get3A_1712 = arith.constant 16 : i32
    %get3A_1713 = arith.index_cast %get3A_1712 : i32 to index
    %get3A_1714 = arith.constant 32 : index
    %get3A_1715 = tpu.vector_load %arg6[%get3A_1713, %get3A_1714] {strides = array<i32>} : memref<26x128xi32, #tpu.memory_space<vmem>>, vector<1x16xi32>,
    %get3A_1716 = vector.shape_cast %get3A_1715 : vector<1x16xi32> to vector<16xi32>
    %add3A_1717 = arith.constant 16000 : i32
    %add3A_1718 = vector.broadcast %add3A_1717 : i32 to vector<16xi32>
    %add3A_1719 = arith.addi %get3A_1716, %add3A_1718 : vector<16xi32>
    %swap3A_1720 = arith.constant 16 : i32
    %swap3A_1721 = arith.index_cast %swap3A_1720 : i32 to index
    %swap3A_1722 = arith.constant 32 : index
    %swap3A_1723 = tpu.vector_load %arg6[%swap3A_1721, %swap3A_1722] {strides = array<i32>} : memref<26x128xi32, #tpu.memory_space<vmem>>, vector<1x16xi32>,
    %swap3A_1724 = vector.shape_cast %swap3A_1723 : vector<1x16xi32> to vector<16xi32>
    %swap3A_1725 = vector.shape_cast %add3A_1719 : vector<16xi32> to vector<1x16xi32>
    tpu.vector_store %arg6[%swap3A_1721, %swap3A_1722], %swap3A_1725 {strides = array<i32>} : memref<26x128xi32, #tpu.memory_space<vmem>>, vector<1x16xi32>,
    %get3A_1726 = arith.constant 16 : i32
    %get3A_1727 = arith.index_cast %get3A_1726 : i32 to index
    %get3A_1728 = arith.constant 48 : index
    %get3A_1729 = tpu.vector_load %arg6[%get3A_1727, %get3A_1728] {strides = array<i32>} : memref<26x128xi32, #tpu.memory_space<vmem>>, vector<1x16xi32>,
    %get3A_1730 = vector.shape_cast %get3A_1729 : vector<1x16xi32> to vector<16xi32>
    %add3A_1731 = arith.constant 16000 : i32
    %add3A_1732 = vector.broadcast %add3A_1731 : i32 to vector<16xi32>
    %add3A_1733 = arith.addi %get3A_1730, %add3A_1732 : vector<16xi32>
    %swap3A_1734 = arith.constant 16 : i32
    %swap3A_1735 = arith.index_cast %swap3A_1734 : i32 to index
    %swap3A_1736 = arith.constant 48 : index
    %swap3A_1737 = tpu.vector_load %arg6[%swap3A_1735, %swap3A_1736] {strides = array<i32>} : memref<26x128xi32, #tpu.memory_space<vmem>>, vector<1x16xi32>,
    %swap3A_1738 = vector.shape_cast %swap3A_1737 : vector<1x16xi32> to vector<16xi32>
    %swap3A_1739 = vector.shape_cast %add3A_1733 : vector<16xi32> to vector<1x16xi32>
    tpu.vector_store %arg6[%swap3A_1735, %swap3A_1736], %swap3A_1739 {strides = array<i32>} : memref<26x128xi32, #tpu.memory_space<vmem>>, vector<1x16xi32>,
    %get3A_1740 = arith.constant 16 : i32
    %get3A_1741 = arith.index_cast %get3A_1740 : i32 to index
    %get3A_1742 = arith.constant 64 : index
    %get3A_1743 = tpu.vector_load %arg6[%get3A_1741, %get3A_1742] {strides = array<i32>} : memref<26x128xi32, #tpu.memory_space<vmem>>, vector<1x16xi32>,
    %get3A_1744 = vector.shape_cast %get3A_1743 : vector<1x16xi32> to vector<16xi32>
    %add3A_1745 = arith.constant 16000 : i32
    %add3A_1746 = vector.broadcast %add3A_1745 : i32 to vector<16xi32>
    %add3A_1747 = arith.addi %get3A_1744, %add3A_1746 : vector<16xi32>
    %swap3A_1748 = arith.constant 16 : i32
    %swap3A_1749 = arith.index_cast %swap3A_1748 : i32 to index
    %swap3A_1750 = arith.constant 64 : index
    %swap3A_1751 = tpu.vector_load %arg6[%swap3A_1749, %swap3A_1750] {strides = array<i32>} : memref<26x128xi32, #tpu.memory_space<vmem>>, vector<1x16xi32>,
    %swap3A_1752 = vector.shape_cast %swap3A_1751 : vector<1x16xi32> to vector<16xi32>
    %swap3A_1753 = vector.shape_cast %add3A_1747 : vector<16xi32> to vector<1x16xi32>
    tpu.vector_store %arg6[%swap3A_1749, %swap3A_1750], %swap3A_1753 {strides = array<i32>} : memref<26x128xi32, #tpu.memory_space<vmem>>, vector<1x16xi32>,
    %get3A_1754 = arith.constant 16 : i32
    %get3A_1755 = arith.index_cast %get3A_1754 : i32 to index
    %get3A_1756 = arith.constant 80 : index
    %get3A_1757 = tpu.vector_load %arg6[%get3A_1755, %get3A_1756] {strides = array<i32>} : memref<26x128xi32, #tpu.memory_space<vmem>>, vector<1x16xi32>,
    %get3A_1758 = vector.shape_cast %get3A_1757 : vector<1x16xi32> to vector<16xi32>
    %add3A_1759 = arith.constant 16000 : i32
    %add3A_1760 = vector.broadcast %add3A_1759 : i32 to vector<16xi32>
    %add3A_1761 = arith.addi %get3A_1758, %add3A_1760 : vector<16xi32>
    %swap3A_1762 = arith.constant 16 : i32
    %swap3A_1763 = arith.index_cast %swap3A_1762 : i32 to index
    %swap3A_1764 = arith.constant 80 : index
    %swap3A_1765 = tpu.vector_load %arg6[%swap3A_1763, %swap3A_1764] {strides = array<i32>} : memref<26x128xi32, #tpu.memory_space<vmem>>, vector<1x16xi32>,
    %swap3A_1766 = vector.shape_cast %swap3A_1765 : vector<1x16xi32> to vector<16xi32>
    %swap3A_1767 = vector.shape_cast %add3A_1761 : vector<16xi32> to vector<1x16xi32>
    tpu.vector_store %arg6[%swap3A_1763, %swap3A_1764], %swap3A_1767 {strides = array<i32>} : memref<26x128xi32, #tpu.memory_space<vmem>>, vector<1x16xi32>,
    %get3A_1768 = arith.constant 16 : i32
    %get3A_1769 = arith.index_cast %get3A_1768 : i32 to index
    %get3A_1770 = arith.constant 96 : index
    %get3A_1771 = tpu.vector_load %arg6[%get3A_1769, %get3A_1770] {strides = array<i32>} : memref<26x128xi32, #tpu.memory_space<vmem>>, vector<1x16xi32>,
    %get3A_1772 = vector.shape_cast %get3A_1771 : vector<1x16xi32> to vector<16xi32>
    %add3A_1773 = arith.constant 16000 : i32
    %add3A_1774 = vector.broadcast %add3A_1773 : i32 to vector<16xi32>
    %add3A_1775 = arith.addi %get3A_1772, %add3A_1774 : vector<16xi32>
    %swap3A_1776 = arith.constant 16 : i32
    %swap3A_1777 = arith.index_cast %swap3A_1776 : i32 to index
    %swap3A_1778 = arith.constant 96 : index
    %swap3A_1779 = tpu.vector_load %arg6[%swap3A_1777, %swap3A_1778] {strides = array<i32>} : memref<26x128xi32, #tpu.memory_space<vmem>>, vector<1x16xi32>,
    %swap3A_1780 = vector.shape_cast %swap3A_1779 : vector<1x16xi32> to vector<16xi32>
    %swap3A_1781 = vector.shape_cast %add3A_1775 : vector<16xi32> to vector<1x16xi32>
    tpu.vector_store %arg6[%swap3A_1777, %swap3A_1778], %swap3A_1781 {strides = array<i32>} : memref<26x128xi32, #tpu.memory_space<vmem>>, vector<1x16xi32>,
    %get3A_1782 = arith.constant 16 : i32
    %get3A_1783 = arith.index_cast %get3A_1782 : i32 to index
    %get3A_1784 = arith.constant 112 : index
    %get3A_1785 = tpu.vector_load %arg6[%get3A_1783, %get3A_1784] {strides = array<i32>} : memref<26x128xi32, #tpu.memory_space<vmem>>, vector<1x16xi32>,
    %get3A_1786 = vector.shape_cast %get3A_1785 : vector<1x16xi32> to vector<16xi32>
    %add3A_1787 = arith.constant 16000 : i32
    %add3A_1788 = vector.broadcast %add3A_1787 : i32 to vector<16xi32>
    %add3A_1789 = arith.addi %get3A_1786, %add3A_1788 : vector<16xi32>
    %swap3A_1790 = arith.constant 16 : i32
    %swap3A_1791 = arith.index_cast %swap3A_1790 : i32 to index
    %swap3A_1792 = arith.constant 112 : index
    %swap3A_1793 = tpu.vector_load %arg6[%swap3A_1791, %swap3A_1792] {strides = array<i32>} : memref<26x128xi32, #tpu.memory_space<vmem>>, vector<1x16xi32>,
    %swap3A_1794 = vector.shape_cast %swap3A_1793 : vector<1x16xi32> to vector<16xi32>
    %swap3A_1795 = vector.shape_cast %add3A_1789 : vector<16xi32> to vector<1x16xi32>
    tpu.vector_store %arg6[%swap3A_1791, %swap3A_1792], %swap3A_1795 {strides = array<i32>} : memref<26x128xi32, #tpu.memory_space<vmem>>, vector<1x16xi32>,
    %get3A_1796 = arith.constant 17 : i32
    %get3A_1797 = arith.index_cast %get3A_1796 : i32 to index
    %get3A_1798 = arith.constant 0 : index
    %get3A_1799 = tpu.vector_load %arg6[%get3A_1797, %get3A_1798] {strides = array<i32>} : memref<26x128xi32, #tpu.memory_space<vmem>>, vector<1x16xi32>,
    %get3A_1800 = vector.shape_cast %get3A_1799 : vector<1x16xi32> to vector<16xi32>
    %add3A_1801 = arith.constant 17000 : i32
    %add3A_1802 = vector.broadcast %add3A_1801 : i32 to vector<16xi32>
    %add3A_1803 = arith.addi %get3A_1800, %add3A_1802 : vector<16xi32>
    %swap3A_1804 = arith.constant 17 : i32
    %swap3A_1805 = arith.index_cast %swap3A_1804 : i32 to index
    %swap3A_1806 = arith.constant 0 : index
    %swap3A_1807 = tpu.vector_load %arg6[%swap3A_1805, %swap3A_1806] {strides = array<i32>} : memref<26x128xi32, #tpu.memory_space<vmem>>, vector<1x16xi32>,
    %swap3A_1808 = vector.shape_cast %swap3A_1807 : vector<1x16xi32> to vector<16xi32>
    %swap3A_1809 = vector.shape_cast %add3A_1803 : vector<16xi32> to vector<1x16xi32>
    tpu.vector_store %arg6[%swap3A_1805, %swap3A_1806], %swap3A_1809 {strides = array<i32>} : memref<26x128xi32, #tpu.memory_space<vmem>>, vector<1x16xi32>,
    %get3A_1810 = arith.constant 17 : i32
    %get3A_1811 = arith.index_cast %get3A_1810 : i32 to index
    %get3A_1812 = arith.constant 16 : index
    %get3A_1813 = tpu.vector_load %arg6[%get3A_1811, %get3A_1812] {strides = array<i32>} : memref<26x128xi32, #tpu.memory_space<vmem>>, vector<1x16xi32>,
    %get3A_1814 = vector.shape_cast %get3A_1813 : vector<1x16xi32> to vector<16xi32>
    %add3A_1815 = arith.constant 17000 : i32
    %add3A_1816 = vector.broadcast %add3A_1815 : i32 to vector<16xi32>
    %add3A_1817 = arith.addi %get3A_1814, %add3A_1816 : vector<16xi32>
    %swap3A_1818 = arith.constant 17 : i32
    %swap3A_1819 = arith.index_cast %swap3A_1818 : i32 to index
    %swap3A_1820 = arith.constant 16 : index
    %swap3A_1821 = tpu.vector_load %arg6[%swap3A_1819, %swap3A_1820] {strides = array<i32>} : memref<26x128xi32, #tpu.memory_space<vmem>>, vector<1x16xi32>,
    %swap3A_1822 = vector.shape_cast %swap3A_1821 : vector<1x16xi32> to vector<16xi32>
    %swap3A_1823 = vector.shape_cast %add3A_1817 : vector<16xi32> to vector<1x16xi32>
    tpu.vector_store %arg6[%swap3A_1819, %swap3A_1820], %swap3A_1823 {strides = array<i32>} : memref<26x128xi32, #tpu.memory_space<vmem>>, vector<1x16xi32>,
    %get3A_1824 = arith.constant 17 : i32
    %get3A_1825 = arith.index_cast %get3A_1824 : i32 to index
    %get3A_1826 = arith.constant 32 : index
    %get3A_1827 = tpu.vector_load %arg6[%get3A_1825, %get3A_1826] {strides = array<i32>} : memref<26x128xi32, #tpu.memory_space<vmem>>, vector<1x16xi32>,
    %get3A_1828 = vector.shape_cast %get3A_1827 : vector<1x16xi32> to vector<16xi32>
    %add3A_1829 = arith.constant 17000 : i32
    %add3A_1830 = vector.broadcast %add3A_1829 : i32 to vector<16xi32>
    %add3A_1831 = arith.addi %get3A_1828, %add3A_1830 : vector<16xi32>
    %swap3A_1832 = arith.constant 17 : i32
    %swap3A_1833 = arith.index_cast %swap3A_1832 : i32 to index
    %swap3A_1834 = arith.constant 32 : index
    %swap3A_1835 = tpu.vector_load %arg6[%swap3A_1833, %swap3A_1834] {strides = array<i32>} : memref<26x128xi32, #tpu.memory_space<vmem>>, vector<1x16xi32>,
    %swap3A_1836 = vector.shape_cast %swap3A_1835 : vector<1x16xi32> to vector<16xi32>
    %swap3A_1837 = vector.shape_cast %add3A_1831 : vector<16xi32> to vector<1x16xi32>
    tpu.vector_store %arg6[%swap3A_1833, %swap3A_1834], %swap3A_1837 {strides = array<i32>} : memref<26x128xi32, #tpu.memory_space<vmem>>, vector<1x16xi32>,
    %get3A_1838 = arith.constant 17 : i32
    %get3A_1839 = arith.index_cast %get3A_1838 : i32 to index
    %get3A_1840 = arith.constant 48 : index
    %get3A_1841 = tpu.vector_load %arg6[%get3A_1839, %get3A_1840] {strides = array<i32>} : memref<26x128xi32, #tpu.memory_space<vmem>>, vector<1x16xi32>,
    %get3A_1842 = vector.shape_cast %get3A_1841 : vector<1x16xi32> to vector<16xi32>
    %add3A_1843 = arith.constant 17000 : i32
    %add3A_1844 = vector.broadcast %add3A_1843 : i32 to vector<16xi32>
    %add3A_1845 = arith.addi %get3A_1842, %add3A_1844 : vector<16xi32>
    %swap3A_1846 = arith.constant 17 : i32
    %swap3A_1847 = arith.index_cast %swap3A_1846 : i32 to index
    %swap3A_1848 = arith.constant 48 : index
    %swap3A_1849 = tpu.vector_load %arg6[%swap3A_1847, %swap3A_1848] {strides = array<i32>} : memref<26x128xi32, #tpu.memory_space<vmem>>, vector<1x16xi32>,
    %swap3A_1850 = vector.shape_cast %swap3A_1849 : vector<1x16xi32> to vector<16xi32>
    %swap3A_1851 = vector.shape_cast %add3A_1845 : vector<16xi32> to vector<1x16xi32>
    tpu.vector_store %arg6[%swap3A_1847, %swap3A_1848], %swap3A_1851 {strides = array<i32>} : memref<26x128xi32, #tpu.memory_space<vmem>>, vector<1x16xi32>,
    %get3A_1852 = arith.constant 17 : i32
    %get3A_1853 = arith.index_cast %get3A_1852 : i32 to index
    %get3A_1854 = arith.constant 64 : index
    %get3A_1855 = tpu.vector_load %arg6[%get3A_1853, %get3A_1854] {strides = array<i32>} : memref<26x128xi32, #tpu.memory_space<vmem>>, vector<1x16xi32>,
    %get3A_1856 = vector.shape_cast %get3A_1855 : vector<1x16xi32> to vector<16xi32>
    %add3A_1857 = arith.constant 17000 : i32
    %add3A_1858 = vector.broadcast %add3A_1857 : i32 to vector<16xi32>
    %add3A_1859 = arith.addi %get3A_1856, %add3A_1858 : vector<16xi32>
    %swap3A_1860 = arith.constant 17 : i32
    %swap3A_1861 = arith.index_cast %swap3A_1860 : i32 to index
    %swap3A_1862 = arith.constant 64 : index
    %swap3A_1863 = tpu.vector_load %arg6[%swap3A_1861, %swap3A_1862] {strides = array<i32>} : memref<26x128xi32, #tpu.memory_space<vmem>>, vector<1x16xi32>,
    %swap3A_1864 = vector.shape_cast %swap3A_1863 : vector<1x16xi32> to vector<16xi32>
    %swap3A_1865 = vector.shape_cast %add3A_1859 : vector<16xi32> to vector<1x16xi32>
    tpu.vector_store %arg6[%swap3A_1861, %swap3A_1862], %swap3A_1865 {strides = array<i32>} : memref<26x128xi32, #tpu.memory_space<vmem>>, vector<1x16xi32>,
    %get3A_1866 = arith.constant 17 : i32
    %get3A_1867 = arith.index_cast %get3A_1866 : i32 to index
    %get3A_1868 = arith.constant 80 : index
    %get3A_1869 = tpu.vector_load %arg6[%get3A_1867, %get3A_1868] {strides = array<i32>} : memref<26x128xi32, #tpu.memory_space<vmem>>, vector<1x16xi32>,
    %get3A_1870 = vector.shape_cast %get3A_1869 : vector<1x16xi32> to vector<16xi32>
    %add3A_1871 = arith.constant 17000 : i32
    %add3A_1872 = vector.broadcast %add3A_1871 : i32 to vector<16xi32>
    %add3A_1873 = arith.addi %get3A_1870, %add3A_1872 : vector<16xi32>
    %swap3A_1874 = arith.constant 17 : i32
    %swap3A_1875 = arith.index_cast %swap3A_1874 : i32 to index
    %swap3A_1876 = arith.constant 80 : index
    %swap3A_1877 = tpu.vector_load %arg6[%swap3A_1875, %swap3A_1876] {strides = array<i32>} : memref<26x128xi32, #tpu.memory_space<vmem>>, vector<1x16xi32>,
    %swap3A_1878 = vector.shape_cast %swap3A_1877 : vector<1x16xi32> to vector<16xi32>
    %swap3A_1879 = vector.shape_cast %add3A_1873 : vector<16xi32> to vector<1x16xi32>
    tpu.vector_store %arg6[%swap3A_1875, %swap3A_1876], %swap3A_1879 {strides = array<i32>} : memref<26x128xi32, #tpu.memory_space<vmem>>, vector<1x16xi32>,
    %get3A_1880 = arith.constant 17 : i32
    %get3A_1881 = arith.index_cast %get3A_1880 : i32 to index
    %get3A_1882 = arith.constant 96 : index
    %get3A_1883 = tpu.vector_load %arg6[%get3A_1881, %get3A_1882] {strides = array<i32>} : memref<26x128xi32, #tpu.memory_space<vmem>>, vector<1x16xi32>,
    %get3A_1884 = vector.shape_cast %get3A_1883 : vector<1x16xi32> to vector<16xi32>
    %add3A_1885 = arith.constant 17000 : i32
    %add3A_1886 = vector.broadcast %add3A_1885 : i32 to vector<16xi32>
    %add3A_1887 = arith.addi %get3A_1884, %add3A_1886 : vector<16xi32>
    %swap3A_1888 = arith.constant 17 : i32
    %swap3A_1889 = arith.index_cast %swap3A_1888 : i32 to index
    %swap3A_1890 = arith.constant 96 : index
    %swap3A_1891 = tpu.vector_load %arg6[%swap3A_1889, %swap3A_1890] {strides = array<i32>} : memref<26x128xi32, #tpu.memory_space<vmem>>, vector<1x16xi32>,
    %swap3A_1892 = vector.shape_cast %swap3A_1891 : vector<1x16xi32> to vector<16xi32>
    %swap3A_1893 = vector.shape_cast %add3A_1887 : vector<16xi32> to vector<1x16xi32>
    tpu.vector_store %arg6[%swap3A_1889, %swap3A_1890], %swap3A_1893 {strides = array<i32>} : memref<26x128xi32, #tpu.memory_space<vmem>>, vector<1x16xi32>,
    %get3A_1894 = arith.constant 17 : i32
    %get3A_1895 = arith.index_cast %get3A_1894 : i32 to index
    %get3A_1896 = arith.constant 112 : index
    %get3A_1897 = tpu.vector_load %arg6[%get3A_1895, %get3A_1896] {strides = array<i32>} : memref<26x128xi32, #tpu.memory_space<vmem>>, vector<1x16xi32>,
    %get3A_1898 = vector.shape_cast %get3A_1897 : vector<1x16xi32> to vector<16xi32>
    %add3A_1899 = arith.constant 17000 : i32
    %add3A_1900 = vector.broadcast %add3A_1899 : i32 to vector<16xi32>
    %add3A_1901 = arith.addi %get3A_1898, %add3A_1900 : vector<16xi32>
    %swap3A_1902 = arith.constant 17 : i32
    %swap3A_1903 = arith.index_cast %swap3A_1902 : i32 to index
    %swap3A_1904 = arith.constant 112 : index
    %swap3A_1905 = tpu.vector_load %arg6[%swap3A_1903, %swap3A_1904] {strides = array<i32>} : memref<26x128xi32, #tpu.memory_space<vmem>>, vector<1x16xi32>,
    %swap3A_1906 = vector.shape_cast %swap3A_1905 : vector<1x16xi32> to vector<16xi32>
    %swap3A_1907 = vector.shape_cast %add3A_1901 : vector<16xi32> to vector<1x16xi32>
    tpu.vector_store %arg6[%swap3A_1903, %swap3A_1904], %swap3A_1907 {strides = array<i32>} : memref<26x128xi32, #tpu.memory_space<vmem>>, vector<1x16xi32>,
    %get3A_1908 = arith.constant 18 : i32
    %get3A_1909 = arith.index_cast %get3A_1908 : i32 to index
    %get3A_1910 = arith.constant 0 : index
    %get3A_1911 = tpu.vector_load %arg6[%get3A_1909, %get3A_1910] {strides = array<i32>} : memref<26x128xi32, #tpu.memory_space<vmem>>, vector<1x16xi32>,
    %get3A_1912 = vector.shape_cast %get3A_1911 : vector<1x16xi32> to vector<16xi32>
    %add3A_1913 = arith.constant 18000 : i32
    %add3A_1914 = vector.broadcast %add3A_1913 : i32 to vector<16xi32>
    %add3A_1915 = arith.addi %get3A_1912, %add3A_1914 : vector<16xi32>
    %swap3A_1916 = arith.constant 18 : i32
    %swap3A_1917 = arith.index_cast %swap3A_1916 : i32 to index
    %swap3A_1918 = arith.constant 0 : index
    %swap3A_1919 = tpu.vector_load %arg6[%swap3A_1917, %swap3A_1918] {strides = array<i32>} : memref<26x128xi32, #tpu.memory_space<vmem>>, vector<1x16xi32>,
    %swap3A_1920 = vector.shape_cast %swap3A_1919 : vector<1x16xi32> to vector<16xi32>
    %swap3A_1921 = vector.shape_cast %add3A_1915 : vector<16xi32> to vector<1x16xi32>
    tpu.vector_store %arg6[%swap3A_1917, %swap3A_1918], %swap3A_1921 {strides = array<i32>} : memref<26x128xi32, #tpu.memory_space<vmem>>, vector<1x16xi32>,
    %get3A_1922 = arith.constant 18 : i32
    %get3A_1923 = arith.index_cast %get3A_1922 : i32 to index
    %get3A_1924 = arith.constant 16 : index
    %get3A_1925 = tpu.vector_load %arg6[%get3A_1923, %get3A_1924] {strides = array<i32>} : memref<26x128xi32, #tpu.memory_space<vmem>>, vector<1x16xi32>,
    %get3A_1926 = vector.shape_cast %get3A_1925 : vector<1x16xi32> to vector<16xi32>
    %add3A_1927 = arith.constant 18000 : i32
    %add3A_1928 = vector.broadcast %add3A_1927 : i32 to vector<16xi32>
    %add3A_1929 = arith.addi %get3A_1926, %add3A_1928 : vector<16xi32>
    %swap3A_1930 = arith.constant 18 : i32
    %swap3A_1931 = arith.index_cast %swap3A_1930 : i32 to index
    %swap3A_1932 = arith.constant 16 : index
    %swap3A_1933 = tpu.vector_load %arg6[%swap3A_1931, %swap3A_1932] {strides = array<i32>} : memref<26x128xi32, #tpu.memory_space<vmem>>, vector<1x16xi32>,
    %swap3A_1934 = vector.shape_cast %swap3A_1933 : vector<1x16xi32> to vector<16xi32>
    %swap3A_1935 = vector.shape_cast %add3A_1929 : vector<16xi32> to vector<1x16xi32>
    tpu.vector_store %arg6[%swap3A_1931, %swap3A_1932], %swap3A_1935 {strides = array<i32>} : memref<26x128xi32, #tpu.memory_space<vmem>>, vector<1x16xi32>,
    %get3A_1936 = arith.constant 18 : i32
    %get3A_1937 = arith.index_cast %get3A_1936 : i32 to index
    %get3A_1938 = arith.constant 32 : index
    %get3A_1939 = tpu.vector_load %arg6[%get3A_1937, %get3A_1938] {strides = array<i32>} : memref<26x128xi32, #tpu.memory_space<vmem>>, vector<1x16xi32>,
    %get3A_1940 = vector.shape_cast %get3A_1939 : vector<1x16xi32> to vector<16xi32>
    %add3A_1941 = arith.constant 18000 : i32
    %add3A_1942 = vector.broadcast %add3A_1941 : i32 to vector<16xi32>
    %add3A_1943 = arith.addi %get3A_1940, %add3A_1942 : vector<16xi32>
    %swap3A_1944 = arith.constant 18 : i32
    %swap3A_1945 = arith.index_cast %swap3A_1944 : i32 to index
    %swap3A_1946 = arith.constant 32 : index
    %swap3A_1947 = tpu.vector_load %arg6[%swap3A_1945, %swap3A_1946] {strides = array<i32>} : memref<26x128xi32, #tpu.memory_space<vmem>>, vector<1x16xi32>,
    %swap3A_1948 = vector.shape_cast %swap3A_1947 : vector<1x16xi32> to vector<16xi32>
    %swap3A_1949 = vector.shape_cast %add3A_1943 : vector<16xi32> to vector<1x16xi32>
    tpu.vector_store %arg6[%swap3A_1945, %swap3A_1946], %swap3A_1949 {strides = array<i32>} : memref<26x128xi32, #tpu.memory_space<vmem>>, vector<1x16xi32>,
    %get3A_1950 = arith.constant 18 : i32
    %get3A_1951 = arith.index_cast %get3A_1950 : i32 to index
    %get3A_1952 = arith.constant 48 : index
    %get3A_1953 = tpu.vector_load %arg6[%get3A_1951, %get3A_1952] {strides = array<i32>} : memref<26x128xi32, #tpu.memory_space<vmem>>, vector<1x16xi32>,
    %get3A_1954 = vector.shape_cast %get3A_1953 : vector<1x16xi32> to vector<16xi32>
    %add3A_1955 = arith.constant 18000 : i32
    %add3A_1956 = vector.broadcast %add3A_1955 : i32 to vector<16xi32>
    %add3A_1957 = arith.addi %get3A_1954, %add3A_1956 : vector<16xi32>
    %swap3A_1958 = arith.constant 18 : i32
    %swap3A_1959 = arith.index_cast %swap3A_1958 : i32 to index
    %swap3A_1960 = arith.constant 48 : index
    %swap3A_1961 = tpu.vector_load %arg6[%swap3A_1959, %swap3A_1960] {strides = array<i32>} : memref<26x128xi32, #tpu.memory_space<vmem>>, vector<1x16xi32>,
    %swap3A_1962 = vector.shape_cast %swap3A_1961 : vector<1x16xi32> to vector<16xi32>
    %swap3A_1963 = vector.shape_cast %add3A_1957 : vector<16xi32> to vector<1x16xi32>
    tpu.vector_store %arg6[%swap3A_1959, %swap3A_1960], %swap3A_1963 {strides = array<i32>} : memref<26x128xi32, #tpu.memory_space<vmem>>, vector<1x16xi32>,
    %get3A_1964 = arith.constant 18 : i32
    %get3A_1965 = arith.index_cast %get3A_1964 : i32 to index
    %get3A_1966 = arith.constant 64 : index
    %get3A_1967 = tpu.vector_load %arg6[%get3A_1965, %get3A_1966] {strides = array<i32>} : memref<26x128xi32, #tpu.memory_space<vmem>>, vector<1x16xi32>,
    %get3A_1968 = vector.shape_cast %get3A_1967 : vector<1x16xi32> to vector<16xi32>
    %add3A_1969 = arith.constant 18000 : i32
    %add3A_1970 = vector.broadcast %add3A_1969 : i32 to vector<16xi32>
    %add3A_1971 = arith.addi %get3A_1968, %add3A_1970 : vector<16xi32>
    %swap3A_1972 = arith.constant 18 : i32
    %swap3A_1973 = arith.index_cast %swap3A_1972 : i32 to index
    %swap3A_1974 = arith.constant 64 : index
    %swap3A_1975 = tpu.vector_load %arg6[%swap3A_1973, %swap3A_1974] {strides = array<i32>} : memref<26x128xi32, #tpu.memory_space<vmem>>, vector<1x16xi32>,
    %swap3A_1976 = vector.shape_cast %swap3A_1975 : vector<1x16xi32> to vector<16xi32>
    %swap3A_1977 = vector.shape_cast %add3A_1971 : vector<16xi32> to vector<1x16xi32>
    tpu.vector_store %arg6[%swap3A_1973, %swap3A_1974], %swap3A_1977 {strides = array<i32>} : memref<26x128xi32, #tpu.memory_space<vmem>>, vector<1x16xi32>,
    %get3A_1978 = arith.constant 18 : i32
    %get3A_1979 = arith.index_cast %get3A_1978 : i32 to index
    %get3A_1980 = arith.constant 80 : index
    %get3A_1981 = tpu.vector_load %arg6[%get3A_1979, %get3A_1980] {strides = array<i32>} : memref<26x128xi32, #tpu.memory_space<vmem>>, vector<1x16xi32>,
    %get3A_1982 = vector.shape_cast %get3A_1981 : vector<1x16xi32> to vector<16xi32>
    %add3A_1983 = arith.constant 18000 : i32
    %add3A_1984 = vector.broadcast %add3A_1983 : i32 to vector<16xi32>
    %add3A_1985 = arith.addi %get3A_1982, %add3A_1984 : vector<16xi32>
    %swap3A_1986 = arith.constant 18 : i32
    %swap3A_1987 = arith.index_cast %swap3A_1986 : i32 to index
    %swap3A_1988 = arith.constant 80 : index
    %swap3A_1989 = tpu.vector_load %arg6[%swap3A_1987, %swap3A_1988] {strides = array<i32>} : memref<26x128xi32, #tpu.memory_space<vmem>>, vector<1x16xi32>,
    %swap3A_1990 = vector.shape_cast %swap3A_1989 : vector<1x16xi32> to vector<16xi32>
    %swap3A_1991 = vector.shape_cast %add3A_1985 : vector<16xi32> to vector<1x16xi32>
    tpu.vector_store %arg6[%swap3A_1987, %swap3A_1988], %swap3A_1991 {strides = array<i32>} : memref<26x128xi32, #tpu.memory_space<vmem>>, vector<1x16xi32>,
    %get3A_1992 = arith.constant 18 : i32
    %get3A_1993 = arith.index_cast %get3A_1992 : i32 to index
    %get3A_1994 = arith.constant 96 : index
    %get3A_1995 = tpu.vector_load %arg6[%get3A_1993, %get3A_1994] {strides = array<i32>} : memref<26x128xi32, #tpu.memory_space<vmem>>, vector<1x16xi32>,
    %get3A_1996 = vector.shape_cast %get3A_1995 : vector<1x16xi32> to vector<16xi32>
    %add3A_1997 = arith.constant 18000 : i32
    %add3A_1998 = vector.broadcast %add3A_1997 : i32 to vector<16xi32>
    %add3A_1999 = arith.addi %get3A_1996, %add3A_1998 : vector<16xi32>
    %swap3A_2000 = arith.constant 18 : i32
    %swap3A_2001 = arith.index_cast %swap3A_2000 : i32 to index
    %swap3A_2002 = arith.constant 96 : index
    %swap3A_2003 = tpu.vector_load %arg6[%swap3A_2001, %swap3A_2002] {strides = array<i32>} : memref<26x128xi32, #tpu.memory_space<vmem>>, vector<1x16xi32>,
    %swap3A_2004 = vector.shape_cast %swap3A_2003 : vector<1x16xi32> to vector<16xi32>
    %swap3A_2005 = vector.shape_cast %add3A_1999 : vector<16xi32> to vector<1x16xi32>
    tpu.vector_store %arg6[%swap3A_2001, %swap3A_2002], %swap3A_2005 {strides = array<i32>} : memref<26x128xi32, #tpu.memory_space<vmem>>, vector<1x16xi32>,
    %get3A_2006 = arith.constant 18 : i32
    %get3A_2007 = arith.index_cast %get3A_2006 : i32 to index
    %get3A_2008 = arith.constant 112 : index
    %get3A_2009 = tpu.vector_load %arg6[%get3A_2007, %get3A_2008] {strides = array<i32>} : memref<26x128xi32, #tpu.memory_space<vmem>>, vector<1x16xi32>,
    %get3A_2010 = vector.shape_cast %get3A_2009 : vector<1x16xi32> to vector<16xi32>
    %add3A_2011 = arith.constant 18000 : i32
    %add3A_2012 = vector.broadcast %add3A_2011 : i32 to vector<16xi32>
    %add3A_2013 = arith.addi %get3A_2010, %add3A_2012 : vector<16xi32>
    %swap3A_2014 = arith.constant 18 : i32
    %swap3A_2015 = arith.index_cast %swap3A_2014 : i32 to index
    %swap3A_2016 = arith.constant 112 : index
    %swap3A_2017 = tpu.vector_load %arg6[%swap3A_2015, %swap3A_2016] {strides = array<i32>} : memref<26x128xi32, #tpu.memory_space<vmem>>, vector<1x16xi32>,
    %swap3A_2018 = vector.shape_cast %swap3A_2017 : vector<1x16xi32> to vector<16xi32>
    %swap3A_2019 = vector.shape_cast %add3A_2013 : vector<16xi32> to vector<1x16xi32>
    tpu.vector_store %arg6[%swap3A_2015, %swap3A_2016], %swap3A_2019 {strides = array<i32>} : memref<26x128xi32, #tpu.memory_space<vmem>>, vector<1x16xi32>,
    %get3A_2020 = arith.constant 19 : i32
    %get3A_2021 = arith.index_cast %get3A_2020 : i32 to index
    %get3A_2022 = arith.constant 0 : index
    %get3A_2023 = tpu.vector_load %arg6[%get3A_2021, %get3A_2022] {strides = array<i32>} : memref<26x128xi32, #tpu.memory_space<vmem>>, vector<1x16xi32>,
    %get3A_2024 = vector.shape_cast %get3A_2023 : vector<1x16xi32> to vector<16xi32>
    %add3A_2025 = arith.constant 19000 : i32
    %add3A_2026 = vector.broadcast %add3A_2025 : i32 to vector<16xi32>
    %add3A_2027 = arith.addi %get3A_2024, %add3A_2026 : vector<16xi32>
    %swap3A_2028 = arith.constant 19 : i32
    %swap3A_2029 = arith.index_cast %swap3A_2028 : i32 to index
    %swap3A_2030 = arith.constant 0 : index
    %swap3A_2031 = tpu.vector_load %arg6[%swap3A_2029, %swap3A_2030] {strides = array<i32>} : memref<26x128xi32, #tpu.memory_space<vmem>>, vector<1x16xi32>,
    %swap3A_2032 = vector.shape_cast %swap3A_2031 : vector<1x16xi32> to vector<16xi32>
    %swap3A_2033 = vector.shape_cast %add3A_2027 : vector<16xi32> to vector<1x16xi32>
    tpu.vector_store %arg6[%swap3A_2029, %swap3A_2030], %swap3A_2033 {strides = array<i32>} : memref<26x128xi32, #tpu.memory_space<vmem>>, vector<1x16xi32>,
    %get3A_2034 = arith.constant 19 : i32
    %get3A_2035 = arith.index_cast %get3A_2034 : i32 to index
    %get3A_2036 = arith.constant 16 : index
    %get3A_2037 = tpu.vector_load %arg6[%get3A_2035, %get3A_2036] {strides = array<i32>} : memref<26x128xi32, #tpu.memory_space<vmem>>, vector<1x16xi32>,
    %get3A_2038 = vector.shape_cast %get3A_2037 : vector<1x16xi32> to vector<16xi32>
    %add3A_2039 = arith.constant 19000 : i32
    %add3A_2040 = vector.broadcast %add3A_2039 : i32 to vector<16xi32>
    %add3A_2041 = arith.addi %get3A_2038, %add3A_2040 : vector<16xi32>
    %swap3A_2042 = arith.constant 19 : i32
    %swap3A_2043 = arith.index_cast %swap3A_2042 : i32 to index
    %swap3A_2044 = arith.constant 16 : index
    %swap3A_2045 = tpu.vector_load %arg6[%swap3A_2043, %swap3A_2044] {strides = array<i32>} : memref<26x128xi32, #tpu.memory_space<vmem>>, vector<1x16xi32>,
    %swap3A_2046 = vector.shape_cast %swap3A_2045 : vector<1x16xi32> to vector<16xi32>
    %swap3A_2047 = vector.shape_cast %add3A_2041 : vector<16xi32> to vector<1x16xi32>
    tpu.vector_store %arg6[%swap3A_2043, %swap3A_2044], %swap3A_2047 {strides = array<i32>} : memref<26x128xi32, #tpu.memory_space<vmem>>, vector<1x16xi32>,
    %get3A_2048 = arith.constant 19 : i32
    %get3A_2049 = arith.index_cast %get3A_2048 : i32 to index
    %get3A_2050 = arith.constant 32 : index
    %get3A_2051 = tpu.vector_load %arg6[%get3A_2049, %get3A_2050] {strides = array<i32>} : memref<26x128xi32, #tpu.memory_space<vmem>>, vector<1x16xi32>,
    %get3A_2052 = vector.shape_cast %get3A_2051 : vector<1x16xi32> to vector<16xi32>
    %add3A_2053 = arith.constant 19000 : i32
    %add3A_2054 = vector.broadcast %add3A_2053 : i32 to vector<16xi32>
    %add3A_2055 = arith.addi %get3A_2052, %add3A_2054 : vector<16xi32>
    %swap3A_2056 = arith.constant 19 : i32
    %swap3A_2057 = arith.index_cast %swap3A_2056 : i32 to index
    %swap3A_2058 = arith.constant 32 : index
    %swap3A_2059 = tpu.vector_load %arg6[%swap3A_2057, %swap3A_2058] {strides = array<i32>} : memref<26x128xi32, #tpu.memory_space<vmem>>, vector<1x16xi32>,
    %swap3A_2060 = vector.shape_cast %swap3A_2059 : vector<1x16xi32> to vector<16xi32>
    %swap3A_2061 = vector.shape_cast %add3A_2055 : vector<16xi32> to vector<1x16xi32>
    tpu.vector_store %arg6[%swap3A_2057, %swap3A_2058], %swap3A_2061 {strides = array<i32>} : memref<26x128xi32, #tpu.memory_space<vmem>>, vector<1x16xi32>,
    %get3A_2062 = arith.constant 19 : i32
    %get3A_2063 = arith.index_cast %get3A_2062 : i32 to index
    %get3A_2064 = arith.constant 48 : index
    %get3A_2065 = tpu.vector_load %arg6[%get3A_2063, %get3A_2064] {strides = array<i32>} : memref<26x128xi32, #tpu.memory_space<vmem>>, vector<1x16xi32>,
    %get3A_2066 = vector.shape_cast %get3A_2065 : vector<1x16xi32> to vector<16xi32>
    %add3A_2067 = arith.constant 19000 : i32
    %add3A_2068 = vector.broadcast %add3A_2067 : i32 to vector<16xi32>
    %add3A_2069 = arith.addi %get3A_2066, %add3A_2068 : vector<16xi32>
    %swap3A_2070 = arith.constant 19 : i32
    %swap3A_2071 = arith.index_cast %swap3A_2070 : i32 to index
    %swap3A_2072 = arith.constant 48 : index
    %swap3A_2073 = tpu.vector_load %arg6[%swap3A_2071, %swap3A_2072] {strides = array<i32>} : memref<26x128xi32, #tpu.memory_space<vmem>>, vector<1x16xi32>,
    %swap3A_2074 = vector.shape_cast %swap3A_2073 : vector<1x16xi32> to vector<16xi32>
    %swap3A_2075 = vector.shape_cast %add3A_2069 : vector<16xi32> to vector<1x16xi32>
    tpu.vector_store %arg6[%swap3A_2071, %swap3A_2072], %swap3A_2075 {strides = array<i32>} : memref<26x128xi32, #tpu.memory_space<vmem>>, vector<1x16xi32>,
    %get3A_2076 = arith.constant 19 : i32
    %get3A_2077 = arith.index_cast %get3A_2076 : i32 to index
    %get3A_2078 = arith.constant 64 : index
    %get3A_2079 = tpu.vector_load %arg6[%get3A_2077, %get3A_2078] {strides = array<i32>} : memref<26x128xi32, #tpu.memory_space<vmem>>, vector<1x16xi32>,
    %get3A_2080 = vector.shape_cast %get3A_2079 : vector<1x16xi32> to vector<16xi32>
    %add3A_2081 = arith.constant 19000 : i32
    %add3A_2082 = vector.broadcast %add3A_2081 : i32 to vector<16xi32>
    %add3A_2083 = arith.addi %get3A_2080, %add3A_2082 : vector<16xi32>
    %swap3A_2084 = arith.constant 19 : i32
    %swap3A_2085 = arith.index_cast %swap3A_2084 : i32 to index
    %swap3A_2086 = arith.constant 64 : index
    %swap3A_2087 = tpu.vector_load %arg6[%swap3A_2085, %swap3A_2086] {strides = array<i32>} : memref<26x128xi32, #tpu.memory_space<vmem>>, vector<1x16xi32>,
    %swap3A_2088 = vector.shape_cast %swap3A_2087 : vector<1x16xi32> to vector<16xi32>
    %swap3A_2089 = vector.shape_cast %add3A_2083 : vector<16xi32> to vector<1x16xi32>
    tpu.vector_store %arg6[%swap3A_2085, %swap3A_2086], %swap3A_2089 {strides = array<i32>} : memref<26x128xi32, #tpu.memory_space<vmem>>, vector<1x16xi32>,
    %get3A_2090 = arith.constant 19 : i32
    %get3A_2091 = arith.index_cast %get3A_2090 : i32 to index
    %get3A_2092 = arith.constant 80 : index
    %get3A_2093 = tpu.vector_load %arg6[%get3A_2091, %get3A_2092] {strides = array<i32>} : memref<26x128xi32, #tpu.memory_space<vmem>>, vector<1x16xi32>,
    %get3A_2094 = vector.shape_cast %get3A_2093 : vector<1x16xi32> to vector<16xi32>
    %add3A_2095 = arith.constant 19000 : i32
    %add3A_2096 = vector.broadcast %add3A_2095 : i32 to vector<16xi32>
    %add3A_2097 = arith.addi %get3A_2094, %add3A_2096 : vector<16xi32>
    %swap3A_2098 = arith.constant 19 : i32
    %swap3A_2099 = arith.index_cast %swap3A_2098 : i32 to index
    %swap3A_2100 = arith.constant 80 : index
    %swap3A_2101 = tpu.vector_load %arg6[%swap3A_2099, %swap3A_2100] {strides = array<i32>} : memref<26x128xi32, #tpu.memory_space<vmem>>, vector<1x16xi32>,
    %swap3A_2102 = vector.shape_cast %swap3A_2101 : vector<1x16xi32> to vector<16xi32>
    %swap3A_2103 = vector.shape_cast %add3A_2097 : vector<16xi32> to vector<1x16xi32>
    tpu.vector_store %arg6[%swap3A_2099, %swap3A_2100], %swap3A_2103 {strides = array<i32>} : memref<26x128xi32, #tpu.memory_space<vmem>>, vector<1x16xi32>,
    %get3A_2104 = arith.constant 19 : i32
    %get3A_2105 = arith.index_cast %get3A_2104 : i32 to index
    %get3A_2106 = arith.constant 96 : index
    %get3A_2107 = tpu.vector_load %arg6[%get3A_2105, %get3A_2106] {strides = array<i32>} : memref<26x128xi32, #tpu.memory_space<vmem>>, vector<1x16xi32>,
    %get3A_2108 = vector.shape_cast %get3A_2107 : vector<1x16xi32> to vector<16xi32>
    %add3A_2109 = arith.constant 19000 : i32
    %add3A_2110 = vector.broadcast %add3A_2109 : i32 to vector<16xi32>
    %add3A_2111 = arith.addi %get3A_2108, %add3A_2110 : vector<16xi32>
    %swap3A_2112 = arith.constant 19 : i32
    %swap3A_2113 = arith.index_cast %swap3A_2112 : i32 to index
    %swap3A_2114 = arith.constant 96 : index
    %swap3A_2115 = tpu.vector_load %arg6[%swap3A_2113, %swap3A_2114] {strides = array<i32>} : memref<26x128xi32, #tpu.memory_space<vmem>>, vector<1x16xi32>,
    %swap3A_2116 = vector.shape_cast %swap3A_2115 : vector<1x16xi32> to vector<16xi32>
    %swap3A_2117 = vector.shape_cast %add3A_2111 : vector<16xi32> to vector<1x16xi32>
    tpu.vector_store %arg6[%swap3A_2113, %swap3A_2114], %swap3A_2117 {strides = array<i32>} : memref<26x128xi32, #tpu.memory_space<vmem>>, vector<1x16xi32>,
    %get3A_2118 = arith.constant 19 : i32
    %get3A_2119 = arith.index_cast %get3A_2118 : i32 to index
    %get3A_2120 = arith.constant 112 : index
    %get3A_2121 = tpu.vector_load %arg6[%get3A_2119, %get3A_2120] {strides = array<i32>} : memref<26x128xi32, #tpu.memory_space<vmem>>, vector<1x16xi32>,
    %get3A_2122 = vector.shape_cast %get3A_2121 : vector<1x16xi32> to vector<16xi32>
    %add3A_2123 = arith.constant 19000 : i32
    %add3A_2124 = vector.broadcast %add3A_2123 : i32 to vector<16xi32>
    %add3A_2125 = arith.addi %get3A_2122, %add3A_2124 : vector<16xi32>
    %swap3A_2126 = arith.constant 19 : i32
    %swap3A_2127 = arith.index_cast %swap3A_2126 : i32 to index
    %swap3A_2128 = arith.constant 112 : index
    %swap3A_2129 = tpu.vector_load %arg6[%swap3A_2127, %swap3A_2128] {strides = array<i32>} : memref<26x128xi32, #tpu.memory_space<vmem>>, vector<1x16xi32>,
    %swap3A_2130 = vector.shape_cast %swap3A_2129 : vector<1x16xi32> to vector<16xi32>
    %swap3A_2131 = vector.shape_cast %add3A_2125 : vector<16xi32> to vector<1x16xi32>
    tpu.vector_store %arg6[%swap3A_2127, %swap3A_2128], %swap3A_2131 {strides = array<i32>} : memref<26x128xi32, #tpu.memory_space<vmem>>, vector<1x16xi32>,
    %get3A_2132 = arith.constant 20 : i32
    %get3A_2133 = arith.index_cast %get3A_2132 : i32 to index
    %get3A_2134 = arith.constant 0 : index
    %get3A_2135 = tpu.vector_load %arg6[%get3A_2133, %get3A_2134] {strides = array<i32>} : memref<26x128xi32, #tpu.memory_space<vmem>>, vector<1x16xi32>,
    %get3A_2136 = vector.shape_cast %get3A_2135 : vector<1x16xi32> to vector<16xi32>
    %add3A_2137 = arith.constant 20000 : i32
    %add3A_2138 = vector.broadcast %add3A_2137 : i32 to vector<16xi32>
    %add3A_2139 = arith.addi %get3A_2136, %add3A_2138 : vector<16xi32>
    %swap3A_2140 = arith.constant 20 : i32
    %swap3A_2141 = arith.index_cast %swap3A_2140 : i32 to index
    %swap3A_2142 = arith.constant 0 : index
    %swap3A_2143 = tpu.vector_load %arg6[%swap3A_2141, %swap3A_2142] {strides = array<i32>} : memref<26x128xi32, #tpu.memory_space<vmem>>, vector<1x16xi32>,
    %swap3A_2144 = vector.shape_cast %swap3A_2143 : vector<1x16xi32> to vector<16xi32>
    %swap3A_2145 = vector.shape_cast %add3A_2139 : vector<16xi32> to vector<1x16xi32>
    tpu.vector_store %arg6[%swap3A_2141, %swap3A_2142], %swap3A_2145 {strides = array<i32>} : memref<26x128xi32, #tpu.memory_space<vmem>>, vector<1x16xi32>,
    %get3A_2146 = arith.constant 20 : i32
    %get3A_2147 = arith.index_cast %get3A_2146 : i32 to index
    %get3A_2148 = arith.constant 16 : index
    %get3A_2149 = tpu.vector_load %arg6[%get3A_2147, %get3A_2148] {strides = array<i32>} : memref<26x128xi32, #tpu.memory_space<vmem>>, vector<1x16xi32>,
    %get3A_2150 = vector.shape_cast %get3A_2149 : vector<1x16xi32> to vector<16xi32>
    %add3A_2151 = arith.constant 20000 : i32
    %add3A_2152 = vector.broadcast %add3A_2151 : i32 to vector<16xi32>
    %add3A_2153 = arith.addi %get3A_2150, %add3A_2152 : vector<16xi32>
    %swap3A_2154 = arith.constant 20 : i32
    %swap3A_2155 = arith.index_cast %swap3A_2154 : i32 to index
    %swap3A_2156 = arith.constant 16 : index
    %swap3A_2157 = tpu.vector_load %arg6[%swap3A_2155, %swap3A_2156] {strides = array<i32>} : memref<26x128xi32, #tpu.memory_space<vmem>>, vector<1x16xi32>,
    %swap3A_2158 = vector.shape_cast %swap3A_2157 : vector<1x16xi32> to vector<16xi32>
    %swap3A_2159 = vector.shape_cast %add3A_2153 : vector<16xi32> to vector<1x16xi32>
    tpu.vector_store %arg6[%swap3A_2155, %swap3A_2156], %swap3A_2159 {strides = array<i32>} : memref<26x128xi32, #tpu.memory_space<vmem>>, vector<1x16xi32>,
    %get3A_2160 = arith.constant 20 : i32
    %get3A_2161 = arith.index_cast %get3A_2160 : i32 to index
    %get3A_2162 = arith.constant 32 : index
    %get3A_2163 = tpu.vector_load %arg6[%get3A_2161, %get3A_2162] {strides = array<i32>} : memref<26x128xi32, #tpu.memory_space<vmem>>, vector<1x16xi32>,
    %get3A_2164 = vector.shape_cast %get3A_2163 : vector<1x16xi32> to vector<16xi32>
    %add3A_2165 = arith.constant 20000 : i32
    %add3A_2166 = vector.broadcast %add3A_2165 : i32 to vector<16xi32>
    %add3A_2167 = arith.addi %get3A_2164, %add3A_2166 : vector<16xi32>
    %swap3A_2168 = arith.constant 20 : i32
    %swap3A_2169 = arith.index_cast %swap3A_2168 : i32 to index
    %swap3A_2170 = arith.constant 32 : index
    %swap3A_2171 = tpu.vector_load %arg6[%swap3A_2169, %swap3A_2170] {strides = array<i32>} : memref<26x128xi32, #tpu.memory_space<vmem>>, vector<1x16xi32>,
    %swap3A_2172 = vector.shape_cast %swap3A_2171 : vector<1x16xi32> to vector<16xi32>
    %swap3A_2173 = vector.shape_cast %add3A_2167 : vector<16xi32> to vector<1x16xi32>
    tpu.vector_store %arg6[%swap3A_2169, %swap3A_2170], %swap3A_2173 {strides = array<i32>} : memref<26x128xi32, #tpu.memory_space<vmem>>, vector<1x16xi32>,
    %get3A_2174 = arith.constant 20 : i32
    %get3A_2175 = arith.index_cast %get3A_2174 : i32 to index
    %get3A_2176 = arith.constant 48 : index
    %get3A_2177 = tpu.vector_load %arg6[%get3A_2175, %get3A_2176] {strides = array<i32>} : memref<26x128xi32, #tpu.memory_space<vmem>>, vector<1x16xi32>,
    %get3A_2178 = vector.shape_cast %get3A_2177 : vector<1x16xi32> to vector<16xi32>
    %add3A_2179 = arith.constant 20000 : i32
    %add3A_2180 = vector.broadcast %add3A_2179 : i32 to vector<16xi32>
    %add3A_2181 = arith.addi %get3A_2178, %add3A_2180 : vector<16xi32>
    %swap3A_2182 = arith.constant 20 : i32
    %swap3A_2183 = arith.index_cast %swap3A_2182 : i32 to index
    %swap3A_2184 = arith.constant 48 : index
    %swap3A_2185 = tpu.vector_load %arg6[%swap3A_2183, %swap3A_2184] {strides = array<i32>} : memref<26x128xi32, #tpu.memory_space<vmem>>, vector<1x16xi32>,
    %swap3A_2186 = vector.shape_cast %swap3A_2185 : vector<1x16xi32> to vector<16xi32>
    %swap3A_2187 = vector.shape_cast %add3A_2181 : vector<16xi32> to vector<1x16xi32>
    tpu.vector_store %arg6[%swap3A_2183, %swap3A_2184], %swap3A_2187 {strides = array<i32>} : memref<26x128xi32, #tpu.memory_space<vmem>>, vector<1x16xi32>,
    %get3A_2188 = arith.constant 20 : i32
    %get3A_2189 = arith.index_cast %get3A_2188 : i32 to index
    %get3A_2190 = arith.constant 64 : index
    %get3A_2191 = tpu.vector_load %arg6[%get3A_2189, %get3A_2190] {strides = array<i32>} : memref<26x128xi32, #tpu.memory_space<vmem>>, vector<1x16xi32>,
    %get3A_2192 = vector.shape_cast %get3A_2191 : vector<1x16xi32> to vector<16xi32>
    %add3A_2193 = arith.constant 20000 : i32
    %add3A_2194 = vector.broadcast %add3A_2193 : i32 to vector<16xi32>
    %add3A_2195 = arith.addi %get3A_2192, %add3A_2194 : vector<16xi32>
    %swap3A_2196 = arith.constant 20 : i32
    %swap3A_2197 = arith.index_cast %swap3A_2196 : i32 to index
    %swap3A_2198 = arith.constant 64 : index
    %swap3A_2199 = tpu.vector_load %arg6[%swap3A_2197, %swap3A_2198] {strides = array<i32>} : memref<26x128xi32, #tpu.memory_space<vmem>>, vector<1x16xi32>,
    %swap3A_2200 = vector.shape_cast %swap3A_2199 : vector<1x16xi32> to vector<16xi32>
    %swap3A_2201 = vector.shape_cast %add3A_2195 : vector<16xi32> to vector<1x16xi32>
    tpu.vector_store %arg6[%swap3A_2197, %swap3A_2198], %swap3A_2201 {strides = array<i32>} : memref<26x128xi32, #tpu.memory_space<vmem>>, vector<1x16xi32>,
    %get3A_2202 = arith.constant 20 : i32
    %get3A_2203 = arith.index_cast %get3A_2202 : i32 to index
    %get3A_2204 = arith.constant 80 : index
    %get3A_2205 = tpu.vector_load %arg6[%get3A_2203, %get3A_2204] {strides = array<i32>} : memref<26x128xi32, #tpu.memory_space<vmem>>, vector<1x16xi32>,
    %get3A_2206 = vector.shape_cast %get3A_2205 : vector<1x16xi32> to vector<16xi32>
    %add3A_2207 = arith.constant 20000 : i32
    %add3A_2208 = vector.broadcast %add3A_2207 : i32 to vector<16xi32>
    %add3A_2209 = arith.addi %get3A_2206, %add3A_2208 : vector<16xi32>
    %swap3A_2210 = arith.constant 20 : i32
    %swap3A_2211 = arith.index_cast %swap3A_2210 : i32 to index
    %swap3A_2212 = arith.constant 80 : index
    %swap3A_2213 = tpu.vector_load %arg6[%swap3A_2211, %swap3A_2212] {strides = array<i32>} : memref<26x128xi32, #tpu.memory_space<vmem>>, vector<1x16xi32>,
    %swap3A_2214 = vector.shape_cast %swap3A_2213 : vector<1x16xi32> to vector<16xi32>
    %swap3A_2215 = vector.shape_cast %add3A_2209 : vector<16xi32> to vector<1x16xi32>
    tpu.vector_store %arg6[%swap3A_2211, %swap3A_2212], %swap3A_2215 {strides = array<i32>} : memref<26x128xi32, #tpu.memory_space<vmem>>, vector<1x16xi32>,
    %get3A_2216 = arith.constant 20 : i32
    %get3A_2217 = arith.index_cast %get3A_2216 : i32 to index
    %get3A_2218 = arith.constant 96 : index
    %get3A_2219 = tpu.vector_load %arg6[%get3A_2217, %get3A_2218] {strides = array<i32>} : memref<26x128xi32, #tpu.memory_space<vmem>>, vector<1x16xi32>,
    %get3A_2220 = vector.shape_cast %get3A_2219 : vector<1x16xi32> to vector<16xi32>
    %add3A_2221 = arith.constant 20000 : i32
    %add3A_2222 = vector.broadcast %add3A_2221 : i32 to vector<16xi32>
    %add3A_2223 = arith.addi %get3A_2220, %add3A_2222 : vector<16xi32>
    %swap3A_2224 = arith.constant 20 : i32
    %swap3A_2225 = arith.index_cast %swap3A_2224 : i32 to index
    %swap3A_2226 = arith.constant 96 : index
    %swap3A_2227 = tpu.vector_load %arg6[%swap3A_2225, %swap3A_2226] {strides = array<i32>} : memref<26x128xi32, #tpu.memory_space<vmem>>, vector<1x16xi32>,
    %swap3A_2228 = vector.shape_cast %swap3A_2227 : vector<1x16xi32> to vector<16xi32>
    %swap3A_2229 = vector.shape_cast %add3A_2223 : vector<16xi32> to vector<1x16xi32>
    tpu.vector_store %arg6[%swap3A_2225, %swap3A_2226], %swap3A_2229 {strides = array<i32>} : memref<26x128xi32, #tpu.memory_space<vmem>>, vector<1x16xi32>,
    %get3A_2230 = arith.constant 20 : i32
    %get3A_2231 = arith.index_cast %get3A_2230 : i32 to index
    %get3A_2232 = arith.constant 112 : index
    %get3A_2233 = tpu.vector_load %arg6[%get3A_2231, %get3A_2232] {strides = array<i32>} : memref<26x128xi32, #tpu.memory_space<vmem>>, vector<1x16xi32>,
    %get3A_2234 = vector.shape_cast %get3A_2233 : vector<1x16xi32> to vector<16xi32>
    %add3A_2235 = arith.constant 20000 : i32
    %add3A_2236 = vector.broadcast %add3A_2235 : i32 to vector<16xi32>
    %add3A_2237 = arith.addi %get3A_2234, %add3A_2236 : vector<16xi32>
    %swap3A_2238 = arith.constant 20 : i32
    %swap3A_2239 = arith.index_cast %swap3A_2238 : i32 to index
    %swap3A_2240 = arith.constant 112 : index
    %swap3A_2241 = tpu.vector_load %arg6[%swap3A_2239, %swap3A_2240] {strides = array<i32>} : memref<26x128xi32, #tpu.memory_space<vmem>>, vector<1x16xi32>,
    %swap3A_2242 = vector.shape_cast %swap3A_2241 : vector<1x16xi32> to vector<16xi32>
    %swap3A_2243 = vector.shape_cast %add3A_2237 : vector<16xi32> to vector<1x16xi32>
    tpu.vector_store %arg6[%swap3A_2239, %swap3A_2240], %swap3A_2243 {strides = array<i32>} : memref<26x128xi32, #tpu.memory_space<vmem>>, vector<1x16xi32>,
    %get3A_2244 = arith.constant 21 : i32
    %get3A_2245 = arith.index_cast %get3A_2244 : i32 to index
    %get3A_2246 = arith.constant 0 : index
    %get3A_2247 = tpu.vector_load %arg6[%get3A_2245, %get3A_2246] {strides = array<i32>} : memref<26x128xi32, #tpu.memory_space<vmem>>, vector<1x16xi32>,
    %get3A_2248 = vector.shape_cast %get3A_2247 : vector<1x16xi32> to vector<16xi32>
    %add3A_2249 = arith.constant 21000 : i32
    %add3A_2250 = vector.broadcast %add3A_2249 : i32 to vector<16xi32>
    %add3A_2251 = arith.addi %get3A_2248, %add3A_2250 : vector<16xi32>
    %swap3A_2252 = arith.constant 21 : i32
    %swap3A_2253 = arith.index_cast %swap3A_2252 : i32 to index
    %swap3A_2254 = arith.constant 0 : index
    %swap3A_2255 = tpu.vector_load %arg6[%swap3A_2253, %swap3A_2254] {strides = array<i32>} : memref<26x128xi32, #tpu.memory_space<vmem>>, vector<1x16xi32>,
    %swap3A_2256 = vector.shape_cast %swap3A_2255 : vector<1x16xi32> to vector<16xi32>
    %swap3A_2257 = vector.shape_cast %add3A_2251 : vector<16xi32> to vector<1x16xi32>
    tpu.vector_store %arg6[%swap3A_2253, %swap3A_2254], %swap3A_2257 {strides = array<i32>} : memref<26x128xi32, #tpu.memory_space<vmem>>, vector<1x16xi32>,
    %get3A_2258 = arith.constant 21 : i32
    %get3A_2259 = arith.index_cast %get3A_2258 : i32 to index
    %get3A_2260 = arith.constant 16 : index
    %get3A_2261 = tpu.vector_load %arg6[%get3A_2259, %get3A_2260] {strides = array<i32>} : memref<26x128xi32, #tpu.memory_space<vmem>>, vector<1x16xi32>,
    %get3A_2262 = vector.shape_cast %get3A_2261 : vector<1x16xi32> to vector<16xi32>
    %add3A_2263 = arith.constant 21000 : i32
    %add3A_2264 = vector.broadcast %add3A_2263 : i32 to vector<16xi32>
    %add3A_2265 = arith.addi %get3A_2262, %add3A_2264 : vector<16xi32>
    %swap3A_2266 = arith.constant 21 : i32
    %swap3A_2267 = arith.index_cast %swap3A_2266 : i32 to index
    %swap3A_2268 = arith.constant 16 : index
    %swap3A_2269 = tpu.vector_load %arg6[%swap3A_2267, %swap3A_2268] {strides = array<i32>} : memref<26x128xi32, #tpu.memory_space<vmem>>, vector<1x16xi32>,
    %swap3A_2270 = vector.shape_cast %swap3A_2269 : vector<1x16xi32> to vector<16xi32>
    %swap3A_2271 = vector.shape_cast %add3A_2265 : vector<16xi32> to vector<1x16xi32>
    tpu.vector_store %arg6[%swap3A_2267, %swap3A_2268], %swap3A_2271 {strides = array<i32>} : memref<26x128xi32, #tpu.memory_space<vmem>>, vector<1x16xi32>,
    %get3A_2272 = arith.constant 21 : i32
    %get3A_2273 = arith.index_cast %get3A_2272 : i32 to index
    %get3A_2274 = arith.constant 32 : index
    %get3A_2275 = tpu.vector_load %arg6[%get3A_2273, %get3A_2274] {strides = array<i32>} : memref<26x128xi32, #tpu.memory_space<vmem>>, vector<1x16xi32>,
    %get3A_2276 = vector.shape_cast %get3A_2275 : vector<1x16xi32> to vector<16xi32>
    %add3A_2277 = arith.constant 21000 : i32
    %add3A_2278 = vector.broadcast %add3A_2277 : i32 to vector<16xi32>
    %add3A_2279 = arith.addi %get3A_2276, %add3A_2278 : vector<16xi32>
    %swap3A_2280 = arith.constant 21 : i32
    %swap3A_2281 = arith.index_cast %swap3A_2280 : i32 to index
    %swap3A_2282 = arith.constant 32 : index
    %swap3A_2283 = tpu.vector_load %arg6[%swap3A_2281, %swap3A_2282] {strides = array<i32>} : memref<26x128xi32, #tpu.memory_space<vmem>>, vector<1x16xi32>,
    %swap3A_2284 = vector.shape_cast %swap3A_2283 : vector<1x16xi32> to vector<16xi32>
    %swap3A_2285 = vector.shape_cast %add3A_2279 : vector<16xi32> to vector<1x16xi32>
    tpu.vector_store %arg6[%swap3A_2281, %swap3A_2282], %swap3A_2285 {strides = array<i32>} : memref<26x128xi32, #tpu.memory_space<vmem>>, vector<1x16xi32>,
    %get3A_2286 = arith.constant 21 : i32
    %get3A_2287 = arith.index_cast %get3A_2286 : i32 to index
    %get3A_2288 = arith.constant 48 : index
    %get3A_2289 = tpu.vector_load %arg6[%get3A_2287, %get3A_2288] {strides = array<i32>} : memref<26x128xi32, #tpu.memory_space<vmem>>, vector<1x16xi32>,
    %get3A_2290 = vector.shape_cast %get3A_2289 : vector<1x16xi32> to vector<16xi32>
    %add3A_2291 = arith.constant 21000 : i32
    %add3A_2292 = vector.broadcast %add3A_2291 : i32 to vector<16xi32>
    %add3A_2293 = arith.addi %get3A_2290, %add3A_2292 : vector<16xi32>
    %swap3A_2294 = arith.constant 21 : i32
    %swap3A_2295 = arith.index_cast %swap3A_2294 : i32 to index
    %swap3A_2296 = arith.constant 48 : index
    %swap3A_2297 = tpu.vector_load %arg6[%swap3A_2295, %swap3A_2296] {strides = array<i32>} : memref<26x128xi32, #tpu.memory_space<vmem>>, vector<1x16xi32>,
    %swap3A_2298 = vector.shape_cast %swap3A_2297 : vector<1x16xi32> to vector<16xi32>
    %swap3A_2299 = vector.shape_cast %add3A_2293 : vector<16xi32> to vector<1x16xi32>
    tpu.vector_store %arg6[%swap3A_2295, %swap3A_2296], %swap3A_2299 {strides = array<i32>} : memref<26x128xi32, #tpu.memory_space<vmem>>, vector<1x16xi32>,
    %get3A_2300 = arith.constant 21 : i32
    %get3A_2301 = arith.index_cast %get3A_2300 : i32 to index
    %get3A_2302 = arith.constant 64 : index
    %get3A_2303 = tpu.vector_load %arg6[%get3A_2301, %get3A_2302] {strides = array<i32>} : memref<26x128xi32, #tpu.memory_space<vmem>>, vector<1x16xi32>,
    %get3A_2304 = vector.shape_cast %get3A_2303 : vector<1x16xi32> to vector<16xi32>
    %add3A_2305 = arith.constant 21000 : i32
    %add3A_2306 = vector.broadcast %add3A_2305 : i32 to vector<16xi32>
    %add3A_2307 = arith.addi %get3A_2304, %add3A_2306 : vector<16xi32>
    %swap3A_2308 = arith.constant 21 : i32
    %swap3A_2309 = arith.index_cast %swap3A_2308 : i32 to index
    %swap3A_2310 = arith.constant 64 : index
    %swap3A_2311 = tpu.vector_load %arg6[%swap3A_2309, %swap3A_2310] {strides = array<i32>} : memref<26x128xi32, #tpu.memory_space<vmem>>, vector<1x16xi32>,
    %swap3A_2312 = vector.shape_cast %swap3A_2311 : vector<1x16xi32> to vector<16xi32>
    %swap3A_2313 = vector.shape_cast %add3A_2307 : vector<16xi32> to vector<1x16xi32>
    tpu.vector_store %arg6[%swap3A_2309, %swap3A_2310], %swap3A_2313 {strides = array<i32>} : memref<26x128xi32, #tpu.memory_space<vmem>>, vector<1x16xi32>,
    %get3A_2314 = arith.constant 21 : i32
    %get3A_2315 = arith.index_cast %get3A_2314 : i32 to index
    %get3A_2316 = arith.constant 80 : index
    %get3A_2317 = tpu.vector_load %arg6[%get3A_2315, %get3A_2316] {strides = array<i32>} : memref<26x128xi32, #tpu.memory_space<vmem>>, vector<1x16xi32>,
    %get3A_2318 = vector.shape_cast %get3A_2317 : vector<1x16xi32> to vector<16xi32>
    %add3A_2319 = arith.constant 21000 : i32
    %add3A_2320 = vector.broadcast %add3A_2319 : i32 to vector<16xi32>
    %add3A_2321 = arith.addi %get3A_2318, %add3A_2320 : vector<16xi32>
    %swap3A_2322 = arith.constant 21 : i32
    %swap3A_2323 = arith.index_cast %swap3A_2322 : i32 to index
    %swap3A_2324 = arith.constant 80 : index
    %swap3A_2325 = tpu.vector_load %arg6[%swap3A_2323, %swap3A_2324] {strides = array<i32>} : memref<26x128xi32, #tpu.memory_space<vmem>>, vector<1x16xi32>,
    %swap3A_2326 = vector.shape_cast %swap3A_2325 : vector<1x16xi32> to vector<16xi32>
    %swap3A_2327 = vector.shape_cast %add3A_2321 : vector<16xi32> to vector<1x16xi32>
    tpu.vector_store %arg6[%swap3A_2323, %swap3A_2324], %swap3A_2327 {strides = array<i32>} : memref<26x128xi32, #tpu.memory_space<vmem>>, vector<1x16xi32>,
    %get3A_2328 = arith.constant 21 : i32
    %get3A_2329 = arith.index_cast %get3A_2328 : i32 to index
    %get3A_2330 = arith.constant 96 : index
    %get3A_2331 = tpu.vector_load %arg6[%get3A_2329, %get3A_2330] {strides = array<i32>} : memref<26x128xi32, #tpu.memory_space<vmem>>, vector<1x16xi32>,
    %get3A_2332 = vector.shape_cast %get3A_2331 : vector<1x16xi32> to vector<16xi32>
    %add3A_2333 = arith.constant 21000 : i32
    %add3A_2334 = vector.broadcast %add3A_2333 : i32 to vector<16xi32>
    %add3A_2335 = arith.addi %get3A_2332, %add3A_2334 : vector<16xi32>
    %swap3A_2336 = arith.constant 21 : i32
    %swap3A_2337 = arith.index_cast %swap3A_2336 : i32 to index
    %swap3A_2338 = arith.constant 96 : index
    %swap3A_2339 = tpu.vector_load %arg6[%swap3A_2337, %swap3A_2338] {strides = array<i32>} : memref<26x128xi32, #tpu.memory_space<vmem>>, vector<1x16xi32>,
    %swap3A_2340 = vector.shape_cast %swap3A_2339 : vector<1x16xi32> to vector<16xi32>
    %swap3A_2341 = vector.shape_cast %add3A_2335 : vector<16xi32> to vector<1x16xi32>
    tpu.vector_store %arg6[%swap3A_2337, %swap3A_2338], %swap3A_2341 {strides = array<i32>} : memref<26x128xi32, #tpu.memory_space<vmem>>, vector<1x16xi32>,
    %get3A_2342 = arith.constant 21 : i32
    %get3A_2343 = arith.index_cast %get3A_2342 : i32 to index
    %get3A_2344 = arith.constant 112 : index
    %get3A_2345 = tpu.vector_load %arg6[%get3A_2343, %get3A_2344] {strides = array<i32>} : memref<26x128xi32, #tpu.memory_space<vmem>>, vector<1x16xi32>,
    %get3A_2346 = vector.shape_cast %get3A_2345 : vector<1x16xi32> to vector<16xi32>
    %add3A_2347 = arith.constant 21000 : i32
    %add3A_2348 = vector.broadcast %add3A_2347 : i32 to vector<16xi32>
    %add3A_2349 = arith.addi %get3A_2346, %add3A_2348 : vector<16xi32>
    %swap3A_2350 = arith.constant 21 : i32
    %swap3A_2351 = arith.index_cast %swap3A_2350 : i32 to index
    %swap3A_2352 = arith.constant 112 : index
    %swap3A_2353 = tpu.vector_load %arg6[%swap3A_2351, %swap3A_2352] {strides = array<i32>} : memref<26x128xi32, #tpu.memory_space<vmem>>, vector<1x16xi32>,
    %swap3A_2354 = vector.shape_cast %swap3A_2353 : vector<1x16xi32> to vector<16xi32>
    %swap3A_2355 = vector.shape_cast %add3A_2349 : vector<16xi32> to vector<1x16xi32>
    tpu.vector_store %arg6[%swap3A_2351, %swap3A_2352], %swap3A_2355 {strides = array<i32>} : memref<26x128xi32, #tpu.memory_space<vmem>>, vector<1x16xi32>,
    %get3A_2356 = arith.constant 22 : i32
    %get3A_2357 = arith.index_cast %get3A_2356 : i32 to index
    %get3A_2358 = arith.constant 0 : index
    %get3A_2359 = tpu.vector_load %arg6[%get3A_2357, %get3A_2358] {strides = array<i32>} : memref<26x128xi32, #tpu.memory_space<vmem>>, vector<1x16xi32>,
    %get3A_2360 = vector.shape_cast %get3A_2359 : vector<1x16xi32> to vector<16xi32>
    %add3A_2361 = arith.constant 22000 : i32
    %add3A_2362 = vector.broadcast %add3A_2361 : i32 to vector<16xi32>
    %add3A_2363 = arith.addi %get3A_2360, %add3A_2362 : vector<16xi32>
    %swap3A_2364 = arith.constant 22 : i32
    %swap3A_2365 = arith.index_cast %swap3A_2364 : i32 to index
    %swap3A_2366 = arith.constant 0 : index
    %swap3A_2367 = tpu.vector_load %arg6[%swap3A_2365, %swap3A_2366] {strides = array<i32>} : memref<26x128xi32, #tpu.memory_space<vmem>>, vector<1x16xi32>,
    %swap3A_2368 = vector.shape_cast %swap3A_2367 : vector<1x16xi32> to vector<16xi32>
    %swap3A_2369 = vector.shape_cast %add3A_2363 : vector<16xi32> to vector<1x16xi32>
    tpu.vector_store %arg6[%swap3A_2365, %swap3A_2366], %swap3A_2369 {strides = array<i32>} : memref<26x128xi32, #tpu.memory_space<vmem>>, vector<1x16xi32>,
    %get3A_2370 = arith.constant 22 : i32
    %get3A_2371 = arith.index_cast %get3A_2370 : i32 to index
    %get3A_2372 = arith.constant 16 : index
    %get3A_2373 = tpu.vector_load %arg6[%get3A_2371, %get3A_2372] {strides = array<i32>} : memref<26x128xi32, #tpu.memory_space<vmem>>, vector<1x16xi32>,
    %get3A_2374 = vector.shape_cast %get3A_2373 : vector<1x16xi32> to vector<16xi32>
    %add3A_2375 = arith.constant 22000 : i32
    %add3A_2376 = vector.broadcast %add3A_2375 : i32 to vector<16xi32>
    %add3A_2377 = arith.addi %get3A_2374, %add3A_2376 : vector<16xi32>
    %swap3A_2378 = arith.constant 22 : i32
    %swap3A_2379 = arith.index_cast %swap3A_2378 : i32 to index
    %swap3A_2380 = arith.constant 16 : index
    %swap3A_2381 = tpu.vector_load %arg6[%swap3A_2379, %swap3A_2380] {strides = array<i32>} : memref<26x128xi32, #tpu.memory_space<vmem>>, vector<1x16xi32>,
    %swap3A_2382 = vector.shape_cast %swap3A_2381 : vector<1x16xi32> to vector<16xi32>
    %swap3A_2383 = vector.shape_cast %add3A_2377 : vector<16xi32> to vector<1x16xi32>
    tpu.vector_store %arg6[%swap3A_2379, %swap3A_2380], %swap3A_2383 {strides = array<i32>} : memref<26x128xi32, #tpu.memory_space<vmem>>, vector<1x16xi32>,
    %get3A_2384 = arith.constant 22 : i32
    %get3A_2385 = arith.index_cast %get3A_2384 : i32 to index
    %get3A_2386 = arith.constant 32 : index
    %get3A_2387 = tpu.vector_load %arg6[%get3A_2385, %get3A_2386] {strides = array<i32>} : memref<26x128xi32, #tpu.memory_space<vmem>>, vector<1x16xi32>,
    %get3A_2388 = vector.shape_cast %get3A_2387 : vector<1x16xi32> to vector<16xi32>
    %add3A_2389 = arith.constant 22000 : i32
    %add3A_2390 = vector.broadcast %add3A_2389 : i32 to vector<16xi32>
    %add3A_2391 = arith.addi %get3A_2388, %add3A_2390 : vector<16xi32>
    %swap3A_2392 = arith.constant 22 : i32
    %swap3A_2393 = arith.index_cast %swap3A_2392 : i32 to index
    %swap3A_2394 = arith.constant 32 : index
    %swap3A_2395 = tpu.vector_load %arg6[%swap3A_2393, %swap3A_2394] {strides = array<i32>} : memref<26x128xi32, #tpu.memory_space<vmem>>, vector<1x16xi32>,
    %swap3A_2396 = vector.shape_cast %swap3A_2395 : vector<1x16xi32> to vector<16xi32>
    %swap3A_2397 = vector.shape_cast %add3A_2391 : vector<16xi32> to vector<1x16xi32>
    tpu.vector_store %arg6[%swap3A_2393, %swap3A_2394], %swap3A_2397 {strides = array<i32>} : memref<26x128xi32, #tpu.memory_space<vmem>>, vector<1x16xi32>,
    %get3A_2398 = arith.constant 22 : i32
    %get3A_2399 = arith.index_cast %get3A_2398 : i32 to index
    %get3A_2400 = arith.constant 48 : index
    %get3A_2401 = tpu.vector_load %arg6[%get3A_2399, %get3A_2400] {strides = array<i32>} : memref<26x128xi32, #tpu.memory_space<vmem>>, vector<1x16xi32>,
    %get3A_2402 = vector.shape_cast %get3A_2401 : vector<1x16xi32> to vector<16xi32>
    %add3A_2403 = arith.constant 22000 : i32
    %add3A_2404 = vector.broadcast %add3A_2403 : i32 to vector<16xi32>
    %add3A_2405 = arith.addi %get3A_2402, %add3A_2404 : vector<16xi32>
    %swap3A_2406 = arith.constant 22 : i32
    %swap3A_2407 = arith.index_cast %swap3A_2406 : i32 to index
    %swap3A_2408 = arith.constant 48 : index
    %swap3A_2409 = tpu.vector_load %arg6[%swap3A_2407, %swap3A_2408] {strides = array<i32>} : memref<26x128xi32, #tpu.memory_space<vmem>>, vector<1x16xi32>,
    %swap3A_2410 = vector.shape_cast %swap3A_2409 : vector<1x16xi32> to vector<16xi32>
    %swap3A_2411 = vector.shape_cast %add3A_2405 : vector<16xi32> to vector<1x16xi32>
    tpu.vector_store %arg6[%swap3A_2407, %swap3A_2408], %swap3A_2411 {strides = array<i32>} : memref<26x128xi32, #tpu.memory_space<vmem>>, vector<1x16xi32>,
    %get3A_2412 = arith.constant 22 : i32
    %get3A_2413 = arith.index_cast %get3A_2412 : i32 to index
    %get3A_2414 = arith.constant 64 : index
    %get3A_2415 = tpu.vector_load %arg6[%get3A_2413, %get3A_2414] {strides = array<i32>} : memref<26x128xi32, #tpu.memory_space<vmem>>, vector<1x16xi32>,
    %get3A_2416 = vector.shape_cast %get3A_2415 : vector<1x16xi32> to vector<16xi32>
    %add3A_2417 = arith.constant 22000 : i32
    %add3A_2418 = vector.broadcast %add3A_2417 : i32 to vector<16xi32>
    %add3A_2419 = arith.addi %get3A_2416, %add3A_2418 : vector<16xi32>
    %swap3A_2420 = arith.constant 22 : i32
    %swap3A_2421 = arith.index_cast %swap3A_2420 : i32 to index
    %swap3A_2422 = arith.constant 64 : index
    %swap3A_2423 = tpu.vector_load %arg6[%swap3A_2421, %swap3A_2422] {strides = array<i32>} : memref<26x128xi32, #tpu.memory_space<vmem>>, vector<1x16xi32>,
    %swap3A_2424 = vector.shape_cast %swap3A_2423 : vector<1x16xi32> to vector<16xi32>
    %swap3A_2425 = vector.shape_cast %add3A_2419 : vector<16xi32> to vector<1x16xi32>
    tpu.vector_store %arg6[%swap3A_2421, %swap3A_2422], %swap3A_2425 {strides = array<i32>} : memref<26x128xi32, #tpu.memory_space<vmem>>, vector<1x16xi32>,
    %get3A_2426 = arith.constant 22 : i32
    %get3A_2427 = arith.index_cast %get3A_2426 : i32 to index
    %get3A_2428 = arith.constant 80 : index
    %get3A_2429 = tpu.vector_load %arg6[%get3A_2427, %get3A_2428] {strides = array<i32>} : memref<26x128xi32, #tpu.memory_space<vmem>>, vector<1x16xi32>,
    %get3A_2430 = vector.shape_cast %get3A_2429 : vector<1x16xi32> to vector<16xi32>
    %add3A_2431 = arith.constant 22000 : i32
    %add3A_2432 = vector.broadcast %add3A_2431 : i32 to vector<16xi32>
    %add3A_2433 = arith.addi %get3A_2430, %add3A_2432 : vector<16xi32>
    %swap3A_2434 = arith.constant 22 : i32
    %swap3A_2435 = arith.index_cast %swap3A_2434 : i32 to index
    %swap3A_2436 = arith.constant 80 : index
    %swap3A_2437 = tpu.vector_load %arg6[%swap3A_2435, %swap3A_2436] {strides = array<i32>} : memref<26x128xi32, #tpu.memory_space<vmem>>, vector<1x16xi32>,
    %swap3A_2438 = vector.shape_cast %swap3A_2437 : vector<1x16xi32> to vector<16xi32>
    %swap3A_2439 = vector.shape_cast %add3A_2433 : vector<16xi32> to vector<1x16xi32>
    tpu.vector_store %arg6[%swap3A_2435, %swap3A_2436], %swap3A_2439 {strides = array<i32>} : memref<26x128xi32, #tpu.memory_space<vmem>>, vector<1x16xi32>,
    %get3A_2440 = arith.constant 22 : i32
    %get3A_2441 = arith.index_cast %get3A_2440 : i32 to index
    %get3A_2442 = arith.constant 96 : index
    %get3A_2443 = tpu.vector_load %arg6[%get3A_2441, %get3A_2442] {strides = array<i32>} : memref<26x128xi32, #tpu.memory_space<vmem>>, vector<1x16xi32>,
    %get3A_2444 = vector.shape_cast %get3A_2443 : vector<1x16xi32> to vector<16xi32>
    %add3A_2445 = arith.constant 22000 : i32
    %add3A_2446 = vector.broadcast %add3A_2445 : i32 to vector<16xi32>
    %add3A_2447 = arith.addi %get3A_2444, %add3A_2446 : vector<16xi32>
    %swap3A_2448 = arith.constant 22 : i32
    %swap3A_2449 = arith.index_cast %swap3A_2448 : i32 to index
    %swap3A_2450 = arith.constant 96 : index
    %swap3A_2451 = tpu.vector_load %arg6[%swap3A_2449, %swap3A_2450] {strides = array<i32>} : memref<26x128xi32, #tpu.memory_space<vmem>>, vector<1x16xi32>,
    %swap3A_2452 = vector.shape_cast %swap3A_2451 : vector<1x16xi32> to vector<16xi32>
    %swap3A_2453 = vector.shape_cast %add3A_2447 : vector<16xi32> to vector<1x16xi32>
    tpu.vector_store %arg6[%swap3A_2449, %swap3A_2450], %swap3A_2453 {strides = array<i32>} : memref<26x128xi32, #tpu.memory_space<vmem>>, vector<1x16xi32>,
    %get3A_2454 = arith.constant 22 : i32
    %get3A_2455 = arith.index_cast %get3A_2454 : i32 to index
    %get3A_2456 = arith.constant 112 : index
    %get3A_2457 = tpu.vector_load %arg6[%get3A_2455, %get3A_2456] {strides = array<i32>} : memref<26x128xi32, #tpu.memory_space<vmem>>, vector<1x16xi32>,
    %get3A_2458 = vector.shape_cast %get3A_2457 : vector<1x16xi32> to vector<16xi32>
    %add3A_2459 = arith.constant 22000 : i32
    %add3A_2460 = vector.broadcast %add3A_2459 : i32 to vector<16xi32>
    %add3A_2461 = arith.addi %get3A_2458, %add3A_2460 : vector<16xi32>
    %swap3A_2462 = arith.constant 22 : i32
    %swap3A_2463 = arith.index_cast %swap3A_2462 : i32 to index
    %swap3A_2464 = arith.constant 112 : index
    %swap3A_2465 = tpu.vector_load %arg6[%swap3A_2463, %swap3A_2464] {strides = array<i32>} : memref<26x128xi32, #tpu.memory_space<vmem>>, vector<1x16xi32>,
    %swap3A_2466 = vector.shape_cast %swap3A_2465 : vector<1x16xi32> to vector<16xi32>
    %swap3A_2467 = vector.shape_cast %add3A_2461 : vector<16xi32> to vector<1x16xi32>
    tpu.vector_store %arg6[%swap3A_2463, %swap3A_2464], %swap3A_2467 {strides = array<i32>} : memref<26x128xi32, #tpu.memory_space<vmem>>, vector<1x16xi32>,
    %get3A_2468 = arith.constant 23 : i32
    %get3A_2469 = arith.index_cast %get3A_2468 : i32 to index
    %get3A_2470 = arith.constant 0 : index
    %get3A_2471 = tpu.vector_load %arg6[%get3A_2469, %get3A_2470] {strides = array<i32>} : memref<26x128xi32, #tpu.memory_space<vmem>>, vector<1x16xi32>,
    %get3A_2472 = vector.shape_cast %get3A_2471 : vector<1x16xi32> to vector<16xi32>
    %add3A_2473 = arith.constant 23000 : i32
    %add3A_2474 = vector.broadcast %add3A_2473 : i32 to vector<16xi32>
    %add3A_2475 = arith.addi %get3A_2472, %add3A_2474 : vector<16xi32>
    %swap3A_2476 = arith.constant 23 : i32
    %swap3A_2477 = arith.index_cast %swap3A_2476 : i32 to index
    %swap3A_2478 = arith.constant 0 : index
    %swap3A_2479 = tpu.vector_load %arg6[%swap3A_2477, %swap3A_2478] {strides = array<i32>} : memref<26x128xi32, #tpu.memory_space<vmem>>, vector<1x16xi32>,
    %swap3A_2480 = vector.shape_cast %swap3A_2479 : vector<1x16xi32> to vector<16xi32>
    %swap3A_2481 = vector.shape_cast %add3A_2475 : vector<16xi32> to vector<1x16xi32>
    tpu.vector_store %arg6[%swap3A_2477, %swap3A_2478], %swap3A_2481 {strides = array<i32>} : memref<26x128xi32, #tpu.memory_space<vmem>>, vector<1x16xi32>,
    %get3A_2482 = arith.constant 23 : i32
    %get3A_2483 = arith.index_cast %get3A_2482 : i32 to index
    %get3A_2484 = arith.constant 16 : index
    %get3A_2485 = tpu.vector_load %arg6[%get3A_2483, %get3A_2484] {strides = array<i32>} : memref<26x128xi32, #tpu.memory_space<vmem>>, vector<1x16xi32>,
    %get3A_2486 = vector.shape_cast %get3A_2485 : vector<1x16xi32> to vector<16xi32>
    %add3A_2487 = arith.constant 23000 : i32
    %add3A_2488 = vector.broadcast %add3A_2487 : i32 to vector<16xi32>
    %add3A_2489 = arith.addi %get3A_2486, %add3A_2488 : vector<16xi32>
    %swap3A_2490 = arith.constant 23 : i32
    %swap3A_2491 = arith.index_cast %swap3A_2490 : i32 to index
    %swap3A_2492 = arith.constant 16 : index
    %swap3A_2493 = tpu.vector_load %arg6[%swap3A_2491, %swap3A_2492] {strides = array<i32>} : memref<26x128xi32, #tpu.memory_space<vmem>>, vector<1x16xi32>,
    %swap3A_2494 = vector.shape_cast %swap3A_2493 : vector<1x16xi32> to vector<16xi32>
    %swap3A_2495 = vector.shape_cast %add3A_2489 : vector<16xi32> to vector<1x16xi32>
    tpu.vector_store %arg6[%swap3A_2491, %swap3A_2492], %swap3A_2495 {strides = array<i32>} : memref<26x128xi32, #tpu.memory_space<vmem>>, vector<1x16xi32>,
    %get3A_2496 = arith.constant 23 : i32
    %get3A_2497 = arith.index_cast %get3A_2496 : i32 to index
    %get3A_2498 = arith.constant 32 : index
    %get3A_2499 = tpu.vector_load %arg6[%get3A_2497, %get3A_2498] {strides = array<i32>} : memref<26x128xi32, #tpu.memory_space<vmem>>, vector<1x16xi32>,
    %get3A_2500 = vector.shape_cast %get3A_2499 : vector<1x16xi32> to vector<16xi32>
    %add3A_2501 = arith.constant 23000 : i32
    %add3A_2502 = vector.broadcast %add3A_2501 : i32 to vector<16xi32>
    %add3A_2503 = arith.addi %get3A_2500, %add3A_2502 : vector<16xi32>
    %swap3A_2504 = arith.constant 23 : i32
    %swap3A_2505 = arith.index_cast %swap3A_2504 : i32 to index
    %swap3A_2506 = arith.constant 32 : index
    %swap3A_2507 = tpu.vector_load %arg6[%swap3A_2505, %swap3A_2506] {strides = array<i32>} : memref<26x128xi32, #tpu.memory_space<vmem>>, vector<1x16xi32>,
    %swap3A_2508 = vector.shape_cast %swap3A_2507 : vector<1x16xi32> to vector<16xi32>
    %swap3A_2509 = vector.shape_cast %add3A_2503 : vector<16xi32> to vector<1x16xi32>
    tpu.vector_store %arg6[%swap3A_2505, %swap3A_2506], %swap3A_2509 {strides = array<i32>} : memref<26x128xi32, #tpu.memory_space<vmem>>, vector<1x16xi32>,
    %get3A_2510 = arith.constant 23 : i32
    %get3A_2511 = arith.index_cast %get3A_2510 : i32 to index
    %get3A_2512 = arith.constant 48 : index
    %get3A_2513 = tpu.vector_load %arg6[%get3A_2511, %get3A_2512] {strides = array<i32>} : memref<26x128xi32, #tpu.memory_space<vmem>>, vector<1x16xi32>,
    %get3A_2514 = vector.shape_cast %get3A_2513 : vector<1x16xi32> to vector<16xi32>
    %add3A_2515 = arith.constant 23000 : i32
    %add3A_2516 = vector.broadcast %add3A_2515 : i32 to vector<16xi32>
    %add3A_2517 = arith.addi %get3A_2514, %add3A_2516 : vector<16xi32>
    %swap3A_2518 = arith.constant 23 : i32
    %swap3A_2519 = arith.index_cast %swap3A_2518 : i32 to index
    %swap3A_2520 = arith.constant 48 : index
    %swap3A_2521 = tpu.vector_load %arg6[%swap3A_2519, %swap3A_2520] {strides = array<i32>} : memref<26x128xi32, #tpu.memory_space<vmem>>, vector<1x16xi32>,
    %swap3A_2522 = vector.shape_cast %swap3A_2521 : vector<1x16xi32> to vector<16xi32>
    %swap3A_2523 = vector.shape_cast %add3A_2517 : vector<16xi32> to vector<1x16xi32>
    tpu.vector_store %arg6[%swap3A_2519, %swap3A_2520], %swap3A_2523 {strides = array<i32>} : memref<26x128xi32, #tpu.memory_space<vmem>>, vector<1x16xi32>,
    %get3A_2524 = arith.constant 23 : i32
    %get3A_2525 = arith.index_cast %get3A_2524 : i32 to index
    %get3A_2526 = arith.constant 64 : index
    %get3A_2527 = tpu.vector_load %arg6[%get3A_2525, %get3A_2526] {strides = array<i32>} : memref<26x128xi32, #tpu.memory_space<vmem>>, vector<1x16xi32>,
    %get3A_2528 = vector.shape_cast %get3A_2527 : vector<1x16xi32> to vector<16xi32>
    %add3A_2529 = arith.constant 23000 : i32
    %add3A_2530 = vector.broadcast %add3A_2529 : i32 to vector<16xi32>
    %add3A_2531 = arith.addi %get3A_2528, %add3A_2530 : vector<16xi32>
    %swap3A_2532 = arith.constant 23 : i32
    %swap3A_2533 = arith.index_cast %swap3A_2532 : i32 to index
    %swap3A_2534 = arith.constant 64 : index
    %swap3A_2535 = tpu.vector_load %arg6[%swap3A_2533, %swap3A_2534] {strides = array<i32>} : memref<26x128xi32, #tpu.memory_space<vmem>>, vector<1x16xi32>,
    %swap3A_2536 = vector.shape_cast %swap3A_2535 : vector<1x16xi32> to vector<16xi32>
    %swap3A_2537 = vector.shape_cast %add3A_2531 : vector<16xi32> to vector<1x16xi32>
    tpu.vector_store %arg6[%swap3A_2533, %swap3A_2534], %swap3A_2537 {strides = array<i32>} : memref<26x128xi32, #tpu.memory_space<vmem>>, vector<1x16xi32>,
    %get3A_2538 = arith.constant 23 : i32
    %get3A_2539 = arith.index_cast %get3A_2538 : i32 to index
    %get3A_2540 = arith.constant 80 : index
    %get3A_2541 = tpu.vector_load %arg6[%get3A_2539, %get3A_2540] {strides = array<i32>} : memref<26x128xi32, #tpu.memory_space<vmem>>, vector<1x16xi32>,
    %get3A_2542 = vector.shape_cast %get3A_2541 : vector<1x16xi32> to vector<16xi32>
    %add3A_2543 = arith.constant 23000 : i32
    %add3A_2544 = vector.broadcast %add3A_2543 : i32 to vector<16xi32>
    %add3A_2545 = arith.addi %get3A_2542, %add3A_2544 : vector<16xi32>
    %swap3A_2546 = arith.constant 23 : i32
    %swap3A_2547 = arith.index_cast %swap3A_2546 : i32 to index
    %swap3A_2548 = arith.constant 80 : index
    %swap3A_2549 = tpu.vector_load %arg6[%swap3A_2547, %swap3A_2548] {strides = array<i32>} : memref<26x128xi32, #tpu.memory_space<vmem>>, vector<1x16xi32>,
    %swap3A_2550 = vector.shape_cast %swap3A_2549 : vector<1x16xi32> to vector<16xi32>
    %swap3A_2551 = vector.shape_cast %add3A_2545 : vector<16xi32> to vector<1x16xi32>
    tpu.vector_store %arg6[%swap3A_2547, %swap3A_2548], %swap3A_2551 {strides = array<i32>} : memref<26x128xi32, #tpu.memory_space<vmem>>, vector<1x16xi32>,
    %get3A_2552 = arith.constant 23 : i32
    %get3A_2553 = arith.index_cast %get3A_2552 : i32 to index
    %get3A_2554 = arith.constant 96 : index
    %get3A_2555 = tpu.vector_load %arg6[%get3A_2553, %get3A_2554] {strides = array<i32>} : memref<26x128xi32, #tpu.memory_space<vmem>>, vector<1x16xi32>,
    %get3A_2556 = vector.shape_cast %get3A_2555 : vector<1x16xi32> to vector<16xi32>
    %add3A_2557 = arith.constant 23000 : i32
    %add3A_2558 = vector.broadcast %add3A_2557 : i32 to vector<16xi32>
    %add3A_2559 = arith.addi %get3A_2556, %add3A_2558 : vector<16xi32>
    %swap3A_2560 = arith.constant 23 : i32
    %swap3A_2561 = arith.index_cast %swap3A_2560 : i32 to index
    %swap3A_2562 = arith.constant 96 : index
    %swap3A_2563 = tpu.vector_load %arg6[%swap3A_2561, %swap3A_2562] {strides = array<i32>} : memref<26x128xi32, #tpu.memory_space<vmem>>, vector<1x16xi32>,
    %swap3A_2564 = vector.shape_cast %swap3A_2563 : vector<1x16xi32> to vector<16xi32>
    %swap3A_2565 = vector.shape_cast %add3A_2559 : vector<16xi32> to vector<1x16xi32>
    tpu.vector_store %arg6[%swap3A_2561, %swap3A_2562], %swap3A_2565 {strides = array<i32>} : memref<26x128xi32, #tpu.memory_space<vmem>>, vector<1x16xi32>,
    %get3A_2566 = arith.constant 23 : i32
    %get3A_2567 = arith.index_cast %get3A_2566 : i32 to index
    %get3A_2568 = arith.constant 112 : index
    %get3A_2569 = tpu.vector_load %arg6[%get3A_2567, %get3A_2568] {strides = array<i32>} : memref<26x128xi32, #tpu.memory_space<vmem>>, vector<1x16xi32>,
    %get3A_2570 = vector.shape_cast %get3A_2569 : vector<1x16xi32> to vector<16xi32>
    %add3A_2571 = arith.constant 23000 : i32
    %add3A_2572 = vector.broadcast %add3A_2571 : i32 to vector<16xi32>
    %add3A_2573 = arith.addi %get3A_2570, %add3A_2572 : vector<16xi32>
    %swap3A_2574 = arith.constant 23 : i32
    %swap3A_2575 = arith.index_cast %swap3A_2574 : i32 to index
    %swap3A_2576 = arith.constant 112 : index
    %swap3A_2577 = tpu.vector_load %arg6[%swap3A_2575, %swap3A_2576] {strides = array<i32>} : memref<26x128xi32, #tpu.memory_space<vmem>>, vector<1x16xi32>,
    %swap3A_2578 = vector.shape_cast %swap3A_2577 : vector<1x16xi32> to vector<16xi32>
    %swap3A_2579 = vector.shape_cast %add3A_2573 : vector<16xi32> to vector<1x16xi32>
    tpu.vector_store %arg6[%swap3A_2575, %swap3A_2576], %swap3A_2579 {strides = array<i32>} : memref<26x128xi32, #tpu.memory_space<vmem>>, vector<1x16xi32>,
    %get3A_2580 = arith.constant 24 : i32
    %get3A_2581 = arith.index_cast %get3A_2580 : i32 to index
    %get3A_2582 = arith.constant 0 : index
    %get3A_2583 = tpu.vector_load %arg6[%get3A_2581, %get3A_2582] {strides = array<i32>} : memref<26x128xi32, #tpu.memory_space<vmem>>, vector<1x16xi32>,
    %get3A_2584 = vector.shape_cast %get3A_2583 : vector<1x16xi32> to vector<16xi32>
    %add3A_2585 = arith.constant 24000 : i32
    %add3A_2586 = vector.broadcast %add3A_2585 : i32 to vector<16xi32>
    %add3A_2587 = arith.addi %get3A_2584, %add3A_2586 : vector<16xi32>
    %swap3A_2588 = arith.constant 24 : i32
    %swap3A_2589 = arith.index_cast %swap3A_2588 : i32 to index
    %swap3A_2590 = arith.constant 0 : index
    %swap3A_2591 = tpu.vector_load %arg6[%swap3A_2589, %swap3A_2590] {strides = array<i32>} : memref<26x128xi32, #tpu.memory_space<vmem>>, vector<1x16xi32>,
    %swap3A_2592 = vector.shape_cast %swap3A_2591 : vector<1x16xi32> to vector<16xi32>
    %swap3A_2593 = vector.shape_cast %add3A_2587 : vector<16xi32> to vector<1x16xi32>
    tpu.vector_store %arg6[%swap3A_2589, %swap3A_2590], %swap3A_2593 {strides = array<i32>} : memref<26x128xi32, #tpu.memory_space<vmem>>, vector<1x16xi32>,
    %get3A_2594 = arith.constant 24 : i32
    %get3A_2595 = arith.index_cast %get3A_2594 : i32 to index
    %get3A_2596 = arith.constant 16 : index
    %get3A_2597 = tpu.vector_load %arg6[%get3A_2595, %get3A_2596] {strides = array<i32>} : memref<26x128xi32, #tpu.memory_space<vmem>>, vector<1x16xi32>,
    %get3A_2598 = vector.shape_cast %get3A_2597 : vector<1x16xi32> to vector<16xi32>
    %add3A_2599 = arith.constant 24000 : i32
    %add3A_2600 = vector.broadcast %add3A_2599 : i32 to vector<16xi32>
    %add3A_2601 = arith.addi %get3A_2598, %add3A_2600 : vector<16xi32>
    %swap3A_2602 = arith.constant 24 : i32
    %swap3A_2603 = arith.index_cast %swap3A_2602 : i32 to index
    %swap3A_2604 = arith.constant 16 : index
    %swap3A_2605 = tpu.vector_load %arg6[%swap3A_2603, %swap3A_2604] {strides = array<i32>} : memref<26x128xi32, #tpu.memory_space<vmem>>, vector<1x16xi32>,
    %swap3A_2606 = vector.shape_cast %swap3A_2605 : vector<1x16xi32> to vector<16xi32>
    %swap3A_2607 = vector.shape_cast %add3A_2601 : vector<16xi32> to vector<1x16xi32>
    tpu.vector_store %arg6[%swap3A_2603, %swap3A_2604], %swap3A_2607 {strides = array<i32>} : memref<26x128xi32, #tpu.memory_space<vmem>>, vector<1x16xi32>,
    %get3A_2608 = arith.constant 24 : i32
    %get3A_2609 = arith.index_cast %get3A_2608 : i32 to index
    %get3A_2610 = arith.constant 32 : index
    %get3A_2611 = tpu.vector_load %arg6[%get3A_2609, %get3A_2610] {strides = array<i32>} : memref<26x128xi32, #tpu.memory_space<vmem>>, vector<1x16xi32>,
    %get3A_2612 = vector.shape_cast %get3A_2611 : vector<1x16xi32> to vector<16xi32>
    %add3A_2613 = arith.constant 24000 : i32
    %add3A_2614 = vector.broadcast %add3A_2613 : i32 to vector<16xi32>
    %add3A_2615 = arith.addi %get3A_2612, %add3A_2614 : vector<16xi32>
    %swap3A_2616 = arith.constant 24 : i32
    %swap3A_2617 = arith.index_cast %swap3A_2616 : i32 to index
    %swap3A_2618 = arith.constant 32 : index
    %swap3A_2619 = tpu.vector_load %arg6[%swap3A_2617, %swap3A_2618] {strides = array<i32>} : memref<26x128xi32, #tpu.memory_space<vmem>>, vector<1x16xi32>,
    %swap3A_2620 = vector.shape_cast %swap3A_2619 : vector<1x16xi32> to vector<16xi32>
    %swap3A_2621 = vector.shape_cast %add3A_2615 : vector<16xi32> to vector<1x16xi32>
    tpu.vector_store %arg6[%swap3A_2617, %swap3A_2618], %swap3A_2621 {strides = array<i32>} : memref<26x128xi32, #tpu.memory_space<vmem>>, vector<1x16xi32>,
    %get3A_2622 = arith.constant 24 : i32
    %get3A_2623 = arith.index_cast %get3A_2622 : i32 to index
    %get3A_2624 = arith.constant 48 : index
    %get3A_2625 = tpu.vector_load %arg6[%get3A_2623, %get3A_2624] {strides = array<i32>} : memref<26x128xi32, #tpu.memory_space<vmem>>, vector<1x16xi32>,
    %get3A_2626 = vector.shape_cast %get3A_2625 : vector<1x16xi32> to vector<16xi32>
    %add3A_2627 = arith.constant 24000 : i32
    %add3A_2628 = vector.broadcast %add3A_2627 : i32 to vector<16xi32>
    %add3A_2629 = arith.addi %get3A_2626, %add3A_2628 : vector<16xi32>
    %swap3A_2630 = arith.constant 24 : i32
    %swap3A_2631 = arith.index_cast %swap3A_2630 : i32 to index
    %swap3A_2632 = arith.constant 48 : index
    %swap3A_2633 = tpu.vector_load %arg6[%swap3A_2631, %swap3A_2632] {strides = array<i32>} : memref<26x128xi32, #tpu.memory_space<vmem>>, vector<1x16xi32>,
    %swap3A_2634 = vector.shape_cast %swap3A_2633 : vector<1x16xi32> to vector<16xi32>
    %swap3A_2635 = vector.shape_cast %add3A_2629 : vector<16xi32> to vector<1x16xi32>
    tpu.vector_store %arg6[%swap3A_2631, %swap3A_2632], %swap3A_2635 {strides = array<i32>} : memref<26x128xi32, #tpu.memory_space<vmem>>, vector<1x16xi32>,
    %get3A_2636 = arith.constant 24 : i32
    %get3A_2637 = arith.index_cast %get3A_2636 : i32 to index
    %get3A_2638 = arith.constant 64 : index
    %get3A_2639 = tpu.vector_load %arg6[%get3A_2637, %get3A_2638] {strides = array<i32>} : memref<26x128xi32, #tpu.memory_space<vmem>>, vector<1x16xi32>,
    %get3A_2640 = vector.shape_cast %get3A_2639 : vector<1x16xi32> to vector<16xi32>
    %add3A_2641 = arith.constant 24000 : i32
    %add3A_2642 = vector.broadcast %add3A_2641 : i32 to vector<16xi32>
    %add3A_2643 = arith.addi %get3A_2640, %add3A_2642 : vector<16xi32>
    %swap3A_2644 = arith.constant 24 : i32
    %swap3A_2645 = arith.index_cast %swap3A_2644 : i32 to index
    %swap3A_2646 = arith.constant 64 : index
    %swap3A_2647 = tpu.vector_load %arg6[%swap3A_2645, %swap3A_2646] {strides = array<i32>} : memref<26x128xi32, #tpu.memory_space<vmem>>, vector<1x16xi32>,
    %swap3A_2648 = vector.shape_cast %swap3A_2647 : vector<1x16xi32> to vector<16xi32>
    %swap3A_2649 = vector.shape_cast %add3A_2643 : vector<16xi32> to vector<1x16xi32>
    tpu.vector_store %arg6[%swap3A_2645, %swap3A_2646], %swap3A_2649 {strides = array<i32>} : memref<26x128xi32, #tpu.memory_space<vmem>>, vector<1x16xi32>,
    %get3A_2650 = arith.constant 24 : i32
    %get3A_2651 = arith.index_cast %get3A_2650 : i32 to index
    %get3A_2652 = arith.constant 80 : index
    %get3A_2653 = tpu.vector_load %arg6[%get3A_2651, %get3A_2652] {strides = array<i32>} : memref<26x128xi32, #tpu.memory_space<vmem>>, vector<1x16xi32>,
    %get3A_2654 = vector.shape_cast %get3A_2653 : vector<1x16xi32> to vector<16xi32>
    %add3A_2655 = arith.constant 24000 : i32
    %add3A_2656 = vector.broadcast %add3A_2655 : i32 to vector<16xi32>
    %add3A_2657 = arith.addi %get3A_2654, %add3A_2656 : vector<16xi32>
    %swap3A_2658 = arith.constant 24 : i32
    %swap3A_2659 = arith.index_cast %swap3A_2658 : i32 to index
    %swap3A_2660 = arith.constant 80 : index
    %swap3A_2661 = tpu.vector_load %arg6[%swap3A_2659, %swap3A_2660] {strides = array<i32>} : memref<26x128xi32, #tpu.memory_space<vmem>>, vector<1x16xi32>,
    %swap3A_2662 = vector.shape_cast %swap3A_2661 : vector<1x16xi32> to vector<16xi32>
    %swap3A_2663 = vector.shape_cast %add3A_2657 : vector<16xi32> to vector<1x16xi32>
    tpu.vector_store %arg6[%swap3A_2659, %swap3A_2660], %swap3A_2663 {strides = array<i32>} : memref<26x128xi32, #tpu.memory_space<vmem>>, vector<1x16xi32>,
    %get3A_2664 = arith.constant 24 : i32
    %get3A_2665 = arith.index_cast %get3A_2664 : i32 to index
    %get3A_2666 = arith.constant 96 : index
    %get3A_2667 = tpu.vector_load %arg6[%get3A_2665, %get3A_2666] {strides = array<i32>} : memref<26x128xi32, #tpu.memory_space<vmem>>, vector<1x16xi32>,
    %get3A_2668 = vector.shape_cast %get3A_2667 : vector<1x16xi32> to vector<16xi32>
    %add3A_2669 = arith.constant 24000 : i32
    %add3A_2670 = vector.broadcast %add3A_2669 : i32 to vector<16xi32>
    %add3A_2671 = arith.addi %get3A_2668, %add3A_2670 : vector<16xi32>
    %swap3A_2672 = arith.constant 24 : i32
    %swap3A_2673 = arith.index_cast %swap3A_2672 : i32 to index
    %swap3A_2674 = arith.constant 96 : index
    %swap3A_2675 = tpu.vector_load %arg6[%swap3A_2673, %swap3A_2674] {strides = array<i32>} : memref<26x128xi32, #tpu.memory_space<vmem>>, vector<1x16xi32>,
    %swap3A_2676 = vector.shape_cast %swap3A_2675 : vector<1x16xi32> to vector<16xi32>
    %swap3A_2677 = vector.shape_cast %add3A_2671 : vector<16xi32> to vector<1x16xi32>
    tpu.vector_store %arg6[%swap3A_2673, %swap3A_2674], %swap3A_2677 {strides = array<i32>} : memref<26x128xi32, #tpu.memory_space<vmem>>, vector<1x16xi32>,
    %get3A_2678 = arith.constant 24 : i32
    %get3A_2679 = arith.index_cast %get3A_2678 : i32 to index
    %get3A_2680 = arith.constant 112 : index
    %get3A_2681 = tpu.vector_load %arg6[%get3A_2679, %get3A_2680] {strides = array<i32>} : memref<26x128xi32, #tpu.memory_space<vmem>>, vector<1x16xi32>,
    %get3A_2682 = vector.shape_cast %get3A_2681 : vector<1x16xi32> to vector<16xi32>
    %add3A_2683 = arith.constant 24000 : i32
    %add3A_2684 = vector.broadcast %add3A_2683 : i32 to vector<16xi32>
    %add3A_2685 = arith.addi %get3A_2682, %add3A_2684 : vector<16xi32>
    %swap3A_2686 = arith.constant 24 : i32
    %swap3A_2687 = arith.index_cast %swap3A_2686 : i32 to index
    %swap3A_2688 = arith.constant 112 : index
    %swap3A_2689 = tpu.vector_load %arg6[%swap3A_2687, %swap3A_2688] {strides = array<i32>} : memref<26x128xi32, #tpu.memory_space<vmem>>, vector<1x16xi32>,
    %swap3A_2690 = vector.shape_cast %swap3A_2689 : vector<1x16xi32> to vector<16xi32>
    %swap3A_2691 = vector.shape_cast %add3A_2685 : vector<16xi32> to vector<1x16xi32>
    tpu.vector_store %arg6[%swap3A_2687, %swap3A_2688], %swap3A_2691 {strides = array<i32>} : memref<26x128xi32, #tpu.memory_space<vmem>>, vector<1x16xi32>,
    %get3A_2692 = arith.constant 25 : i32
    %get3A_2693 = arith.index_cast %get3A_2692 : i32 to index
    %get3A_2694 = arith.constant 0 : index
    %get3A_2695 = tpu.vector_load %arg6[%get3A_2693, %get3A_2694] {strides = array<i32>} : memref<26x128xi32, #tpu.memory_space<vmem>>, vector<1x16xi32>,
    %get3A_2696 = vector.shape_cast %get3A_2695 : vector<1x16xi32> to vector<16xi32>
    %add3A_2697 = arith.constant 25000 : i32
    %add3A_2698 = vector.broadcast %add3A_2697 : i32 to vector<16xi32>
    %add3A_2699 = arith.addi %get3A_2696, %add3A_2698 : vector<16xi32>
    %swap3A_2700 = arith.constant 25 : i32
    %swap3A_2701 = arith.index_cast %swap3A_2700 : i32 to index
    %swap3A_2702 = arith.constant 0 : index
    %swap3A_2703 = tpu.vector_load %arg6[%swap3A_2701, %swap3A_2702] {strides = array<i32>} : memref<26x128xi32, #tpu.memory_space<vmem>>, vector<1x16xi32>,
    %swap3A_2704 = vector.shape_cast %swap3A_2703 : vector<1x16xi32> to vector<16xi32>
    %swap3A_2705 = vector.shape_cast %add3A_2699 : vector<16xi32> to vector<1x16xi32>
    tpu.vector_store %arg6[%swap3A_2701, %swap3A_2702], %swap3A_2705 {strides = array<i32>} : memref<26x128xi32, #tpu.memory_space<vmem>>, vector<1x16xi32>,
    %get3A_2706 = arith.constant 25 : i32
    %get3A_2707 = arith.index_cast %get3A_2706 : i32 to index
    %get3A_2708 = arith.constant 16 : index
    %get3A_2709 = tpu.vector_load %arg6[%get3A_2707, %get3A_2708] {strides = array<i32>} : memref<26x128xi32, #tpu.memory_space<vmem>>, vector<1x16xi32>,
    %get3A_2710 = vector.shape_cast %get3A_2709 : vector<1x16xi32> to vector<16xi32>
    %add3A_2711 = arith.constant 25000 : i32
    %add3A_2712 = vector.broadcast %add3A_2711 : i32 to vector<16xi32>
    %add3A_2713 = arith.addi %get3A_2710, %add3A_2712 : vector<16xi32>
    %swap3A_2714 = arith.constant 25 : i32
    %swap3A_2715 = arith.index_cast %swap3A_2714 : i32 to index
    %swap3A_2716 = arith.constant 16 : index
    %swap3A_2717 = tpu.vector_load %arg6[%swap3A_2715, %swap3A_2716] {strides = array<i32>} : memref<26x128xi32, #tpu.memory_space<vmem>>, vector<1x16xi32>,
    %swap3A_2718 = vector.shape_cast %swap3A_2717 : vector<1x16xi32> to vector<16xi32>
    %swap3A_2719 = vector.shape_cast %add3A_2713 : vector<16xi32> to vector<1x16xi32>
    tpu.vector_store %arg6[%swap3A_2715, %swap3A_2716], %swap3A_2719 {strides = array<i32>} : memref<26x128xi32, #tpu.memory_space<vmem>>, vector<1x16xi32>,
    %get3A_2720 = arith.constant 25 : i32
    %get3A_2721 = arith.index_cast %get3A_2720 : i32 to index
    %get3A_2722 = arith.constant 32 : index
    %get3A_2723 = tpu.vector_load %arg6[%get3A_2721, %get3A_2722] {strides = array<i32>} : memref<26x128xi32, #tpu.memory_space<vmem>>, vector<1x16xi32>,
    %get3A_2724 = vector.shape_cast %get3A_2723 : vector<1x16xi32> to vector<16xi32>
    %add3A_2725 = arith.constant 25000 : i32
    %add3A_2726 = vector.broadcast %add3A_2725 : i32 to vector<16xi32>
    %add3A_2727 = arith.addi %get3A_2724, %add3A_2726 : vector<16xi32>
    %swap3A_2728 = arith.constant 25 : i32
    %swap3A_2729 = arith.index_cast %swap3A_2728 : i32 to index
    %swap3A_2730 = arith.constant 32 : index
    %swap3A_2731 = tpu.vector_load %arg6[%swap3A_2729, %swap3A_2730] {strides = array<i32>} : memref<26x128xi32, #tpu.memory_space<vmem>>, vector<1x16xi32>,
    %swap3A_2732 = vector.shape_cast %swap3A_2731 : vector<1x16xi32> to vector<16xi32>
    %swap3A_2733 = vector.shape_cast %add3A_2727 : vector<16xi32> to vector<1x16xi32>
    tpu.vector_store %arg6[%swap3A_2729, %swap3A_2730], %swap3A_2733 {strides = array<i32>} : memref<26x128xi32, #tpu.memory_space<vmem>>, vector<1x16xi32>,
    %get3A_2734 = arith.constant 25 : i32
    %get3A_2735 = arith.index_cast %get3A_2734 : i32 to index
    %get3A_2736 = arith.constant 48 : index
    %get3A_2737 = tpu.vector_load %arg6[%get3A_2735, %get3A_2736] {strides = array<i32>} : memref<26x128xi32, #tpu.memory_space<vmem>>, vector<1x16xi32>,
    %get3A_2738 = vector.shape_cast %get3A_2737 : vector<1x16xi32> to vector<16xi32>
    %add3A_2739 = arith.constant 25000 : i32
    %add3A_2740 = vector.broadcast %add3A_2739 : i32 to vector<16xi32>
    %add3A_2741 = arith.addi %get3A_2738, %add3A_2740 : vector<16xi32>
    %swap3A_2742 = arith.constant 25 : i32
    %swap3A_2743 = arith.index_cast %swap3A_2742 : i32 to index
    %swap3A_2744 = arith.constant 48 : index
    %swap3A_2745 = tpu.vector_load %arg6[%swap3A_2743, %swap3A_2744] {strides = array<i32>} : memref<26x128xi32, #tpu.memory_space<vmem>>, vector<1x16xi32>,
    %swap3A_2746 = vector.shape_cast %swap3A_2745 : vector<1x16xi32> to vector<16xi32>
    %swap3A_2747 = vector.shape_cast %add3A_2741 : vector<16xi32> to vector<1x16xi32>
    tpu.vector_store %arg6[%swap3A_2743, %swap3A_2744], %swap3A_2747 {strides = array<i32>} : memref<26x128xi32, #tpu.memory_space<vmem>>, vector<1x16xi32>,
    %get3A_2748 = arith.constant 25 : i32
    %get3A_2749 = arith.index_cast %get3A_2748 : i32 to index
    %get3A_2750 = arith.constant 64 : index
    %get3A_2751 = tpu.vector_load %arg6[%get3A_2749, %get3A_2750] {strides = array<i32>} : memref<26x128xi32, #tpu.memory_space<vmem>>, vector<1x16xi32>,
    %get3A_2752 = vector.shape_cast %get3A_2751 : vector<1x16xi32> to vector<16xi32>
    %add3A_2753 = arith.constant 25000 : i32
    %add3A_2754 = vector.broadcast %add3A_2753 : i32 to vector<16xi32>
    %add3A_2755 = arith.addi %get3A_2752, %add3A_2754 : vector<16xi32>
    %swap3A_2756 = arith.constant 25 : i32
    %swap3A_2757 = arith.index_cast %swap3A_2756 : i32 to index
    %swap3A_2758 = arith.constant 64 : index
    %swap3A_2759 = tpu.vector_load %arg6[%swap3A_2757, %swap3A_2758] {strides = array<i32>} : memref<26x128xi32, #tpu.memory_space<vmem>>, vector<1x16xi32>,
    %swap3A_2760 = vector.shape_cast %swap3A_2759 : vector<1x16xi32> to vector<16xi32>
    %swap3A_2761 = vector.shape_cast %add3A_2755 : vector<16xi32> to vector<1x16xi32>
    tpu.vector_store %arg6[%swap3A_2757, %swap3A_2758], %swap3A_2761 {strides = array<i32>} : memref<26x128xi32, #tpu.memory_space<vmem>>, vector<1x16xi32>,
    %get3A_2762 = arith.constant 25 : i32
    %get3A_2763 = arith.index_cast %get3A_2762 : i32 to index
    %get3A_2764 = arith.constant 80 : index
    %get3A_2765 = tpu.vector_load %arg6[%get3A_2763, %get3A_2764] {strides = array<i32>} : memref<26x128xi32, #tpu.memory_space<vmem>>, vector<1x16xi32>,
    %get3A_2766 = vector.shape_cast %get3A_2765 : vector<1x16xi32> to vector<16xi32>
    %add3A_2767 = arith.constant 25000 : i32
    %add3A_2768 = vector.broadcast %add3A_2767 : i32 to vector<16xi32>
    %add3A_2769 = arith.addi %get3A_2766, %add3A_2768 : vector<16xi32>
    %swap3A_2770 = arith.constant 25 : i32
    %swap3A_2771 = arith.index_cast %swap3A_2770 : i32 to index
    %swap3A_2772 = arith.constant 80 : index
    %swap3A_2773 = tpu.vector_load %arg6[%swap3A_2771, %swap3A_2772] {strides = array<i32>} : memref<26x128xi32, #tpu.memory_space<vmem>>, vector<1x16xi32>,
    %swap3A_2774 = vector.shape_cast %swap3A_2773 : vector<1x16xi32> to vector<16xi32>
    %swap3A_2775 = vector.shape_cast %add3A_2769 : vector<16xi32> to vector<1x16xi32>
    tpu.vector_store %arg6[%swap3A_2771, %swap3A_2772], %swap3A_2775 {strides = array<i32>} : memref<26x128xi32, #tpu.memory_space<vmem>>, vector<1x16xi32>,
    %get3A_2776 = arith.constant 25 : i32
    %get3A_2777 = arith.index_cast %get3A_2776 : i32 to index
    %get3A_2778 = arith.constant 96 : index
    %get3A_2779 = tpu.vector_load %arg6[%get3A_2777, %get3A_2778] {strides = array<i32>} : memref<26x128xi32, #tpu.memory_space<vmem>>, vector<1x16xi32>,
    %get3A_2780 = vector.shape_cast %get3A_2779 : vector<1x16xi32> to vector<16xi32>
    %add3A_2781 = arith.constant 25000 : i32
    %add3A_2782 = vector.broadcast %add3A_2781 : i32 to vector<16xi32>
    %add3A_2783 = arith.addi %get3A_2780, %add3A_2782 : vector<16xi32>
    %swap3A_2784 = arith.constant 25 : i32
    %swap3A_2785 = arith.index_cast %swap3A_2784 : i32 to index
    %swap3A_2786 = arith.constant 96 : index
    %swap3A_2787 = tpu.vector_load %arg6[%swap3A_2785, %swap3A_2786] {strides = array<i32>} : memref<26x128xi32, #tpu.memory_space<vmem>>, vector<1x16xi32>,
    %swap3A_2788 = vector.shape_cast %swap3A_2787 : vector<1x16xi32> to vector<16xi32>
    %swap3A_2789 = vector.shape_cast %add3A_2783 : vector<16xi32> to vector<1x16xi32>
    tpu.vector_store %arg6[%swap3A_2785, %swap3A_2786], %swap3A_2789 {strides = array<i32>} : memref<26x128xi32, #tpu.memory_space<vmem>>, vector<1x16xi32>,
    %get3A_2790 = arith.constant 25 : i32
    %get3A_2791 = arith.index_cast %get3A_2790 : i32 to index
    %get3A_2792 = arith.constant 112 : index
    %get3A_2793 = tpu.vector_load %arg6[%get3A_2791, %get3A_2792] {strides = array<i32>} : memref<26x128xi32, #tpu.memory_space<vmem>>, vector<1x16xi32>,
    %get3A_2794 = vector.shape_cast %get3A_2793 : vector<1x16xi32> to vector<16xi32>
    %add3A_2795 = arith.constant 25000 : i32
    %add3A_2796 = vector.broadcast %add3A_2795 : i32 to vector<16xi32>
    %add3A_2797 = arith.addi %get3A_2794, %add3A_2796 : vector<16xi32>
    %swap3A_2798 = arith.constant 25 : i32
    %swap3A_2799 = arith.index_cast %swap3A_2798 : i32 to index
    %swap3A_2800 = arith.constant 112 : index
    %swap3A_2801 = tpu.vector_load %arg6[%swap3A_2799, %swap3A_2800] {strides = array<i32>} : memref<26x128xi32, #tpu.memory_space<vmem>>, vector<1x16xi32>,
    %swap3A_2802 = vector.shape_cast %swap3A_2801 : vector<1x16xi32> to vector<16xi32>
    %swap3A_2803 = vector.shape_cast %add3A_2797 : vector<16xi32> to vector<1x16xi32>
    tpu.vector_store %arg6[%swap3A_2799, %swap3A_2800], %swap3A_2803 {strides = array<i32>} : memref<26x128xi32, #tpu.memory_space<vmem>>, vector<1x16xi32>,
    %dma_start3A_2804 = arith.constant 0 : i32
    %dma_start3A_2805 = arith.constant 0 : i32
    %dma_start3A_2806 = arith.constant 0 : i32
    %dma_start3A_2807 = arith.constant 0 : i32
    %dma_start3A_2808 = arith.constant 0 : i32
    %dma_start3A_2809 = tpu.memref_slice %arg7[%dma_start3A_2805, %dma_start3A_2807, %dma_start3A_2808] : memref<5x128x128xf32, #tpu.memory_space<vmem>> -> memref<1x128x128xf32, #tpu.memory_space<vmem>>
    %dma_start3A_2810 = tpu.memref_squeeze %dma_start3A_2809 : memref<1x128x128xf32, #tpu.memory_space<vmem>> -> memref<128x128xf32, #tpu.memory_space<vmem>>
    %dma_start3A_2811 = arith.constant 0 : i32
    %dma_start3A_2812 = tpu.memref_slice %arg6[%dma_start3A_2804, %dma_start3A_2811] : memref<26x128xi32, #tpu.memory_space<vmem>> -> memref<1x128xi32, #tpu.memory_space<vmem>>
    %dma_start3A_2813 = tpu.memref_squeeze %dma_start3A_2812 : memref<1x128xi32, #tpu.memory_space<vmem>> -> memref<128xi32, #tpu.memory_space<vmem>>
    %dma_start3A_2814 = arith.constant 0 : i32
    %dma_start3A_2815 = arith.constant 0 : i32
    %dma_start3A_2816 = tpu.memref_slice %arg4[%dma_start3A_2814, %dma_start3A_2815] : memref<26000x128xf32, #tpu.memory_space<hbm>> -> memref<26000x128xf32, #tpu.memory_space<hbm>>
    %dma_start3A_2817 = tpu.memref_slice %arg9[%dma_start3A_2806] : memref<5x!tpu.dma_semaphore, #tpu.memory_space<semaphore_mem>> -> memref<1x!tpu.dma_semaphore, #tpu.memory_space<semaphore_mem>>
    %dma_start3A_2818 = tpu.memref_squeeze %dma_start3A_2817 : memref<1x!tpu.dma_semaphore, #tpu.memory_space<semaphore_mem>> -> memref<!tpu.dma_semaphore, #tpu.memory_space<semaphore_mem>>
    tpu.enqueue_indirect_dma source(%dma_start3A_2816 : memref<26000x128xf32, #tpu.memory_space<hbm>>) target(%dma_start3A_2810 : memref<128x128xf32, #tpu.memory_space<vmem>>) offsets(%dma_start3A_2813 : memref<128xi32, #tpu.memory_space<vmem>>) semaphore(%dma_start3A_2818 : memref<!tpu.dma_semaphore, #tpu.memory_space<semaphore_mem>>)
    %dma_start3A_2819 = arith.constant 1 : i32
    %dma_start3A_2820 = arith.constant 1 : i32
    %dma_start3A_2821 = arith.constant 1 : i32
    %dma_start3A_2822 = arith.constant 0 : i32
    %dma_start3A_2823 = arith.constant 0 : i32
    %dma_start3A_2824 = tpu.memref_slice %arg7[%dma_start3A_2820, %dma_start3A_2822, %dma_start3A_2823] : memref<5x128x128xf32, #tpu.memory_space<vmem>> -> memref<1x128x128xf32, #tpu.memory_space<vmem>>
    %dma_start3A_2825 = tpu.memref_squeeze %dma_start3A_2824 : memref<1x128x128xf32, #tpu.memory_space<vmem>> -> memref<128x128xf32, #tpu.memory_space<vmem>>
    %dma_start3A_2826 = arith.constant 0 : i32
    %dma_start3A_2827 = tpu.memref_slice %arg6[%dma_start3A_2819, %dma_start3A_2826] : memref<26x128xi32, #tpu.memory_space<vmem>> -> memref<1x128xi32, #tpu.memory_space<vmem>>
    %dma_start3A_2828 = tpu.memref_squeeze %dma_start3A_2827 : memref<1x128xi32, #tpu.memory_space<vmem>> -> memref<128xi32, #tpu.memory_space<vmem>>
    %dma_start3A_2829 = arith.constant 0 : i32
    %dma_start3A_2830 = arith.constant 0 : i32
    %dma_start3A_2831 = tpu.memref_slice %arg4[%dma_start3A_2829, %dma_start3A_2830] : memref<26000x128xf32, #tpu.memory_space<hbm>> -> memref<26000x128xf32, #tpu.memory_space<hbm>>
    %dma_start3A_2832 = tpu.memref_slice %arg9[%dma_start3A_2821] : memref<5x!tpu.dma_semaphore, #tpu.memory_space<semaphore_mem>> -> memref<1x!tpu.dma_semaphore, #tpu.memory_space<semaphore_mem>>
    %dma_start3A_2833 = tpu.memref_squeeze %dma_start3A_2832 : memref<1x!tpu.dma_semaphore, #tpu.memory_space<semaphore_mem>> -> memref<!tpu.dma_semaphore, #tpu.memory_space<semaphore_mem>>
    tpu.enqueue_indirect_dma source(%dma_start3A_2831 : memref<26000x128xf32, #tpu.memory_space<hbm>>) target(%dma_start3A_2825 : memref<128x128xf32, #tpu.memory_space<vmem>>) offsets(%dma_start3A_2828 : memref<128xi32, #tpu.memory_space<vmem>>) semaphore(%dma_start3A_2833 : memref<!tpu.dma_semaphore, #tpu.memory_space<semaphore_mem>>)
    %dma_start3A_2834 = arith.constant 2 : i32
    %dma_start3A_2835 = arith.constant 2 : i32
    %dma_start3A_2836 = arith.constant 2 : i32
    %dma_start3A_2837 = arith.constant 0 : i32
    %dma_start3A_2838 = arith.constant 0 : i32
    %dma_start3A_2839 = tpu.memref_slice %arg7[%dma_start3A_2835, %dma_start3A_2837, %dma_start3A_2838] : memref<5x128x128xf32, #tpu.memory_space<vmem>> -> memref<1x128x128xf32, #tpu.memory_space<vmem>>
    %dma_start3A_2840 = tpu.memref_squeeze %dma_start3A_2839 : memref<1x128x128xf32, #tpu.memory_space<vmem>> -> memref<128x128xf32, #tpu.memory_space<vmem>>
    %dma_start3A_2841 = arith.constant 0 : i32
    %dma_start3A_2842 = tpu.memref_slice %arg6[%dma_start3A_2834, %dma_start3A_2841] : memref<26x128xi32, #tpu.memory_space<vmem>> -> memref<1x128xi32, #tpu.memory_space<vmem>>
    %dma_start3A_2843 = tpu.memref_squeeze %dma_start3A_2842 : memref<1x128xi32, #tpu.memory_space<vmem>> -> memref<128xi32, #tpu.memory_space<vmem>>
    %dma_start3A_2844 = arith.constant 0 : i32
    %dma_start3A_2845 = arith.constant 0 : i32
    %dma_start3A_2846 = tpu.memref_slice %arg4[%dma_start3A_2844, %dma_start3A_2845] : memref<26000x128xf32, #tpu.memory_space<hbm>> -> memref<26000x128xf32, #tpu.memory_space<hbm>>
    %dma_start3A_2847 = tpu.memref_slice %arg9[%dma_start3A_2836] : memref<5x!tpu.dma_semaphore, #tpu.memory_space<semaphore_mem>> -> memref<1x!tpu.dma_semaphore, #tpu.memory_space<semaphore_mem>>
    %dma_start3A_2848 = tpu.memref_squeeze %dma_start3A_2847 : memref<1x!tpu.dma_semaphore, #tpu.memory_space<semaphore_mem>> -> memref<!tpu.dma_semaphore, #tpu.memory_space<semaphore_mem>>
    tpu.enqueue_indirect_dma source(%dma_start3A_2846 : memref<26000x128xf32, #tpu.memory_space<hbm>>) target(%dma_start3A_2840 : memref<128x128xf32, #tpu.memory_space<vmem>>) offsets(%dma_start3A_2843 : memref<128xi32, #tpu.memory_space<vmem>>) semaphore(%dma_start3A_2848 : memref<!tpu.dma_semaphore, #tpu.memory_space<semaphore_mem>>)
    %dma_start3A_2849 = arith.constant 3 : i32
    %dma_start3A_2850 = arith.constant 3 : i32
    %dma_start3A_2851 = arith.constant 3 : i32
    %dma_start3A_2852 = arith.constant 0 : i32
    %dma_start3A_2853 = arith.constant 0 : i32
    %dma_start3A_2854 = tpu.memref_slice %arg7[%dma_start3A_2850, %dma_start3A_2852, %dma_start3A_2853] : memref<5x128x128xf32, #tpu.memory_space<vmem>> -> memref<1x128x128xf32, #tpu.memory_space<vmem>>
    %dma_start3A_2855 = tpu.memref_squeeze %dma_start3A_2854 : memref<1x128x128xf32, #tpu.memory_space<vmem>> -> memref<128x128xf32, #tpu.memory_space<vmem>>
    %dma_start3A_2856 = arith.constant 0 : i32
    %dma_start3A_2857 = tpu.memref_slice %arg6[%dma_start3A_2849, %dma_start3A_2856] : memref<26x128xi32, #tpu.memory_space<vmem>> -> memref<1x128xi32, #tpu.memory_space<vmem>>
    %dma_start3A_2858 = tpu.memref_squeeze %dma_start3A_2857 : memref<1x128xi32, #tpu.memory_space<vmem>> -> memref<128xi32, #tpu.memory_space<vmem>>
    %dma_start3A_2859 = arith.constant 0 : i32
    %dma_start3A_2860 = arith.constant 0 : i32
    %dma_start3A_2861 = tpu.memref_slice %arg4[%dma_start3A_2859, %dma_start3A_2860] : memref<26000x128xf32, #tpu.memory_space<hbm>> -> memref<26000x128xf32, #tpu.memory_space<hbm>>
    %dma_start3A_2862 = tpu.memref_slice %arg9[%dma_start3A_2851] : memref<5x!tpu.dma_semaphore, #tpu.memory_space<semaphore_mem>> -> memref<1x!tpu.dma_semaphore, #tpu.memory_space<semaphore_mem>>
    %dma_start3A_2863 = tpu.memref_squeeze %dma_start3A_2862 : memref<1x!tpu.dma_semaphore, #tpu.memory_space<semaphore_mem>> -> memref<!tpu.dma_semaphore, #tpu.memory_space<semaphore_mem>>
    tpu.enqueue_indirect_dma source(%dma_start3A_2861 : memref<26000x128xf32, #tpu.memory_space<hbm>>) target(%dma_start3A_2855 : memref<128x128xf32, #tpu.memory_space<vmem>>) offsets(%dma_start3A_2858 : memref<128xi32, #tpu.memory_space<vmem>>) semaphore(%dma_start3A_2863 : memref<!tpu.dma_semaphore, #tpu.memory_space<semaphore_mem>>)
    %dma_wait3A = arith.constant 0 : i32
    %dma_wait3A_2864 = arith.constant 0 : i32
    %dma_wait3A_2865 = arith.constant 0 : i32
    %dma_wait3A_2866 = arith.constant 0 : i32
    %dma_wait3A_2867 = arith.constant 0 : i32
    %dma_wait3A_2868 = tpu.memref_slice %arg7[%dma_wait3A_2864, %dma_wait3A_2866, %dma_wait3A_2867] : memref<5x128x128xf32, #tpu.memory_space<vmem>> -> memref<1x128x128xf32, #tpu.memory_space<vmem>>
    %dma_wait3A_2869 = tpu.memref_squeeze %dma_wait3A_2868 : memref<1x128x128xf32, #tpu.memory_space<vmem>> -> memref<128x128xf32, #tpu.memory_space<vmem>>
    %dma_wait3A_2870 = arith.constant 0 : i32
    %dma_wait3A_2871 = tpu.memref_slice %arg6[%dma_wait3A, %dma_wait3A_2870] : memref<26x128xi32, #tpu.memory_space<vmem>> -> memref<1x128xi32, #tpu.memory_space<vmem>>
    %dma_wait3A_2872 = tpu.memref_squeeze %dma_wait3A_2871 : memref<1x128xi32, #tpu.memory_space<vmem>> -> memref<128xi32, #tpu.memory_space<vmem>>
    %dma_wait3A_2873 = arith.constant 0 : i32
    %dma_wait3A_2874 = arith.constant 0 : i32
    %dma_wait3A_2875 = tpu.memref_slice %arg4[%dma_wait3A_2873, %dma_wait3A_2874] : memref<26000x128xf32, #tpu.memory_space<hbm>> -> memref<26000x128xf32, #tpu.memory_space<hbm>>
    %dma_wait3A_2876 = tpu.memref_slice %arg9[%dma_wait3A_2865] : memref<5x!tpu.dma_semaphore, #tpu.memory_space<semaphore_mem>> -> memref<1x!tpu.dma_semaphore, #tpu.memory_space<semaphore_mem>>
    %dma_wait3A_2877 = tpu.memref_squeeze %dma_wait3A_2876 : memref<1x!tpu.dma_semaphore, #tpu.memory_space<semaphore_mem>> -> memref<!tpu.dma_semaphore, #tpu.memory_space<semaphore_mem>>
    tpu.wait_indirect_dma semaphore(%dma_wait3A_2877 : memref<!tpu.dma_semaphore, #tpu.memory_space<semaphore_mem>>) src(%dma_wait3A_2875 : memref<26000x128xf32, #tpu.memory_space<hbm>>) dst(%dma_wait3A_2869 : memref<128x128xf32, #tpu.memory_space<vmem>>)
    %dma_start3A_2878 = arith.constant 0 : i32
    %dma_start3A_2879 = arith.constant 0 : i32
    %dma_start3A_2880 = arith.constant 0 : i32
    %dma_start3A_2881 = arith.constant 0 : i32
    %dma_start3A_2882 = tpu.memref_slice %arg7[%dma_start3A_2878, %dma_start3A_2880, %dma_start3A_2881] : memref<5x128x128xf32, #tpu.memory_space<vmem>> -> memref<1x128x128xf32, #tpu.memory_space<vmem>>
    %dma_start3A_2883 = tpu.memref_squeeze %dma_start3A_2882 : memref<1x128x128xf32, #tpu.memory_space<vmem>> -> memref<128x128xf32, #tpu.memory_space<vmem>>
    %dma_start3A_2884 = arith.constant 0 : i32
    %dma_start3A_2885 = tpu.memref_slice %arg5[%mul3A_2, %dma_start3A_2884] : memref<4096x3341xf32, #tpu.memory_space<hbm>> -> memref<128x128xf32, #tpu.memory_space<hbm>>
    %dma_start3A_2886 = tpu.memref_slice %arg10[%dma_start3A_2879] : memref<5x!tpu.dma_semaphore, #tpu.memory_space<semaphore_mem>> -> memref<1x!tpu.dma_semaphore, #tpu.memory_space<semaphore_mem>>
    %dma_start3A_2887 = tpu.memref_squeeze %dma_start3A_2886 : memref<1x!tpu.dma_semaphore, #tpu.memory_space<semaphore_mem>> -> memref<!tpu.dma_semaphore, #tpu.memory_space<semaphore_mem>>
    %dma_start3A_2888 = arith.constant 0 : i32
    %dma_start3A_2889 = tpu.memref_slice %arg5[%mul3A_2, %dma_start3A_2888] : memref<4096x3341xf32, #tpu.memory_space<hbm>> -> memref<128x128xf32, #tpu.memory_space<hbm>>
    %dma_start3A_2890 = arith.constant 0 : i32
    %dma_start3A_2891 = arith.constant 0 : i32
    %dma_start3A_2892 = tpu.memref_slice %arg7[%dma_start3A_2878, %dma_start3A_2890, %dma_start3A_2891] : memref<5x128x128xf32, #tpu.memory_space<vmem>> -> memref<1x128x128xf32, #tpu.memory_space<vmem>>
    %dma_start3A_2893 = tpu.memref_squeeze %dma_start3A_2892 : memref<1x128x128xf32, #tpu.memory_space<vmem>> -> memref<128x128xf32, #tpu.memory_space<vmem>>
    tpu.enqueue_dma source(%dma_start3A_2893 : memref<128x128xf32, #tpu.memory_space<vmem>>) target(%dma_start3A_2889 : memref<128x128xf32, #tpu.memory_space<hbm>>) target_semaphore(%dma_start3A_2887 : memref<!tpu.dma_semaphore, #tpu.memory_space<semaphore_mem>>)
    %dma_wait3A_2894 = arith.constant 0 : i32
    %dma_wait3A_2895 = arith.constant 0 : i32
    %dma_wait3A_2896 = arith.constant 0 : i32
    %dma_wait3A_2897 = arith.constant 0 : i32
    %dma_wait3A_2898 = tpu.memref_slice %arg7[%dma_wait3A_2894, %dma_wait3A_2896, %dma_wait3A_2897] : memref<5x128x128xf32, #tpu.memory_space<vmem>> -> memref<1x128x128xf32, #tpu.memory_space<vmem>>
    %dma_wait3A_2899 = tpu.memref_squeeze %dma_wait3A_2898 : memref<1x128x128xf32, #tpu.memory_space<vmem>> -> memref<128x128xf32, #tpu.memory_space<vmem>>
    %dma_wait3A_2900 = arith.constant 0 : i32
    %dma_wait3A_2901 = tpu.memref_slice %arg5[%mul3A_2, %dma_wait3A_2900] : memref<4096x3341xf32, #tpu.memory_space<hbm>> -> memref<128x128xf32, #tpu.memory_space<hbm>>
    %dma_wait3A_2902 = tpu.memref_slice %arg10[%dma_wait3A_2895] : memref<5x!tpu.dma_semaphore, #tpu.memory_space<semaphore_mem>> -> memref<1x!tpu.dma_semaphore, #tpu.memory_space<semaphore_mem>>
    %dma_wait3A_2903 = tpu.memref_squeeze %dma_wait3A_2902 : memref<1x!tpu.dma_semaphore, #tpu.memory_space<semaphore_mem>> -> memref<!tpu.dma_semaphore, #tpu.memory_space<semaphore_mem>>
    %dma_wait3A_2904 = arith.constant 0 : i32
    %dma_wait3A_2905 = tpu.memref_slice %arg5[%mul3A_2, %dma_wait3A_2904] : memref<4096x3341xf32, #tpu.memory_space<hbm>> -> memref<128x128xf32, #tpu.memory_space<hbm>>
    %dma_wait3A_2906 = arith.constant 0 : i32
    %dma_wait3A_2907 = arith.constant 0 : i32
    %dma_wait3A_2908 = tpu.memref_slice %arg7[%dma_wait3A_2894, %dma_wait3A_2906, %dma_wait3A_2907] : memref<5x128x128xf32, #tpu.memory_space<vmem>> -> memref<1x128x128xf32, #tpu.memory_space<vmem>>
    %dma_wait3A_2909 = tpu.memref_squeeze %dma_wait3A_2908 : memref<1x128x128xf32, #tpu.memory_space<vmem>> -> memref<128x128xf32, #tpu.memory_space<vmem>>
    tpu.wait_dma2 semaphore(%dma_wait3A_2903 : memref<!tpu.dma_semaphore, #tpu.memory_space<semaphore_mem>>) src(%dma_wait3A_2909 : memref<128x128xf32, #tpu.memory_space<vmem>>) dst(%dma_wait3A_2905 : memref<128x128xf32, #tpu.memory_space<hbm>>)
    %dma_start3A_2910 = arith.constant 4 : i32
    %dma_start3A_2911 = arith.constant 4 : i32
    %dma_start3A_2912 = arith.constant 4 : i32
    %dma_start3A_2913 = arith.constant 0 : i32
    %dma_start3A_2914 = arith.constant 0 : i32
    %dma_start3A_2915 = tpu.memref_slice %arg7[%dma_start3A_2911, %dma_start3A_2913, %dma_start3A_2914] : memref<5x128x128xf32, #tpu.memory_space<vmem>> -> memref<1x128x128xf32, #tpu.memory_space<vmem>>
    %dma_start3A_2916 = tpu.memref_squeeze %dma_start3A_2915 : memref<1x128x128xf32, #tpu.memory_space<vmem>> -> memref<128x128xf32, #tpu.memory_space<vmem>>
    %dma_start3A_2917 = arith.constant 0 : i32
    %dma_start3A_2918 = tpu.memref_slice %arg6[%dma_start3A_2910, %dma_start3A_2917] : memref<26x128xi32, #tpu.memory_space<vmem>> -> memref<1x128xi32, #tpu.memory_space<vmem>>
    %dma_start3A_2919 = tpu.memref_squeeze %dma_start3A_2918 : memref<1x128xi32, #tpu.memory_space<vmem>> -> memref<128xi32, #tpu.memory_space<vmem>>
    %dma_start3A_2920 = arith.constant 0 : i32
    %dma_start3A_2921 = arith.constant 0 : i32
    %dma_start3A_2922 = tpu.memref_slice %arg4[%dma_start3A_2920, %dma_start3A_2921] : memref<26000x128xf32, #tpu.memory_space<hbm>> -> memref<26000x128xf32, #tpu.memory_space<hbm>>
    %dma_start3A_2923 = tpu.memref_slice %arg9[%dma_start3A_2912] : memref<5x!tpu.dma_semaphore, #tpu.memory_space<semaphore_mem>> -> memref<1x!tpu.dma_semaphore, #tpu.memory_space<semaphore_mem>>
    %dma_start3A_2924 = tpu.memref_squeeze %dma_start3A_2923 : memref<1x!tpu.dma_semaphore, #tpu.memory_space<semaphore_mem>> -> memref<!tpu.dma_semaphore, #tpu.memory_space<semaphore_mem>>
    tpu.enqueue_indirect_dma source(%dma_start3A_2922 : memref<26000x128xf32, #tpu.memory_space<hbm>>) target(%dma_start3A_2916 : memref<128x128xf32, #tpu.memory_space<vmem>>) offsets(%dma_start3A_2919 : memref<128xi32, #tpu.memory_space<vmem>>) semaphore(%dma_start3A_2924 : memref<!tpu.dma_semaphore, #tpu.memory_space<semaphore_mem>>)
    %dma_wait3A_2925 = arith.constant 1 : i32
    %dma_wait3A_2926 = arith.constant 1 : i32
    %dma_wait3A_2927 = arith.constant 1 : i32
    %dma_wait3A_2928 = arith.constant 0 : i32
    %dma_wait3A_2929 = arith.constant 0 : i32
    %dma_wait3A_2930 = tpu.memref_slice %arg7[%dma_wait3A_2926, %dma_wait3A_2928, %dma_wait3A_2929] : memref<5x128x128xf32, #tpu.memory_space<vmem>> -> memref<1x128x128xf32, #tpu.memory_space<vmem>>
    %dma_wait3A_2931 = tpu.memref_squeeze %dma_wait3A_2930 : memref<1x128x128xf32, #tpu.memory_space<vmem>> -> memref<128x128xf32, #tpu.memory_space<vmem>>
    %dma_wait3A_2932 = arith.constant 0 : i32
    %dma_wait3A_2933 = tpu.memref_slice %arg6[%dma_wait3A_2925, %dma_wait3A_2932] : memref<26x128xi32, #tpu.memory_space<vmem>> -> memref<1x128xi32, #tpu.memory_space<vmem>>
    %dma_wait3A_2934 = tpu.memref_squeeze %dma_wait3A_2933 : memref<1x128xi32, #tpu.memory_space<vmem>> -> memref<128xi32, #tpu.memory_space<vmem>>
    %dma_wait3A_2935 = arith.constant 0 : i32
    %dma_wait3A_2936 = arith.constant 0 : i32
    %dma_wait3A_2937 = tpu.memref_slice %arg4[%dma_wait3A_2935, %dma_wait3A_2936] : memref<26000x128xf32, #tpu.memory_space<hbm>> -> memref<26000x128xf32, #tpu.memory_space<hbm>>
    %dma_wait3A_2938 = tpu.memref_slice %arg9[%dma_wait3A_2927] : memref<5x!tpu.dma_semaphore, #tpu.memory_space<semaphore_mem>> -> memref<1x!tpu.dma_semaphore, #tpu.memory_space<semaphore_mem>>
    %dma_wait3A_2939 = tpu.memref_squeeze %dma_wait3A_2938 : memref<1x!tpu.dma_semaphore, #tpu.memory_space<semaphore_mem>> -> memref<!tpu.dma_semaphore, #tpu.memory_space<semaphore_mem>>
    tpu.wait_indirect_dma semaphore(%dma_wait3A_2939 : memref<!tpu.dma_semaphore, #tpu.memory_space<semaphore_mem>>) src(%dma_wait3A_2937 : memref<26000x128xf32, #tpu.memory_space<hbm>>) dst(%dma_wait3A_2931 : memref<128x128xf32, #tpu.memory_space<vmem>>)
    %dma_start3A_2940 = arith.constant 1 : i32
    %dma_start3A_2941 = arith.constant 1 : i32
    %dma_start3A_2942 = arith.constant 0 : i32
    %dma_start3A_2943 = arith.constant 0 : i32
    %dma_start3A_2944 = tpu.memref_slice %arg7[%dma_start3A_2940, %dma_start3A_2942, %dma_start3A_2943] : memref<5x128x128xf32, #tpu.memory_space<vmem>> -> memref<1x128x128xf32, #tpu.memory_space<vmem>>
    %dma_start3A_2945 = tpu.memref_squeeze %dma_start3A_2944 : memref<1x128x128xf32, #tpu.memory_space<vmem>> -> memref<128x128xf32, #tpu.memory_space<vmem>>
    %dma_start3A_2946 = arith.constant 128 : i32
    %dma_start3A_2947 = tpu.memref_slice %arg5[%mul3A_2, %dma_start3A_2946] : memref<4096x3341xf32, #tpu.memory_space<hbm>> -> memref<128x128xf32, #tpu.memory_space<hbm>>
    %dma_start3A_2948 = tpu.memref_slice %arg10[%dma_start3A_2941] : memref<5x!tpu.dma_semaphore, #tpu.memory_space<semaphore_mem>> -> memref<1x!tpu.dma_semaphore, #tpu.memory_space<semaphore_mem>>
    %dma_start3A_2949 = tpu.memref_squeeze %dma_start3A_2948 : memref<1x!tpu.dma_semaphore, #tpu.memory_space<semaphore_mem>> -> memref<!tpu.dma_semaphore, #tpu.memory_space<semaphore_mem>>
    %dma_start3A_2950 = arith.constant 128 : i32
    %dma_start3A_2951 = tpu.memref_slice %arg5[%mul3A_2, %dma_start3A_2950] : memref<4096x3341xf32, #tpu.memory_space<hbm>> -> memref<128x128xf32, #tpu.memory_space<hbm>>
    %dma_start3A_2952 = arith.constant 0 : i32
    %dma_start3A_2953 = arith.constant 0 : i32
    %dma_start3A_2954 = tpu.memref_slice %arg7[%dma_start3A_2940, %dma_start3A_2952, %dma_start3A_2953] : memref<5x128x128xf32, #tpu.memory_space<vmem>> -> memref<1x128x128xf32, #tpu.memory_space<vmem>>
    %dma_start3A_2955 = tpu.memref_squeeze %dma_start3A_2954 : memref<1x128x128xf32, #tpu.memory_space<vmem>> -> memref<128x128xf32, #tpu.memory_space<vmem>>
    tpu.enqueue_dma source(%dma_start3A_2955 : memref<128x128xf32, #tpu.memory_space<vmem>>) target(%dma_start3A_2951 : memref<128x128xf32, #tpu.memory_space<hbm>>) target_semaphore(%dma_start3A_2949 : memref<!tpu.dma_semaphore, #tpu.memory_space<semaphore_mem>>)
    %dma_wait3A_2956 = arith.constant 1 : i32
    %dma_wait3A_2957 = arith.constant 1 : i32
    %dma_wait3A_2958 = arith.constant 0 : i32
    %dma_wait3A_2959 = arith.constant 0 : i32
    %dma_wait3A_2960 = tpu.memref_slice %arg7[%dma_wait3A_2956, %dma_wait3A_2958, %dma_wait3A_2959] : memref<5x128x128xf32, #tpu.memory_space<vmem>> -> memref<1x128x128xf32, #tpu.memory_space<vmem>>
    %dma_wait3A_2961 = tpu.memref_squeeze %dma_wait3A_2960 : memref<1x128x128xf32, #tpu.memory_space<vmem>> -> memref<128x128xf32, #tpu.memory_space<vmem>>
    %dma_wait3A_2962 = arith.constant 128 : i32
    %dma_wait3A_2963 = tpu.memref_slice %arg5[%mul3A_2, %dma_wait3A_2962] : memref<4096x3341xf32, #tpu.memory_space<hbm>> -> memref<128x128xf32, #tpu.memory_space<hbm>>
    %dma_wait3A_2964 = tpu.memref_slice %arg10[%dma_wait3A_2957] : memref<5x!tpu.dma_semaphore, #tpu.memory_space<semaphore_mem>> -> memref<1x!tpu.dma_semaphore, #tpu.memory_space<semaphore_mem>>
    %dma_wait3A_2965 = tpu.memref_squeeze %dma_wait3A_2964 : memref<1x!tpu.dma_semaphore, #tpu.memory_space<semaphore_mem>> -> memref<!tpu.dma_semaphore, #tpu.memory_space<semaphore_mem>>
    %dma_wait3A_2966 = arith.constant 128 : i32
    %dma_wait3A_2967 = tpu.memref_slice %arg5[%mul3A_2, %dma_wait3A_2966] : memref<4096x3341xf32, #tpu.memory_space<hbm>> -> memref<128x128xf32, #tpu.memory_space<hbm>>
    %dma_wait3A_2968 = arith.constant 0 : i32
    %dma_wait3A_2969 = arith.constant 0 : i32
    %dma_wait3A_2970 = tpu.memref_slice %arg7[%dma_wait3A_2956, %dma_wait3A_2968, %dma_wait3A_2969] : memref<5x128x128xf32, #tpu.memory_space<vmem>> -> memref<1x128x128xf32, #tpu.memory_space<vmem>>
    %dma_wait3A_2971 = tpu.memref_squeeze %dma_wait3A_2970 : memref<1x128x128xf32, #tpu.memory_space<vmem>> -> memref<128x128xf32, #tpu.memory_space<vmem>>
    tpu.wait_dma2 semaphore(%dma_wait3A_2965 : memref<!tpu.dma_semaphore, #tpu.memory_space<semaphore_mem>>) src(%dma_wait3A_2971 : memref<128x128xf32, #tpu.memory_space<vmem>>) dst(%dma_wait3A_2967 : memref<128x128xf32, #tpu.memory_space<hbm>>)
    %dma_start3A_2972 = arith.constant 5 : i32
    %dma_start3A_2973 = arith.constant 0 : i32
    %dma_start3A_2974 = arith.constant 0 : i32
    %dma_start3A_2975 = arith.constant 0 : i32
    %dma_start3A_2976 = arith.constant 0 : i32
    %dma_start3A_2977 = tpu.memref_slice %arg7[%dma_start3A_2973, %dma_start3A_2975, %dma_start3A_2976] : memref<5x128x128xf32, #tpu.memory_space<vmem>> -> memref<1x128x128xf32, #tpu.memory_space<vmem>>
    %dma_start3A_2978 = tpu.memref_squeeze %dma_start3A_2977 : memref<1x128x128xf32, #tpu.memory_space<vmem>> -> memref<128x128xf32, #tpu.memory_space<vmem>>
    %dma_start3A_2979 = arith.constant 0 : i32
    %dma_start3A_2980 = tpu.memref_slice %arg6[%dma_start3A_2972, %dma_start3A_2979] : memref<26x128xi32, #tpu.memory_space<vmem>> -> memref<1x128xi32, #tpu.memory_space<vmem>>
    %dma_start3A_2981 = tpu.memref_squeeze %dma_start3A_2980 : memref<1x128xi32, #tpu.memory_space<vmem>> -> memref<128xi32, #tpu.memory_space<vmem>>
    %dma_start3A_2982 = arith.constant 0 : i32
    %dma_start3A_2983 = arith.constant 0 : i32
    %dma_start3A_2984 = tpu.memref_slice %arg4[%dma_start3A_2982, %dma_start3A_2983] : memref<26000x128xf32, #tpu.memory_space<hbm>> -> memref<26000x128xf32, #tpu.memory_space<hbm>>
    %dma_start3A_2985 = tpu.memref_slice %arg9[%dma_start3A_2974] : memref<5x!tpu.dma_semaphore, #tpu.memory_space<semaphore_mem>> -> memref<1x!tpu.dma_semaphore, #tpu.memory_space<semaphore_mem>>
    %dma_start3A_2986 = tpu.memref_squeeze %dma_start3A_2985 : memref<1x!tpu.dma_semaphore, #tpu.memory_space<semaphore_mem>> -> memref<!tpu.dma_semaphore, #tpu.memory_space<semaphore_mem>>
    tpu.enqueue_indirect_dma source(%dma_start3A_2984 : memref<26000x128xf32, #tpu.memory_space<hbm>>) target(%dma_start3A_2978 : memref<128x128xf32, #tpu.memory_space<vmem>>) offsets(%dma_start3A_2981 : memref<128xi32, #tpu.memory_space<vmem>>) semaphore(%dma_start3A_2986 : memref<!tpu.dma_semaphore, #tpu.memory_space<semaphore_mem>>)
    %dma_wait3A_2987 = arith.constant 2 : i32
    %dma_wait3A_2988 = arith.constant 2 : i32
    %dma_wait3A_2989 = arith.constant 2 : i32
    %dma_wait3A_2990 = arith.constant 0 : i32
    %dma_wait3A_2991 = arith.constant 0 : i32
    %dma_wait3A_2992 = tpu.memref_slice %arg7[%dma_wait3A_2988, %dma_wait3A_2990, %dma_wait3A_2991] : memref<5x128x128xf32, #tpu.memory_space<vmem>> -> memref<1x128x128xf32, #tpu.memory_space<vmem>>
    %dma_wait3A_2993 = tpu.memref_squeeze %dma_wait3A_2992 : memref<1x128x128xf32, #tpu.memory_space<vmem>> -> memref<128x128xf32, #tpu.memory_space<vmem>>
    %dma_wait3A_2994 = arith.constant 0 : i32
    %dma_wait3A_2995 = tpu.memref_slice %arg6[%dma_wait3A_2987, %dma_wait3A_2994] : memref<26x128xi32, #tpu.memory_space<vmem>> -> memref<1x128xi32, #tpu.memory_space<vmem>>
    %dma_wait3A_2996 = tpu.memref_squeeze %dma_wait3A_2995 : memref<1x128xi32, #tpu.memory_space<vmem>> -> memref<128xi32, #tpu.memory_space<vmem>>
    %dma_wait3A_2997 = arith.constant 0 : i32
    %dma_wait3A_2998 = arith.constant 0 : i32
    %dma_wait3A_2999 = tpu.memref_slice %arg4[%dma_wait3A_2997, %dma_wait3A_2998] : memref<26000x128xf32, #tpu.memory_space<hbm>> -> memref<26000x128xf32, #tpu.memory_space<hbm>>
    %dma_wait3A_3000 = tpu.memref_slice %arg9[%dma_wait3A_2989] : memref<5x!tpu.dma_semaphore, #tpu.memory_space<semaphore_mem>> -> memref<1x!tpu.dma_semaphore, #tpu.memory_space<semaphore_mem>>
    %dma_wait3A_3001 = tpu.memref_squeeze %dma_wait3A_3000 : memref<1x!tpu.dma_semaphore, #tpu.memory_space<semaphore_mem>> -> memref<!tpu.dma_semaphore, #tpu.memory_space<semaphore_mem>>
    tpu.wait_indirect_dma semaphore(%dma_wait3A_3001 : memref<!tpu.dma_semaphore, #tpu.memory_space<semaphore_mem>>) src(%dma_wait3A_2999 : memref<26000x128xf32, #tpu.memory_space<hbm>>) dst(%dma_wait3A_2993 : memref<128x128xf32, #tpu.memory_space<vmem>>)
    %dma_start3A_3002 = arith.constant 2 : i32
    %dma_start3A_3003 = arith.constant 2 : i32
    %dma_start3A_3004 = arith.constant 0 : i32
    %dma_start3A_3005 = arith.constant 0 : i32
    %dma_start3A_3006 = tpu.memref_slice %arg7[%dma_start3A_3002, %dma_start3A_3004, %dma_start3A_3005] : memref<5x128x128xf32, #tpu.memory_space<vmem>> -> memref<1x128x128xf32, #tpu.memory_space<vmem>>
    %dma_start3A_3007 = tpu.memref_squeeze %dma_start3A_3006 : memref<1x128x128xf32, #tpu.memory_space<vmem>> -> memref<128x128xf32, #tpu.memory_space<vmem>>
    %dma_start3A_3008 = arith.constant 256 : i32
    %dma_start3A_3009 = tpu.memref_slice %arg5[%mul3A_2, %dma_start3A_3008] : memref<4096x3341xf32, #tpu.memory_space<hbm>> -> memref<128x128xf32, #tpu.memory_space<hbm>>
    %dma_start3A_3010 = tpu.memref_slice %arg10[%dma_start3A_3003] : memref<5x!tpu.dma_semaphore, #tpu.memory_space<semaphore_mem>> -> memref<1x!tpu.dma_semaphore, #tpu.memory_space<semaphore_mem>>
    %dma_start3A_3011 = tpu.memref_squeeze %dma_start3A_3010 : memref<1x!tpu.dma_semaphore, #tpu.memory_space<semaphore_mem>> -> memref<!tpu.dma_semaphore, #tpu.memory_space<semaphore_mem>>
    %dma_start3A_3012 = arith.constant 256 : i32
    %dma_start3A_3013 = tpu.memref_slice %arg5[%mul3A_2, %dma_start3A_3012] : memref<4096x3341xf32, #tpu.memory_space<hbm>> -> memref<128x128xf32, #tpu.memory_space<hbm>>
    %dma_start3A_3014 = arith.constant 0 : i32
    %dma_start3A_3015 = arith.constant 0 : i32
    %dma_start3A_3016 = tpu.memref_slice %arg7[%dma_start3A_3002, %dma_start3A_3014, %dma_start3A_3015] : memref<5x128x128xf32, #tpu.memory_space<vmem>> -> memref<1x128x128xf32, #tpu.memory_space<vmem>>
    %dma_start3A_3017 = tpu.memref_squeeze %dma_start3A_3016 : memref<1x128x128xf32, #tpu.memory_space<vmem>> -> memref<128x128xf32, #tpu.memory_space<vmem>>
    tpu.enqueue_dma source(%dma_start3A_3017 : memref<128x128xf32, #tpu.memory_space<vmem>>) target(%dma_start3A_3013 : memref<128x128xf32, #tpu.memory_space<hbm>>) target_semaphore(%dma_start3A_3011 : memref<!tpu.dma_semaphore, #tpu.memory_space<semaphore_mem>>)
    %dma_wait3A_3018 = arith.constant 2 : i32
    %dma_wait3A_3019 = arith.constant 2 : i32
    %dma_wait3A_3020 = arith.constant 0 : i32
    %dma_wait3A_3021 = arith.constant 0 : i32
    %dma_wait3A_3022 = tpu.memref_slice %arg7[%dma_wait3A_3018, %dma_wait3A_3020, %dma_wait3A_3021] : memref<5x128x128xf32, #tpu.memory_space<vmem>> -> memref<1x128x128xf32, #tpu.memory_space<vmem>>
    %dma_wait3A_3023 = tpu.memref_squeeze %dma_wait3A_3022 : memref<1x128x128xf32, #tpu.memory_space<vmem>> -> memref<128x128xf32, #tpu.memory_space<vmem>>
    %dma_wait3A_3024 = arith.constant 256 : i32
    %dma_wait3A_3025 = tpu.memref_slice %arg5[%mul3A_2, %dma_wait3A_3024] : memref<4096x3341xf32, #tpu.memory_space<hbm>> -> memref<128x128xf32, #tpu.memory_space<hbm>>
    %dma_wait3A_3026 = tpu.memref_slice %arg10[%dma_wait3A_3019] : memref<5x!tpu.dma_semaphore, #tpu.memory_space<semaphore_mem>> -> memref<1x!tpu.dma_semaphore, #tpu.memory_space<semaphore_mem>>
    %dma_wait3A_3027 = tpu.memref_squeeze %dma_wait3A_3026 : memref<1x!tpu.dma_semaphore, #tpu.memory_space<semaphore_mem>> -> memref<!tpu.dma_semaphore, #tpu.memory_space<semaphore_mem>>
    %dma_wait3A_3028 = arith.constant 256 : i32
    %dma_wait3A_3029 = tpu.memref_slice %arg5[%mul3A_2, %dma_wait3A_3028] : memref<4096x3341xf32, #tpu.memory_space<hbm>> -> memref<128x128xf32, #tpu.memory_space<hbm>>
    %dma_wait3A_3030 = arith.constant 0 : i32
    %dma_wait3A_3031 = arith.constant 0 : i32
    %dma_wait3A_3032 = tpu.memref_slice %arg7[%dma_wait3A_3018, %dma_wait3A_3030, %dma_wait3A_3031] : memref<5x128x128xf32, #tpu.memory_space<vmem>> -> memref<1x128x128xf32, #tpu.memory_space<vmem>>
    %dma_wait3A_3033 = tpu.memref_squeeze %dma_wait3A_3032 : memref<1x128x128xf32, #tpu.memory_space<vmem>> -> memref<128x128xf32, #tpu.memory_space<vmem>>
    tpu.wait_dma2 semaphore(%dma_wait3A_3027 : memref<!tpu.dma_semaphore, #tpu.memory_space<semaphore_mem>>) src(%dma_wait3A_3033 : memref<128x128xf32, #tpu.memory_space<vmem>>) dst(%dma_wait3A_3029 : memref<128x128xf32, #tpu.memory_space<hbm>>)
    %dma_start3A_3034 = arith.constant 6 : i32
    %dma_start3A_3035 = arith.constant 1 : i32
    %dma_start3A_3036 = arith.constant 1 : i32
    %dma_start3A_3037 = arith.constant 0 : i32
    %dma_start3A_3038 = arith.constant 0 : i32
    %dma_start3A_3039 = tpu.memref_slice %arg7[%dma_start3A_3035, %dma_start3A_3037, %dma_start3A_3038] : memref<5x128x128xf32, #tpu.memory_space<vmem>> -> memref<1x128x128xf32, #tpu.memory_space<vmem>>
    %dma_start3A_3040 = tpu.memref_squeeze %dma_start3A_3039 : memref<1x128x128xf32, #tpu.memory_space<vmem>> -> memref<128x128xf32, #tpu.memory_space<vmem>>
    %dma_start3A_3041 = arith.constant 0 : i32
    %dma_start3A_3042 = tpu.memref_slice %arg6[%dma_start3A_3034, %dma_start3A_3041] : memref<26x128xi32, #tpu.memory_space<vmem>> -> memref<1x128xi32, #tpu.memory_space<vmem>>
    %dma_start3A_3043 = tpu.memref_squeeze %dma_start3A_3042 : memref<1x128xi32, #tpu.memory_space<vmem>> -> memref<128xi32, #tpu.memory_space<vmem>>
    %dma_start3A_3044 = arith.constant 0 : i32
    %dma_start3A_3045 = arith.constant 0 : i32
    %dma_start3A_3046 = tpu.memref_slice %arg4[%dma_start3A_3044, %dma_start3A_3045] : memref<26000x128xf32, #tpu.memory_space<hbm>> -> memref<26000x128xf32, #tpu.memory_space<hbm>>
    %dma_start3A_3047 = tpu.memref_slice %arg9[%dma_start3A_3036] : memref<5x!tpu.dma_semaphore, #tpu.memory_space<semaphore_mem>> -> memref<1x!tpu.dma_semaphore, #tpu.memory_space<semaphore_mem>>
    %dma_start3A_3048 = tpu.memref_squeeze %dma_start3A_3047 : memref<1x!tpu.dma_semaphore, #tpu.memory_space<semaphore_mem>> -> memref<!tpu.dma_semaphore, #tpu.memory_space<semaphore_mem>>
    tpu.enqueue_indirect_dma source(%dma_start3A_3046 : memref<26000x128xf32, #tpu.memory_space<hbm>>) target(%dma_start3A_3040 : memref<128x128xf32, #tpu.memory_space<vmem>>) offsets(%dma_start3A_3043 : memref<128xi32, #tpu.memory_space<vmem>>) semaphore(%dma_start3A_3048 : memref<!tpu.dma_semaphore, #tpu.memory_space<semaphore_mem>>)
    %dma_wait3A_3049 = arith.constant 3 : i32
    %dma_wait3A_3050 = arith.constant 3 : i32
    %dma_wait3A_3051 = arith.constant 3 : i32
    %dma_wait3A_3052 = arith.constant 0 : i32
    %dma_wait3A_3053 = arith.constant 0 : i32
    %dma_wait3A_3054 = tpu.memref_slice %arg7[%dma_wait3A_3050, %dma_wait3A_3052, %dma_wait3A_3053] : memref<5x128x128xf32, #tpu.memory_space<vmem>> -> memref<1x128x128xf32, #tpu.memory_space<vmem>>
    %dma_wait3A_3055 = tpu.memref_squeeze %dma_wait3A_3054 : memref<1x128x128xf32, #tpu.memory_space<vmem>> -> memref<128x128xf32, #tpu.memory_space<vmem>>
    %dma_wait3A_3056 = arith.constant 0 : i32
    %dma_wait3A_3057 = tpu.memref_slice %arg6[%dma_wait3A_3049, %dma_wait3A_3056] : memref<26x128xi32, #tpu.memory_space<vmem>> -> memref<1x128xi32, #tpu.memory_space<vmem>>
    %dma_wait3A_3058 = tpu.memref_squeeze %dma_wait3A_3057 : memref<1x128xi32, #tpu.memory_space<vmem>> -> memref<128xi32, #tpu.memory_space<vmem>>
    %dma_wait3A_3059 = arith.constant 0 : i32
    %dma_wait3A_3060 = arith.constant 0 : i32
    %dma_wait3A_3061 = tpu.memref_slice %arg4[%dma_wait3A_3059, %dma_wait3A_3060] : memref<26000x128xf32, #tpu.memory_space<hbm>> -> memref<26000x128xf32, #tpu.memory_space<hbm>>
    %dma_wait3A_3062 = tpu.memref_slice %arg9[%dma_wait3A_3051] : memref<5x!tpu.dma_semaphore, #tpu.memory_space<semaphore_mem>> -> memref<1x!tpu.dma_semaphore, #tpu.memory_space<semaphore_mem>>
    %dma_wait3A_3063 = tpu.memref_squeeze %dma_wait3A_3062 : memref<1x!tpu.dma_semaphore, #tpu.memory_space<semaphore_mem>> -> memref<!tpu.dma_semaphore, #tpu.memory_space<semaphore_mem>>
    tpu.wait_indirect_dma semaphore(%dma_wait3A_3063 : memref<!tpu.dma_semaphore, #tpu.memory_space<semaphore_mem>>) src(%dma_wait3A_3061 : memref<26000x128xf32, #tpu.memory_space<hbm>>) dst(%dma_wait3A_3055 : memref<128x128xf32, #tpu.memory_space<vmem>>)
    %dma_start3A_3064 = arith.constant 3 : i32
    %dma_start3A_3065 = arith.constant 3 : i32
    %dma_start3A_3066 = arith.constant 0 : i32
    %dma_start3A_3067 = arith.constant 0 : i32
    %dma_start3A_3068 = tpu.memref_slice %arg7[%dma_start3A_3064, %dma_start3A_3066, %dma_start3A_3067] : memref<5x128x128xf32, #tpu.memory_space<vmem>> -> memref<1x128x128xf32, #tpu.memory_space<vmem>>
    %dma_start3A_3069 = tpu.memref_squeeze %dma_start3A_3068 : memref<1x128x128xf32, #tpu.memory_space<vmem>> -> memref<128x128xf32, #tpu.memory_space<vmem>>
    %dma_start3A_3070 = arith.constant 384 : i32
    %dma_start3A_3071 = tpu.memref_slice %arg5[%mul3A_2, %dma_start3A_3070] : memref<4096x3341xf32, #tpu.memory_space<hbm>> -> memref<128x128xf32, #tpu.memory_space<hbm>>
    %dma_start3A_3072 = tpu.memref_slice %arg10[%dma_start3A_3065] : memref<5x!tpu.dma_semaphore, #tpu.memory_space<semaphore_mem>> -> memref<1x!tpu.dma_semaphore, #tpu.memory_space<semaphore_mem>>
    %dma_start3A_3073 = tpu.memref_squeeze %dma_start3A_3072 : memref<1x!tpu.dma_semaphore, #tpu.memory_space<semaphore_mem>> -> memref<!tpu.dma_semaphore, #tpu.memory_space<semaphore_mem>>
    %dma_start3A_3074 = arith.constant 384 : i32
    %dma_start3A_3075 = tpu.memref_slice %arg5[%mul3A_2, %dma_start3A_3074] : memref<4096x3341xf32, #tpu.memory_space<hbm>> -> memref<128x128xf32, #tpu.memory_space<hbm>>
    %dma_start3A_3076 = arith.constant 0 : i32
    %dma_start3A_3077 = arith.constant 0 : i32
    %dma_start3A_3078 = tpu.memref_slice %arg7[%dma_start3A_3064, %dma_start3A_3076, %dma_start3A_3077] : memref<5x128x128xf32, #tpu.memory_space<vmem>> -> memref<1x128x128xf32, #tpu.memory_space<vmem>>
    %dma_start3A_3079 = tpu.memref_squeeze %dma_start3A_3078 : memref<1x128x128xf32, #tpu.memory_space<vmem>> -> memref<128x128xf32, #tpu.memory_space<vmem>>
    tpu.enqueue_dma source(%dma_start3A_3079 : memref<128x128xf32, #tpu.memory_space<vmem>>) target(%dma_start3A_3075 : memref<128x128xf32, #tpu.memory_space<hbm>>) target_semaphore(%dma_start3A_3073 : memref<!tpu.dma_semaphore, #tpu.memory_space<semaphore_mem>>)
    %dma_wait3A_3080 = arith.constant 3 : i32
    %dma_wait3A_3081 = arith.constant 3 : i32
    %dma_wait3A_3082 = arith.constant 0 : i32
    %dma_wait3A_3083 = arith.constant 0 : i32
    %dma_wait3A_3084 = tpu.memref_slice %arg7[%dma_wait3A_3080, %dma_wait3A_3082, %dma_wait3A_3083] : memref<5x128x128xf32, #tpu.memory_space<vmem>> -> memref<1x128x128xf32, #tpu.memory_space<vmem>>
    %dma_wait3A_3085 = tpu.memref_squeeze %dma_wait3A_3084 : memref<1x128x128xf32, #tpu.memory_space<vmem>> -> memref<128x128xf32, #tpu.memory_space<vmem>>
    %dma_wait3A_3086 = arith.constant 384 : i32
    %dma_wait3A_3087 = tpu.memref_slice %arg5[%mul3A_2, %dma_wait3A_3086] : memref<4096x3341xf32, #tpu.memory_space<hbm>> -> memref<128x128xf32, #tpu.memory_space<hbm>>
    %dma_wait3A_3088 = tpu.memref_slice %arg10[%dma_wait3A_3081] : memref<5x!tpu.dma_semaphore, #tpu.memory_space<semaphore_mem>> -> memref<1x!tpu.dma_semaphore, #tpu.memory_space<semaphore_mem>>
    %dma_wait3A_3089 = tpu.memref_squeeze %dma_wait3A_3088 : memref<1x!tpu.dma_semaphore, #tpu.memory_space<semaphore_mem>> -> memref<!tpu.dma_semaphore, #tpu.memory_space<semaphore_mem>>
    %dma_wait3A_3090 = arith.constant 384 : i32
    %dma_wait3A_3091 = tpu.memref_slice %arg5[%mul3A_2, %dma_wait3A_3090] : memref<4096x3341xf32, #tpu.memory_space<hbm>> -> memref<128x128xf32, #tpu.memory_space<hbm>>
    %dma_wait3A_3092 = arith.constant 0 : i32
    %dma_wait3A_3093 = arith.constant 0 : i32
    %dma_wait3A_3094 = tpu.memref_slice %arg7[%dma_wait3A_3080, %dma_wait3A_3092, %dma_wait3A_3093] : memref<5x128x128xf32, #tpu.memory_space<vmem>> -> memref<1x128x128xf32, #tpu.memory_space<vmem>>
    %dma_wait3A_3095 = tpu.memref_squeeze %dma_wait3A_3094 : memref<1x128x128xf32, #tpu.memory_space<vmem>> -> memref<128x128xf32, #tpu.memory_space<vmem>>
    tpu.wait_dma2 semaphore(%dma_wait3A_3089 : memref<!tpu.dma_semaphore, #tpu.memory_space<semaphore_mem>>) src(%dma_wait3A_3095 : memref<128x128xf32, #tpu.memory_space<vmem>>) dst(%dma_wait3A_3091 : memref<128x128xf32, #tpu.memory_space<hbm>>)
    %dma_start3A_3096 = arith.constant 7 : i32
    %dma_start3A_3097 = arith.constant 2 : i32
    %dma_start3A_3098 = arith.constant 2 : i32
    %dma_start3A_3099 = arith.constant 0 : i32
    %dma_start3A_3100 = arith.constant 0 : i32
    %dma_start3A_3101 = tpu.memref_slice %arg7[%dma_start3A_3097, %dma_start3A_3099, %dma_start3A_3100] : memref<5x128x128xf32, #tpu.memory_space<vmem>> -> memref<1x128x128xf32, #tpu.memory_space<vmem>>
    %dma_start3A_3102 = tpu.memref_squeeze %dma_start3A_3101 : memref<1x128x128xf32, #tpu.memory_space<vmem>> -> memref<128x128xf32, #tpu.memory_space<vmem>>
    %dma_start3A_3103 = arith.constant 0 : i32
    %dma_start3A_3104 = tpu.memref_slice %arg6[%dma_start3A_3096, %dma_start3A_3103] : memref<26x128xi32, #tpu.memory_space<vmem>> -> memref<1x128xi32, #tpu.memory_space<vmem>>
    %dma_start3A_3105 = tpu.memref_squeeze %dma_start3A_3104 : memref<1x128xi32, #tpu.memory_space<vmem>> -> memref<128xi32, #tpu.memory_space<vmem>>
    %dma_start3A_3106 = arith.constant 0 : i32
    %dma_start3A_3107 = arith.constant 0 : i32
    %dma_start3A_3108 = tpu.memref_slice %arg4[%dma_start3A_3106, %dma_start3A_3107] : memref<26000x128xf32, #tpu.memory_space<hbm>> -> memref<26000x128xf32, #tpu.memory_space<hbm>>
    %dma_start3A_3109 = tpu.memref_slice %arg9[%dma_start3A_3098] : memref<5x!tpu.dma_semaphore, #tpu.memory_space<semaphore_mem>> -> memref<1x!tpu.dma_semaphore, #tpu.memory_space<semaphore_mem>>
    %dma_start3A_3110 = tpu.memref_squeeze %dma_start3A_3109 : memref<1x!tpu.dma_semaphore, #tpu.memory_space<semaphore_mem>> -> memref<!tpu.dma_semaphore, #tpu.memory_space<semaphore_mem>>
    tpu.enqueue_indirect_dma source(%dma_start3A_3108 : memref<26000x128xf32, #tpu.memory_space<hbm>>) target(%dma_start3A_3102 : memref<128x128xf32, #tpu.memory_space<vmem>>) offsets(%dma_start3A_3105 : memref<128xi32, #tpu.memory_space<vmem>>) semaphore(%dma_start3A_3110 : memref<!tpu.dma_semaphore, #tpu.memory_space<semaphore_mem>>)
    %dma_wait3A_3111 = arith.constant 4 : i32
    %dma_wait3A_3112 = arith.constant 4 : i32
    %dma_wait3A_3113 = arith.constant 4 : i32
    %dma_wait3A_3114 = arith.constant 0 : i32
    %dma_wait3A_3115 = arith.constant 0 : i32
    %dma_wait3A_3116 = tpu.memref_slice %arg7[%dma_wait3A_3112, %dma_wait3A_3114, %dma_wait3A_3115] : memref<5x128x128xf32, #tpu.memory_space<vmem>> -> memref<1x128x128xf32, #tpu.memory_space<vmem>>
    %dma_wait3A_3117 = tpu.memref_squeeze %dma_wait3A_3116 : memref<1x128x128xf32, #tpu.memory_space<vmem>> -> memref<128x128xf32, #tpu.memory_space<vmem>>
    %dma_wait3A_3118 = arith.constant 0 : i32
    %dma_wait3A_3119 = tpu.memref_slice %arg6[%dma_wait3A_3111, %dma_wait3A_3118] : memref<26x128xi32, #tpu.memory_space<vmem>> -> memref<1x128xi32, #tpu.memory_space<vmem>>
    %dma_wait3A_3120 = tpu.memref_squeeze %dma_wait3A_3119 : memref<1x128xi32, #tpu.memory_space<vmem>> -> memref<128xi32, #tpu.memory_space<vmem>>
    %dma_wait3A_3121 = arith.constant 0 : i32
    %dma_wait3A_3122 = arith.constant 0 : i32
    %dma_wait3A_3123 = tpu.memref_slice %arg4[%dma_wait3A_3121, %dma_wait3A_3122] : memref<26000x128xf32, #tpu.memory_space<hbm>> -> memref<26000x128xf32, #tpu.memory_space<hbm>>
    %dma_wait3A_3124 = tpu.memref_slice %arg9[%dma_wait3A_3113] : memref<5x!tpu.dma_semaphore, #tpu.memory_space<semaphore_mem>> -> memref<1x!tpu.dma_semaphore, #tpu.memory_space<semaphore_mem>>
    %dma_wait3A_3125 = tpu.memref_squeeze %dma_wait3A_3124 : memref<1x!tpu.dma_semaphore, #tpu.memory_space<semaphore_mem>> -> memref<!tpu.dma_semaphore, #tpu.memory_space<semaphore_mem>>
    tpu.wait_indirect_dma semaphore(%dma_wait3A_3125 : memref<!tpu.dma_semaphore, #tpu.memory_space<semaphore_mem>>) src(%dma_wait3A_3123 : memref<26000x128xf32, #tpu.memory_space<hbm>>) dst(%dma_wait3A_3117 : memref<128x128xf32, #tpu.memory_space<vmem>>)
    %dma_start3A_3126 = arith.constant 4 : i32
    %dma_start3A_3127 = arith.constant 4 : i32
    %dma_start3A_3128 = arith.constant 0 : i32
    %dma_start3A_3129 = arith.constant 0 : i32
    %dma_start3A_3130 = tpu.memref_slice %arg7[%dma_start3A_3126, %dma_start3A_3128, %dma_start3A_3129] : memref<5x128x128xf32, #tpu.memory_space<vmem>> -> memref<1x128x128xf32, #tpu.memory_space<vmem>>
    %dma_start3A_3131 = tpu.memref_squeeze %dma_start3A_3130 : memref<1x128x128xf32, #tpu.memory_space<vmem>> -> memref<128x128xf32, #tpu.memory_space<vmem>>
    %dma_start3A_3132 = arith.constant 512 : i32
    %dma_start3A_3133 = tpu.memref_slice %arg5[%mul3A_2, %dma_start3A_3132] : memref<4096x3341xf32, #tpu.memory_space<hbm>> -> memref<128x128xf32, #tpu.memory_space<hbm>>
    %dma_start3A_3134 = tpu.memref_slice %arg10[%dma_start3A_3127] : memref<5x!tpu.dma_semaphore, #tpu.memory_space<semaphore_mem>> -> memref<1x!tpu.dma_semaphore, #tpu.memory_space<semaphore_mem>>
    %dma_start3A_3135 = tpu.memref_squeeze %dma_start3A_3134 : memref<1x!tpu.dma_semaphore, #tpu.memory_space<semaphore_mem>> -> memref<!tpu.dma_semaphore, #tpu.memory_space<semaphore_mem>>
    %dma_start3A_3136 = arith.constant 512 : i32
    %dma_start3A_3137 = tpu.memref_slice %arg5[%mul3A_2, %dma_start3A_3136] : memref<4096x3341xf32, #tpu.memory_space<hbm>> -> memref<128x128xf32, #tpu.memory_space<hbm>>
    %dma_start3A_3138 = arith.constant 0 : i32
    %dma_start3A_3139 = arith.constant 0 : i32
    %dma_start3A_3140 = tpu.memref_slice %arg7[%dma_start3A_3126, %dma_start3A_3138, %dma_start3A_3139] : memref<5x128x128xf32, #tpu.memory_space<vmem>> -> memref<1x128x128xf32, #tpu.memory_space<vmem>>
    %dma_start3A_3141 = tpu.memref_squeeze %dma_start3A_3140 : memref<1x128x128xf32, #tpu.memory_space<vmem>> -> memref<128x128xf32, #tpu.memory_space<vmem>>
    tpu.enqueue_dma source(%dma_start3A_3141 : memref<128x128xf32, #tpu.memory_space<vmem>>) target(%dma_start3A_3137 : memref<128x128xf32, #tpu.memory_space<hbm>>) target_semaphore(%dma_start3A_3135 : memref<!tpu.dma_semaphore, #tpu.memory_space<semaphore_mem>>)
    %dma_wait3A_3142 = arith.constant 4 : i32
    %dma_wait3A_3143 = arith.constant 4 : i32
    %dma_wait3A_3144 = arith.constant 0 : i32
    %dma_wait3A_3145 = arith.constant 0 : i32
    %dma_wait3A_3146 = tpu.memref_slice %arg7[%dma_wait3A_3142, %dma_wait3A_3144, %dma_wait3A_3145] : memref<5x128x128xf32, #tpu.memory_space<vmem>> -> memref<1x128x128xf32, #tpu.memory_space<vmem>>
    %dma_wait3A_3147 = tpu.memref_squeeze %dma_wait3A_3146 : memref<1x128x128xf32, #tpu.memory_space<vmem>> -> memref<128x128xf32, #tpu.memory_space<vmem>>
    %dma_wait3A_3148 = arith.constant 512 : i32
    %dma_wait3A_3149 = tpu.memref_slice %arg5[%mul3A_2, %dma_wait3A_3148] : memref<4096x3341xf32, #tpu.memory_space<hbm>> -> memref<128x128xf32, #tpu.memory_space<hbm>>
    %dma_wait3A_3150 = tpu.memref_slice %arg10[%dma_wait3A_3143] : memref<5x!tpu.dma_semaphore, #tpu.memory_space<semaphore_mem>> -> memref<1x!tpu.dma_semaphore, #tpu.memory_space<semaphore_mem>>
    %dma_wait3A_3151 = tpu.memref_squeeze %dma_wait3A_3150 : memref<1x!tpu.dma_semaphore, #tpu.memory_space<semaphore_mem>> -> memref<!tpu.dma_semaphore, #tpu.memory_space<semaphore_mem>>
    %dma_wait3A_3152 = arith.constant 512 : i32
    %dma_wait3A_3153 = tpu.memref_slice %arg5[%mul3A_2, %dma_wait3A_3152] : memref<4096x3341xf32, #tpu.memory_space<hbm>> -> memref<128x128xf32, #tpu.memory_space<hbm>>
    %dma_wait3A_3154 = arith.constant 0 : i32
    %dma_wait3A_3155 = arith.constant 0 : i32
    %dma_wait3A_3156 = tpu.memref_slice %arg7[%dma_wait3A_3142, %dma_wait3A_3154, %dma_wait3A_3155] : memref<5x128x128xf32, #tpu.memory_space<vmem>> -> memref<1x128x128xf32, #tpu.memory_space<vmem>>
    %dma_wait3A_3157 = tpu.memref_squeeze %dma_wait3A_3156 : memref<1x128x128xf32, #tpu.memory_space<vmem>> -> memref<128x128xf32, #tpu.memory_space<vmem>>
    tpu.wait_dma2 semaphore(%dma_wait3A_3151 : memref<!tpu.dma_semaphore, #tpu.memory_space<semaphore_mem>>) src(%dma_wait3A_3157 : memref<128x128xf32, #tpu.memory_space<vmem>>) dst(%dma_wait3A_3153 : memref<128x128xf32, #tpu.memory_space<hbm>>)
    %dma_start3A_3158 = arith.constant 8 : i32
    %dma_start3A_3159 = arith.constant 3 : i32
    %dma_start3A_3160 = arith.constant 3 : i32
    %dma_start3A_3161 = arith.constant 0 : i32
    %dma_start3A_3162 = arith.constant 0 : i32
    %dma_start3A_3163 = tpu.memref_slice %arg7[%dma_start3A_3159, %dma_start3A_3161, %dma_start3A_3162] : memref<5x128x128xf32, #tpu.memory_space<vmem>> -> memref<1x128x128xf32, #tpu.memory_space<vmem>>
    %dma_start3A_3164 = tpu.memref_squeeze %dma_start3A_3163 : memref<1x128x128xf32, #tpu.memory_space<vmem>> -> memref<128x128xf32, #tpu.memory_space<vmem>>
    %dma_start3A_3165 = arith.constant 0 : i32
    %dma_start3A_3166 = tpu.memref_slice %arg6[%dma_start3A_3158, %dma_start3A_3165] : memref<26x128xi32, #tpu.memory_space<vmem>> -> memref<1x128xi32, #tpu.memory_space<vmem>>
    %dma_start3A_3167 = tpu.memref_squeeze %dma_start3A_3166 : memref<1x128xi32, #tpu.memory_space<vmem>> -> memref<128xi32, #tpu.memory_space<vmem>>
    %dma_start3A_3168 = arith.constant 0 : i32
    %dma_start3A_3169 = arith.constant 0 : i32
    %dma_start3A_3170 = tpu.memref_slice %arg4[%dma_start3A_3168, %dma_start3A_3169] : memref<26000x128xf32, #tpu.memory_space<hbm>> -> memref<26000x128xf32, #tpu.memory_space<hbm>>
    %dma_start3A_3171 = tpu.memref_slice %arg9[%dma_start3A_3160] : memref<5x!tpu.dma_semaphore, #tpu.memory_space<semaphore_mem>> -> memref<1x!tpu.dma_semaphore, #tpu.memory_space<semaphore_mem>>
    %dma_start3A_3172 = tpu.memref_squeeze %dma_start3A_3171 : memref<1x!tpu.dma_semaphore, #tpu.memory_space<semaphore_mem>> -> memref<!tpu.dma_semaphore, #tpu.memory_space<semaphore_mem>>
    tpu.enqueue_indirect_dma source(%dma_start3A_3170 : memref<26000x128xf32, #tpu.memory_space<hbm>>) target(%dma_start3A_3164 : memref<128x128xf32, #tpu.memory_space<vmem>>) offsets(%dma_start3A_3167 : memref<128xi32, #tpu.memory_space<vmem>>) semaphore(%dma_start3A_3172 : memref<!tpu.dma_semaphore, #tpu.memory_space<semaphore_mem>>)
    %dma_wait3A_3173 = arith.constant 5 : i32
    %dma_wait3A_3174 = arith.constant 0 : i32
    %dma_wait3A_3175 = arith.constant 0 : i32
    %dma_wait3A_3176 = arith.constant 0 : i32
    %dma_wait3A_3177 = arith.constant 0 : i32
    %dma_wait3A_3178 = tpu.memref_slice %arg7[%dma_wait3A_3174, %dma_wait3A_3176, %dma_wait3A_3177] : memref<5x128x128xf32, #tpu.memory_space<vmem>> -> memref<1x128x128xf32, #tpu.memory_space<vmem>>
    %dma_wait3A_3179 = tpu.memref_squeeze %dma_wait3A_3178 : memref<1x128x128xf32, #tpu.memory_space<vmem>> -> memref<128x128xf32, #tpu.memory_space<vmem>>
    %dma_wait3A_3180 = arith.constant 0 : i32
    %dma_wait3A_3181 = tpu.memref_slice %arg6[%dma_wait3A_3173, %dma_wait3A_3180] : memref<26x128xi32, #tpu.memory_space<vmem>> -> memref<1x128xi32, #tpu.memory_space<vmem>>
    %dma_wait3A_3182 = tpu.memref_squeeze %dma_wait3A_3181 : memref<1x128xi32, #tpu.memory_space<vmem>> -> memref<128xi32, #tpu.memory_space<vmem>>
    %dma_wait3A_3183 = arith.constant 0 : i32
    %dma_wait3A_3184 = arith.constant 0 : i32
    %dma_wait3A_3185 = tpu.memref_slice %arg4[%dma_wait3A_3183, %dma_wait3A_3184] : memref<26000x128xf32, #tpu.memory_space<hbm>> -> memref<26000x128xf32, #tpu.memory_space<hbm>>
    %dma_wait3A_3186 = tpu.memref_slice %arg9[%dma_wait3A_3175] : memref<5x!tpu.dma_semaphore, #tpu.memory_space<semaphore_mem>> -> memref<1x!tpu.dma_semaphore, #tpu.memory_space<semaphore_mem>>
    %dma_wait3A_3187 = tpu.memref_squeeze %dma_wait3A_3186 : memref<1x!tpu.dma_semaphore, #tpu.memory_space<semaphore_mem>> -> memref<!tpu.dma_semaphore, #tpu.memory_space<semaphore_mem>>
    tpu.wait_indirect_dma semaphore(%dma_wait3A_3187 : memref<!tpu.dma_semaphore, #tpu.memory_space<semaphore_mem>>) src(%dma_wait3A_3185 : memref<26000x128xf32, #tpu.memory_space<hbm>>) dst(%dma_wait3A_3179 : memref<128x128xf32, #tpu.memory_space<vmem>>)
    %dma_start3A_3188 = arith.constant 0 : i32
    %dma_start3A_3189 = arith.constant 0 : i32
    %dma_start3A_3190 = arith.constant 0 : i32
    %dma_start3A_3191 = arith.constant 0 : i32
    %dma_start3A_3192 = tpu.memref_slice %arg7[%dma_start3A_3188, %dma_start3A_3190, %dma_start3A_3191] : memref<5x128x128xf32, #tpu.memory_space<vmem>> -> memref<1x128x128xf32, #tpu.memory_space<vmem>>
    %dma_start3A_3193 = tpu.memref_squeeze %dma_start3A_3192 : memref<1x128x128xf32, #tpu.memory_space<vmem>> -> memref<128x128xf32, #tpu.memory_space<vmem>>
    %dma_start3A_3194 = arith.constant 640 : i32
    %dma_start3A_3195 = tpu.memref_slice %arg5[%mul3A_2, %dma_start3A_3194] : memref<4096x3341xf32, #tpu.memory_space<hbm>> -> memref<128x128xf32, #tpu.memory_space<hbm>>
    %dma_start3A_3196 = tpu.memref_slice %arg10[%dma_start3A_3189] : memref<5x!tpu.dma_semaphore, #tpu.memory_space<semaphore_mem>> -> memref<1x!tpu.dma_semaphore, #tpu.memory_space<semaphore_mem>>
    %dma_start3A_3197 = tpu.memref_squeeze %dma_start3A_3196 : memref<1x!tpu.dma_semaphore, #tpu.memory_space<semaphore_mem>> -> memref<!tpu.dma_semaphore, #tpu.memory_space<semaphore_mem>>
    %dma_start3A_3198 = arith.constant 640 : i32
    %dma_start3A_3199 = tpu.memref_slice %arg5[%mul3A_2, %dma_start3A_3198] : memref<4096x3341xf32, #tpu.memory_space<hbm>> -> memref<128x128xf32, #tpu.memory_space<hbm>>
    %dma_start3A_3200 = arith.constant 0 : i32
    %dma_start3A_3201 = arith.constant 0 : i32
    %dma_start3A_3202 = tpu.memref_slice %arg7[%dma_start3A_3188, %dma_start3A_3200, %dma_start3A_3201] : memref<5x128x128xf32, #tpu.memory_space<vmem>> -> memref<1x128x128xf32, #tpu.memory_space<vmem>>
    %dma_start3A_3203 = tpu.memref_squeeze %dma_start3A_3202 : memref<1x128x128xf32, #tpu.memory_space<vmem>> -> memref<128x128xf32, #tpu.memory_space<vmem>>
    tpu.enqueue_dma source(%dma_start3A_3203 : memref<128x128xf32, #tpu.memory_space<vmem>>) target(%dma_start3A_3199 : memref<128x128xf32, #tpu.memory_space<hbm>>) target_semaphore(%dma_start3A_3197 : memref<!tpu.dma_semaphore, #tpu.memory_space<semaphore_mem>>)
    %dma_wait3A_3204 = arith.constant 0 : i32
    %dma_wait3A_3205 = arith.constant 0 : i32
    %dma_wait3A_3206 = arith.constant 0 : i32
    %dma_wait3A_3207 = arith.constant 0 : i32
    %dma_wait3A_3208 = tpu.memref_slice %arg7[%dma_wait3A_3204, %dma_wait3A_3206, %dma_wait3A_3207] : memref<5x128x128xf32, #tpu.memory_space<vmem>> -> memref<1x128x128xf32, #tpu.memory_space<vmem>>
    %dma_wait3A_3209 = tpu.memref_squeeze %dma_wait3A_3208 : memref<1x128x128xf32, #tpu.memory_space<vmem>> -> memref<128x128xf32, #tpu.memory_space<vmem>>
    %dma_wait3A_3210 = arith.constant 640 : i32
    %dma_wait3A_3211 = tpu.memref_slice %arg5[%mul3A_2, %dma_wait3A_3210] : memref<4096x3341xf32, #tpu.memory_space<hbm>> -> memref<128x128xf32, #tpu.memory_space<hbm>>
    %dma_wait3A_3212 = tpu.memref_slice %arg10[%dma_wait3A_3205] : memref<5x!tpu.dma_semaphore, #tpu.memory_space<semaphore_mem>> -> memref<1x!tpu.dma_semaphore, #tpu.memory_space<semaphore_mem>>
    %dma_wait3A_3213 = tpu.memref_squeeze %dma_wait3A_3212 : memref<1x!tpu.dma_semaphore, #tpu.memory_space<semaphore_mem>> -> memref<!tpu.dma_semaphore, #tpu.memory_space<semaphore_mem>>
    %dma_wait3A_3214 = arith.constant 640 : i32
    %dma_wait3A_3215 = tpu.memref_slice %arg5[%mul3A_2, %dma_wait3A_3214] : memref<4096x3341xf32, #tpu.memory_space<hbm>> -> memref<128x128xf32, #tpu.memory_space<hbm>>
    %dma_wait3A_3216 = arith.constant 0 : i32
    %dma_wait3A_3217 = arith.constant 0 : i32
    %dma_wait3A_3218 = tpu.memref_slice %arg7[%dma_wait3A_3204, %dma_wait3A_3216, %dma_wait3A_3217] : memref<5x128x128xf32, #tpu.memory_space<vmem>> -> memref<1x128x128xf32, #tpu.memory_space<vmem>>
    %dma_wait3A_3219 = tpu.memref_squeeze %dma_wait3A_3218 : memref<1x128x128xf32, #tpu.memory_space<vmem>> -> memref<128x128xf32, #tpu.memory_space<vmem>>
    tpu.wait_dma2 semaphore(%dma_wait3A_3213 : memref<!tpu.dma_semaphore, #tpu.memory_space<semaphore_mem>>) src(%dma_wait3A_3219 : memref<128x128xf32, #tpu.memory_space<vmem>>) dst(%dma_wait3A_3215 : memref<128x128xf32, #tpu.memory_space<hbm>>)
    %dma_start3A_3220 = arith.constant 9 : i32
    %dma_start3A_3221 = arith.constant 4 : i32
    %dma_start3A_3222 = arith.constant 4 : i32
    %dma_start3A_3223 = arith.constant 0 : i32
    %dma_start3A_3224 = arith.constant 0 : i32
    %dma_start3A_3225 = tpu.memref_slice %arg7[%dma_start3A_3221, %dma_start3A_3223, %dma_start3A_3224] : memref<5x128x128xf32, #tpu.memory_space<vmem>> -> memref<1x128x128xf32, #tpu.memory_space<vmem>>
    %dma_start3A_3226 = tpu.memref_squeeze %dma_start3A_3225 : memref<1x128x128xf32, #tpu.memory_space<vmem>> -> memref<128x128xf32, #tpu.memory_space<vmem>>
    %dma_start3A_3227 = arith.constant 0 : i32
    %dma_start3A_3228 = tpu.memref_slice %arg6[%dma_start3A_3220, %dma_start3A_3227] : memref<26x128xi32, #tpu.memory_space<vmem>> -> memref<1x128xi32, #tpu.memory_space<vmem>>
    %dma_start3A_3229 = tpu.memref_squeeze %dma_start3A_3228 : memref<1x128xi32, #tpu.memory_space<vmem>> -> memref<128xi32, #tpu.memory_space<vmem>>
    %dma_start3A_3230 = arith.constant 0 : i32
    %dma_start3A_3231 = arith.constant 0 : i32
    %dma_start3A_3232 = tpu.memref_slice %arg4[%dma_start3A_3230, %dma_start3A_3231] : memref<26000x128xf32, #tpu.memory_space<hbm>> -> memref<26000x128xf32, #tpu.memory_space<hbm>>
    %dma_start3A_3233 = tpu.memref_slice %arg9[%dma_start3A_3222] : memref<5x!tpu.dma_semaphore, #tpu.memory_space<semaphore_mem>> -> memref<1x!tpu.dma_semaphore, #tpu.memory_space<semaphore_mem>>
    %dma_start3A_3234 = tpu.memref_squeeze %dma_start3A_3233 : memref<1x!tpu.dma_semaphore, #tpu.memory_space<semaphore_mem>> -> memref<!tpu.dma_semaphore, #tpu.memory_space<semaphore_mem>>
    tpu.enqueue_indirect_dma source(%dma_start3A_3232 : memref<26000x128xf32, #tpu.memory_space<hbm>>) target(%dma_start3A_3226 : memref<128x128xf32, #tpu.memory_space<vmem>>) offsets(%dma_start3A_3229 : memref<128xi32, #tpu.memory_space<vmem>>) semaphore(%dma_start3A_3234 : memref<!tpu.dma_semaphore, #tpu.memory_space<semaphore_mem>>)
    %dma_wait3A_3235 = arith.constant 6 : i32
    %dma_wait3A_3236 = arith.constant 1 : i32
    %dma_wait3A_3237 = arith.constant 1 : i32
    %dma_wait3A_3238 = arith.constant 0 : i32
    %dma_wait3A_3239 = arith.constant 0 : i32
    %dma_wait3A_3240 = tpu.memref_slice %arg7[%dma_wait3A_3236, %dma_wait3A_3238, %dma_wait3A_3239] : memref<5x128x128xf32, #tpu.memory_space<vmem>> -> memref<1x128x128xf32, #tpu.memory_space<vmem>>
    %dma_wait3A_3241 = tpu.memref_squeeze %dma_wait3A_3240 : memref<1x128x128xf32, #tpu.memory_space<vmem>> -> memref<128x128xf32, #tpu.memory_space<vmem>>
    %dma_wait3A_3242 = arith.constant 0 : i32
    %dma_wait3A_3243 = tpu.memref_slice %arg6[%dma_wait3A_3235, %dma_wait3A_3242] : memref<26x128xi32, #tpu.memory_space<vmem>> -> memref<1x128xi32, #tpu.memory_space<vmem>>
    %dma_wait3A_3244 = tpu.memref_squeeze %dma_wait3A_3243 : memref<1x128xi32, #tpu.memory_space<vmem>> -> memref<128xi32, #tpu.memory_space<vmem>>
    %dma_wait3A_3245 = arith.constant 0 : i32
    %dma_wait3A_3246 = arith.constant 0 : i32
    %dma_wait3A_3247 = tpu.memref_slice %arg4[%dma_wait3A_3245, %dma_wait3A_3246] : memref<26000x128xf32, #tpu.memory_space<hbm>> -> memref<26000x128xf32, #tpu.memory_space<hbm>>
    %dma_wait3A_3248 = tpu.memref_slice %arg9[%dma_wait3A_3237] : memref<5x!tpu.dma_semaphore, #tpu.memory_space<semaphore_mem>> -> memref<1x!tpu.dma_semaphore, #tpu.memory_space<semaphore_mem>>
    %dma_wait3A_3249 = tpu.memref_squeeze %dma_wait3A_3248 : memref<1x!tpu.dma_semaphore, #tpu.memory_space<semaphore_mem>> -> memref<!tpu.dma_semaphore, #tpu.memory_space<semaphore_mem>>
    tpu.wait_indirect_dma semaphore(%dma_wait3A_3249 : memref<!tpu.dma_semaphore, #tpu.memory_space<semaphore_mem>>) src(%dma_wait3A_3247 : memref<26000x128xf32, #tpu.memory_space<hbm>>) dst(%dma_wait3A_3241 : memref<128x128xf32, #tpu.memory_space<vmem>>)
    %dma_start3A_3250 = arith.constant 1 : i32
    %dma_start3A_3251 = arith.constant 1 : i32
    %dma_start3A_3252 = arith.constant 0 : i32
    %dma_start3A_3253 = arith.constant 0 : i32
    %dma_start3A_3254 = tpu.memref_slice %arg7[%dma_start3A_3250, %dma_start3A_3252, %dma_start3A_3253] : memref<5x128x128xf32, #tpu.memory_space<vmem>> -> memref<1x128x128xf32, #tpu.memory_space<vmem>>
    %dma_start3A_3255 = tpu.memref_squeeze %dma_start3A_3254 : memref<1x128x128xf32, #tpu.memory_space<vmem>> -> memref<128x128xf32, #tpu.memory_space<vmem>>
    %dma_start3A_3256 = arith.constant 768 : i32
    %dma_start3A_3257 = tpu.memref_slice %arg5[%mul3A_2, %dma_start3A_3256] : memref<4096x3341xf32, #tpu.memory_space<hbm>> -> memref<128x128xf32, #tpu.memory_space<hbm>>
    %dma_start3A_3258 = tpu.memref_slice %arg10[%dma_start3A_3251] : memref<5x!tpu.dma_semaphore, #tpu.memory_space<semaphore_mem>> -> memref<1x!tpu.dma_semaphore, #tpu.memory_space<semaphore_mem>>
    %dma_start3A_3259 = tpu.memref_squeeze %dma_start3A_3258 : memref<1x!tpu.dma_semaphore, #tpu.memory_space<semaphore_mem>> -> memref<!tpu.dma_semaphore, #tpu.memory_space<semaphore_mem>>
    %dma_start3A_3260 = arith.constant 768 : i32
    %dma_start3A_3261 = tpu.memref_slice %arg5[%mul3A_2, %dma_start3A_3260] : memref<4096x3341xf32, #tpu.memory_space<hbm>> -> memref<128x128xf32, #tpu.memory_space<hbm>>
    %dma_start3A_3262 = arith.constant 0 : i32
    %dma_start3A_3263 = arith.constant 0 : i32
    %dma_start3A_3264 = tpu.memref_slice %arg7[%dma_start3A_3250, %dma_start3A_3262, %dma_start3A_3263] : memref<5x128x128xf32, #tpu.memory_space<vmem>> -> memref<1x128x128xf32, #tpu.memory_space<vmem>>
    %dma_start3A_3265 = tpu.memref_squeeze %dma_start3A_3264 : memref<1x128x128xf32, #tpu.memory_space<vmem>> -> memref<128x128xf32, #tpu.memory_space<vmem>>
    tpu.enqueue_dma source(%dma_start3A_3265 : memref<128x128xf32, #tpu.memory_space<vmem>>) target(%dma_start3A_3261 : memref<128x128xf32, #tpu.memory_space<hbm>>) target_semaphore(%dma_start3A_3259 : memref<!tpu.dma_semaphore, #tpu.memory_space<semaphore_mem>>)
    %dma_wait3A_3266 = arith.constant 1 : i32
    %dma_wait3A_3267 = arith.constant 1 : i32
    %dma_wait3A_3268 = arith.constant 0 : i32
    %dma_wait3A_3269 = arith.constant 0 : i32
    %dma_wait3A_3270 = tpu.memref_slice %arg7[%dma_wait3A_3266, %dma_wait3A_3268, %dma_wait3A_3269] : memref<5x128x128xf32, #tpu.memory_space<vmem>> -> memref<1x128x128xf32, #tpu.memory_space<vmem>>
    %dma_wait3A_3271 = tpu.memref_squeeze %dma_wait3A_3270 : memref<1x128x128xf32, #tpu.memory_space<vmem>> -> memref<128x128xf32, #tpu.memory_space<vmem>>
    %dma_wait3A_3272 = arith.constant 768 : i32
    %dma_wait3A_3273 = tpu.memref_slice %arg5[%mul3A_2, %dma_wait3A_3272] : memref<4096x3341xf32, #tpu.memory_space<hbm>> -> memref<128x128xf32, #tpu.memory_space<hbm>>
    %dma_wait3A_3274 = tpu.memref_slice %arg10[%dma_wait3A_3267] : memref<5x!tpu.dma_semaphore, #tpu.memory_space<semaphore_mem>> -> memref<1x!tpu.dma_semaphore, #tpu.memory_space<semaphore_mem>>
    %dma_wait3A_3275 = tpu.memref_squeeze %dma_wait3A_3274 : memref<1x!tpu.dma_semaphore, #tpu.memory_space<semaphore_mem>> -> memref<!tpu.dma_semaphore, #tpu.memory_space<semaphore_mem>>
    %dma_wait3A_3276 = arith.constant 768 : i32
    %dma_wait3A_3277 = tpu.memref_slice %arg5[%mul3A_2, %dma_wait3A_3276] : memref<4096x3341xf32, #tpu.memory_space<hbm>> -> memref<128x128xf32, #tpu.memory_space<hbm>>
    %dma_wait3A_3278 = arith.constant 0 : i32
    %dma_wait3A_3279 = arith.constant 0 : i32
    %dma_wait3A_3280 = tpu.memref_slice %arg7[%dma_wait3A_3266, %dma_wait3A_3278, %dma_wait3A_3279] : memref<5x128x128xf32, #tpu.memory_space<vmem>> -> memref<1x128x128xf32, #tpu.memory_space<vmem>>
    %dma_wait3A_3281 = tpu.memref_squeeze %dma_wait3A_3280 : memref<1x128x128xf32, #tpu.memory_space<vmem>> -> memref<128x128xf32, #tpu.memory_space<vmem>>
    tpu.wait_dma2 semaphore(%dma_wait3A_3275 : memref<!tpu.dma_semaphore, #tpu.memory_space<semaphore_mem>>) src(%dma_wait3A_3281 : memref<128x128xf32, #tpu.memory_space<vmem>>) dst(%dma_wait3A_3277 : memref<128x128xf32, #tpu.memory_space<hbm>>)
    %dma_start3A_3282 = arith.constant 10 : i32
    %dma_start3A_3283 = arith.constant 0 : i32
    %dma_start3A_3284 = arith.constant 0 : i32
    %dma_start3A_3285 = arith.constant 0 : i32
    %dma_start3A_3286 = arith.constant 0 : i32
    %dma_start3A_3287 = tpu.memref_slice %arg7[%dma_start3A_3283, %dma_start3A_3285, %dma_start3A_3286] : memref<5x128x128xf32, #tpu.memory_space<vmem>> -> memref<1x128x128xf32, #tpu.memory_space<vmem>>
    %dma_start3A_3288 = tpu.memref_squeeze %dma_start3A_3287 : memref<1x128x128xf32, #tpu.memory_space<vmem>> -> memref<128x128xf32, #tpu.memory_space<vmem>>
    %dma_start3A_3289 = arith.constant 0 : i32
    %dma_start3A_3290 = tpu.memref_slice %arg6[%dma_start3A_3282, %dma_start3A_3289] : memref<26x128xi32, #tpu.memory_space<vmem>> -> memref<1x128xi32, #tpu.memory_space<vmem>>
    %dma_start3A_3291 = tpu.memref_squeeze %dma_start3A_3290 : memref<1x128xi32, #tpu.memory_space<vmem>> -> memref<128xi32, #tpu.memory_space<vmem>>
    %dma_start3A_3292 = arith.constant 0 : i32
    %dma_start3A_3293 = arith.constant 0 : i32
    %dma_start3A_3294 = tpu.memref_slice %arg4[%dma_start3A_3292, %dma_start3A_3293] : memref<26000x128xf32, #tpu.memory_space<hbm>> -> memref<26000x128xf32, #tpu.memory_space<hbm>>
    %dma_start3A_3295 = tpu.memref_slice %arg9[%dma_start3A_3284] : memref<5x!tpu.dma_semaphore, #tpu.memory_space<semaphore_mem>> -> memref<1x!tpu.dma_semaphore, #tpu.memory_space<semaphore_mem>>
    %dma_start3A_3296 = tpu.memref_squeeze %dma_start3A_3295 : memref<1x!tpu.dma_semaphore, #tpu.memory_space<semaphore_mem>> -> memref<!tpu.dma_semaphore, #tpu.memory_space<semaphore_mem>>
    tpu.enqueue_indirect_dma source(%dma_start3A_3294 : memref<26000x128xf32, #tpu.memory_space<hbm>>) target(%dma_start3A_3288 : memref<128x128xf32, #tpu.memory_space<vmem>>) offsets(%dma_start3A_3291 : memref<128xi32, #tpu.memory_space<vmem>>) semaphore(%dma_start3A_3296 : memref<!tpu.dma_semaphore, #tpu.memory_space<semaphore_mem>>)
    %dma_wait3A_3297 = arith.constant 7 : i32
    %dma_wait3A_3298 = arith.constant 2 : i32
    %dma_wait3A_3299 = arith.constant 2 : i32
    %dma_wait3A_3300 = arith.constant 0 : i32
    %dma_wait3A_3301 = arith.constant 0 : i32
    %dma_wait3A_3302 = tpu.memref_slice %arg7[%dma_wait3A_3298, %dma_wait3A_3300, %dma_wait3A_3301] : memref<5x128x128xf32, #tpu.memory_space<vmem>> -> memref<1x128x128xf32, #tpu.memory_space<vmem>>
    %dma_wait3A_3303 = tpu.memref_squeeze %dma_wait3A_3302 : memref<1x128x128xf32, #tpu.memory_space<vmem>> -> memref<128x128xf32, #tpu.memory_space<vmem>>
    %dma_wait3A_3304 = arith.constant 0 : i32
    %dma_wait3A_3305 = tpu.memref_slice %arg6[%dma_wait3A_3297, %dma_wait3A_3304] : memref<26x128xi32, #tpu.memory_space<vmem>> -> memref<1x128xi32, #tpu.memory_space<vmem>>
    %dma_wait3A_3306 = tpu.memref_squeeze %dma_wait3A_3305 : memref<1x128xi32, #tpu.memory_space<vmem>> -> memref<128xi32, #tpu.memory_space<vmem>>
    %dma_wait3A_3307 = arith.constant 0 : i32
    %dma_wait3A_3308 = arith.constant 0 : i32
    %dma_wait3A_3309 = tpu.memref_slice %arg4[%dma_wait3A_3307, %dma_wait3A_3308] : memref<26000x128xf32, #tpu.memory_space<hbm>> -> memref<26000x128xf32, #tpu.memory_space<hbm>>
    %dma_wait3A_3310 = tpu.memref_slice %arg9[%dma_wait3A_3299] : memref<5x!tpu.dma_semaphore, #tpu.memory_space<semaphore_mem>> -> memref<1x!tpu.dma_semaphore, #tpu.memory_space<semaphore_mem>>
    %dma_wait3A_3311 = tpu.memref_squeeze %dma_wait3A_3310 : memref<1x!tpu.dma_semaphore, #tpu.memory_space<semaphore_mem>> -> memref<!tpu.dma_semaphore, #tpu.memory_space<semaphore_mem>>
    tpu.wait_indirect_dma semaphore(%dma_wait3A_3311 : memref<!tpu.dma_semaphore, #tpu.memory_space<semaphore_mem>>) src(%dma_wait3A_3309 : memref<26000x128xf32, #tpu.memory_space<hbm>>) dst(%dma_wait3A_3303 : memref<128x128xf32, #tpu.memory_space<vmem>>)
    %dma_start3A_3312 = arith.constant 2 : i32
    %dma_start3A_3313 = arith.constant 2 : i32
    %dma_start3A_3314 = arith.constant 0 : i32
    %dma_start3A_3315 = arith.constant 0 : i32
    %dma_start3A_3316 = tpu.memref_slice %arg7[%dma_start3A_3312, %dma_start3A_3314, %dma_start3A_3315] : memref<5x128x128xf32, #tpu.memory_space<vmem>> -> memref<1x128x128xf32, #tpu.memory_space<vmem>>
    %dma_start3A_3317 = tpu.memref_squeeze %dma_start3A_3316 : memref<1x128x128xf32, #tpu.memory_space<vmem>> -> memref<128x128xf32, #tpu.memory_space<vmem>>
    %dma_start3A_3318 = arith.constant 896 : i32
    %dma_start3A_3319 = tpu.memref_slice %arg5[%mul3A_2, %dma_start3A_3318] : memref<4096x3341xf32, #tpu.memory_space<hbm>> -> memref<128x128xf32, #tpu.memory_space<hbm>>
    %dma_start3A_3320 = tpu.memref_slice %arg10[%dma_start3A_3313] : memref<5x!tpu.dma_semaphore, #tpu.memory_space<semaphore_mem>> -> memref<1x!tpu.dma_semaphore, #tpu.memory_space<semaphore_mem>>
    %dma_start3A_3321 = tpu.memref_squeeze %dma_start3A_3320 : memref<1x!tpu.dma_semaphore, #tpu.memory_space<semaphore_mem>> -> memref<!tpu.dma_semaphore, #tpu.memory_space<semaphore_mem>>
    %dma_start3A_3322 = arith.constant 896 : i32
    %dma_start3A_3323 = tpu.memref_slice %arg5[%mul3A_2, %dma_start3A_3322] : memref<4096x3341xf32, #tpu.memory_space<hbm>> -> memref<128x128xf32, #tpu.memory_space<hbm>>
    %dma_start3A_3324 = arith.constant 0 : i32
    %dma_start3A_3325 = arith.constant 0 : i32
    %dma_start3A_3326 = tpu.memref_slice %arg7[%dma_start3A_3312, %dma_start3A_3324, %dma_start3A_3325] : memref<5x128x128xf32, #tpu.memory_space<vmem>> -> memref<1x128x128xf32, #tpu.memory_space<vmem>>
    %dma_start3A_3327 = tpu.memref_squeeze %dma_start3A_3326 : memref<1x128x128xf32, #tpu.memory_space<vmem>> -> memref<128x128xf32, #tpu.memory_space<vmem>>
    tpu.enqueue_dma source(%dma_start3A_3327 : memref<128x128xf32, #tpu.memory_space<vmem>>) target(%dma_start3A_3323 : memref<128x128xf32, #tpu.memory_space<hbm>>) target_semaphore(%dma_start3A_3321 : memref<!tpu.dma_semaphore, #tpu.memory_space<semaphore_mem>>)
    %dma_wait3A_3328 = arith.constant 2 : i32
    %dma_wait3A_3329 = arith.constant 2 : i32
    %dma_wait3A_3330 = arith.constant 0 : i32
    %dma_wait3A_3331 = arith.constant 0 : i32
    %dma_wait3A_3332 = tpu.memref_slice %arg7[%dma_wait3A_3328, %dma_wait3A_3330, %dma_wait3A_3331] : memref<5x128x128xf32, #tpu.memory_space<vmem>> -> memref<1x128x128xf32, #tpu.memory_space<vmem>>
    %dma_wait3A_3333 = tpu.memref_squeeze %dma_wait3A_3332 : memref<1x128x128xf32, #tpu.memory_space<vmem>> -> memref<128x128xf32, #tpu.memory_space<vmem>>
    %dma_wait3A_3334 = arith.constant 896 : i32
    %dma_wait3A_3335 = tpu.memref_slice %arg5[%mul3A_2, %dma_wait3A_3334] : memref<4096x3341xf32, #tpu.memory_space<hbm>> -> memref<128x128xf32, #tpu.memory_space<hbm>>
    %dma_wait3A_3336 = tpu.memref_slice %arg10[%dma_wait3A_3329] : memref<5x!tpu.dma_semaphore, #tpu.memory_space<semaphore_mem>> -> memref<1x!tpu.dma_semaphore, #tpu.memory_space<semaphore_mem>>
    %dma_wait3A_3337 = tpu.memref_squeeze %dma_wait3A_3336 : memref<1x!tpu.dma_semaphore, #tpu.memory_space<semaphore_mem>> -> memref<!tpu.dma_semaphore, #tpu.memory_space<semaphore_mem>>
    %dma_wait3A_3338 = arith.constant 896 : i32
    %dma_wait3A_3339 = tpu.memref_slice %arg5[%mul3A_2, %dma_wait3A_3338] : memref<4096x3341xf32, #tpu.memory_space<hbm>> -> memref<128x128xf32, #tpu.memory_space<hbm>>
    %dma_wait3A_3340 = arith.constant 0 : i32
    %dma_wait3A_3341 = arith.constant 0 : i32
    %dma_wait3A_3342 = tpu.memref_slice %arg7[%dma_wait3A_3328, %dma_wait3A_3340, %dma_wait3A_3341] : memref<5x128x128xf32, #tpu.memory_space<vmem>> -> memref<1x128x128xf32, #tpu.memory_space<vmem>>
    %dma_wait3A_3343 = tpu.memref_squeeze %dma_wait3A_3342 : memref<1x128x128xf32, #tpu.memory_space<vmem>> -> memref<128x128xf32, #tpu.memory_space<vmem>>
    tpu.wait_dma2 semaphore(%dma_wait3A_3337 : memref<!tpu.dma_semaphore, #tpu.memory_space<semaphore_mem>>) src(%dma_wait3A_3343 : memref<128x128xf32, #tpu.memory_space<vmem>>) dst(%dma_wait3A_3339 : memref<128x128xf32, #tpu.memory_space<hbm>>)
    %dma_start3A_3344 = arith.constant 11 : i32
    %dma_start3A_3345 = arith.constant 1 : i32
    %dma_start3A_3346 = arith.constant 1 : i32
    %dma_start3A_3347 = arith.constant 0 : i32
    %dma_start3A_3348 = arith.constant 0 : i32
    %dma_start3A_3349 = tpu.memref_slice %arg7[%dma_start3A_3345, %dma_start3A_3347, %dma_start3A_3348] : memref<5x128x128xf32, #tpu.memory_space<vmem>> -> memref<1x128x128xf32, #tpu.memory_space<vmem>>
    %dma_start3A_3350 = tpu.memref_squeeze %dma_start3A_3349 : memref<1x128x128xf32, #tpu.memory_space<vmem>> -> memref<128x128xf32, #tpu.memory_space<vmem>>
    %dma_start3A_3351 = arith.constant 0 : i32
    %dma_start3A_3352 = tpu.memref_slice %arg6[%dma_start3A_3344, %dma_start3A_3351] : memref<26x128xi32, #tpu.memory_space<vmem>> -> memref<1x128xi32, #tpu.memory_space<vmem>>
    %dma_start3A_3353 = tpu.memref_squeeze %dma_start3A_3352 : memref<1x128xi32, #tpu.memory_space<vmem>> -> memref<128xi32, #tpu.memory_space<vmem>>
    %dma_start3A_3354 = arith.constant 0 : i32
    %dma_start3A_3355 = arith.constant 0 : i32
    %dma_start3A_3356 = tpu.memref_slice %arg4[%dma_start3A_3354, %dma_start3A_3355] : memref<26000x128xf32, #tpu.memory_space<hbm>> -> memref<26000x128xf32, #tpu.memory_space<hbm>>
    %dma_start3A_3357 = tpu.memref_slice %arg9[%dma_start3A_3346] : memref<5x!tpu.dma_semaphore, #tpu.memory_space<semaphore_mem>> -> memref<1x!tpu.dma_semaphore, #tpu.memory_space<semaphore_mem>>
    %dma_start3A_3358 = tpu.memref_squeeze %dma_start3A_3357 : memref<1x!tpu.dma_semaphore, #tpu.memory_space<semaphore_mem>> -> memref<!tpu.dma_semaphore, #tpu.memory_space<semaphore_mem>>
    tpu.enqueue_indirect_dma source(%dma_start3A_3356 : memref<26000x128xf32, #tpu.memory_space<hbm>>) target(%dma_start3A_3350 : memref<128x128xf32, #tpu.memory_space<vmem>>) offsets(%dma_start3A_3353 : memref<128xi32, #tpu.memory_space<vmem>>) semaphore(%dma_start3A_3358 : memref<!tpu.dma_semaphore, #tpu.memory_space<semaphore_mem>>)
    %dma_wait3A_3359 = arith.constant 8 : i32
    %dma_wait3A_3360 = arith.constant 3 : i32
    %dma_wait3A_3361 = arith.constant 3 : i32
    %dma_wait3A_3362 = arith.constant 0 : i32
    %dma_wait3A_3363 = arith.constant 0 : i32
    %dma_wait3A_3364 = tpu.memref_slice %arg7[%dma_wait3A_3360, %dma_wait3A_3362, %dma_wait3A_3363] : memref<5x128x128xf32, #tpu.memory_space<vmem>> -> memref<1x128x128xf32, #tpu.memory_space<vmem>>
    %dma_wait3A_3365 = tpu.memref_squeeze %dma_wait3A_3364 : memref<1x128x128xf32, #tpu.memory_space<vmem>> -> memref<128x128xf32, #tpu.memory_space<vmem>>
    %dma_wait3A_3366 = arith.constant 0 : i32
    %dma_wait3A_3367 = tpu.memref_slice %arg6[%dma_wait3A_3359, %dma_wait3A_3366] : memref<26x128xi32, #tpu.memory_space<vmem>> -> memref<1x128xi32, #tpu.memory_space<vmem>>
    %dma_wait3A_3368 = tpu.memref_squeeze %dma_wait3A_3367 : memref<1x128xi32, #tpu.memory_space<vmem>> -> memref<128xi32, #tpu.memory_space<vmem>>
    %dma_wait3A_3369 = arith.constant 0 : i32
    %dma_wait3A_3370 = arith.constant 0 : i32
    %dma_wait3A_3371 = tpu.memref_slice %arg4[%dma_wait3A_3369, %dma_wait3A_3370] : memref<26000x128xf32, #tpu.memory_space<hbm>> -> memref<26000x128xf32, #tpu.memory_space<hbm>>
    %dma_wait3A_3372 = tpu.memref_slice %arg9[%dma_wait3A_3361] : memref<5x!tpu.dma_semaphore, #tpu.memory_space<semaphore_mem>> -> memref<1x!tpu.dma_semaphore, #tpu.memory_space<semaphore_mem>>
    %dma_wait3A_3373 = tpu.memref_squeeze %dma_wait3A_3372 : memref<1x!tpu.dma_semaphore, #tpu.memory_space<semaphore_mem>> -> memref<!tpu.dma_semaphore, #tpu.memory_space<semaphore_mem>>
    tpu.wait_indirect_dma semaphore(%dma_wait3A_3373 : memref<!tpu.dma_semaphore, #tpu.memory_space<semaphore_mem>>) src(%dma_wait3A_3371 : memref<26000x128xf32, #tpu.memory_space<hbm>>) dst(%dma_wait3A_3365 : memref<128x128xf32, #tpu.memory_space<vmem>>)
    %dma_start3A_3374 = arith.constant 3 : i32
    %dma_start3A_3375 = arith.constant 3 : i32
    %dma_start3A_3376 = arith.constant 0 : i32
    %dma_start3A_3377 = arith.constant 0 : i32
    %dma_start3A_3378 = tpu.memref_slice %arg7[%dma_start3A_3374, %dma_start3A_3376, %dma_start3A_3377] : memref<5x128x128xf32, #tpu.memory_space<vmem>> -> memref<1x128x128xf32, #tpu.memory_space<vmem>>
    %dma_start3A_3379 = tpu.memref_squeeze %dma_start3A_3378 : memref<1x128x128xf32, #tpu.memory_space<vmem>> -> memref<128x128xf32, #tpu.memory_space<vmem>>
    %dma_start3A_3380 = arith.constant 1024 : i32
    %dma_start3A_3381 = tpu.memref_slice %arg5[%mul3A_2, %dma_start3A_3380] : memref<4096x3341xf32, #tpu.memory_space<hbm>> -> memref<128x128xf32, #tpu.memory_space<hbm>>
    %dma_start3A_3382 = tpu.memref_slice %arg10[%dma_start3A_3375] : memref<5x!tpu.dma_semaphore, #tpu.memory_space<semaphore_mem>> -> memref<1x!tpu.dma_semaphore, #tpu.memory_space<semaphore_mem>>
    %dma_start3A_3383 = tpu.memref_squeeze %dma_start3A_3382 : memref<1x!tpu.dma_semaphore, #tpu.memory_space<semaphore_mem>> -> memref<!tpu.dma_semaphore, #tpu.memory_space<semaphore_mem>>
    %dma_start3A_3384 = arith.constant 1024 : i32
    %dma_start3A_3385 = tpu.memref_slice %arg5[%mul3A_2, %dma_start3A_3384] : memref<4096x3341xf32, #tpu.memory_space<hbm>> -> memref<128x128xf32, #tpu.memory_space<hbm>>
    %dma_start3A_3386 = arith.constant 0 : i32
    %dma_start3A_3387 = arith.constant 0 : i32
    %dma_start3A_3388 = tpu.memref_slice %arg7[%dma_start3A_3374, %dma_start3A_3386, %dma_start3A_3387] : memref<5x128x128xf32, #tpu.memory_space<vmem>> -> memref<1x128x128xf32, #tpu.memory_space<vmem>>
    %dma_start3A_3389 = tpu.memref_squeeze %dma_start3A_3388 : memref<1x128x128xf32, #tpu.memory_space<vmem>> -> memref<128x128xf32, #tpu.memory_space<vmem>>
    tpu.enqueue_dma source(%dma_start3A_3389 : memref<128x128xf32, #tpu.memory_space<vmem>>) target(%dma_start3A_3385 : memref<128x128xf32, #tpu.memory_space<hbm>>) target_semaphore(%dma_start3A_3383 : memref<!tpu.dma_semaphore, #tpu.memory_space<semaphore_mem>>)
    %dma_wait3A_3390 = arith.constant 3 : i32
    %dma_wait3A_3391 = arith.constant 3 : i32
    %dma_wait3A_3392 = arith.constant 0 : i32
    %dma_wait3A_3393 = arith.constant 0 : i32
    %dma_wait3A_3394 = tpu.memref_slice %arg7[%dma_wait3A_3390, %dma_wait3A_3392, %dma_wait3A_3393] : memref<5x128x128xf32, #tpu.memory_space<vmem>> -> memref<1x128x128xf32, #tpu.memory_space<vmem>>
    %dma_wait3A_3395 = tpu.memref_squeeze %dma_wait3A_3394 : memref<1x128x128xf32, #tpu.memory_space<vmem>> -> memref<128x128xf32, #tpu.memory_space<vmem>>
    %dma_wait3A_3396 = arith.constant 1024 : i32
    %dma_wait3A_3397 = tpu.memref_slice %arg5[%mul3A_2, %dma_wait3A_3396] : memref<4096x3341xf32, #tpu.memory_space<hbm>> -> memref<128x128xf32, #tpu.memory_space<hbm>>
    %dma_wait3A_3398 = tpu.memref_slice %arg10[%dma_wait3A_3391] : memref<5x!tpu.dma_semaphore, #tpu.memory_space<semaphore_mem>> -> memref<1x!tpu.dma_semaphore, #tpu.memory_space<semaphore_mem>>
    %dma_wait3A_3399 = tpu.memref_squeeze %dma_wait3A_3398 : memref<1x!tpu.dma_semaphore, #tpu.memory_space<semaphore_mem>> -> memref<!tpu.dma_semaphore, #tpu.memory_space<semaphore_mem>>
    %dma_wait3A_3400 = arith.constant 1024 : i32
    %dma_wait3A_3401 = tpu.memref_slice %arg5[%mul3A_2, %dma_wait3A_3400] : memref<4096x3341xf32, #tpu.memory_space<hbm>> -> memref<128x128xf32, #tpu.memory_space<hbm>>
    %dma_wait3A_3402 = arith.constant 0 : i32
    %dma_wait3A_3403 = arith.constant 0 : i32
    %dma_wait3A_3404 = tpu.memref_slice %arg7[%dma_wait3A_3390, %dma_wait3A_3402, %dma_wait3A_3403] : memref<5x128x128xf32, #tpu.memory_space<vmem>> -> memref<1x128x128xf32, #tpu.memory_space<vmem>>
    %dma_wait3A_3405 = tpu.memref_squeeze %dma_wait3A_3404 : memref<1x128x128xf32, #tpu.memory_space<vmem>> -> memref<128x128xf32, #tpu.memory_space<vmem>>
    tpu.wait_dma2 semaphore(%dma_wait3A_3399 : memref<!tpu.dma_semaphore, #tpu.memory_space<semaphore_mem>>) src(%dma_wait3A_3405 : memref<128x128xf32, #tpu.memory_space<vmem>>) dst(%dma_wait3A_3401 : memref<128x128xf32, #tpu.memory_space<hbm>>)
    %dma_start3A_3406 = arith.constant 12 : i32
    %dma_start3A_3407 = arith.constant 2 : i32
    %dma_start3A_3408 = arith.constant 2 : i32
    %dma_start3A_3409 = arith.constant 0 : i32
    %dma_start3A_3410 = arith.constant 0 : i32
    %dma_start3A_3411 = tpu.memref_slice %arg7[%dma_start3A_3407, %dma_start3A_3409, %dma_start3A_3410] : memref<5x128x128xf32, #tpu.memory_space<vmem>> -> memref<1x128x128xf32, #tpu.memory_space<vmem>>
    %dma_start3A_3412 = tpu.memref_squeeze %dma_start3A_3411 : memref<1x128x128xf32, #tpu.memory_space<vmem>> -> memref<128x128xf32, #tpu.memory_space<vmem>>
    %dma_start3A_3413 = arith.constant 0 : i32
    %dma_start3A_3414 = tpu.memref_slice %arg6[%dma_start3A_3406, %dma_start3A_3413] : memref<26x128xi32, #tpu.memory_space<vmem>> -> memref<1x128xi32, #tpu.memory_space<vmem>>
    %dma_start3A_3415 = tpu.memref_squeeze %dma_start3A_3414 : memref<1x128xi32, #tpu.memory_space<vmem>> -> memref<128xi32, #tpu.memory_space<vmem>>
    %dma_start3A_3416 = arith.constant 0 : i32
    %dma_start3A_3417 = arith.constant 0 : i32
    %dma_start3A_3418 = tpu.memref_slice %arg4[%dma_start3A_3416, %dma_start3A_3417] : memref<26000x128xf32, #tpu.memory_space<hbm>> -> memref<26000x128xf32, #tpu.memory_space<hbm>>
    %dma_start3A_3419 = tpu.memref_slice %arg9[%dma_start3A_3408] : memref<5x!tpu.dma_semaphore, #tpu.memory_space<semaphore_mem>> -> memref<1x!tpu.dma_semaphore, #tpu.memory_space<semaphore_mem>>
    %dma_start3A_3420 = tpu.memref_squeeze %dma_start3A_3419 : memref<1x!tpu.dma_semaphore, #tpu.memory_space<semaphore_mem>> -> memref<!tpu.dma_semaphore, #tpu.memory_space<semaphore_mem>>
    tpu.enqueue_indirect_dma source(%dma_start3A_3418 : memref<26000x128xf32, #tpu.memory_space<hbm>>) target(%dma_start3A_3412 : memref<128x128xf32, #tpu.memory_space<vmem>>) offsets(%dma_start3A_3415 : memref<128xi32, #tpu.memory_space<vmem>>) semaphore(%dma_start3A_3420 : memref<!tpu.dma_semaphore, #tpu.memory_space<semaphore_mem>>)
    %dma_wait3A_3421 = arith.constant 9 : i32
    %dma_wait3A_3422 = arith.constant 4 : i32
    %dma_wait3A_3423 = arith.constant 4 : i32
    %dma_wait3A_3424 = arith.constant 0 : i32
    %dma_wait3A_3425 = arith.constant 0 : i32
    %dma_wait3A_3426 = tpu.memref_slice %arg7[%dma_wait3A_3422, %dma_wait3A_3424, %dma_wait3A_3425] : memref<5x128x128xf32, #tpu.memory_space<vmem>> -> memref<1x128x128xf32, #tpu.memory_space<vmem>>
    %dma_wait3A_3427 = tpu.memref_squeeze %dma_wait3A_3426 : memref<1x128x128xf32, #tpu.memory_space<vmem>> -> memref<128x128xf32, #tpu.memory_space<vmem>>
    %dma_wait3A_3428 = arith.constant 0 : i32
    %dma_wait3A_3429 = tpu.memref_slice %arg6[%dma_wait3A_3421, %dma_wait3A_3428] : memref<26x128xi32, #tpu.memory_space<vmem>> -> memref<1x128xi32, #tpu.memory_space<vmem>>
    %dma_wait3A_3430 = tpu.memref_squeeze %dma_wait3A_3429 : memref<1x128xi32, #tpu.memory_space<vmem>> -> memref<128xi32, #tpu.memory_space<vmem>>
    %dma_wait3A_3431 = arith.constant 0 : i32
    %dma_wait3A_3432 = arith.constant 0 : i32
    %dma_wait3A_3433 = tpu.memref_slice %arg4[%dma_wait3A_3431, %dma_wait3A_3432] : memref<26000x128xf32, #tpu.memory_space<hbm>> -> memref<26000x128xf32, #tpu.memory_space<hbm>>
    %dma_wait3A_3434 = tpu.memref_slice %arg9[%dma_wait3A_3423] : memref<5x!tpu.dma_semaphore, #tpu.memory_space<semaphore_mem>> -> memref<1x!tpu.dma_semaphore, #tpu.memory_space<semaphore_mem>>
    %dma_wait3A_3435 = tpu.memref_squeeze %dma_wait3A_3434 : memref<1x!tpu.dma_semaphore, #tpu.memory_space<semaphore_mem>> -> memref<!tpu.dma_semaphore, #tpu.memory_space<semaphore_mem>>
    tpu.wait_indirect_dma semaphore(%dma_wait3A_3435 : memref<!tpu.dma_semaphore, #tpu.memory_space<semaphore_mem>>) src(%dma_wait3A_3433 : memref<26000x128xf32, #tpu.memory_space<hbm>>) dst(%dma_wait3A_3427 : memref<128x128xf32, #tpu.memory_space<vmem>>)
    %dma_start3A_3436 = arith.constant 4 : i32
    %dma_start3A_3437 = arith.constant 4 : i32
    %dma_start3A_3438 = arith.constant 0 : i32
    %dma_start3A_3439 = arith.constant 0 : i32
    %dma_start3A_3440 = tpu.memref_slice %arg7[%dma_start3A_3436, %dma_start3A_3438, %dma_start3A_3439] : memref<5x128x128xf32, #tpu.memory_space<vmem>> -> memref<1x128x128xf32, #tpu.memory_space<vmem>>
    %dma_start3A_3441 = tpu.memref_squeeze %dma_start3A_3440 : memref<1x128x128xf32, #tpu.memory_space<vmem>> -> memref<128x128xf32, #tpu.memory_space<vmem>>
    %dma_start3A_3442 = arith.constant 1152 : i32
    %dma_start3A_3443 = tpu.memref_slice %arg5[%mul3A_2, %dma_start3A_3442] : memref<4096x3341xf32, #tpu.memory_space<hbm>> -> memref<128x128xf32, #tpu.memory_space<hbm>>
    %dma_start3A_3444 = tpu.memref_slice %arg10[%dma_start3A_3437] : memref<5x!tpu.dma_semaphore, #tpu.memory_space<semaphore_mem>> -> memref<1x!tpu.dma_semaphore, #tpu.memory_space<semaphore_mem>>
    %dma_start3A_3445 = tpu.memref_squeeze %dma_start3A_3444 : memref<1x!tpu.dma_semaphore, #tpu.memory_space<semaphore_mem>> -> memref<!tpu.dma_semaphore, #tpu.memory_space<semaphore_mem>>
    %dma_start3A_3446 = arith.constant 1152 : i32
    %dma_start3A_3447 = tpu.memref_slice %arg5[%mul3A_2, %dma_start3A_3446] : memref<4096x3341xf32, #tpu.memory_space<hbm>> -> memref<128x128xf32, #tpu.memory_space<hbm>>
    %dma_start3A_3448 = arith.constant 0 : i32
    %dma_start3A_3449 = arith.constant 0 : i32
    %dma_start3A_3450 = tpu.memref_slice %arg7[%dma_start3A_3436, %dma_start3A_3448, %dma_start3A_3449] : memref<5x128x128xf32, #tpu.memory_space<vmem>> -> memref<1x128x128xf32, #tpu.memory_space<vmem>>
    %dma_start3A_3451 = tpu.memref_squeeze %dma_start3A_3450 : memref<1x128x128xf32, #tpu.memory_space<vmem>> -> memref<128x128xf32, #tpu.memory_space<vmem>>
    tpu.enqueue_dma source(%dma_start3A_3451 : memref<128x128xf32, #tpu.memory_space<vmem>>) target(%dma_start3A_3447 : memref<128x128xf32, #tpu.memory_space<hbm>>) target_semaphore(%dma_start3A_3445 : memref<!tpu.dma_semaphore, #tpu.memory_space<semaphore_mem>>)
    %dma_wait3A_3452 = arith.constant 4 : i32
    %dma_wait3A_3453 = arith.constant 4 : i32
    %dma_wait3A_3454 = arith.constant 0 : i32
    %dma_wait3A_3455 = arith.constant 0 : i32
    %dma_wait3A_3456 = tpu.memref_slice %arg7[%dma_wait3A_3452, %dma_wait3A_3454, %dma_wait3A_3455] : memref<5x128x128xf32, #tpu.memory_space<vmem>> -> memref<1x128x128xf32, #tpu.memory_space<vmem>>
    %dma_wait3A_3457 = tpu.memref_squeeze %dma_wait3A_3456 : memref<1x128x128xf32, #tpu.memory_space<vmem>> -> memref<128x128xf32, #tpu.memory_space<vmem>>
    %dma_wait3A_3458 = arith.constant 1152 : i32
    %dma_wait3A_3459 = tpu.memref_slice %arg5[%mul3A_2, %dma_wait3A_3458] : memref<4096x3341xf32, #tpu.memory_space<hbm>> -> memref<128x128xf32, #tpu.memory_space<hbm>>
    %dma_wait3A_3460 = tpu.memref_slice %arg10[%dma_wait3A_3453] : memref<5x!tpu.dma_semaphore, #tpu.memory_space<semaphore_mem>> -> memref<1x!tpu.dma_semaphore, #tpu.memory_space<semaphore_mem>>
    %dma_wait3A_3461 = tpu.memref_squeeze %dma_wait3A_3460 : memref<1x!tpu.dma_semaphore, #tpu.memory_space<semaphore_mem>> -> memref<!tpu.dma_semaphore, #tpu.memory_space<semaphore_mem>>
    %dma_wait3A_3462 = arith.constant 1152 : i32
    %dma_wait3A_3463 = tpu.memref_slice %arg5[%mul3A_2, %dma_wait3A_3462] : memref<4096x3341xf32, #tpu.memory_space<hbm>> -> memref<128x128xf32, #tpu.memory_space<hbm>>
    %dma_wait3A_3464 = arith.constant 0 : i32
    %dma_wait3A_3465 = arith.constant 0 : i32
    %dma_wait3A_3466 = tpu.memref_slice %arg7[%dma_wait3A_3452, %dma_wait3A_3464, %dma_wait3A_3465] : memref<5x128x128xf32, #tpu.memory_space<vmem>> -> memref<1x128x128xf32, #tpu.memory_space<vmem>>
    %dma_wait3A_3467 = tpu.memref_squeeze %dma_wait3A_3466 : memref<1x128x128xf32, #tpu.memory_space<vmem>> -> memref<128x128xf32, #tpu.memory_space<vmem>>
    tpu.wait_dma2 semaphore(%dma_wait3A_3461 : memref<!tpu.dma_semaphore, #tpu.memory_space<semaphore_mem>>) src(%dma_wait3A_3467 : memref<128x128xf32, #tpu.memory_space<vmem>>) dst(%dma_wait3A_3463 : memref<128x128xf32, #tpu.memory_space<hbm>>)
    %dma_start3A_3468 = arith.constant 13 : i32
    %dma_start3A_3469 = arith.constant 3 : i32
    %dma_start3A_3470 = arith.constant 3 : i32
    %dma_start3A_3471 = arith.constant 0 : i32
    %dma_start3A_3472 = arith.constant 0 : i32
    %dma_start3A_3473 = tpu.memref_slice %arg7[%dma_start3A_3469, %dma_start3A_3471, %dma_start3A_3472] : memref<5x128x128xf32, #tpu.memory_space<vmem>> -> memref<1x128x128xf32, #tpu.memory_space<vmem>>
    %dma_start3A_3474 = tpu.memref_squeeze %dma_start3A_3473 : memref<1x128x128xf32, #tpu.memory_space<vmem>> -> memref<128x128xf32, #tpu.memory_space<vmem>>
    %dma_start3A_3475 = arith.constant 0 : i32
    %dma_start3A_3476 = tpu.memref_slice %arg6[%dma_start3A_3468, %dma_start3A_3475] : memref<26x128xi32, #tpu.memory_space<vmem>> -> memref<1x128xi32, #tpu.memory_space<vmem>>
    %dma_start3A_3477 = tpu.memref_squeeze %dma_start3A_3476 : memref<1x128xi32, #tpu.memory_space<vmem>> -> memref<128xi32, #tpu.memory_space<vmem>>
    %dma_start3A_3478 = arith.constant 0 : i32
    %dma_start3A_3479 = arith.constant 0 : i32
    %dma_start3A_3480 = tpu.memref_slice %arg4[%dma_start3A_3478, %dma_start3A_3479] : memref<26000x128xf32, #tpu.memory_space<hbm>> -> memref<26000x128xf32, #tpu.memory_space<hbm>>
    %dma_start3A_3481 = tpu.memref_slice %arg9[%dma_start3A_3470] : memref<5x!tpu.dma_semaphore, #tpu.memory_space<semaphore_mem>> -> memref<1x!tpu.dma_semaphore, #tpu.memory_space<semaphore_mem>>
    %dma_start3A_3482 = tpu.memref_squeeze %dma_start3A_3481 : memref<1x!tpu.dma_semaphore, #tpu.memory_space<semaphore_mem>> -> memref<!tpu.dma_semaphore, #tpu.memory_space<semaphore_mem>>
    tpu.enqueue_indirect_dma source(%dma_start3A_3480 : memref<26000x128xf32, #tpu.memory_space<hbm>>) target(%dma_start3A_3474 : memref<128x128xf32, #tpu.memory_space<vmem>>) offsets(%dma_start3A_3477 : memref<128xi32, #tpu.memory_space<vmem>>) semaphore(%dma_start3A_3482 : memref<!tpu.dma_semaphore, #tpu.memory_space<semaphore_mem>>)
    %dma_wait3A_3483 = arith.constant 10 : i32
    %dma_wait3A_3484 = arith.constant 0 : i32
    %dma_wait3A_3485 = arith.constant 0 : i32
    %dma_wait3A_3486 = arith.constant 0 : i32
    %dma_wait3A_3487 = arith.constant 0 : i32
    %dma_wait3A_3488 = tpu.memref_slice %arg7[%dma_wait3A_3484, %dma_wait3A_3486, %dma_wait3A_3487] : memref<5x128x128xf32, #tpu.memory_space<vmem>> -> memref<1x128x128xf32, #tpu.memory_space<vmem>>
    %dma_wait3A_3489 = tpu.memref_squeeze %dma_wait3A_3488 : memref<1x128x128xf32, #tpu.memory_space<vmem>> -> memref<128x128xf32, #tpu.memory_space<vmem>>
    %dma_wait3A_3490 = arith.constant 0 : i32
    %dma_wait3A_3491 = tpu.memref_slice %arg6[%dma_wait3A_3483, %dma_wait3A_3490] : memref<26x128xi32, #tpu.memory_space<vmem>> -> memref<1x128xi32, #tpu.memory_space<vmem>>
    %dma_wait3A_3492 = tpu.memref_squeeze %dma_wait3A_3491 : memref<1x128xi32, #tpu.memory_space<vmem>> -> memref<128xi32, #tpu.memory_space<vmem>>
    %dma_wait3A_3493 = arith.constant 0 : i32
    %dma_wait3A_3494 = arith.constant 0 : i32
    %dma_wait3A_3495 = tpu.memref_slice %arg4[%dma_wait3A_3493, %dma_wait3A_3494] : memref<26000x128xf32, #tpu.memory_space<hbm>> -> memref<26000x128xf32, #tpu.memory_space<hbm>>
    %dma_wait3A_3496 = tpu.memref_slice %arg9[%dma_wait3A_3485] : memref<5x!tpu.dma_semaphore, #tpu.memory_space<semaphore_mem>> -> memref<1x!tpu.dma_semaphore, #tpu.memory_space<semaphore_mem>>
    %dma_wait3A_3497 = tpu.memref_squeeze %dma_wait3A_3496 : memref<1x!tpu.dma_semaphore, #tpu.memory_space<semaphore_mem>> -> memref<!tpu.dma_semaphore, #tpu.memory_space<semaphore_mem>>
    tpu.wait_indirect_dma semaphore(%dma_wait3A_3497 : memref<!tpu.dma_semaphore, #tpu.memory_space<semaphore_mem>>) src(%dma_wait3A_3495 : memref<26000x128xf32, #tpu.memory_space<hbm>>) dst(%dma_wait3A_3489 : memref<128x128xf32, #tpu.memory_space<vmem>>)
    %dma_start3A_3498 = arith.constant 0 : i32
    %dma_start3A_3499 = arith.constant 0 : i32
    %dma_start3A_3500 = arith.constant 0 : i32
    %dma_start3A_3501 = arith.constant 0 : i32
    %dma_start3A_3502 = tpu.memref_slice %arg7[%dma_start3A_3498, %dma_start3A_3500, %dma_start3A_3501] : memref<5x128x128xf32, #tpu.memory_space<vmem>> -> memref<1x128x128xf32, #tpu.memory_space<vmem>>
    %dma_start3A_3503 = tpu.memref_squeeze %dma_start3A_3502 : memref<1x128x128xf32, #tpu.memory_space<vmem>> -> memref<128x128xf32, #tpu.memory_space<vmem>>
    %dma_start3A_3504 = arith.constant 1280 : i32
    %dma_start3A_3505 = tpu.memref_slice %arg5[%mul3A_2, %dma_start3A_3504] : memref<4096x3341xf32, #tpu.memory_space<hbm>> -> memref<128x128xf32, #tpu.memory_space<hbm>>
    %dma_start3A_3506 = tpu.memref_slice %arg10[%dma_start3A_3499] : memref<5x!tpu.dma_semaphore, #tpu.memory_space<semaphore_mem>> -> memref<1x!tpu.dma_semaphore, #tpu.memory_space<semaphore_mem>>
    %dma_start3A_3507 = tpu.memref_squeeze %dma_start3A_3506 : memref<1x!tpu.dma_semaphore, #tpu.memory_space<semaphore_mem>> -> memref<!tpu.dma_semaphore, #tpu.memory_space<semaphore_mem>>
    %dma_start3A_3508 = arith.constant 1280 : i32
    %dma_start3A_3509 = tpu.memref_slice %arg5[%mul3A_2, %dma_start3A_3508] : memref<4096x3341xf32, #tpu.memory_space<hbm>> -> memref<128x128xf32, #tpu.memory_space<hbm>>
    %dma_start3A_3510 = arith.constant 0 : i32
    %dma_start3A_3511 = arith.constant 0 : i32
    %dma_start3A_3512 = tpu.memref_slice %arg7[%dma_start3A_3498, %dma_start3A_3510, %dma_start3A_3511] : memref<5x128x128xf32, #tpu.memory_space<vmem>> -> memref<1x128x128xf32, #tpu.memory_space<vmem>>
    %dma_start3A_3513 = tpu.memref_squeeze %dma_start3A_3512 : memref<1x128x128xf32, #tpu.memory_space<vmem>> -> memref<128x128xf32, #tpu.memory_space<vmem>>
    tpu.enqueue_dma source(%dma_start3A_3513 : memref<128x128xf32, #tpu.memory_space<vmem>>) target(%dma_start3A_3509 : memref<128x128xf32, #tpu.memory_space<hbm>>) target_semaphore(%dma_start3A_3507 : memref<!tpu.dma_semaphore, #tpu.memory_space<semaphore_mem>>)
    %dma_wait3A_3514 = arith.constant 0 : i32
    %dma_wait3A_3515 = arith.constant 0 : i32
    %dma_wait3A_3516 = arith.constant 0 : i32
    %dma_wait3A_3517 = arith.constant 0 : i32
    %dma_wait3A_3518 = tpu.memref_slice %arg7[%dma_wait3A_3514, %dma_wait3A_3516, %dma_wait3A_3517] : memref<5x128x128xf32, #tpu.memory_space<vmem>> -> memref<1x128x128xf32, #tpu.memory_space<vmem>>
    %dma_wait3A_3519 = tpu.memref_squeeze %dma_wait3A_3518 : memref<1x128x128xf32, #tpu.memory_space<vmem>> -> memref<128x128xf32, #tpu.memory_space<vmem>>
    %dma_wait3A_3520 = arith.constant 1280 : i32
    %dma_wait3A_3521 = tpu.memref_slice %arg5[%mul3A_2, %dma_wait3A_3520] : memref<4096x3341xf32, #tpu.memory_space<hbm>> -> memref<128x128xf32, #tpu.memory_space<hbm>>
    %dma_wait3A_3522 = tpu.memref_slice %arg10[%dma_wait3A_3515] : memref<5x!tpu.dma_semaphore, #tpu.memory_space<semaphore_mem>> -> memref<1x!tpu.dma_semaphore, #tpu.memory_space<semaphore_mem>>
    %dma_wait3A_3523 = tpu.memref_squeeze %dma_wait3A_3522 : memref<1x!tpu.dma_semaphore, #tpu.memory_space<semaphore_mem>> -> memref<!tpu.dma_semaphore, #tpu.memory_space<semaphore_mem>>
    %dma_wait3A_3524 = arith.constant 1280 : i32
    %dma_wait3A_3525 = tpu.memref_slice %arg5[%mul3A_2, %dma_wait3A_3524] : memref<4096x3341xf32, #tpu.memory_space<hbm>> -> memref<128x128xf32, #tpu.memory_space<hbm>>
    %dma_wait3A_3526 = arith.constant 0 : i32
    %dma_wait3A_3527 = arith.constant 0 : i32
    %dma_wait3A_3528 = tpu.memref_slice %arg7[%dma_wait3A_3514, %dma_wait3A_3526, %dma_wait3A_3527] : memref<5x128x128xf32, #tpu.memory_space<vmem>> -> memref<1x128x128xf32, #tpu.memory_space<vmem>>
    %dma_wait3A_3529 = tpu.memref_squeeze %dma_wait3A_3528 : memref<1x128x128xf32, #tpu.memory_space<vmem>> -> memref<128x128xf32, #tpu.memory_space<vmem>>
    tpu.wait_dma2 semaphore(%dma_wait3A_3523 : memref<!tpu.dma_semaphore, #tpu.memory_space<semaphore_mem>>) src(%dma_wait3A_3529 : memref<128x128xf32, #tpu.memory_space<vmem>>) dst(%dma_wait3A_3525 : memref<128x128xf32, #tpu.memory_space<hbm>>)
    %dma_start3A_3530 = arith.constant 14 : i32
    %dma_start3A_3531 = arith.constant 4 : i32
    %dma_start3A_3532 = arith.constant 4 : i32
    %dma_start3A_3533 = arith.constant 0 : i32
    %dma_start3A_3534 = arith.constant 0 : i32
    %dma_start3A_3535 = tpu.memref_slice %arg7[%dma_start3A_3531, %dma_start3A_3533, %dma_start3A_3534] : memref<5x128x128xf32, #tpu.memory_space<vmem>> -> memref<1x128x128xf32, #tpu.memory_space<vmem>>
    %dma_start3A_3536 = tpu.memref_squeeze %dma_start3A_3535 : memref<1x128x128xf32, #tpu.memory_space<vmem>> -> memref<128x128xf32, #tpu.memory_space<vmem>>
    %dma_start3A_3537 = arith.constant 0 : i32
    %dma_start3A_3538 = tpu.memref_slice %arg6[%dma_start3A_3530, %dma_start3A_3537] : memref<26x128xi32, #tpu.memory_space<vmem>> -> memref<1x128xi32, #tpu.memory_space<vmem>>
    %dma_start3A_3539 = tpu.memref_squeeze %dma_start3A_3538 : memref<1x128xi32, #tpu.memory_space<vmem>> -> memref<128xi32, #tpu.memory_space<vmem>>
    %dma_start3A_3540 = arith.constant 0 : i32
    %dma_start3A_3541 = arith.constant 0 : i32
    %dma_start3A_3542 = tpu.memref_slice %arg4[%dma_start3A_3540, %dma_start3A_3541] : memref<26000x128xf32, #tpu.memory_space<hbm>> -> memref<26000x128xf32, #tpu.memory_space<hbm>>
    %dma_start3A_3543 = tpu.memref_slice %arg9[%dma_start3A_3532] : memref<5x!tpu.dma_semaphore, #tpu.memory_space<semaphore_mem>> -> memref<1x!tpu.dma_semaphore, #tpu.memory_space<semaphore_mem>>
    %dma_start3A_3544 = tpu.memref_squeeze %dma_start3A_3543 : memref<1x!tpu.dma_semaphore, #tpu.memory_space<semaphore_mem>> -> memref<!tpu.dma_semaphore, #tpu.memory_space<semaphore_mem>>
    tpu.enqueue_indirect_dma source(%dma_start3A_3542 : memref<26000x128xf32, #tpu.memory_space<hbm>>) target(%dma_start3A_3536 : memref<128x128xf32, #tpu.memory_space<vmem>>) offsets(%dma_start3A_3539 : memref<128xi32, #tpu.memory_space<vmem>>) semaphore(%dma_start3A_3544 : memref<!tpu.dma_semaphore, #tpu.memory_space<semaphore_mem>>)
    %dma_wait3A_3545 = arith.constant 11 : i32
    %dma_wait3A_3546 = arith.constant 1 : i32
    %dma_wait3A_3547 = arith.constant 1 : i32
    %dma_wait3A_3548 = arith.constant 0 : i32
    %dma_wait3A_3549 = arith.constant 0 : i32
    %dma_wait3A_3550 = tpu.memref_slice %arg7[%dma_wait3A_3546, %dma_wait3A_3548, %dma_wait3A_3549] : memref<5x128x128xf32, #tpu.memory_space<vmem>> -> memref<1x128x128xf32, #tpu.memory_space<vmem>>
    %dma_wait3A_3551 = tpu.memref_squeeze %dma_wait3A_3550 : memref<1x128x128xf32, #tpu.memory_space<vmem>> -> memref<128x128xf32, #tpu.memory_space<vmem>>
    %dma_wait3A_3552 = arith.constant 0 : i32
    %dma_wait3A_3553 = tpu.memref_slice %arg6[%dma_wait3A_3545, %dma_wait3A_3552] : memref<26x128xi32, #tpu.memory_space<vmem>> -> memref<1x128xi32, #tpu.memory_space<vmem>>
    %dma_wait3A_3554 = tpu.memref_squeeze %dma_wait3A_3553 : memref<1x128xi32, #tpu.memory_space<vmem>> -> memref<128xi32, #tpu.memory_space<vmem>>
    %dma_wait3A_3555 = arith.constant 0 : i32
    %dma_wait3A_3556 = arith.constant 0 : i32
    %dma_wait3A_3557 = tpu.memref_slice %arg4[%dma_wait3A_3555, %dma_wait3A_3556] : memref<26000x128xf32, #tpu.memory_space<hbm>> -> memref<26000x128xf32, #tpu.memory_space<hbm>>
    %dma_wait3A_3558 = tpu.memref_slice %arg9[%dma_wait3A_3547] : memref<5x!tpu.dma_semaphore, #tpu.memory_space<semaphore_mem>> -> memref<1x!tpu.dma_semaphore, #tpu.memory_space<semaphore_mem>>
    %dma_wait3A_3559 = tpu.memref_squeeze %dma_wait3A_3558 : memref<1x!tpu.dma_semaphore, #tpu.memory_space<semaphore_mem>> -> memref<!tpu.dma_semaphore, #tpu.memory_space<semaphore_mem>>
    tpu.wait_indirect_dma semaphore(%dma_wait3A_3559 : memref<!tpu.dma_semaphore, #tpu.memory_space<semaphore_mem>>) src(%dma_wait3A_3557 : memref<26000x128xf32, #tpu.memory_space<hbm>>) dst(%dma_wait3A_3551 : memref<128x128xf32, #tpu.memory_space<vmem>>)
    %dma_start3A_3560 = arith.constant 1 : i32
    %dma_start3A_3561 = arith.constant 1 : i32
    %dma_start3A_3562 = arith.constant 0 : i32
    %dma_start3A_3563 = arith.constant 0 : i32
    %dma_start3A_3564 = tpu.memref_slice %arg7[%dma_start3A_3560, %dma_start3A_3562, %dma_start3A_3563] : memref<5x128x128xf32, #tpu.memory_space<vmem>> -> memref<1x128x128xf32, #tpu.memory_space<vmem>>
    %dma_start3A_3565 = tpu.memref_squeeze %dma_start3A_3564 : memref<1x128x128xf32, #tpu.memory_space<vmem>> -> memref<128x128xf32, #tpu.memory_space<vmem>>
    %dma_start3A_3566 = arith.constant 1408 : i32
    %dma_start3A_3567 = tpu.memref_slice %arg5[%mul3A_2, %dma_start3A_3566] : memref<4096x3341xf32, #tpu.memory_space<hbm>> -> memref<128x128xf32, #tpu.memory_space<hbm>>
    %dma_start3A_3568 = tpu.memref_slice %arg10[%dma_start3A_3561] : memref<5x!tpu.dma_semaphore, #tpu.memory_space<semaphore_mem>> -> memref<1x!tpu.dma_semaphore, #tpu.memory_space<semaphore_mem>>
    %dma_start3A_3569 = tpu.memref_squeeze %dma_start3A_3568 : memref<1x!tpu.dma_semaphore, #tpu.memory_space<semaphore_mem>> -> memref<!tpu.dma_semaphore, #tpu.memory_space<semaphore_mem>>
    %dma_start3A_3570 = arith.constant 1408 : i32
    %dma_start3A_3571 = tpu.memref_slice %arg5[%mul3A_2, %dma_start3A_3570] : memref<4096x3341xf32, #tpu.memory_space<hbm>> -> memref<128x128xf32, #tpu.memory_space<hbm>>
    %dma_start3A_3572 = arith.constant 0 : i32
    %dma_start3A_3573 = arith.constant 0 : i32
    %dma_start3A_3574 = tpu.memref_slice %arg7[%dma_start3A_3560, %dma_start3A_3572, %dma_start3A_3573] : memref<5x128x128xf32, #tpu.memory_space<vmem>> -> memref<1x128x128xf32, #tpu.memory_space<vmem>>
    %dma_start3A_3575 = tpu.memref_squeeze %dma_start3A_3574 : memref<1x128x128xf32, #tpu.memory_space<vmem>> -> memref<128x128xf32, #tpu.memory_space<vmem>>
    tpu.enqueue_dma source(%dma_start3A_3575 : memref<128x128xf32, #tpu.memory_space<vmem>>) target(%dma_start3A_3571 : memref<128x128xf32, #tpu.memory_space<hbm>>) target_semaphore(%dma_start3A_3569 : memref<!tpu.dma_semaphore, #tpu.memory_space<semaphore_mem>>)
    %dma_wait3A_3576 = arith.constant 1 : i32
    %dma_wait3A_3577 = arith.constant 1 : i32
    %dma_wait3A_3578 = arith.constant 0 : i32
    %dma_wait3A_3579 = arith.constant 0 : i32
    %dma_wait3A_3580 = tpu.memref_slice %arg7[%dma_wait3A_3576, %dma_wait3A_3578, %dma_wait3A_3579] : memref<5x128x128xf32, #tpu.memory_space<vmem>> -> memref<1x128x128xf32, #tpu.memory_space<vmem>>
    %dma_wait3A_3581 = tpu.memref_squeeze %dma_wait3A_3580 : memref<1x128x128xf32, #tpu.memory_space<vmem>> -> memref<128x128xf32, #tpu.memory_space<vmem>>
    %dma_wait3A_3582 = arith.constant 1408 : i32
    %dma_wait3A_3583 = tpu.memref_slice %arg5[%mul3A_2, %dma_wait3A_3582] : memref<4096x3341xf32, #tpu.memory_space<hbm>> -> memref<128x128xf32, #tpu.memory_space<hbm>>
    %dma_wait3A_3584 = tpu.memref_slice %arg10[%dma_wait3A_3577] : memref<5x!tpu.dma_semaphore, #tpu.memory_space<semaphore_mem>> -> memref<1x!tpu.dma_semaphore, #tpu.memory_space<semaphore_mem>>
    %dma_wait3A_3585 = tpu.memref_squeeze %dma_wait3A_3584 : memref<1x!tpu.dma_semaphore, #tpu.memory_space<semaphore_mem>> -> memref<!tpu.dma_semaphore, #tpu.memory_space<semaphore_mem>>
    %dma_wait3A_3586 = arith.constant 1408 : i32
    %dma_wait3A_3587 = tpu.memref_slice %arg5[%mul3A_2, %dma_wait3A_3586] : memref<4096x3341xf32, #tpu.memory_space<hbm>> -> memref<128x128xf32, #tpu.memory_space<hbm>>
    %dma_wait3A_3588 = arith.constant 0 : i32
    %dma_wait3A_3589 = arith.constant 0 : i32
    %dma_wait3A_3590 = tpu.memref_slice %arg7[%dma_wait3A_3576, %dma_wait3A_3588, %dma_wait3A_3589] : memref<5x128x128xf32, #tpu.memory_space<vmem>> -> memref<1x128x128xf32, #tpu.memory_space<vmem>>
    %dma_wait3A_3591 = tpu.memref_squeeze %dma_wait3A_3590 : memref<1x128x128xf32, #tpu.memory_space<vmem>> -> memref<128x128xf32, #tpu.memory_space<vmem>>
    tpu.wait_dma2 semaphore(%dma_wait3A_3585 : memref<!tpu.dma_semaphore, #tpu.memory_space<semaphore_mem>>) src(%dma_wait3A_3591 : memref<128x128xf32, #tpu.memory_space<vmem>>) dst(%dma_wait3A_3587 : memref<128x128xf32, #tpu.memory_space<hbm>>)
    %dma_start3A_3592 = arith.constant 15 : i32
    %dma_start3A_3593 = arith.constant 0 : i32
    %dma_start3A_3594 = arith.constant 0 : i32
    %dma_start3A_3595 = arith.constant 0 : i32
    %dma_start3A_3596 = arith.constant 0 : i32
    %dma_start3A_3597 = tpu.memref_slice %arg7[%dma_start3A_3593, %dma_start3A_3595, %dma_start3A_3596] : memref<5x128x128xf32, #tpu.memory_space<vmem>> -> memref<1x128x128xf32, #tpu.memory_space<vmem>>
    %dma_start3A_3598 = tpu.memref_squeeze %dma_start3A_3597 : memref<1x128x128xf32, #tpu.memory_space<vmem>> -> memref<128x128xf32, #tpu.memory_space<vmem>>
    %dma_start3A_3599 = arith.constant 0 : i32
    %dma_start3A_3600 = tpu.memref_slice %arg6[%dma_start3A_3592, %dma_start3A_3599] : memref<26x128xi32, #tpu.memory_space<vmem>> -> memref<1x128xi32, #tpu.memory_space<vmem>>
    %dma_start3A_3601 = tpu.memref_squeeze %dma_start3A_3600 : memref<1x128xi32, #tpu.memory_space<vmem>> -> memref<128xi32, #tpu.memory_space<vmem>>
    %dma_start3A_3602 = arith.constant 0 : i32
    %dma_start3A_3603 = arith.constant 0 : i32
    %dma_start3A_3604 = tpu.memref_slice %arg4[%dma_start3A_3602, %dma_start3A_3603] : memref<26000x128xf32, #tpu.memory_space<hbm>> -> memref<26000x128xf32, #tpu.memory_space<hbm>>
    %dma_start3A_3605 = tpu.memref_slice %arg9[%dma_start3A_3594] : memref<5x!tpu.dma_semaphore, #tpu.memory_space<semaphore_mem>> -> memref<1x!tpu.dma_semaphore, #tpu.memory_space<semaphore_mem>>
    %dma_start3A_3606 = tpu.memref_squeeze %dma_start3A_3605 : memref<1x!tpu.dma_semaphore, #tpu.memory_space<semaphore_mem>> -> memref<!tpu.dma_semaphore, #tpu.memory_space<semaphore_mem>>
    tpu.enqueue_indirect_dma source(%dma_start3A_3604 : memref<26000x128xf32, #tpu.memory_space<hbm>>) target(%dma_start3A_3598 : memref<128x128xf32, #tpu.memory_space<vmem>>) offsets(%dma_start3A_3601 : memref<128xi32, #tpu.memory_space<vmem>>) semaphore(%dma_start3A_3606 : memref<!tpu.dma_semaphore, #tpu.memory_space<semaphore_mem>>)
    %dma_wait3A_3607 = arith.constant 12 : i32
    %dma_wait3A_3608 = arith.constant 2 : i32
    %dma_wait3A_3609 = arith.constant 2 : i32
    %dma_wait3A_3610 = arith.constant 0 : i32
    %dma_wait3A_3611 = arith.constant 0 : i32
    %dma_wait3A_3612 = tpu.memref_slice %arg7[%dma_wait3A_3608, %dma_wait3A_3610, %dma_wait3A_3611] : memref<5x128x128xf32, #tpu.memory_space<vmem>> -> memref<1x128x128xf32, #tpu.memory_space<vmem>>
    %dma_wait3A_3613 = tpu.memref_squeeze %dma_wait3A_3612 : memref<1x128x128xf32, #tpu.memory_space<vmem>> -> memref<128x128xf32, #tpu.memory_space<vmem>>
    %dma_wait3A_3614 = arith.constant 0 : i32
    %dma_wait3A_3615 = tpu.memref_slice %arg6[%dma_wait3A_3607, %dma_wait3A_3614] : memref<26x128xi32, #tpu.memory_space<vmem>> -> memref<1x128xi32, #tpu.memory_space<vmem>>
    %dma_wait3A_3616 = tpu.memref_squeeze %dma_wait3A_3615 : memref<1x128xi32, #tpu.memory_space<vmem>> -> memref<128xi32, #tpu.memory_space<vmem>>
    %dma_wait3A_3617 = arith.constant 0 : i32
    %dma_wait3A_3618 = arith.constant 0 : i32
    %dma_wait3A_3619 = tpu.memref_slice %arg4[%dma_wait3A_3617, %dma_wait3A_3618] : memref<26000x128xf32, #tpu.memory_space<hbm>> -> memref<26000x128xf32, #tpu.memory_space<hbm>>
    %dma_wait3A_3620 = tpu.memref_slice %arg9[%dma_wait3A_3609] : memref<5x!tpu.dma_semaphore, #tpu.memory_space<semaphore_mem>> -> memref<1x!tpu.dma_semaphore, #tpu.memory_space<semaphore_mem>>
    %dma_wait3A_3621 = tpu.memref_squeeze %dma_wait3A_3620 : memref<1x!tpu.dma_semaphore, #tpu.memory_space<semaphore_mem>> -> memref<!tpu.dma_semaphore, #tpu.memory_space<semaphore_mem>>
    tpu.wait_indirect_dma semaphore(%dma_wait3A_3621 : memref<!tpu.dma_semaphore, #tpu.memory_space<semaphore_mem>>) src(%dma_wait3A_3619 : memref<26000x128xf32, #tpu.memory_space<hbm>>) dst(%dma_wait3A_3613 : memref<128x128xf32, #tpu.memory_space<vmem>>)
    %dma_start3A_3622 = arith.constant 2 : i32
    %dma_start3A_3623 = arith.constant 2 : i32
    %dma_start3A_3624 = arith.constant 0 : i32
    %dma_start3A_3625 = arith.constant 0 : i32
    %dma_start3A_3626 = tpu.memref_slice %arg7[%dma_start3A_3622, %dma_start3A_3624, %dma_start3A_3625] : memref<5x128x128xf32, #tpu.memory_space<vmem>> -> memref<1x128x128xf32, #tpu.memory_space<vmem>>
    %dma_start3A_3627 = tpu.memref_squeeze %dma_start3A_3626 : memref<1x128x128xf32, #tpu.memory_space<vmem>> -> memref<128x128xf32, #tpu.memory_space<vmem>>
    %dma_start3A_3628 = arith.constant 1536 : i32
    %dma_start3A_3629 = tpu.memref_slice %arg5[%mul3A_2, %dma_start3A_3628] : memref<4096x3341xf32, #tpu.memory_space<hbm>> -> memref<128x128xf32, #tpu.memory_space<hbm>>
    %dma_start3A_3630 = tpu.memref_slice %arg10[%dma_start3A_3623] : memref<5x!tpu.dma_semaphore, #tpu.memory_space<semaphore_mem>> -> memref<1x!tpu.dma_semaphore, #tpu.memory_space<semaphore_mem>>
    %dma_start3A_3631 = tpu.memref_squeeze %dma_start3A_3630 : memref<1x!tpu.dma_semaphore, #tpu.memory_space<semaphore_mem>> -> memref<!tpu.dma_semaphore, #tpu.memory_space<semaphore_mem>>
    %dma_start3A_3632 = arith.constant 1536 : i32
    %dma_start3A_3633 = tpu.memref_slice %arg5[%mul3A_2, %dma_start3A_3632] : memref<4096x3341xf32, #tpu.memory_space<hbm>> -> memref<128x128xf32, #tpu.memory_space<hbm>>
    %dma_start3A_3634 = arith.constant 0 : i32
    %dma_start3A_3635 = arith.constant 0 : i32
    %dma_start3A_3636 = tpu.memref_slice %arg7[%dma_start3A_3622, %dma_start3A_3634, %dma_start3A_3635] : memref<5x128x128xf32, #tpu.memory_space<vmem>> -> memref<1x128x128xf32, #tpu.memory_space<vmem>>
    %dma_start3A_3637 = tpu.memref_squeeze %dma_start3A_3636 : memref<1x128x128xf32, #tpu.memory_space<vmem>> -> memref<128x128xf32, #tpu.memory_space<vmem>>
    tpu.enqueue_dma source(%dma_start3A_3637 : memref<128x128xf32, #tpu.memory_space<vmem>>) target(%dma_start3A_3633 : memref<128x128xf32, #tpu.memory_space<hbm>>) target_semaphore(%dma_start3A_3631 : memref<!tpu.dma_semaphore, #tpu.memory_space<semaphore_mem>>)
    %dma_wait3A_3638 = arith.constant 2 : i32
    %dma_wait3A_3639 = arith.constant 2 : i32
    %dma_wait3A_3640 = arith.constant 0 : i32
    %dma_wait3A_3641 = arith.constant 0 : i32
    %dma_wait3A_3642 = tpu.memref_slice %arg7[%dma_wait3A_3638, %dma_wait3A_3640, %dma_wait3A_3641] : memref<5x128x128xf32, #tpu.memory_space<vmem>> -> memref<1x128x128xf32, #tpu.memory_space<vmem>>
    %dma_wait3A_3643 = tpu.memref_squeeze %dma_wait3A_3642 : memref<1x128x128xf32, #tpu.memory_space<vmem>> -> memref<128x128xf32, #tpu.memory_space<vmem>>
    %dma_wait3A_3644 = arith.constant 1536 : i32
    %dma_wait3A_3645 = tpu.memref_slice %arg5[%mul3A_2, %dma_wait3A_3644] : memref<4096x3341xf32, #tpu.memory_space<hbm>> -> memref<128x128xf32, #tpu.memory_space<hbm>>
    %dma_wait3A_3646 = tpu.memref_slice %arg10[%dma_wait3A_3639] : memref<5x!tpu.dma_semaphore, #tpu.memory_space<semaphore_mem>> -> memref<1x!tpu.dma_semaphore, #tpu.memory_space<semaphore_mem>>
    %dma_wait3A_3647 = tpu.memref_squeeze %dma_wait3A_3646 : memref<1x!tpu.dma_semaphore, #tpu.memory_space<semaphore_mem>> -> memref<!tpu.dma_semaphore, #tpu.memory_space<semaphore_mem>>
    %dma_wait3A_3648 = arith.constant 1536 : i32
    %dma_wait3A_3649 = tpu.memref_slice %arg5[%mul3A_2, %dma_wait3A_3648] : memref<4096x3341xf32, #tpu.memory_space<hbm>> -> memref<128x128xf32, #tpu.memory_space<hbm>>
    %dma_wait3A_3650 = arith.constant 0 : i32
    %dma_wait3A_3651 = arith.constant 0 : i32
    %dma_wait3A_3652 = tpu.memref_slice %arg7[%dma_wait3A_3638, %dma_wait3A_3650, %dma_wait3A_3651] : memref<5x128x128xf32, #tpu.memory_space<vmem>> -> memref<1x128x128xf32, #tpu.memory_space<vmem>>
    %dma_wait3A_3653 = tpu.memref_squeeze %dma_wait3A_3652 : memref<1x128x128xf32, #tpu.memory_space<vmem>> -> memref<128x128xf32, #tpu.memory_space<vmem>>
    tpu.wait_dma2 semaphore(%dma_wait3A_3647 : memref<!tpu.dma_semaphore, #tpu.memory_space<semaphore_mem>>) src(%dma_wait3A_3653 : memref<128x128xf32, #tpu.memory_space<vmem>>) dst(%dma_wait3A_3649 : memref<128x128xf32, #tpu.memory_space<hbm>>)
    %dma_start3A_3654 = arith.constant 16 : i32
    %dma_start3A_3655 = arith.constant 1 : i32
    %dma_start3A_3656 = arith.constant 1 : i32
    %dma_start3A_3657 = arith.constant 0 : i32
    %dma_start3A_3658 = arith.constant 0 : i32
    %dma_start3A_3659 = tpu.memref_slice %arg7[%dma_start3A_3655, %dma_start3A_3657, %dma_start3A_3658] : memref<5x128x128xf32, #tpu.memory_space<vmem>> -> memref<1x128x128xf32, #tpu.memory_space<vmem>>
    %dma_start3A_3660 = tpu.memref_squeeze %dma_start3A_3659 : memref<1x128x128xf32, #tpu.memory_space<vmem>> -> memref<128x128xf32, #tpu.memory_space<vmem>>
    %dma_start3A_3661 = arith.constant 0 : i32
    %dma_start3A_3662 = tpu.memref_slice %arg6[%dma_start3A_3654, %dma_start3A_3661] : memref<26x128xi32, #tpu.memory_space<vmem>> -> memref<1x128xi32, #tpu.memory_space<vmem>>
    %dma_start3A_3663 = tpu.memref_squeeze %dma_start3A_3662 : memref<1x128xi32, #tpu.memory_space<vmem>> -> memref<128xi32, #tpu.memory_space<vmem>>
    %dma_start3A_3664 = arith.constant 0 : i32
    %dma_start3A_3665 = arith.constant 0 : i32
    %dma_start3A_3666 = tpu.memref_slice %arg4[%dma_start3A_3664, %dma_start3A_3665] : memref<26000x128xf32, #tpu.memory_space<hbm>> -> memref<26000x128xf32, #tpu.memory_space<hbm>>
    %dma_start3A_3667 = tpu.memref_slice %arg9[%dma_start3A_3656] : memref<5x!tpu.dma_semaphore, #tpu.memory_space<semaphore_mem>> -> memref<1x!tpu.dma_semaphore, #tpu.memory_space<semaphore_mem>>
    %dma_start3A_3668 = tpu.memref_squeeze %dma_start3A_3667 : memref<1x!tpu.dma_semaphore, #tpu.memory_space<semaphore_mem>> -> memref<!tpu.dma_semaphore, #tpu.memory_space<semaphore_mem>>
    tpu.enqueue_indirect_dma source(%dma_start3A_3666 : memref<26000x128xf32, #tpu.memory_space<hbm>>) target(%dma_start3A_3660 : memref<128x128xf32, #tpu.memory_space<vmem>>) offsets(%dma_start3A_3663 : memref<128xi32, #tpu.memory_space<vmem>>) semaphore(%dma_start3A_3668 : memref<!tpu.dma_semaphore, #tpu.memory_space<semaphore_mem>>)
    %dma_wait3A_3669 = arith.constant 13 : i32
    %dma_wait3A_3670 = arith.constant 3 : i32
    %dma_wait3A_3671 = arith.constant 3 : i32
    %dma_wait3A_3672 = arith.constant 0 : i32
    %dma_wait3A_3673 = arith.constant 0 : i32
    %dma_wait3A_3674 = tpu.memref_slice %arg7[%dma_wait3A_3670, %dma_wait3A_3672, %dma_wait3A_3673] : memref<5x128x128xf32, #tpu.memory_space<vmem>> -> memref<1x128x128xf32, #tpu.memory_space<vmem>>
    %dma_wait3A_3675 = tpu.memref_squeeze %dma_wait3A_3674 : memref<1x128x128xf32, #tpu.memory_space<vmem>> -> memref<128x128xf32, #tpu.memory_space<vmem>>
    %dma_wait3A_3676 = arith.constant 0 : i32
    %dma_wait3A_3677 = tpu.memref_slice %arg6[%dma_wait3A_3669, %dma_wait3A_3676] : memref<26x128xi32, #tpu.memory_space<vmem>> -> memref<1x128xi32, #tpu.memory_space<vmem>>
    %dma_wait3A_3678 = tpu.memref_squeeze %dma_wait3A_3677 : memref<1x128xi32, #tpu.memory_space<vmem>> -> memref<128xi32, #tpu.memory_space<vmem>>
    %dma_wait3A_3679 = arith.constant 0 : i32
    %dma_wait3A_3680 = arith.constant 0 : i32
    %dma_wait3A_3681 = tpu.memref_slice %arg4[%dma_wait3A_3679, %dma_wait3A_3680] : memref<26000x128xf32, #tpu.memory_space<hbm>> -> memref<26000x128xf32, #tpu.memory_space<hbm>>
    %dma_wait3A_3682 = tpu.memref_slice %arg9[%dma_wait3A_3671] : memref<5x!tpu.dma_semaphore, #tpu.memory_space<semaphore_mem>> -> memref<1x!tpu.dma_semaphore, #tpu.memory_space<semaphore_mem>>
    %dma_wait3A_3683 = tpu.memref_squeeze %dma_wait3A_3682 : memref<1x!tpu.dma_semaphore, #tpu.memory_space<semaphore_mem>> -> memref<!tpu.dma_semaphore, #tpu.memory_space<semaphore_mem>>
    tpu.wait_indirect_dma semaphore(%dma_wait3A_3683 : memref<!tpu.dma_semaphore, #tpu.memory_space<semaphore_mem>>) src(%dma_wait3A_3681 : memref<26000x128xf32, #tpu.memory_space<hbm>>) dst(%dma_wait3A_3675 : memref<128x128xf32, #tpu.memory_space<vmem>>)
    %dma_start3A_3684 = arith.constant 3 : i32
    %dma_start3A_3685 = arith.constant 3 : i32
    %dma_start3A_3686 = arith.constant 0 : i32
    %dma_start3A_3687 = arith.constant 0 : i32
    %dma_start3A_3688 = tpu.memref_slice %arg7[%dma_start3A_3684, %dma_start3A_3686, %dma_start3A_3687] : memref<5x128x128xf32, #tpu.memory_space<vmem>> -> memref<1x128x128xf32, #tpu.memory_space<vmem>>
    %dma_start3A_3689 = tpu.memref_squeeze %dma_start3A_3688 : memref<1x128x128xf32, #tpu.memory_space<vmem>> -> memref<128x128xf32, #tpu.memory_space<vmem>>
    %dma_start3A_3690 = arith.constant 1664 : i32
    %dma_start3A_3691 = tpu.memref_slice %arg5[%mul3A_2, %dma_start3A_3690] : memref<4096x3341xf32, #tpu.memory_space<hbm>> -> memref<128x128xf32, #tpu.memory_space<hbm>>
    %dma_start3A_3692 = tpu.memref_slice %arg10[%dma_start3A_3685] : memref<5x!tpu.dma_semaphore, #tpu.memory_space<semaphore_mem>> -> memref<1x!tpu.dma_semaphore, #tpu.memory_space<semaphore_mem>>
    %dma_start3A_3693 = tpu.memref_squeeze %dma_start3A_3692 : memref<1x!tpu.dma_semaphore, #tpu.memory_space<semaphore_mem>> -> memref<!tpu.dma_semaphore, #tpu.memory_space<semaphore_mem>>
    %dma_start3A_3694 = arith.constant 1664 : i32
    %dma_start3A_3695 = tpu.memref_slice %arg5[%mul3A_2, %dma_start3A_3694] : memref<4096x3341xf32, #tpu.memory_space<hbm>> -> memref<128x128xf32, #tpu.memory_space<hbm>>
    %dma_start3A_3696 = arith.constant 0 : i32
    %dma_start3A_3697 = arith.constant 0 : i32
    %dma_start3A_3698 = tpu.memref_slice %arg7[%dma_start3A_3684, %dma_start3A_3696, %dma_start3A_3697] : memref<5x128x128xf32, #tpu.memory_space<vmem>> -> memref<1x128x128xf32, #tpu.memory_space<vmem>>
    %dma_start3A_3699 = tpu.memref_squeeze %dma_start3A_3698 : memref<1x128x128xf32, #tpu.memory_space<vmem>> -> memref<128x128xf32, #tpu.memory_space<vmem>>
    tpu.enqueue_dma source(%dma_start3A_3699 : memref<128x128xf32, #tpu.memory_space<vmem>>) target(%dma_start3A_3695 : memref<128x128xf32, #tpu.memory_space<hbm>>) target_semaphore(%dma_start3A_3693 : memref<!tpu.dma_semaphore, #tpu.memory_space<semaphore_mem>>)
    %dma_wait3A_3700 = arith.constant 3 : i32
    %dma_wait3A_3701 = arith.constant 3 : i32
    %dma_wait3A_3702 = arith.constant 0 : i32
    %dma_wait3A_3703 = arith.constant 0 : i32
    %dma_wait3A_3704 = tpu.memref_slice %arg7[%dma_wait3A_3700, %dma_wait3A_3702, %dma_wait3A_3703] : memref<5x128x128xf32, #tpu.memory_space<vmem>> -> memref<1x128x128xf32, #tpu.memory_space<vmem>>
    %dma_wait3A_3705 = tpu.memref_squeeze %dma_wait3A_3704 : memref<1x128x128xf32, #tpu.memory_space<vmem>> -> memref<128x128xf32, #tpu.memory_space<vmem>>
    %dma_wait3A_3706 = arith.constant 1664 : i32
    %dma_wait3A_3707 = tpu.memref_slice %arg5[%mul3A_2, %dma_wait3A_3706] : memref<4096x3341xf32, #tpu.memory_space<hbm>> -> memref<128x128xf32, #tpu.memory_space<hbm>>
    %dma_wait3A_3708 = tpu.memref_slice %arg10[%dma_wait3A_3701] : memref<5x!tpu.dma_semaphore, #tpu.memory_space<semaphore_mem>> -> memref<1x!tpu.dma_semaphore, #tpu.memory_space<semaphore_mem>>
    %dma_wait3A_3709 = tpu.memref_squeeze %dma_wait3A_3708 : memref<1x!tpu.dma_semaphore, #tpu.memory_space<semaphore_mem>> -> memref<!tpu.dma_semaphore, #tpu.memory_space<semaphore_mem>>
    %dma_wait3A_3710 = arith.constant 1664 : i32
    %dma_wait3A_3711 = tpu.memref_slice %arg5[%mul3A_2, %dma_wait3A_3710] : memref<4096x3341xf32, #tpu.memory_space<hbm>> -> memref<128x128xf32, #tpu.memory_space<hbm>>
    %dma_wait3A_3712 = arith.constant 0 : i32
    %dma_wait3A_3713 = arith.constant 0 : i32
    %dma_wait3A_3714 = tpu.memref_slice %arg7[%dma_wait3A_3700, %dma_wait3A_3712, %dma_wait3A_3713] : memref<5x128x128xf32, #tpu.memory_space<vmem>> -> memref<1x128x128xf32, #tpu.memory_space<vmem>>
    %dma_wait3A_3715 = tpu.memref_squeeze %dma_wait3A_3714 : memref<1x128x128xf32, #tpu.memory_space<vmem>> -> memref<128x128xf32, #tpu.memory_space<vmem>>
    tpu.wait_dma2 semaphore(%dma_wait3A_3709 : memref<!tpu.dma_semaphore, #tpu.memory_space<semaphore_mem>>) src(%dma_wait3A_3715 : memref<128x128xf32, #tpu.memory_space<vmem>>) dst(%dma_wait3A_3711 : memref<128x128xf32, #tpu.memory_space<hbm>>)
    %dma_start3A_3716 = arith.constant 17 : i32
    %dma_start3A_3717 = arith.constant 2 : i32
    %dma_start3A_3718 = arith.constant 2 : i32
    %dma_start3A_3719 = arith.constant 0 : i32
    %dma_start3A_3720 = arith.constant 0 : i32
    %dma_start3A_3721 = tpu.memref_slice %arg7[%dma_start3A_3717, %dma_start3A_3719, %dma_start3A_3720] : memref<5x128x128xf32, #tpu.memory_space<vmem>> -> memref<1x128x128xf32, #tpu.memory_space<vmem>>
    %dma_start3A_3722 = tpu.memref_squeeze %dma_start3A_3721 : memref<1x128x128xf32, #tpu.memory_space<vmem>> -> memref<128x128xf32, #tpu.memory_space<vmem>>
    %dma_start3A_3723 = arith.constant 0 : i32
    %dma_start3A_3724 = tpu.memref_slice %arg6[%dma_start3A_3716, %dma_start3A_3723] : memref<26x128xi32, #tpu.memory_space<vmem>> -> memref<1x128xi32, #tpu.memory_space<vmem>>
    %dma_start3A_3725 = tpu.memref_squeeze %dma_start3A_3724 : memref<1x128xi32, #tpu.memory_space<vmem>> -> memref<128xi32, #tpu.memory_space<vmem>>
    %dma_start3A_3726 = arith.constant 0 : i32
    %dma_start3A_3727 = arith.constant 0 : i32
    %dma_start3A_3728 = tpu.memref_slice %arg4[%dma_start3A_3726, %dma_start3A_3727] : memref<26000x128xf32, #tpu.memory_space<hbm>> -> memref<26000x128xf32, #tpu.memory_space<hbm>>
    %dma_start3A_3729 = tpu.memref_slice %arg9[%dma_start3A_3718] : memref<5x!tpu.dma_semaphore, #tpu.memory_space<semaphore_mem>> -> memref<1x!tpu.dma_semaphore, #tpu.memory_space<semaphore_mem>>
    %dma_start3A_3730 = tpu.memref_squeeze %dma_start3A_3729 : memref<1x!tpu.dma_semaphore, #tpu.memory_space<semaphore_mem>> -> memref<!tpu.dma_semaphore, #tpu.memory_space<semaphore_mem>>
    tpu.enqueue_indirect_dma source(%dma_start3A_3728 : memref<26000x128xf32, #tpu.memory_space<hbm>>) target(%dma_start3A_3722 : memref<128x128xf32, #tpu.memory_space<vmem>>) offsets(%dma_start3A_3725 : memref<128xi32, #tpu.memory_space<vmem>>) semaphore(%dma_start3A_3730 : memref<!tpu.dma_semaphore, #tpu.memory_space<semaphore_mem>>)
    %dma_wait3A_3731 = arith.constant 14 : i32
    %dma_wait3A_3732 = arith.constant 4 : i32
    %dma_wait3A_3733 = arith.constant 4 : i32
    %dma_wait3A_3734 = arith.constant 0 : i32
    %dma_wait3A_3735 = arith.constant 0 : i32
    %dma_wait3A_3736 = tpu.memref_slice %arg7[%dma_wait3A_3732, %dma_wait3A_3734, %dma_wait3A_3735] : memref<5x128x128xf32, #tpu.memory_space<vmem>> -> memref<1x128x128xf32, #tpu.memory_space<vmem>>
    %dma_wait3A_3737 = tpu.memref_squeeze %dma_wait3A_3736 : memref<1x128x128xf32, #tpu.memory_space<vmem>> -> memref<128x128xf32, #tpu.memory_space<vmem>>
    %dma_wait3A_3738 = arith.constant 0 : i32
    %dma_wait3A_3739 = tpu.memref_slice %arg6[%dma_wait3A_3731, %dma_wait3A_3738] : memref<26x128xi32, #tpu.memory_space<vmem>> -> memref<1x128xi32, #tpu.memory_space<vmem>>
    %dma_wait3A_3740 = tpu.memref_squeeze %dma_wait3A_3739 : memref<1x128xi32, #tpu.memory_space<vmem>> -> memref<128xi32, #tpu.memory_space<vmem>>
    %dma_wait3A_3741 = arith.constant 0 : i32
    %dma_wait3A_3742 = arith.constant 0 : i32
    %dma_wait3A_3743 = tpu.memref_slice %arg4[%dma_wait3A_3741, %dma_wait3A_3742] : memref<26000x128xf32, #tpu.memory_space<hbm>> -> memref<26000x128xf32, #tpu.memory_space<hbm>>
    %dma_wait3A_3744 = tpu.memref_slice %arg9[%dma_wait3A_3733] : memref<5x!tpu.dma_semaphore, #tpu.memory_space<semaphore_mem>> -> memref<1x!tpu.dma_semaphore, #tpu.memory_space<semaphore_mem>>
    %dma_wait3A_3745 = tpu.memref_squeeze %dma_wait3A_3744 : memref<1x!tpu.dma_semaphore, #tpu.memory_space<semaphore_mem>> -> memref<!tpu.dma_semaphore, #tpu.memory_space<semaphore_mem>>
    tpu.wait_indirect_dma semaphore(%dma_wait3A_3745 : memref<!tpu.dma_semaphore, #tpu.memory_space<semaphore_mem>>) src(%dma_wait3A_3743 : memref<26000x128xf32, #tpu.memory_space<hbm>>) dst(%dma_wait3A_3737 : memref<128x128xf32, #tpu.memory_space<vmem>>)
    %dma_start3A_3746 = arith.constant 4 : i32
    %dma_start3A_3747 = arith.constant 4 : i32
    %dma_start3A_3748 = arith.constant 0 : i32
    %dma_start3A_3749 = arith.constant 0 : i32
    %dma_start3A_3750 = tpu.memref_slice %arg7[%dma_start3A_3746, %dma_start3A_3748, %dma_start3A_3749] : memref<5x128x128xf32, #tpu.memory_space<vmem>> -> memref<1x128x128xf32, #tpu.memory_space<vmem>>
    %dma_start3A_3751 = tpu.memref_squeeze %dma_start3A_3750 : memref<1x128x128xf32, #tpu.memory_space<vmem>> -> memref<128x128xf32, #tpu.memory_space<vmem>>
    %dma_start3A_3752 = arith.constant 1792 : i32
    %dma_start3A_3753 = tpu.memref_slice %arg5[%mul3A_2, %dma_start3A_3752] : memref<4096x3341xf32, #tpu.memory_space<hbm>> -> memref<128x128xf32, #tpu.memory_space<hbm>>
    %dma_start3A_3754 = tpu.memref_slice %arg10[%dma_start3A_3747] : memref<5x!tpu.dma_semaphore, #tpu.memory_space<semaphore_mem>> -> memref<1x!tpu.dma_semaphore, #tpu.memory_space<semaphore_mem>>
    %dma_start3A_3755 = tpu.memref_squeeze %dma_start3A_3754 : memref<1x!tpu.dma_semaphore, #tpu.memory_space<semaphore_mem>> -> memref<!tpu.dma_semaphore, #tpu.memory_space<semaphore_mem>>
    %dma_start3A_3756 = arith.constant 1792 : i32
    %dma_start3A_3757 = tpu.memref_slice %arg5[%mul3A_2, %dma_start3A_3756] : memref<4096x3341xf32, #tpu.memory_space<hbm>> -> memref<128x128xf32, #tpu.memory_space<hbm>>
    %dma_start3A_3758 = arith.constant 0 : i32
    %dma_start3A_3759 = arith.constant 0 : i32
    %dma_start3A_3760 = tpu.memref_slice %arg7[%dma_start3A_3746, %dma_start3A_3758, %dma_start3A_3759] : memref<5x128x128xf32, #tpu.memory_space<vmem>> -> memref<1x128x128xf32, #tpu.memory_space<vmem>>
    %dma_start3A_3761 = tpu.memref_squeeze %dma_start3A_3760 : memref<1x128x128xf32, #tpu.memory_space<vmem>> -> memref<128x128xf32, #tpu.memory_space<vmem>>
    tpu.enqueue_dma source(%dma_start3A_3761 : memref<128x128xf32, #tpu.memory_space<vmem>>) target(%dma_start3A_3757 : memref<128x128xf32, #tpu.memory_space<hbm>>) target_semaphore(%dma_start3A_3755 : memref<!tpu.dma_semaphore, #tpu.memory_space<semaphore_mem>>)
    %dma_wait3A_3762 = arith.constant 4 : i32
    %dma_wait3A_3763 = arith.constant 4 : i32
    %dma_wait3A_3764 = arith.constant 0 : i32
    %dma_wait3A_3765 = arith.constant 0 : i32
    %dma_wait3A_3766 = tpu.memref_slice %arg7[%dma_wait3A_3762, %dma_wait3A_3764, %dma_wait3A_3765] : memref<5x128x128xf32, #tpu.memory_space<vmem>> -> memref<1x128x128xf32, #tpu.memory_space<vmem>>
    %dma_wait3A_3767 = tpu.memref_squeeze %dma_wait3A_3766 : memref<1x128x128xf32, #tpu.memory_space<vmem>> -> memref<128x128xf32, #tpu.memory_space<vmem>>
    %dma_wait3A_3768 = arith.constant 1792 : i32
    %dma_wait3A_3769 = tpu.memref_slice %arg5[%mul3A_2, %dma_wait3A_3768] : memref<4096x3341xf32, #tpu.memory_space<hbm>> -> memref<128x128xf32, #tpu.memory_space<hbm>>
    %dma_wait3A_3770 = tpu.memref_slice %arg10[%dma_wait3A_3763] : memref<5x!tpu.dma_semaphore, #tpu.memory_space<semaphore_mem>> -> memref<1x!tpu.dma_semaphore, #tpu.memory_space<semaphore_mem>>
    %dma_wait3A_3771 = tpu.memref_squeeze %dma_wait3A_3770 : memref<1x!tpu.dma_semaphore, #tpu.memory_space<semaphore_mem>> -> memref<!tpu.dma_semaphore, #tpu.memory_space<semaphore_mem>>
    %dma_wait3A_3772 = arith.constant 1792 : i32
    %dma_wait3A_3773 = tpu.memref_slice %arg5[%mul3A_2, %dma_wait3A_3772] : memref<4096x3341xf32, #tpu.memory_space<hbm>> -> memref<128x128xf32, #tpu.memory_space<hbm>>
    %dma_wait3A_3774 = arith.constant 0 : i32
    %dma_wait3A_3775 = arith.constant 0 : i32
    %dma_wait3A_3776 = tpu.memref_slice %arg7[%dma_wait3A_3762, %dma_wait3A_3774, %dma_wait3A_3775] : memref<5x128x128xf32, #tpu.memory_space<vmem>> -> memref<1x128x128xf32, #tpu.memory_space<vmem>>
    %dma_wait3A_3777 = tpu.memref_squeeze %dma_wait3A_3776 : memref<1x128x128xf32, #tpu.memory_space<vmem>> -> memref<128x128xf32, #tpu.memory_space<vmem>>
    tpu.wait_dma2 semaphore(%dma_wait3A_3771 : memref<!tpu.dma_semaphore, #tpu.memory_space<semaphore_mem>>) src(%dma_wait3A_3777 : memref<128x128xf32, #tpu.memory_space<vmem>>) dst(%dma_wait3A_3773 : memref<128x128xf32, #tpu.memory_space<hbm>>)
    %dma_start3A_3778 = arith.constant 18 : i32
    %dma_start3A_3779 = arith.constant 3 : i32
    %dma_start3A_3780 = arith.constant 3 : i32
    %dma_start3A_3781 = arith.constant 0 : i32
    %dma_start3A_3782 = arith.constant 0 : i32
    %dma_start3A_3783 = tpu.memref_slice %arg7[%dma_start3A_3779, %dma_start3A_3781, %dma_start3A_3782] : memref<5x128x128xf32, #tpu.memory_space<vmem>> -> memref<1x128x128xf32, #tpu.memory_space<vmem>>
    %dma_start3A_3784 = tpu.memref_squeeze %dma_start3A_3783 : memref<1x128x128xf32, #tpu.memory_space<vmem>> -> memref<128x128xf32, #tpu.memory_space<vmem>>
    %dma_start3A_3785 = arith.constant 0 : i32
    %dma_start3A_3786 = tpu.memref_slice %arg6[%dma_start3A_3778, %dma_start3A_3785] : memref<26x128xi32, #tpu.memory_space<vmem>> -> memref<1x128xi32, #tpu.memory_space<vmem>>
    %dma_start3A_3787 = tpu.memref_squeeze %dma_start3A_3786 : memref<1x128xi32, #tpu.memory_space<vmem>> -> memref<128xi32, #tpu.memory_space<vmem>>
    %dma_start3A_3788 = arith.constant 0 : i32
    %dma_start3A_3789 = arith.constant 0 : i32
    %dma_start3A_3790 = tpu.memref_slice %arg4[%dma_start3A_3788, %dma_start3A_3789] : memref<26000x128xf32, #tpu.memory_space<hbm>> -> memref<26000x128xf32, #tpu.memory_space<hbm>>
    %dma_start3A_3791 = tpu.memref_slice %arg9[%dma_start3A_3780] : memref<5x!tpu.dma_semaphore, #tpu.memory_space<semaphore_mem>> -> memref<1x!tpu.dma_semaphore, #tpu.memory_space<semaphore_mem>>
    %dma_start3A_3792 = tpu.memref_squeeze %dma_start3A_3791 : memref<1x!tpu.dma_semaphore, #tpu.memory_space<semaphore_mem>> -> memref<!tpu.dma_semaphore, #tpu.memory_space<semaphore_mem>>
    tpu.enqueue_indirect_dma source(%dma_start3A_3790 : memref<26000x128xf32, #tpu.memory_space<hbm>>) target(%dma_start3A_3784 : memref<128x128xf32, #tpu.memory_space<vmem>>) offsets(%dma_start3A_3787 : memref<128xi32, #tpu.memory_space<vmem>>) semaphore(%dma_start3A_3792 : memref<!tpu.dma_semaphore, #tpu.memory_space<semaphore_mem>>)
    %dma_wait3A_3793 = arith.constant 15 : i32
    %dma_wait3A_3794 = arith.constant 0 : i32
    %dma_wait3A_3795 = arith.constant 0 : i32
    %dma_wait3A_3796 = arith.constant 0 : i32
    %dma_wait3A_3797 = arith.constant 0 : i32
    %dma_wait3A_3798 = tpu.memref_slice %arg7[%dma_wait3A_3794, %dma_wait3A_3796, %dma_wait3A_3797] : memref<5x128x128xf32, #tpu.memory_space<vmem>> -> memref<1x128x128xf32, #tpu.memory_space<vmem>>
    %dma_wait3A_3799 = tpu.memref_squeeze %dma_wait3A_3798 : memref<1x128x128xf32, #tpu.memory_space<vmem>> -> memref<128x128xf32, #tpu.memory_space<vmem>>
    %dma_wait3A_3800 = arith.constant 0 : i32
    %dma_wait3A_3801 = tpu.memref_slice %arg6[%dma_wait3A_3793, %dma_wait3A_3800] : memref<26x128xi32, #tpu.memory_space<vmem>> -> memref<1x128xi32, #tpu.memory_space<vmem>>
    %dma_wait3A_3802 = tpu.memref_squeeze %dma_wait3A_3801 : memref<1x128xi32, #tpu.memory_space<vmem>> -> memref<128xi32, #tpu.memory_space<vmem>>
    %dma_wait3A_3803 = arith.constant 0 : i32
    %dma_wait3A_3804 = arith.constant 0 : i32
    %dma_wait3A_3805 = tpu.memref_slice %arg4[%dma_wait3A_3803, %dma_wait3A_3804] : memref<26000x128xf32, #tpu.memory_space<hbm>> -> memref<26000x128xf32, #tpu.memory_space<hbm>>
    %dma_wait3A_3806 = tpu.memref_slice %arg9[%dma_wait3A_3795] : memref<5x!tpu.dma_semaphore, #tpu.memory_space<semaphore_mem>> -> memref<1x!tpu.dma_semaphore, #tpu.memory_space<semaphore_mem>>
    %dma_wait3A_3807 = tpu.memref_squeeze %dma_wait3A_3806 : memref<1x!tpu.dma_semaphore, #tpu.memory_space<semaphore_mem>> -> memref<!tpu.dma_semaphore, #tpu.memory_space<semaphore_mem>>
    tpu.wait_indirect_dma semaphore(%dma_wait3A_3807 : memref<!tpu.dma_semaphore, #tpu.memory_space<semaphore_mem>>) src(%dma_wait3A_3805 : memref<26000x128xf32, #tpu.memory_space<hbm>>) dst(%dma_wait3A_3799 : memref<128x128xf32, #tpu.memory_space<vmem>>)
    %dma_start3A_3808 = arith.constant 0 : i32
    %dma_start3A_3809 = arith.constant 0 : i32
    %dma_start3A_3810 = arith.constant 0 : i32
    %dma_start3A_3811 = arith.constant 0 : i32
    %dma_start3A_3812 = tpu.memref_slice %arg7[%dma_start3A_3808, %dma_start3A_3810, %dma_start3A_3811] : memref<5x128x128xf32, #tpu.memory_space<vmem>> -> memref<1x128x128xf32, #tpu.memory_space<vmem>>
    %dma_start3A_3813 = tpu.memref_squeeze %dma_start3A_3812 : memref<1x128x128xf32, #tpu.memory_space<vmem>> -> memref<128x128xf32, #tpu.memory_space<vmem>>
    %dma_start3A_3814 = arith.constant 1920 : i32
    %dma_start3A_3815 = tpu.memref_slice %arg5[%mul3A_2, %dma_start3A_3814] : memref<4096x3341xf32, #tpu.memory_space<hbm>> -> memref<128x128xf32, #tpu.memory_space<hbm>>
    %dma_start3A_3816 = tpu.memref_slice %arg10[%dma_start3A_3809] : memref<5x!tpu.dma_semaphore, #tpu.memory_space<semaphore_mem>> -> memref<1x!tpu.dma_semaphore, #tpu.memory_space<semaphore_mem>>
    %dma_start3A_3817 = tpu.memref_squeeze %dma_start3A_3816 : memref<1x!tpu.dma_semaphore, #tpu.memory_space<semaphore_mem>> -> memref<!tpu.dma_semaphore, #tpu.memory_space<semaphore_mem>>
    %dma_start3A_3818 = arith.constant 1920 : i32
    %dma_start3A_3819 = tpu.memref_slice %arg5[%mul3A_2, %dma_start3A_3818] : memref<4096x3341xf32, #tpu.memory_space<hbm>> -> memref<128x128xf32, #tpu.memory_space<hbm>>
    %dma_start3A_3820 = arith.constant 0 : i32
    %dma_start3A_3821 = arith.constant 0 : i32
    %dma_start3A_3822 = tpu.memref_slice %arg7[%dma_start3A_3808, %dma_start3A_3820, %dma_start3A_3821] : memref<5x128x128xf32, #tpu.memory_space<vmem>> -> memref<1x128x128xf32, #tpu.memory_space<vmem>>
    %dma_start3A_3823 = tpu.memref_squeeze %dma_start3A_3822 : memref<1x128x128xf32, #tpu.memory_space<vmem>> -> memref<128x128xf32, #tpu.memory_space<vmem>>
    tpu.enqueue_dma source(%dma_start3A_3823 : memref<128x128xf32, #tpu.memory_space<vmem>>) target(%dma_start3A_3819 : memref<128x128xf32, #tpu.memory_space<hbm>>) target_semaphore(%dma_start3A_3817 : memref<!tpu.dma_semaphore, #tpu.memory_space<semaphore_mem>>)
    %dma_wait3A_3824 = arith.constant 0 : i32
    %dma_wait3A_3825 = arith.constant 0 : i32
    %dma_wait3A_3826 = arith.constant 0 : i32
    %dma_wait3A_3827 = arith.constant 0 : i32
    %dma_wait3A_3828 = tpu.memref_slice %arg7[%dma_wait3A_3824, %dma_wait3A_3826, %dma_wait3A_3827] : memref<5x128x128xf32, #tpu.memory_space<vmem>> -> memref<1x128x128xf32, #tpu.memory_space<vmem>>
    %dma_wait3A_3829 = tpu.memref_squeeze %dma_wait3A_3828 : memref<1x128x128xf32, #tpu.memory_space<vmem>> -> memref<128x128xf32, #tpu.memory_space<vmem>>
    %dma_wait3A_3830 = arith.constant 1920 : i32
    %dma_wait3A_3831 = tpu.memref_slice %arg5[%mul3A_2, %dma_wait3A_3830] : memref<4096x3341xf32, #tpu.memory_space<hbm>> -> memref<128x128xf32, #tpu.memory_space<hbm>>
    %dma_wait3A_3832 = tpu.memref_slice %arg10[%dma_wait3A_3825] : memref<5x!tpu.dma_semaphore, #tpu.memory_space<semaphore_mem>> -> memref<1x!tpu.dma_semaphore, #tpu.memory_space<semaphore_mem>>
    %dma_wait3A_3833 = tpu.memref_squeeze %dma_wait3A_3832 : memref<1x!tpu.dma_semaphore, #tpu.memory_space<semaphore_mem>> -> memref<!tpu.dma_semaphore, #tpu.memory_space<semaphore_mem>>
    %dma_wait3A_3834 = arith.constant 1920 : i32
    %dma_wait3A_3835 = tpu.memref_slice %arg5[%mul3A_2, %dma_wait3A_3834] : memref<4096x3341xf32, #tpu.memory_space<hbm>> -> memref<128x128xf32, #tpu.memory_space<hbm>>
    %dma_wait3A_3836 = arith.constant 0 : i32
    %dma_wait3A_3837 = arith.constant 0 : i32
    %dma_wait3A_3838 = tpu.memref_slice %arg7[%dma_wait3A_3824, %dma_wait3A_3836, %dma_wait3A_3837] : memref<5x128x128xf32, #tpu.memory_space<vmem>> -> memref<1x128x128xf32, #tpu.memory_space<vmem>>
    %dma_wait3A_3839 = tpu.memref_squeeze %dma_wait3A_3838 : memref<1x128x128xf32, #tpu.memory_space<vmem>> -> memref<128x128xf32, #tpu.memory_space<vmem>>
    tpu.wait_dma2 semaphore(%dma_wait3A_3833 : memref<!tpu.dma_semaphore, #tpu.memory_space<semaphore_mem>>) src(%dma_wait3A_3839 : memref<128x128xf32, #tpu.memory_space<vmem>>) dst(%dma_wait3A_3835 : memref<128x128xf32, #tpu.memory_space<hbm>>)
    %dma_start3A_3840 = arith.constant 19 : i32
    %dma_start3A_3841 = arith.constant 4 : i32
    %dma_start3A_3842 = arith.constant 4 : i32
    %dma_start3A_3843 = arith.constant 0 : i32
    %dma_start3A_3844 = arith.constant 0 : i32
    %dma_start3A_3845 = tpu.memref_slice %arg7[%dma_start3A_3841, %dma_start3A_3843, %dma_start3A_3844] : memref<5x128x128xf32, #tpu.memory_space<vmem>> -> memref<1x128x128xf32, #tpu.memory_space<vmem>>
    %dma_start3A_3846 = tpu.memref_squeeze %dma_start3A_3845 : memref<1x128x128xf32, #tpu.memory_space<vmem>> -> memref<128x128xf32, #tpu.memory_space<vmem>>
    %dma_start3A_3847 = arith.constant 0 : i32
    %dma_start3A_3848 = tpu.memref_slice %arg6[%dma_start3A_3840, %dma_start3A_3847] : memref<26x128xi32, #tpu.memory_space<vmem>> -> memref<1x128xi32, #tpu.memory_space<vmem>>
    %dma_start3A_3849 = tpu.memref_squeeze %dma_start3A_3848 : memref<1x128xi32, #tpu.memory_space<vmem>> -> memref<128xi32, #tpu.memory_space<vmem>>
    %dma_start3A_3850 = arith.constant 0 : i32
    %dma_start3A_3851 = arith.constant 0 : i32
    %dma_start3A_3852 = tpu.memref_slice %arg4[%dma_start3A_3850, %dma_start3A_3851] : memref<26000x128xf32, #tpu.memory_space<hbm>> -> memref<26000x128xf32, #tpu.memory_space<hbm>>
    %dma_start3A_3853 = tpu.memref_slice %arg9[%dma_start3A_3842] : memref<5x!tpu.dma_semaphore, #tpu.memory_space<semaphore_mem>> -> memref<1x!tpu.dma_semaphore, #tpu.memory_space<semaphore_mem>>
    %dma_start3A_3854 = tpu.memref_squeeze %dma_start3A_3853 : memref<1x!tpu.dma_semaphore, #tpu.memory_space<semaphore_mem>> -> memref<!tpu.dma_semaphore, #tpu.memory_space<semaphore_mem>>
    tpu.enqueue_indirect_dma source(%dma_start3A_3852 : memref<26000x128xf32, #tpu.memory_space<hbm>>) target(%dma_start3A_3846 : memref<128x128xf32, #tpu.memory_space<vmem>>) offsets(%dma_start3A_3849 : memref<128xi32, #tpu.memory_space<vmem>>) semaphore(%dma_start3A_3854 : memref<!tpu.dma_semaphore, #tpu.memory_space<semaphore_mem>>)
    %dma_wait3A_3855 = arith.constant 16 : i32
    %dma_wait3A_3856 = arith.constant 1 : i32
    %dma_wait3A_3857 = arith.constant 1 : i32
    %dma_wait3A_3858 = arith.constant 0 : i32
    %dma_wait3A_3859 = arith.constant 0 : i32
    %dma_wait3A_3860 = tpu.memref_slice %arg7[%dma_wait3A_3856, %dma_wait3A_3858, %dma_wait3A_3859] : memref<5x128x128xf32, #tpu.memory_space<vmem>> -> memref<1x128x128xf32, #tpu.memory_space<vmem>>
    %dma_wait3A_3861 = tpu.memref_squeeze %dma_wait3A_3860 : memref<1x128x128xf32, #tpu.memory_space<vmem>> -> memref<128x128xf32, #tpu.memory_space<vmem>>
    %dma_wait3A_3862 = arith.constant 0 : i32
    %dma_wait3A_3863 = tpu.memref_slice %arg6[%dma_wait3A_3855, %dma_wait3A_3862] : memref<26x128xi32, #tpu.memory_space<vmem>> -> memref<1x128xi32, #tpu.memory_space<vmem>>
    %dma_wait3A_3864 = tpu.memref_squeeze %dma_wait3A_3863 : memref<1x128xi32, #tpu.memory_space<vmem>> -> memref<128xi32, #tpu.memory_space<vmem>>
    %dma_wait3A_3865 = arith.constant 0 : i32
    %dma_wait3A_3866 = arith.constant 0 : i32
    %dma_wait3A_3867 = tpu.memref_slice %arg4[%dma_wait3A_3865, %dma_wait3A_3866] : memref<26000x128xf32, #tpu.memory_space<hbm>> -> memref<26000x128xf32, #tpu.memory_space<hbm>>
    %dma_wait3A_3868 = tpu.memref_slice %arg9[%dma_wait3A_3857] : memref<5x!tpu.dma_semaphore, #tpu.memory_space<semaphore_mem>> -> memref<1x!tpu.dma_semaphore, #tpu.memory_space<semaphore_mem>>
    %dma_wait3A_3869 = tpu.memref_squeeze %dma_wait3A_3868 : memref<1x!tpu.dma_semaphore, #tpu.memory_space<semaphore_mem>> -> memref<!tpu.dma_semaphore, #tpu.memory_space<semaphore_mem>>
    tpu.wait_indirect_dma semaphore(%dma_wait3A_3869 : memref<!tpu.dma_semaphore, #tpu.memory_space<semaphore_mem>>) src(%dma_wait3A_3867 : memref<26000x128xf32, #tpu.memory_space<hbm>>) dst(%dma_wait3A_3861 : memref<128x128xf32, #tpu.memory_space<vmem>>)
    %dma_start3A_3870 = arith.constant 1 : i32
    %dma_start3A_3871 = arith.constant 1 : i32
    %dma_start3A_3872 = arith.constant 0 : i32
    %dma_start3A_3873 = arith.constant 0 : i32
    %dma_start3A_3874 = tpu.memref_slice %arg7[%dma_start3A_3870, %dma_start3A_3872, %dma_start3A_3873] : memref<5x128x128xf32, #tpu.memory_space<vmem>> -> memref<1x128x128xf32, #tpu.memory_space<vmem>>
    %dma_start3A_3875 = tpu.memref_squeeze %dma_start3A_3874 : memref<1x128x128xf32, #tpu.memory_space<vmem>> -> memref<128x128xf32, #tpu.memory_space<vmem>>
    %dma_start3A_3876 = arith.constant 2048 : i32
    %dma_start3A_3877 = tpu.memref_slice %arg5[%mul3A_2, %dma_start3A_3876] : memref<4096x3341xf32, #tpu.memory_space<hbm>> -> memref<128x128xf32, #tpu.memory_space<hbm>>
    %dma_start3A_3878 = tpu.memref_slice %arg10[%dma_start3A_3871] : memref<5x!tpu.dma_semaphore, #tpu.memory_space<semaphore_mem>> -> memref<1x!tpu.dma_semaphore, #tpu.memory_space<semaphore_mem>>
    %dma_start3A_3879 = tpu.memref_squeeze %dma_start3A_3878 : memref<1x!tpu.dma_semaphore, #tpu.memory_space<semaphore_mem>> -> memref<!tpu.dma_semaphore, #tpu.memory_space<semaphore_mem>>
    %dma_start3A_3880 = arith.constant 2048 : i32
    %dma_start3A_3881 = tpu.memref_slice %arg5[%mul3A_2, %dma_start3A_3880] : memref<4096x3341xf32, #tpu.memory_space<hbm>> -> memref<128x128xf32, #tpu.memory_space<hbm>>
    %dma_start3A_3882 = arith.constant 0 : i32
    %dma_start3A_3883 = arith.constant 0 : i32
    %dma_start3A_3884 = tpu.memref_slice %arg7[%dma_start3A_3870, %dma_start3A_3882, %dma_start3A_3883] : memref<5x128x128xf32, #tpu.memory_space<vmem>> -> memref<1x128x128xf32, #tpu.memory_space<vmem>>
    %dma_start3A_3885 = tpu.memref_squeeze %dma_start3A_3884 : memref<1x128x128xf32, #tpu.memory_space<vmem>> -> memref<128x128xf32, #tpu.memory_space<vmem>>
    tpu.enqueue_dma source(%dma_start3A_3885 : memref<128x128xf32, #tpu.memory_space<vmem>>) target(%dma_start3A_3881 : memref<128x128xf32, #tpu.memory_space<hbm>>) target_semaphore(%dma_start3A_3879 : memref<!tpu.dma_semaphore, #tpu.memory_space<semaphore_mem>>)
    %dma_wait3A_3886 = arith.constant 1 : i32
    %dma_wait3A_3887 = arith.constant 1 : i32
    %dma_wait3A_3888 = arith.constant 0 : i32
    %dma_wait3A_3889 = arith.constant 0 : i32
    %dma_wait3A_3890 = tpu.memref_slice %arg7[%dma_wait3A_3886, %dma_wait3A_3888, %dma_wait3A_3889] : memref<5x128x128xf32, #tpu.memory_space<vmem>> -> memref<1x128x128xf32, #tpu.memory_space<vmem>>
    %dma_wait3A_3891 = tpu.memref_squeeze %dma_wait3A_3890 : memref<1x128x128xf32, #tpu.memory_space<vmem>> -> memref<128x128xf32, #tpu.memory_space<vmem>>
    %dma_wait3A_3892 = arith.constant 2048 : i32
    %dma_wait3A_3893 = tpu.memref_slice %arg5[%mul3A_2, %dma_wait3A_3892] : memref<4096x3341xf32, #tpu.memory_space<hbm>> -> memref<128x128xf32, #tpu.memory_space<hbm>>
    %dma_wait3A_3894 = tpu.memref_slice %arg10[%dma_wait3A_3887] : memref<5x!tpu.dma_semaphore, #tpu.memory_space<semaphore_mem>> -> memref<1x!tpu.dma_semaphore, #tpu.memory_space<semaphore_mem>>
    %dma_wait3A_3895 = tpu.memref_squeeze %dma_wait3A_3894 : memref<1x!tpu.dma_semaphore, #tpu.memory_space<semaphore_mem>> -> memref<!tpu.dma_semaphore, #tpu.memory_space<semaphore_mem>>
    %dma_wait3A_3896 = arith.constant 2048 : i32
    %dma_wait3A_3897 = tpu.memref_slice %arg5[%mul3A_2, %dma_wait3A_3896] : memref<4096x3341xf32, #tpu.memory_space<hbm>> -> memref<128x128xf32, #tpu.memory_space<hbm>>
    %dma_wait3A_3898 = arith.constant 0 : i32
    %dma_wait3A_3899 = arith.constant 0 : i32
    %dma_wait3A_3900 = tpu.memref_slice %arg7[%dma_wait3A_3886, %dma_wait3A_3898, %dma_wait3A_3899] : memref<5x128x128xf32, #tpu.memory_space<vmem>> -> memref<1x128x128xf32, #tpu.memory_space<vmem>>
    %dma_wait3A_3901 = tpu.memref_squeeze %dma_wait3A_3900 : memref<1x128x128xf32, #tpu.memory_space<vmem>> -> memref<128x128xf32, #tpu.memory_space<vmem>>
    tpu.wait_dma2 semaphore(%dma_wait3A_3895 : memref<!tpu.dma_semaphore, #tpu.memory_space<semaphore_mem>>) src(%dma_wait3A_3901 : memref<128x128xf32, #tpu.memory_space<vmem>>) dst(%dma_wait3A_3897 : memref<128x128xf32, #tpu.memory_space<hbm>>)
    %dma_start3A_3902 = arith.constant 20 : i32
    %dma_start3A_3903 = arith.constant 0 : i32
    %dma_start3A_3904 = arith.constant 0 : i32
    %dma_start3A_3905 = arith.constant 0 : i32
    %dma_start3A_3906 = arith.constant 0 : i32
    %dma_start3A_3907 = tpu.memref_slice %arg7[%dma_start3A_3903, %dma_start3A_3905, %dma_start3A_3906] : memref<5x128x128xf32, #tpu.memory_space<vmem>> -> memref<1x128x128xf32, #tpu.memory_space<vmem>>
    %dma_start3A_3908 = tpu.memref_squeeze %dma_start3A_3907 : memref<1x128x128xf32, #tpu.memory_space<vmem>> -> memref<128x128xf32, #tpu.memory_space<vmem>>
    %dma_start3A_3909 = arith.constant 0 : i32
    %dma_start3A_3910 = tpu.memref_slice %arg6[%dma_start3A_3902, %dma_start3A_3909] : memref<26x128xi32, #tpu.memory_space<vmem>> -> memref<1x128xi32, #tpu.memory_space<vmem>>
    %dma_start3A_3911 = tpu.memref_squeeze %dma_start3A_3910 : memref<1x128xi32, #tpu.memory_space<vmem>> -> memref<128xi32, #tpu.memory_space<vmem>>
    %dma_start3A_3912 = arith.constant 0 : i32
    %dma_start3A_3913 = arith.constant 0 : i32
    %dma_start3A_3914 = tpu.memref_slice %arg4[%dma_start3A_3912, %dma_start3A_3913] : memref<26000x128xf32, #tpu.memory_space<hbm>> -> memref<26000x128xf32, #tpu.memory_space<hbm>>
    %dma_start3A_3915 = tpu.memref_slice %arg9[%dma_start3A_3904] : memref<5x!tpu.dma_semaphore, #tpu.memory_space<semaphore_mem>> -> memref<1x!tpu.dma_semaphore, #tpu.memory_space<semaphore_mem>>
    %dma_start3A_3916 = tpu.memref_squeeze %dma_start3A_3915 : memref<1x!tpu.dma_semaphore, #tpu.memory_space<semaphore_mem>> -> memref<!tpu.dma_semaphore, #tpu.memory_space<semaphore_mem>>
    tpu.enqueue_indirect_dma source(%dma_start3A_3914 : memref<26000x128xf32, #tpu.memory_space<hbm>>) target(%dma_start3A_3908 : memref<128x128xf32, #tpu.memory_space<vmem>>) offsets(%dma_start3A_3911 : memref<128xi32, #tpu.memory_space<vmem>>) semaphore(%dma_start3A_3916 : memref<!tpu.dma_semaphore, #tpu.memory_space<semaphore_mem>>)
    %dma_wait3A_3917 = arith.constant 17 : i32
    %dma_wait3A_3918 = arith.constant 2 : i32
    %dma_wait3A_3919 = arith.constant 2 : i32
    %dma_wait3A_3920 = arith.constant 0 : i32
    %dma_wait3A_3921 = arith.constant 0 : i32
    %dma_wait3A_3922 = tpu.memref_slice %arg7[%dma_wait3A_3918, %dma_wait3A_3920, %dma_wait3A_3921] : memref<5x128x128xf32, #tpu.memory_space<vmem>> -> memref<1x128x128xf32, #tpu.memory_space<vmem>>
    %dma_wait3A_3923 = tpu.memref_squeeze %dma_wait3A_3922 : memref<1x128x128xf32, #tpu.memory_space<vmem>> -> memref<128x128xf32, #tpu.memory_space<vmem>>
    %dma_wait3A_3924 = arith.constant 0 : i32
    %dma_wait3A_3925 = tpu.memref_slice %arg6[%dma_wait3A_3917, %dma_wait3A_3924] : memref<26x128xi32, #tpu.memory_space<vmem>> -> memref<1x128xi32, #tpu.memory_space<vmem>>
    %dma_wait3A_3926 = tpu.memref_squeeze %dma_wait3A_3925 : memref<1x128xi32, #tpu.memory_space<vmem>> -> memref<128xi32, #tpu.memory_space<vmem>>
    %dma_wait3A_3927 = arith.constant 0 : i32
    %dma_wait3A_3928 = arith.constant 0 : i32
    %dma_wait3A_3929 = tpu.memref_slice %arg4[%dma_wait3A_3927, %dma_wait3A_3928] : memref<26000x128xf32, #tpu.memory_space<hbm>> -> memref<26000x128xf32, #tpu.memory_space<hbm>>
    %dma_wait3A_3930 = tpu.memref_slice %arg9[%dma_wait3A_3919] : memref<5x!tpu.dma_semaphore, #tpu.memory_space<semaphore_mem>> -> memref<1x!tpu.dma_semaphore, #tpu.memory_space<semaphore_mem>>
    %dma_wait3A_3931 = tpu.memref_squeeze %dma_wait3A_3930 : memref<1x!tpu.dma_semaphore, #tpu.memory_space<semaphore_mem>> -> memref<!tpu.dma_semaphore, #tpu.memory_space<semaphore_mem>>
    tpu.wait_indirect_dma semaphore(%dma_wait3A_3931 : memref<!tpu.dma_semaphore, #tpu.memory_space<semaphore_mem>>) src(%dma_wait3A_3929 : memref<26000x128xf32, #tpu.memory_space<hbm>>) dst(%dma_wait3A_3923 : memref<128x128xf32, #tpu.memory_space<vmem>>)
    %dma_start3A_3932 = arith.constant 2 : i32
    %dma_start3A_3933 = arith.constant 2 : i32
    %dma_start3A_3934 = arith.constant 0 : i32
    %dma_start3A_3935 = arith.constant 0 : i32
    %dma_start3A_3936 = tpu.memref_slice %arg7[%dma_start3A_3932, %dma_start3A_3934, %dma_start3A_3935] : memref<5x128x128xf32, #tpu.memory_space<vmem>> -> memref<1x128x128xf32, #tpu.memory_space<vmem>>
    %dma_start3A_3937 = tpu.memref_squeeze %dma_start3A_3936 : memref<1x128x128xf32, #tpu.memory_space<vmem>> -> memref<128x128xf32, #tpu.memory_space<vmem>>
    %dma_start3A_3938 = arith.constant 2176 : i32
    %dma_start3A_3939 = tpu.memref_slice %arg5[%mul3A_2, %dma_start3A_3938] : memref<4096x3341xf32, #tpu.memory_space<hbm>> -> memref<128x128xf32, #tpu.memory_space<hbm>>
    %dma_start3A_3940 = tpu.memref_slice %arg10[%dma_start3A_3933] : memref<5x!tpu.dma_semaphore, #tpu.memory_space<semaphore_mem>> -> memref<1x!tpu.dma_semaphore, #tpu.memory_space<semaphore_mem>>
    %dma_start3A_3941 = tpu.memref_squeeze %dma_start3A_3940 : memref<1x!tpu.dma_semaphore, #tpu.memory_space<semaphore_mem>> -> memref<!tpu.dma_semaphore, #tpu.memory_space<semaphore_mem>>
    %dma_start3A_3942 = arith.constant 2176 : i32
    %dma_start3A_3943 = tpu.memref_slice %arg5[%mul3A_2, %dma_start3A_3942] : memref<4096x3341xf32, #tpu.memory_space<hbm>> -> memref<128x128xf32, #tpu.memory_space<hbm>>
    %dma_start3A_3944 = arith.constant 0 : i32
    %dma_start3A_3945 = arith.constant 0 : i32
    %dma_start3A_3946 = tpu.memref_slice %arg7[%dma_start3A_3932, %dma_start3A_3944, %dma_start3A_3945] : memref<5x128x128xf32, #tpu.memory_space<vmem>> -> memref<1x128x128xf32, #tpu.memory_space<vmem>>
    %dma_start3A_3947 = tpu.memref_squeeze %dma_start3A_3946 : memref<1x128x128xf32, #tpu.memory_space<vmem>> -> memref<128x128xf32, #tpu.memory_space<vmem>>
    tpu.enqueue_dma source(%dma_start3A_3947 : memref<128x128xf32, #tpu.memory_space<vmem>>) target(%dma_start3A_3943 : memref<128x128xf32, #tpu.memory_space<hbm>>) target_semaphore(%dma_start3A_3941 : memref<!tpu.dma_semaphore, #tpu.memory_space<semaphore_mem>>)
    %dma_wait3A_3948 = arith.constant 2 : i32
    %dma_wait3A_3949 = arith.constant 2 : i32
    %dma_wait3A_3950 = arith.constant 0 : i32
    %dma_wait3A_3951 = arith.constant 0 : i32
    %dma_wait3A_3952 = tpu.memref_slice %arg7[%dma_wait3A_3948, %dma_wait3A_3950, %dma_wait3A_3951] : memref<5x128x128xf32, #tpu.memory_space<vmem>> -> memref<1x128x128xf32, #tpu.memory_space<vmem>>
    %dma_wait3A_3953 = tpu.memref_squeeze %dma_wait3A_3952 : memref<1x128x128xf32, #tpu.memory_space<vmem>> -> memref<128x128xf32, #tpu.memory_space<vmem>>
    %dma_wait3A_3954 = arith.constant 2176 : i32
    %dma_wait3A_3955 = tpu.memref_slice %arg5[%mul3A_2, %dma_wait3A_3954] : memref<4096x3341xf32, #tpu.memory_space<hbm>> -> memref<128x128xf32, #tpu.memory_space<hbm>>
    %dma_wait3A_3956 = tpu.memref_slice %arg10[%dma_wait3A_3949] : memref<5x!tpu.dma_semaphore, #tpu.memory_space<semaphore_mem>> -> memref<1x!tpu.dma_semaphore, #tpu.memory_space<semaphore_mem>>
    %dma_wait3A_3957 = tpu.memref_squeeze %dma_wait3A_3956 : memref<1x!tpu.dma_semaphore, #tpu.memory_space<semaphore_mem>> -> memref<!tpu.dma_semaphore, #tpu.memory_space<semaphore_mem>>
    %dma_wait3A_3958 = arith.constant 2176 : i32
    %dma_wait3A_3959 = tpu.memref_slice %arg5[%mul3A_2, %dma_wait3A_3958] : memref<4096x3341xf32, #tpu.memory_space<hbm>> -> memref<128x128xf32, #tpu.memory_space<hbm>>
    %dma_wait3A_3960 = arith.constant 0 : i32
    %dma_wait3A_3961 = arith.constant 0 : i32
    %dma_wait3A_3962 = tpu.memref_slice %arg7[%dma_wait3A_3948, %dma_wait3A_3960, %dma_wait3A_3961] : memref<5x128x128xf32, #tpu.memory_space<vmem>> -> memref<1x128x128xf32, #tpu.memory_space<vmem>>
    %dma_wait3A_3963 = tpu.memref_squeeze %dma_wait3A_3962 : memref<1x128x128xf32, #tpu.memory_space<vmem>> -> memref<128x128xf32, #tpu.memory_space<vmem>>
    tpu.wait_dma2 semaphore(%dma_wait3A_3957 : memref<!tpu.dma_semaphore, #tpu.memory_space<semaphore_mem>>) src(%dma_wait3A_3963 : memref<128x128xf32, #tpu.memory_space<vmem>>) dst(%dma_wait3A_3959 : memref<128x128xf32, #tpu.memory_space<hbm>>)
    %dma_start3A_3964 = arith.constant 21 : i32
    %dma_start3A_3965 = arith.constant 1 : i32
    %dma_start3A_3966 = arith.constant 1 : i32
    %dma_start3A_3967 = arith.constant 0 : i32
    %dma_start3A_3968 = arith.constant 0 : i32
    %dma_start3A_3969 = tpu.memref_slice %arg7[%dma_start3A_3965, %dma_start3A_3967, %dma_start3A_3968] : memref<5x128x128xf32, #tpu.memory_space<vmem>> -> memref<1x128x128xf32, #tpu.memory_space<vmem>>
    %dma_start3A_3970 = tpu.memref_squeeze %dma_start3A_3969 : memref<1x128x128xf32, #tpu.memory_space<vmem>> -> memref<128x128xf32, #tpu.memory_space<vmem>>
    %dma_start3A_3971 = arith.constant 0 : i32
    %dma_start3A_3972 = tpu.memref_slice %arg6[%dma_start3A_3964, %dma_start3A_3971] : memref<26x128xi32, #tpu.memory_space<vmem>> -> memref<1x128xi32, #tpu.memory_space<vmem>>
    %dma_start3A_3973 = tpu.memref_squeeze %dma_start3A_3972 : memref<1x128xi32, #tpu.memory_space<vmem>> -> memref<128xi32, #tpu.memory_space<vmem>>
    %dma_start3A_3974 = arith.constant 0 : i32
    %dma_start3A_3975 = arith.constant 0 : i32
    %dma_start3A_3976 = tpu.memref_slice %arg4[%dma_start3A_3974, %dma_start3A_3975] : memref<26000x128xf32, #tpu.memory_space<hbm>> -> memref<26000x128xf32, #tpu.memory_space<hbm>>
    %dma_start3A_3977 = tpu.memref_slice %arg9[%dma_start3A_3966] : memref<5x!tpu.dma_semaphore, #tpu.memory_space<semaphore_mem>> -> memref<1x!tpu.dma_semaphore, #tpu.memory_space<semaphore_mem>>
    %dma_start3A_3978 = tpu.memref_squeeze %dma_start3A_3977 : memref<1x!tpu.dma_semaphore, #tpu.memory_space<semaphore_mem>> -> memref<!tpu.dma_semaphore, #tpu.memory_space<semaphore_mem>>
    tpu.enqueue_indirect_dma source(%dma_start3A_3976 : memref<26000x128xf32, #tpu.memory_space<hbm>>) target(%dma_start3A_3970 : memref<128x128xf32, #tpu.memory_space<vmem>>) offsets(%dma_start3A_3973 : memref<128xi32, #tpu.memory_space<vmem>>) semaphore(%dma_start3A_3978 : memref<!tpu.dma_semaphore, #tpu.memory_space<semaphore_mem>>)
    %dma_wait3A_3979 = arith.constant 18 : i32
    %dma_wait3A_3980 = arith.constant 3 : i32
    %dma_wait3A_3981 = arith.constant 3 : i32
    %dma_wait3A_3982 = arith.constant 0 : i32
    %dma_wait3A_3983 = arith.constant 0 : i32
    %dma_wait3A_3984 = tpu.memref_slice %arg7[%dma_wait3A_3980, %dma_wait3A_3982, %dma_wait3A_3983] : memref<5x128x128xf32, #tpu.memory_space<vmem>> -> memref<1x128x128xf32, #tpu.memory_space<vmem>>
    %dma_wait3A_3985 = tpu.memref_squeeze %dma_wait3A_3984 : memref<1x128x128xf32, #tpu.memory_space<vmem>> -> memref<128x128xf32, #tpu.memory_space<vmem>>
    %dma_wait3A_3986 = arith.constant 0 : i32
    %dma_wait3A_3987 = tpu.memref_slice %arg6[%dma_wait3A_3979, %dma_wait3A_3986] : memref<26x128xi32, #tpu.memory_space<vmem>> -> memref<1x128xi32, #tpu.memory_space<vmem>>
    %dma_wait3A_3988 = tpu.memref_squeeze %dma_wait3A_3987 : memref<1x128xi32, #tpu.memory_space<vmem>> -> memref<128xi32, #tpu.memory_space<vmem>>
    %dma_wait3A_3989 = arith.constant 0 : i32
    %dma_wait3A_3990 = arith.constant 0 : i32
    %dma_wait3A_3991 = tpu.memref_slice %arg4[%dma_wait3A_3989, %dma_wait3A_3990] : memref<26000x128xf32, #tpu.memory_space<hbm>> -> memref<26000x128xf32, #tpu.memory_space<hbm>>
    %dma_wait3A_3992 = tpu.memref_slice %arg9[%dma_wait3A_3981] : memref<5x!tpu.dma_semaphore, #tpu.memory_space<semaphore_mem>> -> memref<1x!tpu.dma_semaphore, #tpu.memory_space<semaphore_mem>>
    %dma_wait3A_3993 = tpu.memref_squeeze %dma_wait3A_3992 : memref<1x!tpu.dma_semaphore, #tpu.memory_space<semaphore_mem>> -> memref<!tpu.dma_semaphore, #tpu.memory_space<semaphore_mem>>
    tpu.wait_indirect_dma semaphore(%dma_wait3A_3993 : memref<!tpu.dma_semaphore, #tpu.memory_space<semaphore_mem>>) src(%dma_wait3A_3991 : memref<26000x128xf32, #tpu.memory_space<hbm>>) dst(%dma_wait3A_3985 : memref<128x128xf32, #tpu.memory_space<vmem>>)
    %dma_start3A_3994 = arith.constant 3 : i32
    %dma_start3A_3995 = arith.constant 3 : i32
    %dma_start3A_3996 = arith.constant 0 : i32
    %dma_start3A_3997 = arith.constant 0 : i32
    %dma_start3A_3998 = tpu.memref_slice %arg7[%dma_start3A_3994, %dma_start3A_3996, %dma_start3A_3997] : memref<5x128x128xf32, #tpu.memory_space<vmem>> -> memref<1x128x128xf32, #tpu.memory_space<vmem>>
    %dma_start3A_3999 = tpu.memref_squeeze %dma_start3A_3998 : memref<1x128x128xf32, #tpu.memory_space<vmem>> -> memref<128x128xf32, #tpu.memory_space<vmem>>
    %dma_start3A_4000 = arith.constant 2304 : i32
    %dma_start3A_4001 = tpu.memref_slice %arg5[%mul3A_2, %dma_start3A_4000] : memref<4096x3341xf32, #tpu.memory_space<hbm>> -> memref<128x128xf32, #tpu.memory_space<hbm>>
    %dma_start3A_4002 = tpu.memref_slice %arg10[%dma_start3A_3995] : memref<5x!tpu.dma_semaphore, #tpu.memory_space<semaphore_mem>> -> memref<1x!tpu.dma_semaphore, #tpu.memory_space<semaphore_mem>>
    %dma_start3A_4003 = tpu.memref_squeeze %dma_start3A_4002 : memref<1x!tpu.dma_semaphore, #tpu.memory_space<semaphore_mem>> -> memref<!tpu.dma_semaphore, #tpu.memory_space<semaphore_mem>>
    %dma_start3A_4004 = arith.constant 2304 : i32
    %dma_start3A_4005 = tpu.memref_slice %arg5[%mul3A_2, %dma_start3A_4004] : memref<4096x3341xf32, #tpu.memory_space<hbm>> -> memref<128x128xf32, #tpu.memory_space<hbm>>
    %dma_start3A_4006 = arith.constant 0 : i32
    %dma_start3A_4007 = arith.constant 0 : i32
    %dma_start3A_4008 = tpu.memref_slice %arg7[%dma_start3A_3994, %dma_start3A_4006, %dma_start3A_4007] : memref<5x128x128xf32, #tpu.memory_space<vmem>> -> memref<1x128x128xf32, #tpu.memory_space<vmem>>
    %dma_start3A_4009 = tpu.memref_squeeze %dma_start3A_4008 : memref<1x128x128xf32, #tpu.memory_space<vmem>> -> memref<128x128xf32, #tpu.memory_space<vmem>>
    tpu.enqueue_dma source(%dma_start3A_4009 : memref<128x128xf32, #tpu.memory_space<vmem>>) target(%dma_start3A_4005 : memref<128x128xf32, #tpu.memory_space<hbm>>) target_semaphore(%dma_start3A_4003 : memref<!tpu.dma_semaphore, #tpu.memory_space<semaphore_mem>>)
    %dma_wait3A_4010 = arith.constant 3 : i32
    %dma_wait3A_4011 = arith.constant 3 : i32
    %dma_wait3A_4012 = arith.constant 0 : i32
    %dma_wait3A_4013 = arith.constant 0 : i32
    %dma_wait3A_4014 = tpu.memref_slice %arg7[%dma_wait3A_4010, %dma_wait3A_4012, %dma_wait3A_4013] : memref<5x128x128xf32, #tpu.memory_space<vmem>> -> memref<1x128x128xf32, #tpu.memory_space<vmem>>
    %dma_wait3A_4015 = tpu.memref_squeeze %dma_wait3A_4014 : memref<1x128x128xf32, #tpu.memory_space<vmem>> -> memref<128x128xf32, #tpu.memory_space<vmem>>
    %dma_wait3A_4016 = arith.constant 2304 : i32
    %dma_wait3A_4017 = tpu.memref_slice %arg5[%mul3A_2, %dma_wait3A_4016] : memref<4096x3341xf32, #tpu.memory_space<hbm>> -> memref<128x128xf32, #tpu.memory_space<hbm>>
    %dma_wait3A_4018 = tpu.memref_slice %arg10[%dma_wait3A_4011] : memref<5x!tpu.dma_semaphore, #tpu.memory_space<semaphore_mem>> -> memref<1x!tpu.dma_semaphore, #tpu.memory_space<semaphore_mem>>
    %dma_wait3A_4019 = tpu.memref_squeeze %dma_wait3A_4018 : memref<1x!tpu.dma_semaphore, #tpu.memory_space<semaphore_mem>> -> memref<!tpu.dma_semaphore, #tpu.memory_space<semaphore_mem>>
    %dma_wait3A_4020 = arith.constant 2304 : i32
    %dma_wait3A_4021 = tpu.memref_slice %arg5[%mul3A_2, %dma_wait3A_4020] : memref<4096x3341xf32, #tpu.memory_space<hbm>> -> memref<128x128xf32, #tpu.memory_space<hbm>>
    %dma_wait3A_4022 = arith.constant 0 : i32
    %dma_wait3A_4023 = arith.constant 0 : i32
    %dma_wait3A_4024 = tpu.memref_slice %arg7[%dma_wait3A_4010, %dma_wait3A_4022, %dma_wait3A_4023] : memref<5x128x128xf32, #tpu.memory_space<vmem>> -> memref<1x128x128xf32, #tpu.memory_space<vmem>>
    %dma_wait3A_4025 = tpu.memref_squeeze %dma_wait3A_4024 : memref<1x128x128xf32, #tpu.memory_space<vmem>> -> memref<128x128xf32, #tpu.memory_space<vmem>>
    tpu.wait_dma2 semaphore(%dma_wait3A_4019 : memref<!tpu.dma_semaphore, #tpu.memory_space<semaphore_mem>>) src(%dma_wait3A_4025 : memref<128x128xf32, #tpu.memory_space<vmem>>) dst(%dma_wait3A_4021 : memref<128x128xf32, #tpu.memory_space<hbm>>)
    %dma_start3A_4026 = arith.constant 22 : i32
    %dma_start3A_4027 = arith.constant 2 : i32
    %dma_start3A_4028 = arith.constant 2 : i32
    %dma_start3A_4029 = arith.constant 0 : i32
    %dma_start3A_4030 = arith.constant 0 : i32
    %dma_start3A_4031 = tpu.memref_slice %arg7[%dma_start3A_4027, %dma_start3A_4029, %dma_start3A_4030] : memref<5x128x128xf32, #tpu.memory_space<vmem>> -> memref<1x128x128xf32, #tpu.memory_space<vmem>>
    %dma_start3A_4032 = tpu.memref_squeeze %dma_start3A_4031 : memref<1x128x128xf32, #tpu.memory_space<vmem>> -> memref<128x128xf32, #tpu.memory_space<vmem>>
    %dma_start3A_4033 = arith.constant 0 : i32
    %dma_start3A_4034 = tpu.memref_slice %arg6[%dma_start3A_4026, %dma_start3A_4033] : memref<26x128xi32, #tpu.memory_space<vmem>> -> memref<1x128xi32, #tpu.memory_space<vmem>>
    %dma_start3A_4035 = tpu.memref_squeeze %dma_start3A_4034 : memref<1x128xi32, #tpu.memory_space<vmem>> -> memref<128xi32, #tpu.memory_space<vmem>>
    %dma_start3A_4036 = arith.constant 0 : i32
    %dma_start3A_4037 = arith.constant 0 : i32
    %dma_start3A_4038 = tpu.memref_slice %arg4[%dma_start3A_4036, %dma_start3A_4037] : memref<26000x128xf32, #tpu.memory_space<hbm>> -> memref<26000x128xf32, #tpu.memory_space<hbm>>
    %dma_start3A_4039 = tpu.memref_slice %arg9[%dma_start3A_4028] : memref<5x!tpu.dma_semaphore, #tpu.memory_space<semaphore_mem>> -> memref<1x!tpu.dma_semaphore, #tpu.memory_space<semaphore_mem>>
    %dma_start3A_4040 = tpu.memref_squeeze %dma_start3A_4039 : memref<1x!tpu.dma_semaphore, #tpu.memory_space<semaphore_mem>> -> memref<!tpu.dma_semaphore, #tpu.memory_space<semaphore_mem>>
    tpu.enqueue_indirect_dma source(%dma_start3A_4038 : memref<26000x128xf32, #tpu.memory_space<hbm>>) target(%dma_start3A_4032 : memref<128x128xf32, #tpu.memory_space<vmem>>) offsets(%dma_start3A_4035 : memref<128xi32, #tpu.memory_space<vmem>>) semaphore(%dma_start3A_4040 : memref<!tpu.dma_semaphore, #tpu.memory_space<semaphore_mem>>)
    %dma_wait3A_4041 = arith.constant 19 : i32
    %dma_wait3A_4042 = arith.constant 4 : i32
    %dma_wait3A_4043 = arith.constant 4 : i32
    %dma_wait3A_4044 = arith.constant 0 : i32
    %dma_wait3A_4045 = arith.constant 0 : i32
    %dma_wait3A_4046 = tpu.memref_slice %arg7[%dma_wait3A_4042, %dma_wait3A_4044, %dma_wait3A_4045] : memref<5x128x128xf32, #tpu.memory_space<vmem>> -> memref<1x128x128xf32, #tpu.memory_space<vmem>>
    %dma_wait3A_4047 = tpu.memref_squeeze %dma_wait3A_4046 : memref<1x128x128xf32, #tpu.memory_space<vmem>> -> memref<128x128xf32, #tpu.memory_space<vmem>>
    %dma_wait3A_4048 = arith.constant 0 : i32
    %dma_wait3A_4049 = tpu.memref_slice %arg6[%dma_wait3A_4041, %dma_wait3A_4048] : memref<26x128xi32, #tpu.memory_space<vmem>> -> memref<1x128xi32, #tpu.memory_space<vmem>>
    %dma_wait3A_4050 = tpu.memref_squeeze %dma_wait3A_4049 : memref<1x128xi32, #tpu.memory_space<vmem>> -> memref<128xi32, #tpu.memory_space<vmem>>
    %dma_wait3A_4051 = arith.constant 0 : i32
    %dma_wait3A_4052 = arith.constant 0 : i32
    %dma_wait3A_4053 = tpu.memref_slice %arg4[%dma_wait3A_4051, %dma_wait3A_4052] : memref<26000x128xf32, #tpu.memory_space<hbm>> -> memref<26000x128xf32, #tpu.memory_space<hbm>>
    %dma_wait3A_4054 = tpu.memref_slice %arg9[%dma_wait3A_4043] : memref<5x!tpu.dma_semaphore, #tpu.memory_space<semaphore_mem>> -> memref<1x!tpu.dma_semaphore, #tpu.memory_space<semaphore_mem>>
    %dma_wait3A_4055 = tpu.memref_squeeze %dma_wait3A_4054 : memref<1x!tpu.dma_semaphore, #tpu.memory_space<semaphore_mem>> -> memref<!tpu.dma_semaphore, #tpu.memory_space<semaphore_mem>>
    tpu.wait_indirect_dma semaphore(%dma_wait3A_4055 : memref<!tpu.dma_semaphore, #tpu.memory_space<semaphore_mem>>) src(%dma_wait3A_4053 : memref<26000x128xf32, #tpu.memory_space<hbm>>) dst(%dma_wait3A_4047 : memref<128x128xf32, #tpu.memory_space<vmem>>)
    %dma_start3A_4056 = arith.constant 4 : i32
    %dma_start3A_4057 = arith.constant 4 : i32
    %dma_start3A_4058 = arith.constant 0 : i32
    %dma_start3A_4059 = arith.constant 0 : i32
    %dma_start3A_4060 = tpu.memref_slice %arg7[%dma_start3A_4056, %dma_start3A_4058, %dma_start3A_4059] : memref<5x128x128xf32, #tpu.memory_space<vmem>> -> memref<1x128x128xf32, #tpu.memory_space<vmem>>
    %dma_start3A_4061 = tpu.memref_squeeze %dma_start3A_4060 : memref<1x128x128xf32, #tpu.memory_space<vmem>> -> memref<128x128xf32, #tpu.memory_space<vmem>>
    %dma_start3A_4062 = arith.constant 2432 : i32
    %dma_start3A_4063 = tpu.memref_slice %arg5[%mul3A_2, %dma_start3A_4062] : memref<4096x3341xf32, #tpu.memory_space<hbm>> -> memref<128x128xf32, #tpu.memory_space<hbm>>
    %dma_start3A_4064 = tpu.memref_slice %arg10[%dma_start3A_4057] : memref<5x!tpu.dma_semaphore, #tpu.memory_space<semaphore_mem>> -> memref<1x!tpu.dma_semaphore, #tpu.memory_space<semaphore_mem>>
    %dma_start3A_4065 = tpu.memref_squeeze %dma_start3A_4064 : memref<1x!tpu.dma_semaphore, #tpu.memory_space<semaphore_mem>> -> memref<!tpu.dma_semaphore, #tpu.memory_space<semaphore_mem>>
    %dma_start3A_4066 = arith.constant 2432 : i32
    %dma_start3A_4067 = tpu.memref_slice %arg5[%mul3A_2, %dma_start3A_4066] : memref<4096x3341xf32, #tpu.memory_space<hbm>> -> memref<128x128xf32, #tpu.memory_space<hbm>>
    %dma_start3A_4068 = arith.constant 0 : i32
    %dma_start3A_4069 = arith.constant 0 : i32
    %dma_start3A_4070 = tpu.memref_slice %arg7[%dma_start3A_4056, %dma_start3A_4068, %dma_start3A_4069] : memref<5x128x128xf32, #tpu.memory_space<vmem>> -> memref<1x128x128xf32, #tpu.memory_space<vmem>>
    %dma_start3A_4071 = tpu.memref_squeeze %dma_start3A_4070 : memref<1x128x128xf32, #tpu.memory_space<vmem>> -> memref<128x128xf32, #tpu.memory_space<vmem>>
    tpu.enqueue_dma source(%dma_start3A_4071 : memref<128x128xf32, #tpu.memory_space<vmem>>) target(%dma_start3A_4067 : memref<128x128xf32, #tpu.memory_space<hbm>>) target_semaphore(%dma_start3A_4065 : memref<!tpu.dma_semaphore, #tpu.memory_space<semaphore_mem>>)
    %dma_wait3A_4072 = arith.constant 4 : i32
    %dma_wait3A_4073 = arith.constant 4 : i32
    %dma_wait3A_4074 = arith.constant 0 : i32
    %dma_wait3A_4075 = arith.constant 0 : i32
    %dma_wait3A_4076 = tpu.memref_slice %arg7[%dma_wait3A_4072, %dma_wait3A_4074, %dma_wait3A_4075] : memref<5x128x128xf32, #tpu.memory_space<vmem>> -> memref<1x128x128xf32, #tpu.memory_space<vmem>>
    %dma_wait3A_4077 = tpu.memref_squeeze %dma_wait3A_4076 : memref<1x128x128xf32, #tpu.memory_space<vmem>> -> memref<128x128xf32, #tpu.memory_space<vmem>>
    %dma_wait3A_4078 = arith.constant 2432 : i32
    %dma_wait3A_4079 = tpu.memref_slice %arg5[%mul3A_2, %dma_wait3A_4078] : memref<4096x3341xf32, #tpu.memory_space<hbm>> -> memref<128x128xf32, #tpu.memory_space<hbm>>
    %dma_wait3A_4080 = tpu.memref_slice %arg10[%dma_wait3A_4073] : memref<5x!tpu.dma_semaphore, #tpu.memory_space<semaphore_mem>> -> memref<1x!tpu.dma_semaphore, #tpu.memory_space<semaphore_mem>>
    %dma_wait3A_4081 = tpu.memref_squeeze %dma_wait3A_4080 : memref<1x!tpu.dma_semaphore, #tpu.memory_space<semaphore_mem>> -> memref<!tpu.dma_semaphore, #tpu.memory_space<semaphore_mem>>
    %dma_wait3A_4082 = arith.constant 2432 : i32
    %dma_wait3A_4083 = tpu.memref_slice %arg5[%mul3A_2, %dma_wait3A_4082] : memref<4096x3341xf32, #tpu.memory_space<hbm>> -> memref<128x128xf32, #tpu.memory_space<hbm>>
    %dma_wait3A_4084 = arith.constant 0 : i32
    %dma_wait3A_4085 = arith.constant 0 : i32
    %dma_wait3A_4086 = tpu.memref_slice %arg7[%dma_wait3A_4072, %dma_wait3A_4084, %dma_wait3A_4085] : memref<5x128x128xf32, #tpu.memory_space<vmem>> -> memref<1x128x128xf32, #tpu.memory_space<vmem>>
    %dma_wait3A_4087 = tpu.memref_squeeze %dma_wait3A_4086 : memref<1x128x128xf32, #tpu.memory_space<vmem>> -> memref<128x128xf32, #tpu.memory_space<vmem>>
    tpu.wait_dma2 semaphore(%dma_wait3A_4081 : memref<!tpu.dma_semaphore, #tpu.memory_space<semaphore_mem>>) src(%dma_wait3A_4087 : memref<128x128xf32, #tpu.memory_space<vmem>>) dst(%dma_wait3A_4083 : memref<128x128xf32, #tpu.memory_space<hbm>>)
    %dma_start3A_4088 = arith.constant 23 : i32
    %dma_start3A_4089 = arith.constant 3 : i32
    %dma_start3A_4090 = arith.constant 3 : i32
    %dma_start3A_4091 = arith.constant 0 : i32
    %dma_start3A_4092 = arith.constant 0 : i32
    %dma_start3A_4093 = tpu.memref_slice %arg7[%dma_start3A_4089, %dma_start3A_4091, %dma_start3A_4092] : memref<5x128x128xf32, #tpu.memory_space<vmem>> -> memref<1x128x128xf32, #tpu.memory_space<vmem>>
    %dma_start3A_4094 = tpu.memref_squeeze %dma_start3A_4093 : memref<1x128x128xf32, #tpu.memory_space<vmem>> -> memref<128x128xf32, #tpu.memory_space<vmem>>
    %dma_start3A_4095 = arith.constant 0 : i32
    %dma_start3A_4096 = tpu.memref_slice %arg6[%dma_start3A_4088, %dma_start3A_4095] : memref<26x128xi32, #tpu.memory_space<vmem>> -> memref<1x128xi32, #tpu.memory_space<vmem>>
    %dma_start3A_4097 = tpu.memref_squeeze %dma_start3A_4096 : memref<1x128xi32, #tpu.memory_space<vmem>> -> memref<128xi32, #tpu.memory_space<vmem>>
    %dma_start3A_4098 = arith.constant 0 : i32
    %dma_start3A_4099 = arith.constant 0 : i32
    %dma_start3A_4100 = tpu.memref_slice %arg4[%dma_start3A_4098, %dma_start3A_4099] : memref<26000x128xf32, #tpu.memory_space<hbm>> -> memref<26000x128xf32, #tpu.memory_space<hbm>>
    %dma_start3A_4101 = tpu.memref_slice %arg9[%dma_start3A_4090] : memref<5x!tpu.dma_semaphore, #tpu.memory_space<semaphore_mem>> -> memref<1x!tpu.dma_semaphore, #tpu.memory_space<semaphore_mem>>
    %dma_start3A_4102 = tpu.memref_squeeze %dma_start3A_4101 : memref<1x!tpu.dma_semaphore, #tpu.memory_space<semaphore_mem>> -> memref<!tpu.dma_semaphore, #tpu.memory_space<semaphore_mem>>
    tpu.enqueue_indirect_dma source(%dma_start3A_4100 : memref<26000x128xf32, #tpu.memory_space<hbm>>) target(%dma_start3A_4094 : memref<128x128xf32, #tpu.memory_space<vmem>>) offsets(%dma_start3A_4097 : memref<128xi32, #tpu.memory_space<vmem>>) semaphore(%dma_start3A_4102 : memref<!tpu.dma_semaphore, #tpu.memory_space<semaphore_mem>>)
    %dma_wait3A_4103 = arith.constant 20 : i32
    %dma_wait3A_4104 = arith.constant 0 : i32
    %dma_wait3A_4105 = arith.constant 0 : i32
    %dma_wait3A_4106 = arith.constant 0 : i32
    %dma_wait3A_4107 = arith.constant 0 : i32
    %dma_wait3A_4108 = tpu.memref_slice %arg7[%dma_wait3A_4104, %dma_wait3A_4106, %dma_wait3A_4107] : memref<5x128x128xf32, #tpu.memory_space<vmem>> -> memref<1x128x128xf32, #tpu.memory_space<vmem>>
    %dma_wait3A_4109 = tpu.memref_squeeze %dma_wait3A_4108 : memref<1x128x128xf32, #tpu.memory_space<vmem>> -> memref<128x128xf32, #tpu.memory_space<vmem>>
    %dma_wait3A_4110 = arith.constant 0 : i32
    %dma_wait3A_4111 = tpu.memref_slice %arg6[%dma_wait3A_4103, %dma_wait3A_4110] : memref<26x128xi32, #tpu.memory_space<vmem>> -> memref<1x128xi32, #tpu.memory_space<vmem>>
    %dma_wait3A_4112 = tpu.memref_squeeze %dma_wait3A_4111 : memref<1x128xi32, #tpu.memory_space<vmem>> -> memref<128xi32, #tpu.memory_space<vmem>>
    %dma_wait3A_4113 = arith.constant 0 : i32
    %dma_wait3A_4114 = arith.constant 0 : i32
    %dma_wait3A_4115 = tpu.memref_slice %arg4[%dma_wait3A_4113, %dma_wait3A_4114] : memref<26000x128xf32, #tpu.memory_space<hbm>> -> memref<26000x128xf32, #tpu.memory_space<hbm>>
    %dma_wait3A_4116 = tpu.memref_slice %arg9[%dma_wait3A_4105] : memref<5x!tpu.dma_semaphore, #tpu.memory_space<semaphore_mem>> -> memref<1x!tpu.dma_semaphore, #tpu.memory_space<semaphore_mem>>
    %dma_wait3A_4117 = tpu.memref_squeeze %dma_wait3A_4116 : memref<1x!tpu.dma_semaphore, #tpu.memory_space<semaphore_mem>> -> memref<!tpu.dma_semaphore, #tpu.memory_space<semaphore_mem>>
    tpu.wait_indirect_dma semaphore(%dma_wait3A_4117 : memref<!tpu.dma_semaphore, #tpu.memory_space<semaphore_mem>>) src(%dma_wait3A_4115 : memref<26000x128xf32, #tpu.memory_space<hbm>>) dst(%dma_wait3A_4109 : memref<128x128xf32, #tpu.memory_space<vmem>>)
    %dma_start3A_4118 = arith.constant 0 : i32
    %dma_start3A_4119 = arith.constant 0 : i32
    %dma_start3A_4120 = arith.constant 0 : i32
    %dma_start3A_4121 = arith.constant 0 : i32
    %dma_start3A_4122 = tpu.memref_slice %arg7[%dma_start3A_4118, %dma_start3A_4120, %dma_start3A_4121] : memref<5x128x128xf32, #tpu.memory_space<vmem>> -> memref<1x128x128xf32, #tpu.memory_space<vmem>>
    %dma_start3A_4123 = tpu.memref_squeeze %dma_start3A_4122 : memref<1x128x128xf32, #tpu.memory_space<vmem>> -> memref<128x128xf32, #tpu.memory_space<vmem>>
    %dma_start3A_4124 = arith.constant 2560 : i32
    %dma_start3A_4125 = tpu.memref_slice %arg5[%mul3A_2, %dma_start3A_4124] : memref<4096x3341xf32, #tpu.memory_space<hbm>> -> memref<128x128xf32, #tpu.memory_space<hbm>>
    %dma_start3A_4126 = tpu.memref_slice %arg10[%dma_start3A_4119] : memref<5x!tpu.dma_semaphore, #tpu.memory_space<semaphore_mem>> -> memref<1x!tpu.dma_semaphore, #tpu.memory_space<semaphore_mem>>
    %dma_start3A_4127 = tpu.memref_squeeze %dma_start3A_4126 : memref<1x!tpu.dma_semaphore, #tpu.memory_space<semaphore_mem>> -> memref<!tpu.dma_semaphore, #tpu.memory_space<semaphore_mem>>
    %dma_start3A_4128 = arith.constant 2560 : i32
    %dma_start3A_4129 = tpu.memref_slice %arg5[%mul3A_2, %dma_start3A_4128] : memref<4096x3341xf32, #tpu.memory_space<hbm>> -> memref<128x128xf32, #tpu.memory_space<hbm>>
    %dma_start3A_4130 = arith.constant 0 : i32
    %dma_start3A_4131 = arith.constant 0 : i32
    %dma_start3A_4132 = tpu.memref_slice %arg7[%dma_start3A_4118, %dma_start3A_4130, %dma_start3A_4131] : memref<5x128x128xf32, #tpu.memory_space<vmem>> -> memref<1x128x128xf32, #tpu.memory_space<vmem>>
    %dma_start3A_4133 = tpu.memref_squeeze %dma_start3A_4132 : memref<1x128x128xf32, #tpu.memory_space<vmem>> -> memref<128x128xf32, #tpu.memory_space<vmem>>
    tpu.enqueue_dma source(%dma_start3A_4133 : memref<128x128xf32, #tpu.memory_space<vmem>>) target(%dma_start3A_4129 : memref<128x128xf32, #tpu.memory_space<hbm>>) target_semaphore(%dma_start3A_4127 : memref<!tpu.dma_semaphore, #tpu.memory_space<semaphore_mem>>)
    %dma_wait3A_4134 = arith.constant 0 : i32
    %dma_wait3A_4135 = arith.constant 0 : i32
    %dma_wait3A_4136 = arith.constant 0 : i32
    %dma_wait3A_4137 = arith.constant 0 : i32
    %dma_wait3A_4138 = tpu.memref_slice %arg7[%dma_wait3A_4134, %dma_wait3A_4136, %dma_wait3A_4137] : memref<5x128x128xf32, #tpu.memory_space<vmem>> -> memref<1x128x128xf32, #tpu.memory_space<vmem>>
    %dma_wait3A_4139 = tpu.memref_squeeze %dma_wait3A_4138 : memref<1x128x128xf32, #tpu.memory_space<vmem>> -> memref<128x128xf32, #tpu.memory_space<vmem>>
    %dma_wait3A_4140 = arith.constant 2560 : i32
    %dma_wait3A_4141 = tpu.memref_slice %arg5[%mul3A_2, %dma_wait3A_4140] : memref<4096x3341xf32, #tpu.memory_space<hbm>> -> memref<128x128xf32, #tpu.memory_space<hbm>>
    %dma_wait3A_4142 = tpu.memref_slice %arg10[%dma_wait3A_4135] : memref<5x!tpu.dma_semaphore, #tpu.memory_space<semaphore_mem>> -> memref<1x!tpu.dma_semaphore, #tpu.memory_space<semaphore_mem>>
    %dma_wait3A_4143 = tpu.memref_squeeze %dma_wait3A_4142 : memref<1x!tpu.dma_semaphore, #tpu.memory_space<semaphore_mem>> -> memref<!tpu.dma_semaphore, #tpu.memory_space<semaphore_mem>>
    %dma_wait3A_4144 = arith.constant 2560 : i32
    %dma_wait3A_4145 = tpu.memref_slice %arg5[%mul3A_2, %dma_wait3A_4144] : memref<4096x3341xf32, #tpu.memory_space<hbm>> -> memref<128x128xf32, #tpu.memory_space<hbm>>
    %dma_wait3A_4146 = arith.constant 0 : i32
    %dma_wait3A_4147 = arith.constant 0 : i32
    %dma_wait3A_4148 = tpu.memref_slice %arg7[%dma_wait3A_4134, %dma_wait3A_4146, %dma_wait3A_4147] : memref<5x128x128xf32, #tpu.memory_space<vmem>> -> memref<1x128x128xf32, #tpu.memory_space<vmem>>
    %dma_wait3A_4149 = tpu.memref_squeeze %dma_wait3A_4148 : memref<1x128x128xf32, #tpu.memory_space<vmem>> -> memref<128x128xf32, #tpu.memory_space<vmem>>
    tpu.wait_dma2 semaphore(%dma_wait3A_4143 : memref<!tpu.dma_semaphore, #tpu.memory_space<semaphore_mem>>) src(%dma_wait3A_4149 : memref<128x128xf32, #tpu.memory_space<vmem>>) dst(%dma_wait3A_4145 : memref<128x128xf32, #tpu.memory_space<hbm>>)
    %dma_start3A_4150 = arith.constant 24 : i32
    %dma_start3A_4151 = arith.constant 4 : i32
    %dma_start3A_4152 = arith.constant 4 : i32
    %dma_start3A_4153 = arith.constant 0 : i32
    %dma_start3A_4154 = arith.constant 0 : i32
    %dma_start3A_4155 = tpu.memref_slice %arg7[%dma_start3A_4151, %dma_start3A_4153, %dma_start3A_4154] : memref<5x128x128xf32, #tpu.memory_space<vmem>> -> memref<1x128x128xf32, #tpu.memory_space<vmem>>
    %dma_start3A_4156 = tpu.memref_squeeze %dma_start3A_4155 : memref<1x128x128xf32, #tpu.memory_space<vmem>> -> memref<128x128xf32, #tpu.memory_space<vmem>>
    %dma_start3A_4157 = arith.constant 0 : i32
    %dma_start3A_4158 = tpu.memref_slice %arg6[%dma_start3A_4150, %dma_start3A_4157] : memref<26x128xi32, #tpu.memory_space<vmem>> -> memref<1x128xi32, #tpu.memory_space<vmem>>
    %dma_start3A_4159 = tpu.memref_squeeze %dma_start3A_4158 : memref<1x128xi32, #tpu.memory_space<vmem>> -> memref<128xi32, #tpu.memory_space<vmem>>
    %dma_start3A_4160 = arith.constant 0 : i32
    %dma_start3A_4161 = arith.constant 0 : i32
    %dma_start3A_4162 = tpu.memref_slice %arg4[%dma_start3A_4160, %dma_start3A_4161] : memref<26000x128xf32, #tpu.memory_space<hbm>> -> memref<26000x128xf32, #tpu.memory_space<hbm>>
    %dma_start3A_4163 = tpu.memref_slice %arg9[%dma_start3A_4152] : memref<5x!tpu.dma_semaphore, #tpu.memory_space<semaphore_mem>> -> memref<1x!tpu.dma_semaphore, #tpu.memory_space<semaphore_mem>>
    %dma_start3A_4164 = tpu.memref_squeeze %dma_start3A_4163 : memref<1x!tpu.dma_semaphore, #tpu.memory_space<semaphore_mem>> -> memref<!tpu.dma_semaphore, #tpu.memory_space<semaphore_mem>>
    tpu.enqueue_indirect_dma source(%dma_start3A_4162 : memref<26000x128xf32, #tpu.memory_space<hbm>>) target(%dma_start3A_4156 : memref<128x128xf32, #tpu.memory_space<vmem>>) offsets(%dma_start3A_4159 : memref<128xi32, #tpu.memory_space<vmem>>) semaphore(%dma_start3A_4164 : memref<!tpu.dma_semaphore, #tpu.memory_space<semaphore_mem>>)
    %dma_wait3A_4165 = arith.constant 21 : i32
    %dma_wait3A_4166 = arith.constant 1 : i32
    %dma_wait3A_4167 = arith.constant 1 : i32
    %dma_wait3A_4168 = arith.constant 0 : i32
    %dma_wait3A_4169 = arith.constant 0 : i32
    %dma_wait3A_4170 = tpu.memref_slice %arg7[%dma_wait3A_4166, %dma_wait3A_4168, %dma_wait3A_4169] : memref<5x128x128xf32, #tpu.memory_space<vmem>> -> memref<1x128x128xf32, #tpu.memory_space<vmem>>
    %dma_wait3A_4171 = tpu.memref_squeeze %dma_wait3A_4170 : memref<1x128x128xf32, #tpu.memory_space<vmem>> -> memref<128x128xf32, #tpu.memory_space<vmem>>
    %dma_wait3A_4172 = arith.constant 0 : i32
    %dma_wait3A_4173 = tpu.memref_slice %arg6[%dma_wait3A_4165, %dma_wait3A_4172] : memref<26x128xi32, #tpu.memory_space<vmem>> -> memref<1x128xi32, #tpu.memory_space<vmem>>
    %dma_wait3A_4174 = tpu.memref_squeeze %dma_wait3A_4173 : memref<1x128xi32, #tpu.memory_space<vmem>> -> memref<128xi32, #tpu.memory_space<vmem>>
    %dma_wait3A_4175 = arith.constant 0 : i32
    %dma_wait3A_4176 = arith.constant 0 : i32
    %dma_wait3A_4177 = tpu.memref_slice %arg4[%dma_wait3A_4175, %dma_wait3A_4176] : memref<26000x128xf32, #tpu.memory_space<hbm>> -> memref<26000x128xf32, #tpu.memory_space<hbm>>
    %dma_wait3A_4178 = tpu.memref_slice %arg9[%dma_wait3A_4167] : memref<5x!tpu.dma_semaphore, #tpu.memory_space<semaphore_mem>> -> memref<1x!tpu.dma_semaphore, #tpu.memory_space<semaphore_mem>>
    %dma_wait3A_4179 = tpu.memref_squeeze %dma_wait3A_4178 : memref<1x!tpu.dma_semaphore, #tpu.memory_space<semaphore_mem>> -> memref<!tpu.dma_semaphore, #tpu.memory_space<semaphore_mem>>
    tpu.wait_indirect_dma semaphore(%dma_wait3A_4179 : memref<!tpu.dma_semaphore, #tpu.memory_space<semaphore_mem>>) src(%dma_wait3A_4177 : memref<26000x128xf32, #tpu.memory_space<hbm>>) dst(%dma_wait3A_4171 : memref<128x128xf32, #tpu.memory_space<vmem>>)
    %dma_start3A_4180 = arith.constant 1 : i32
    %dma_start3A_4181 = arith.constant 1 : i32
    %dma_start3A_4182 = arith.constant 0 : i32
    %dma_start3A_4183 = arith.constant 0 : i32
    %dma_start3A_4184 = tpu.memref_slice %arg7[%dma_start3A_4180, %dma_start3A_4182, %dma_start3A_4183] : memref<5x128x128xf32, #tpu.memory_space<vmem>> -> memref<1x128x128xf32, #tpu.memory_space<vmem>>
    %dma_start3A_4185 = tpu.memref_squeeze %dma_start3A_4184 : memref<1x128x128xf32, #tpu.memory_space<vmem>> -> memref<128x128xf32, #tpu.memory_space<vmem>>
    %dma_start3A_4186 = arith.constant 2688 : i32
    %dma_start3A_4187 = tpu.memref_slice %arg5[%mul3A_2, %dma_start3A_4186] : memref<4096x3341xf32, #tpu.memory_space<hbm>> -> memref<128x128xf32, #tpu.memory_space<hbm>>
    %dma_start3A_4188 = tpu.memref_slice %arg10[%dma_start3A_4181] : memref<5x!tpu.dma_semaphore, #tpu.memory_space<semaphore_mem>> -> memref<1x!tpu.dma_semaphore, #tpu.memory_space<semaphore_mem>>
    %dma_start3A_4189 = tpu.memref_squeeze %dma_start3A_4188 : memref<1x!tpu.dma_semaphore, #tpu.memory_space<semaphore_mem>> -> memref<!tpu.dma_semaphore, #tpu.memory_space<semaphore_mem>>
    %dma_start3A_4190 = arith.constant 2688 : i32
    %dma_start3A_4191 = tpu.memref_slice %arg5[%mul3A_2, %dma_start3A_4190] : memref<4096x3341xf32, #tpu.memory_space<hbm>> -> memref<128x128xf32, #tpu.memory_space<hbm>>
    %dma_start3A_4192 = arith.constant 0 : i32
    %dma_start3A_4193 = arith.constant 0 : i32
    %dma_start3A_4194 = tpu.memref_slice %arg7[%dma_start3A_4180, %dma_start3A_4192, %dma_start3A_4193] : memref<5x128x128xf32, #tpu.memory_space<vmem>> -> memref<1x128x128xf32, #tpu.memory_space<vmem>>
    %dma_start3A_4195 = tpu.memref_squeeze %dma_start3A_4194 : memref<1x128x128xf32, #tpu.memory_space<vmem>> -> memref<128x128xf32, #tpu.memory_space<vmem>>
    tpu.enqueue_dma source(%dma_start3A_4195 : memref<128x128xf32, #tpu.memory_space<vmem>>) target(%dma_start3A_4191 : memref<128x128xf32, #tpu.memory_space<hbm>>) target_semaphore(%dma_start3A_4189 : memref<!tpu.dma_semaphore, #tpu.memory_space<semaphore_mem>>)
    %dma_wait3A_4196 = arith.constant 1 : i32
    %dma_wait3A_4197 = arith.constant 1 : i32
    %dma_wait3A_4198 = arith.constant 0 : i32
    %dma_wait3A_4199 = arith.constant 0 : i32
    %dma_wait3A_4200 = tpu.memref_slice %arg7[%dma_wait3A_4196, %dma_wait3A_4198, %dma_wait3A_4199] : memref<5x128x128xf32, #tpu.memory_space<vmem>> -> memref<1x128x128xf32, #tpu.memory_space<vmem>>
    %dma_wait3A_4201 = tpu.memref_squeeze %dma_wait3A_4200 : memref<1x128x128xf32, #tpu.memory_space<vmem>> -> memref<128x128xf32, #tpu.memory_space<vmem>>
    %dma_wait3A_4202 = arith.constant 2688 : i32
    %dma_wait3A_4203 = tpu.memref_slice %arg5[%mul3A_2, %dma_wait3A_4202] : memref<4096x3341xf32, #tpu.memory_space<hbm>> -> memref<128x128xf32, #tpu.memory_space<hbm>>
    %dma_wait3A_4204 = tpu.memref_slice %arg10[%dma_wait3A_4197] : memref<5x!tpu.dma_semaphore, #tpu.memory_space<semaphore_mem>> -> memref<1x!tpu.dma_semaphore, #tpu.memory_space<semaphore_mem>>
    %dma_wait3A_4205 = tpu.memref_squeeze %dma_wait3A_4204 : memref<1x!tpu.dma_semaphore, #tpu.memory_space<semaphore_mem>> -> memref<!tpu.dma_semaphore, #tpu.memory_space<semaphore_mem>>
    %dma_wait3A_4206 = arith.constant 2688 : i32
    %dma_wait3A_4207 = tpu.memref_slice %arg5[%mul3A_2, %dma_wait3A_4206] : memref<4096x3341xf32, #tpu.memory_space<hbm>> -> memref<128x128xf32, #tpu.memory_space<hbm>>
    %dma_wait3A_4208 = arith.constant 0 : i32
    %dma_wait3A_4209 = arith.constant 0 : i32
    %dma_wait3A_4210 = tpu.memref_slice %arg7[%dma_wait3A_4196, %dma_wait3A_4208, %dma_wait3A_4209] : memref<5x128x128xf32, #tpu.memory_space<vmem>> -> memref<1x128x128xf32, #tpu.memory_space<vmem>>
    %dma_wait3A_4211 = tpu.memref_squeeze %dma_wait3A_4210 : memref<1x128x128xf32, #tpu.memory_space<vmem>> -> memref<128x128xf32, #tpu.memory_space<vmem>>
    tpu.wait_dma2 semaphore(%dma_wait3A_4205 : memref<!tpu.dma_semaphore, #tpu.memory_space<semaphore_mem>>) src(%dma_wait3A_4211 : memref<128x128xf32, #tpu.memory_space<vmem>>) dst(%dma_wait3A_4207 : memref<128x128xf32, #tpu.memory_space<hbm>>)
    %dma_start3A_4212 = arith.constant 25 : i32
    %dma_start3A_4213 = arith.constant 0 : i32
    %dma_start3A_4214 = arith.constant 0 : i32
    %dma_start3A_4215 = arith.constant 0 : i32
    %dma_start3A_4216 = arith.constant 0 : i32
    %dma_start3A_4217 = tpu.memref_slice %arg7[%dma_start3A_4213, %dma_start3A_4215, %dma_start3A_4216] : memref<5x128x128xf32, #tpu.memory_space<vmem>> -> memref<1x128x128xf32, #tpu.memory_space<vmem>>
    %dma_start3A_4218 = tpu.memref_squeeze %dma_start3A_4217 : memref<1x128x128xf32, #tpu.memory_space<vmem>> -> memref<128x128xf32, #tpu.memory_space<vmem>>
    %dma_start3A_4219 = arith.constant 0 : i32
    %dma_start3A_4220 = tpu.memref_slice %arg6[%dma_start3A_4212, %dma_start3A_4219] : memref<26x128xi32, #tpu.memory_space<vmem>> -> memref<1x128xi32, #tpu.memory_space<vmem>>
    %dma_start3A_4221 = tpu.memref_squeeze %dma_start3A_4220 : memref<1x128xi32, #tpu.memory_space<vmem>> -> memref<128xi32, #tpu.memory_space<vmem>>
    %dma_start3A_4222 = arith.constant 0 : i32
    %dma_start3A_4223 = arith.constant 0 : i32
    %dma_start3A_4224 = tpu.memref_slice %arg4[%dma_start3A_4222, %dma_start3A_4223] : memref<26000x128xf32, #tpu.memory_space<hbm>> -> memref<26000x128xf32, #tpu.memory_space<hbm>>
    %dma_start3A_4225 = tpu.memref_slice %arg9[%dma_start3A_4214] : memref<5x!tpu.dma_semaphore, #tpu.memory_space<semaphore_mem>> -> memref<1x!tpu.dma_semaphore, #tpu.memory_space<semaphore_mem>>
    %dma_start3A_4226 = tpu.memref_squeeze %dma_start3A_4225 : memref<1x!tpu.dma_semaphore, #tpu.memory_space<semaphore_mem>> -> memref<!tpu.dma_semaphore, #tpu.memory_space<semaphore_mem>>
    tpu.enqueue_indirect_dma source(%dma_start3A_4224 : memref<26000x128xf32, #tpu.memory_space<hbm>>) target(%dma_start3A_4218 : memref<128x128xf32, #tpu.memory_space<vmem>>) offsets(%dma_start3A_4221 : memref<128xi32, #tpu.memory_space<vmem>>) semaphore(%dma_start3A_4226 : memref<!tpu.dma_semaphore, #tpu.memory_space<semaphore_mem>>)
    %dma_wait3A_4227 = arith.constant 22 : i32
    %dma_wait3A_4228 = arith.constant 2 : i32
    %dma_wait3A_4229 = arith.constant 2 : i32
    %dma_wait3A_4230 = arith.constant 0 : i32
    %dma_wait3A_4231 = arith.constant 0 : i32
    %dma_wait3A_4232 = tpu.memref_slice %arg7[%dma_wait3A_4228, %dma_wait3A_4230, %dma_wait3A_4231] : memref<5x128x128xf32, #tpu.memory_space<vmem>> -> memref<1x128x128xf32, #tpu.memory_space<vmem>>
    %dma_wait3A_4233 = tpu.memref_squeeze %dma_wait3A_4232 : memref<1x128x128xf32, #tpu.memory_space<vmem>> -> memref<128x128xf32, #tpu.memory_space<vmem>>
    %dma_wait3A_4234 = arith.constant 0 : i32
    %dma_wait3A_4235 = tpu.memref_slice %arg6[%dma_wait3A_4227, %dma_wait3A_4234] : memref<26x128xi32, #tpu.memory_space<vmem>> -> memref<1x128xi32, #tpu.memory_space<vmem>>
    %dma_wait3A_4236 = tpu.memref_squeeze %dma_wait3A_4235 : memref<1x128xi32, #tpu.memory_space<vmem>> -> memref<128xi32, #tpu.memory_space<vmem>>
    %dma_wait3A_4237 = arith.constant 0 : i32
    %dma_wait3A_4238 = arith.constant 0 : i32
    %dma_wait3A_4239 = tpu.memref_slice %arg4[%dma_wait3A_4237, %dma_wait3A_4238] : memref<26000x128xf32, #tpu.memory_space<hbm>> -> memref<26000x128xf32, #tpu.memory_space<hbm>>
    %dma_wait3A_4240 = tpu.memref_slice %arg9[%dma_wait3A_4229] : memref<5x!tpu.dma_semaphore, #tpu.memory_space<semaphore_mem>> -> memref<1x!tpu.dma_semaphore, #tpu.memory_space<semaphore_mem>>
    %dma_wait3A_4241 = tpu.memref_squeeze %dma_wait3A_4240 : memref<1x!tpu.dma_semaphore, #tpu.memory_space<semaphore_mem>> -> memref<!tpu.dma_semaphore, #tpu.memory_space<semaphore_mem>>
    tpu.wait_indirect_dma semaphore(%dma_wait3A_4241 : memref<!tpu.dma_semaphore, #tpu.memory_space<semaphore_mem>>) src(%dma_wait3A_4239 : memref<26000x128xf32, #tpu.memory_space<hbm>>) dst(%dma_wait3A_4233 : memref<128x128xf32, #tpu.memory_space<vmem>>)
    %dma_start3A_4242 = arith.constant 2 : i32
    %dma_start3A_4243 = arith.constant 2 : i32
    %dma_start3A_4244 = arith.constant 0 : i32
    %dma_start3A_4245 = arith.constant 0 : i32
    %dma_start3A_4246 = tpu.memref_slice %arg7[%dma_start3A_4242, %dma_start3A_4244, %dma_start3A_4245] : memref<5x128x128xf32, #tpu.memory_space<vmem>> -> memref<1x128x128xf32, #tpu.memory_space<vmem>>
    %dma_start3A_4247 = tpu.memref_squeeze %dma_start3A_4246 : memref<1x128x128xf32, #tpu.memory_space<vmem>> -> memref<128x128xf32, #tpu.memory_space<vmem>>
    %dma_start3A_4248 = arith.constant 2816 : i32
    %dma_start3A_4249 = tpu.memref_slice %arg5[%mul3A_2, %dma_start3A_4248] : memref<4096x3341xf32, #tpu.memory_space<hbm>> -> memref<128x128xf32, #tpu.memory_space<hbm>>
    %dma_start3A_4250 = tpu.memref_slice %arg10[%dma_start3A_4243] : memref<5x!tpu.dma_semaphore, #tpu.memory_space<semaphore_mem>> -> memref<1x!tpu.dma_semaphore, #tpu.memory_space<semaphore_mem>>
    %dma_start3A_4251 = tpu.memref_squeeze %dma_start3A_4250 : memref<1x!tpu.dma_semaphore, #tpu.memory_space<semaphore_mem>> -> memref<!tpu.dma_semaphore, #tpu.memory_space<semaphore_mem>>
    %dma_start3A_4252 = arith.constant 2816 : i32
    %dma_start3A_4253 = tpu.memref_slice %arg5[%mul3A_2, %dma_start3A_4252] : memref<4096x3341xf32, #tpu.memory_space<hbm>> -> memref<128x128xf32, #tpu.memory_space<hbm>>
    %dma_start3A_4254 = arith.constant 0 : i32
    %dma_start3A_4255 = arith.constant 0 : i32
    %dma_start3A_4256 = tpu.memref_slice %arg7[%dma_start3A_4242, %dma_start3A_4254, %dma_start3A_4255] : memref<5x128x128xf32, #tpu.memory_space<vmem>> -> memref<1x128x128xf32, #tpu.memory_space<vmem>>
    %dma_start3A_4257 = tpu.memref_squeeze %dma_start3A_4256 : memref<1x128x128xf32, #tpu.memory_space<vmem>> -> memref<128x128xf32, #tpu.memory_space<vmem>>
    tpu.enqueue_dma source(%dma_start3A_4257 : memref<128x128xf32, #tpu.memory_space<vmem>>) target(%dma_start3A_4253 : memref<128x128xf32, #tpu.memory_space<hbm>>) target_semaphore(%dma_start3A_4251 : memref<!tpu.dma_semaphore, #tpu.memory_space<semaphore_mem>>)
    %dma_wait3A_4258 = arith.constant 2 : i32
    %dma_wait3A_4259 = arith.constant 2 : i32
    %dma_wait3A_4260 = arith.constant 0 : i32
    %dma_wait3A_4261 = arith.constant 0 : i32
    %dma_wait3A_4262 = tpu.memref_slice %arg7[%dma_wait3A_4258, %dma_wait3A_4260, %dma_wait3A_4261] : memref<5x128x128xf32, #tpu.memory_space<vmem>> -> memref<1x128x128xf32, #tpu.memory_space<vmem>>
    %dma_wait3A_4263 = tpu.memref_squeeze %dma_wait3A_4262 : memref<1x128x128xf32, #tpu.memory_space<vmem>> -> memref<128x128xf32, #tpu.memory_space<vmem>>
    %dma_wait3A_4264 = arith.constant 2816 : i32
    %dma_wait3A_4265 = tpu.memref_slice %arg5[%mul3A_2, %dma_wait3A_4264] : memref<4096x3341xf32, #tpu.memory_space<hbm>> -> memref<128x128xf32, #tpu.memory_space<hbm>>
    %dma_wait3A_4266 = tpu.memref_slice %arg10[%dma_wait3A_4259] : memref<5x!tpu.dma_semaphore, #tpu.memory_space<semaphore_mem>> -> memref<1x!tpu.dma_semaphore, #tpu.memory_space<semaphore_mem>>
    %dma_wait3A_4267 = tpu.memref_squeeze %dma_wait3A_4266 : memref<1x!tpu.dma_semaphore, #tpu.memory_space<semaphore_mem>> -> memref<!tpu.dma_semaphore, #tpu.memory_space<semaphore_mem>>
    %dma_wait3A_4268 = arith.constant 2816 : i32
    %dma_wait3A_4269 = tpu.memref_slice %arg5[%mul3A_2, %dma_wait3A_4268] : memref<4096x3341xf32, #tpu.memory_space<hbm>> -> memref<128x128xf32, #tpu.memory_space<hbm>>
    %dma_wait3A_4270 = arith.constant 0 : i32
    %dma_wait3A_4271 = arith.constant 0 : i32
    %dma_wait3A_4272 = tpu.memref_slice %arg7[%dma_wait3A_4258, %dma_wait3A_4270, %dma_wait3A_4271] : memref<5x128x128xf32, #tpu.memory_space<vmem>> -> memref<1x128x128xf32, #tpu.memory_space<vmem>>
    %dma_wait3A_4273 = tpu.memref_squeeze %dma_wait3A_4272 : memref<1x128x128xf32, #tpu.memory_space<vmem>> -> memref<128x128xf32, #tpu.memory_space<vmem>>
    tpu.wait_dma2 semaphore(%dma_wait3A_4267 : memref<!tpu.dma_semaphore, #tpu.memory_space<semaphore_mem>>) src(%dma_wait3A_4273 : memref<128x128xf32, #tpu.memory_space<vmem>>) dst(%dma_wait3A_4269 : memref<128x128xf32, #tpu.memory_space<hbm>>)
    %dma_wait3A_4274 = arith.constant 23 : i32
    %dma_wait3A_4275 = arith.constant 3 : i32
    %dma_wait3A_4276 = arith.constant 3 : i32
    %dma_wait3A_4277 = arith.constant 0 : i32
    %dma_wait3A_4278 = arith.constant 0 : i32
    %dma_wait3A_4279 = tpu.memref_slice %arg7[%dma_wait3A_4275, %dma_wait3A_4277, %dma_wait3A_4278] : memref<5x128x128xf32, #tpu.memory_space<vmem>> -> memref<1x128x128xf32, #tpu.memory_space<vmem>>
    %dma_wait3A_4280 = tpu.memref_squeeze %dma_wait3A_4279 : memref<1x128x128xf32, #tpu.memory_space<vmem>> -> memref<128x128xf32, #tpu.memory_space<vmem>>
    %dma_wait3A_4281 = arith.constant 0 : i32
    %dma_wait3A_4282 = tpu.memref_slice %arg6[%dma_wait3A_4274, %dma_wait3A_4281] : memref<26x128xi32, #tpu.memory_space<vmem>> -> memref<1x128xi32, #tpu.memory_space<vmem>>
    %dma_wait3A_4283 = tpu.memref_squeeze %dma_wait3A_4282 : memref<1x128xi32, #tpu.memory_space<vmem>> -> memref<128xi32, #tpu.memory_space<vmem>>
    %dma_wait3A_4284 = arith.constant 0 : i32
    %dma_wait3A_4285 = arith.constant 0 : i32
    %dma_wait3A_4286 = tpu.memref_slice %arg4[%dma_wait3A_4284, %dma_wait3A_4285] : memref<26000x128xf32, #tpu.memory_space<hbm>> -> memref<26000x128xf32, #tpu.memory_space<hbm>>
    %dma_wait3A_4287 = tpu.memref_slice %arg9[%dma_wait3A_4276] : memref<5x!tpu.dma_semaphore, #tpu.memory_space<semaphore_mem>> -> memref<1x!tpu.dma_semaphore, #tpu.memory_space<semaphore_mem>>
    %dma_wait3A_4288 = tpu.memref_squeeze %dma_wait3A_4287 : memref<1x!tpu.dma_semaphore, #tpu.memory_space<semaphore_mem>> -> memref<!tpu.dma_semaphore, #tpu.memory_space<semaphore_mem>>
    tpu.wait_indirect_dma semaphore(%dma_wait3A_4288 : memref<!tpu.dma_semaphore, #tpu.memory_space<semaphore_mem>>) src(%dma_wait3A_4286 : memref<26000x128xf32, #tpu.memory_space<hbm>>) dst(%dma_wait3A_4280 : memref<128x128xf32, #tpu.memory_space<vmem>>)
    %dma_start3A_4289 = arith.constant 3 : i32
    %dma_start3A_4290 = arith.constant 3 : i32
    %dma_start3A_4291 = arith.constant 0 : i32
    %dma_start3A_4292 = arith.constant 0 : i32
    %dma_start3A_4293 = tpu.memref_slice %arg7[%dma_start3A_4289, %dma_start3A_4291, %dma_start3A_4292] : memref<5x128x128xf32, #tpu.memory_space<vmem>> -> memref<1x128x128xf32, #tpu.memory_space<vmem>>
    %dma_start3A_4294 = tpu.memref_squeeze %dma_start3A_4293 : memref<1x128x128xf32, #tpu.memory_space<vmem>> -> memref<128x128xf32, #tpu.memory_space<vmem>>
    %dma_start3A_4295 = arith.constant 2944 : i32
    %dma_start3A_4296 = tpu.memref_slice %arg5[%mul3A_2, %dma_start3A_4295] : memref<4096x3341xf32, #tpu.memory_space<hbm>> -> memref<128x128xf32, #tpu.memory_space<hbm>>
    %dma_start3A_4297 = tpu.memref_slice %arg10[%dma_start3A_4290] : memref<5x!tpu.dma_semaphore, #tpu.memory_space<semaphore_mem>> -> memref<1x!tpu.dma_semaphore, #tpu.memory_space<semaphore_mem>>
    %dma_start3A_4298 = tpu.memref_squeeze %dma_start3A_4297 : memref<1x!tpu.dma_semaphore, #tpu.memory_space<semaphore_mem>> -> memref<!tpu.dma_semaphore, #tpu.memory_space<semaphore_mem>>
    %dma_start3A_4299 = arith.constant 2944 : i32
    %dma_start3A_4300 = tpu.memref_slice %arg5[%mul3A_2, %dma_start3A_4299] : memref<4096x3341xf32, #tpu.memory_space<hbm>> -> memref<128x128xf32, #tpu.memory_space<hbm>>
    %dma_start3A_4301 = arith.constant 0 : i32
    %dma_start3A_4302 = arith.constant 0 : i32
    %dma_start3A_4303 = tpu.memref_slice %arg7[%dma_start3A_4289, %dma_start3A_4301, %dma_start3A_4302] : memref<5x128x128xf32, #tpu.memory_space<vmem>> -> memref<1x128x128xf32, #tpu.memory_space<vmem>>
    %dma_start3A_4304 = tpu.memref_squeeze %dma_start3A_4303 : memref<1x128x128xf32, #tpu.memory_space<vmem>> -> memref<128x128xf32, #tpu.memory_space<vmem>>
    tpu.enqueue_dma source(%dma_start3A_4304 : memref<128x128xf32, #tpu.memory_space<vmem>>) target(%dma_start3A_4300 : memref<128x128xf32, #tpu.memory_space<hbm>>) target_semaphore(%dma_start3A_4298 : memref<!tpu.dma_semaphore, #tpu.memory_space<semaphore_mem>>)
    %dma_wait3A_4305 = arith.constant 3 : i32
    %dma_wait3A_4306 = arith.constant 3 : i32
    %dma_wait3A_4307 = arith.constant 0 : i32
    %dma_wait3A_4308 = arith.constant 0 : i32
    %dma_wait3A_4309 = tpu.memref_slice %arg7[%dma_wait3A_4305, %dma_wait3A_4307, %dma_wait3A_4308] : memref<5x128x128xf32, #tpu.memory_space<vmem>> -> memref<1x128x128xf32, #tpu.memory_space<vmem>>
    %dma_wait3A_4310 = tpu.memref_squeeze %dma_wait3A_4309 : memref<1x128x128xf32, #tpu.memory_space<vmem>> -> memref<128x128xf32, #tpu.memory_space<vmem>>
    %dma_wait3A_4311 = arith.constant 2944 : i32
    %dma_wait3A_4312 = tpu.memref_slice %arg5[%mul3A_2, %dma_wait3A_4311] : memref<4096x3341xf32, #tpu.memory_space<hbm>> -> memref<128x128xf32, #tpu.memory_space<hbm>>
    %dma_wait3A_4313 = tpu.memref_slice %arg10[%dma_wait3A_4306] : memref<5x!tpu.dma_semaphore, #tpu.memory_space<semaphore_mem>> -> memref<1x!tpu.dma_semaphore, #tpu.memory_space<semaphore_mem>>
    %dma_wait3A_4314 = tpu.memref_squeeze %dma_wait3A_4313 : memref<1x!tpu.dma_semaphore, #tpu.memory_space<semaphore_mem>> -> memref<!tpu.dma_semaphore, #tpu.memory_space<semaphore_mem>>
    %dma_wait3A_4315 = arith.constant 2944 : i32
    %dma_wait3A_4316 = tpu.memref_slice %arg5[%mul3A_2, %dma_wait3A_4315] : memref<4096x3341xf32, #tpu.memory_space<hbm>> -> memref<128x128xf32, #tpu.memory_space<hbm>>
    %dma_wait3A_4317 = arith.constant 0 : i32
    %dma_wait3A_4318 = arith.constant 0 : i32
    %dma_wait3A_4319 = tpu.memref_slice %arg7[%dma_wait3A_4305, %dma_wait3A_4317, %dma_wait3A_4318] : memref<5x128x128xf32, #tpu.memory_space<vmem>> -> memref<1x128x128xf32, #tpu.memory_space<vmem>>
    %dma_wait3A_4320 = tpu.memref_squeeze %dma_wait3A_4319 : memref<1x128x128xf32, #tpu.memory_space<vmem>> -> memref<128x128xf32, #tpu.memory_space<vmem>>
    tpu.wait_dma2 semaphore(%dma_wait3A_4314 : memref<!tpu.dma_semaphore, #tpu.memory_space<semaphore_mem>>) src(%dma_wait3A_4320 : memref<128x128xf32, #tpu.memory_space<vmem>>) dst(%dma_wait3A_4316 : memref<128x128xf32, #tpu.memory_space<hbm>>)
    %dma_wait3A_4321 = arith.constant 24 : i32
    %dma_wait3A_4322 = arith.constant 4 : i32
    %dma_wait3A_4323 = arith.constant 4 : i32
    %dma_wait3A_4324 = arith.constant 0 : i32
    %dma_wait3A_4325 = arith.constant 0 : i32
    %dma_wait3A_4326 = tpu.memref_slice %arg7[%dma_wait3A_4322, %dma_wait3A_4324, %dma_wait3A_4325] : memref<5x128x128xf32, #tpu.memory_space<vmem>> -> memref<1x128x128xf32, #tpu.memory_space<vmem>>
    %dma_wait3A_4327 = tpu.memref_squeeze %dma_wait3A_4326 : memref<1x128x128xf32, #tpu.memory_space<vmem>> -> memref<128x128xf32, #tpu.memory_space<vmem>>
    %dma_wait3A_4328 = arith.constant 0 : i32
    %dma_wait3A_4329 = tpu.memref_slice %arg6[%dma_wait3A_4321, %dma_wait3A_4328] : memref<26x128xi32, #tpu.memory_space<vmem>> -> memref<1x128xi32, #tpu.memory_space<vmem>>
    %dma_wait3A_4330 = tpu.memref_squeeze %dma_wait3A_4329 : memref<1x128xi32, #tpu.memory_space<vmem>> -> memref<128xi32, #tpu.memory_space<vmem>>
    %dma_wait3A_4331 = arith.constant 0 : i32
    %dma_wait3A_4332 = arith.constant 0 : i32
    %dma_wait3A_4333 = tpu.memref_slice %arg4[%dma_wait3A_4331, %dma_wait3A_4332] : memref<26000x128xf32, #tpu.memory_space<hbm>> -> memref<26000x128xf32, #tpu.memory_space<hbm>>
    %dma_wait3A_4334 = tpu.memref_slice %arg9[%dma_wait3A_4323] : memref<5x!tpu.dma_semaphore, #tpu.memory_space<semaphore_mem>> -> memref<1x!tpu.dma_semaphore, #tpu.memory_space<semaphore_mem>>
    %dma_wait3A_4335 = tpu.memref_squeeze %dma_wait3A_4334 : memref<1x!tpu.dma_semaphore, #tpu.memory_space<semaphore_mem>> -> memref<!tpu.dma_semaphore, #tpu.memory_space<semaphore_mem>>
    tpu.wait_indirect_dma semaphore(%dma_wait3A_4335 : memref<!tpu.dma_semaphore, #tpu.memory_space<semaphore_mem>>) src(%dma_wait3A_4333 : memref<26000x128xf32, #tpu.memory_space<hbm>>) dst(%dma_wait3A_4327 : memref<128x128xf32, #tpu.memory_space<vmem>>)
    %dma_start3A_4336 = arith.constant 4 : i32
    %dma_start3A_4337 = arith.constant 4 : i32
    %dma_start3A_4338 = arith.constant 0 : i32
    %dma_start3A_4339 = arith.constant 0 : i32
    %dma_start3A_4340 = tpu.memref_slice %arg7[%dma_start3A_4336, %dma_start3A_4338, %dma_start3A_4339] : memref<5x128x128xf32, #tpu.memory_space<vmem>> -> memref<1x128x128xf32, #tpu.memory_space<vmem>>
    %dma_start3A_4341 = tpu.memref_squeeze %dma_start3A_4340 : memref<1x128x128xf32, #tpu.memory_space<vmem>> -> memref<128x128xf32, #tpu.memory_space<vmem>>
    %dma_start3A_4342 = arith.constant 3072 : i32
    %dma_start3A_4343 = tpu.memref_slice %arg5[%mul3A_2, %dma_start3A_4342] : memref<4096x3341xf32, #tpu.memory_space<hbm>> -> memref<128x128xf32, #tpu.memory_space<hbm>>
    %dma_start3A_4344 = tpu.memref_slice %arg10[%dma_start3A_4337] : memref<5x!tpu.dma_semaphore, #tpu.memory_space<semaphore_mem>> -> memref<1x!tpu.dma_semaphore, #tpu.memory_space<semaphore_mem>>
    %dma_start3A_4345 = tpu.memref_squeeze %dma_start3A_4344 : memref<1x!tpu.dma_semaphore, #tpu.memory_space<semaphore_mem>> -> memref<!tpu.dma_semaphore, #tpu.memory_space<semaphore_mem>>
    %dma_start3A_4346 = arith.constant 3072 : i32
    %dma_start3A_4347 = tpu.memref_slice %arg5[%mul3A_2, %dma_start3A_4346] : memref<4096x3341xf32, #tpu.memory_space<hbm>> -> memref<128x128xf32, #tpu.memory_space<hbm>>
    %dma_start3A_4348 = arith.constant 0 : i32
    %dma_start3A_4349 = arith.constant 0 : i32
    %dma_start3A_4350 = tpu.memref_slice %arg7[%dma_start3A_4336, %dma_start3A_4348, %dma_start3A_4349] : memref<5x128x128xf32, #tpu.memory_space<vmem>> -> memref<1x128x128xf32, #tpu.memory_space<vmem>>
    %dma_start3A_4351 = tpu.memref_squeeze %dma_start3A_4350 : memref<1x128x128xf32, #tpu.memory_space<vmem>> -> memref<128x128xf32, #tpu.memory_space<vmem>>
    tpu.enqueue_dma source(%dma_start3A_4351 : memref<128x128xf32, #tpu.memory_space<vmem>>) target(%dma_start3A_4347 : memref<128x128xf32, #tpu.memory_space<hbm>>) target_semaphore(%dma_start3A_4345 : memref<!tpu.dma_semaphore, #tpu.memory_space<semaphore_mem>>)
    %dma_wait3A_4352 = arith.constant 4 : i32
    %dma_wait3A_4353 = arith.constant 4 : i32
    %dma_wait3A_4354 = arith.constant 0 : i32
    %dma_wait3A_4355 = arith.constant 0 : i32
    %dma_wait3A_4356 = tpu.memref_slice %arg7[%dma_wait3A_4352, %dma_wait3A_4354, %dma_wait3A_4355] : memref<5x128x128xf32, #tpu.memory_space<vmem>> -> memref<1x128x128xf32, #tpu.memory_space<vmem>>
    %dma_wait3A_4357 = tpu.memref_squeeze %dma_wait3A_4356 : memref<1x128x128xf32, #tpu.memory_space<vmem>> -> memref<128x128xf32, #tpu.memory_space<vmem>>
    %dma_wait3A_4358 = arith.constant 3072 : i32
    %dma_wait3A_4359 = tpu.memref_slice %arg5[%mul3A_2, %dma_wait3A_4358] : memref<4096x3341xf32, #tpu.memory_space<hbm>> -> memref<128x128xf32, #tpu.memory_space<hbm>>
    %dma_wait3A_4360 = tpu.memref_slice %arg10[%dma_wait3A_4353] : memref<5x!tpu.dma_semaphore, #tpu.memory_space<semaphore_mem>> -> memref<1x!tpu.dma_semaphore, #tpu.memory_space<semaphore_mem>>
    %dma_wait3A_4361 = tpu.memref_squeeze %dma_wait3A_4360 : memref<1x!tpu.dma_semaphore, #tpu.memory_space<semaphore_mem>> -> memref<!tpu.dma_semaphore, #tpu.memory_space<semaphore_mem>>
    %dma_wait3A_4362 = arith.constant 3072 : i32
    %dma_wait3A_4363 = tpu.memref_slice %arg5[%mul3A_2, %dma_wait3A_4362] : memref<4096x3341xf32, #tpu.memory_space<hbm>> -> memref<128x128xf32, #tpu.memory_space<hbm>>
    %dma_wait3A_4364 = arith.constant 0 : i32
    %dma_wait3A_4365 = arith.constant 0 : i32
    %dma_wait3A_4366 = tpu.memref_slice %arg7[%dma_wait3A_4352, %dma_wait3A_4364, %dma_wait3A_4365] : memref<5x128x128xf32, #tpu.memory_space<vmem>> -> memref<1x128x128xf32, #tpu.memory_space<vmem>>
    %dma_wait3A_4367 = tpu.memref_squeeze %dma_wait3A_4366 : memref<1x128x128xf32, #tpu.memory_space<vmem>> -> memref<128x128xf32, #tpu.memory_space<vmem>>
    tpu.wait_dma2 semaphore(%dma_wait3A_4361 : memref<!tpu.dma_semaphore, #tpu.memory_space<semaphore_mem>>) src(%dma_wait3A_4367 : memref<128x128xf32, #tpu.memory_space<vmem>>) dst(%dma_wait3A_4363 : memref<128x128xf32, #tpu.memory_space<hbm>>)
    %dma_wait3A_4368 = arith.constant 25 : i32
    %dma_wait3A_4369 = arith.constant 0 : i32
    %dma_wait3A_4370 = arith.constant 0 : i32
    %dma_wait3A_4371 = arith.constant 0 : i32
    %dma_wait3A_4372 = arith.constant 0 : i32
    %dma_wait3A_4373 = tpu.memref_slice %arg7[%dma_wait3A_4369, %dma_wait3A_4371, %dma_wait3A_4372] : memref<5x128x128xf32, #tpu.memory_space<vmem>> -> memref<1x128x128xf32, #tpu.memory_space<vmem>>
    %dma_wait3A_4374 = tpu.memref_squeeze %dma_wait3A_4373 : memref<1x128x128xf32, #tpu.memory_space<vmem>> -> memref<128x128xf32, #tpu.memory_space<vmem>>
    %dma_wait3A_4375 = arith.constant 0 : i32
    %dma_wait3A_4376 = tpu.memref_slice %arg6[%dma_wait3A_4368, %dma_wait3A_4375] : memref<26x128xi32, #tpu.memory_space<vmem>> -> memref<1x128xi32, #tpu.memory_space<vmem>>
    %dma_wait3A_4377 = tpu.memref_squeeze %dma_wait3A_4376 : memref<1x128xi32, #tpu.memory_space<vmem>> -> memref<128xi32, #tpu.memory_space<vmem>>
    %dma_wait3A_4378 = arith.constant 0 : i32
    %dma_wait3A_4379 = arith.constant 0 : i32
    %dma_wait3A_4380 = tpu.memref_slice %arg4[%dma_wait3A_4378, %dma_wait3A_4379] : memref<26000x128xf32, #tpu.memory_space<hbm>> -> memref<26000x128xf32, #tpu.memory_space<hbm>>
    %dma_wait3A_4381 = tpu.memref_slice %arg9[%dma_wait3A_4370] : memref<5x!tpu.dma_semaphore, #tpu.memory_space<semaphore_mem>> -> memref<1x!tpu.dma_semaphore, #tpu.memory_space<semaphore_mem>>
    %dma_wait3A_4382 = tpu.memref_squeeze %dma_wait3A_4381 : memref<1x!tpu.dma_semaphore, #tpu.memory_space<semaphore_mem>> -> memref<!tpu.dma_semaphore, #tpu.memory_space<semaphore_mem>>
    tpu.wait_indirect_dma semaphore(%dma_wait3A_4382 : memref<!tpu.dma_semaphore, #tpu.memory_space<semaphore_mem>>) src(%dma_wait3A_4380 : memref<26000x128xf32, #tpu.memory_space<hbm>>) dst(%dma_wait3A_4374 : memref<128x128xf32, #tpu.memory_space<vmem>>)
    %dma_start3A_4383 = arith.constant 0 : i32
    %dma_start3A_4384 = arith.constant 0 : i32
    %dma_start3A_4385 = arith.constant 0 : i32
    %dma_start3A_4386 = arith.constant 0 : i32
    %dma_start3A_4387 = tpu.memref_slice %arg7[%dma_start3A_4383, %dma_start3A_4385, %dma_start3A_4386] : memref<5x128x128xf32, #tpu.memory_space<vmem>> -> memref<1x128x128xf32, #tpu.memory_space<vmem>>
    %dma_start3A_4388 = tpu.memref_squeeze %dma_start3A_4387 : memref<1x128x128xf32, #tpu.memory_space<vmem>> -> memref<128x128xf32, #tpu.memory_space<vmem>>
    %dma_start3A_4389 = arith.constant 3200 : i32
    %dma_start3A_4390 = tpu.memref_slice %arg5[%mul3A_2, %dma_start3A_4389] : memref<4096x3341xf32, #tpu.memory_space<hbm>> -> memref<128x128xf32, #tpu.memory_space<hbm>>
    %dma_start3A_4391 = tpu.memref_slice %arg10[%dma_start3A_4384] : memref<5x!tpu.dma_semaphore, #tpu.memory_space<semaphore_mem>> -> memref<1x!tpu.dma_semaphore, #tpu.memory_space<semaphore_mem>>
    %dma_start3A_4392 = tpu.memref_squeeze %dma_start3A_4391 : memref<1x!tpu.dma_semaphore, #tpu.memory_space<semaphore_mem>> -> memref<!tpu.dma_semaphore, #tpu.memory_space<semaphore_mem>>
    %dma_start3A_4393 = arith.constant 3200 : i32
    %dma_start3A_4394 = tpu.memref_slice %arg5[%mul3A_2, %dma_start3A_4393] : memref<4096x3341xf32, #tpu.memory_space<hbm>> -> memref<128x128xf32, #tpu.memory_space<hbm>>
    %dma_start3A_4395 = arith.constant 0 : i32
    %dma_start3A_4396 = arith.constant 0 : i32
    %dma_start3A_4397 = tpu.memref_slice %arg7[%dma_start3A_4383, %dma_start3A_4395, %dma_start3A_4396] : memref<5x128x128xf32, #tpu.memory_space<vmem>> -> memref<1x128x128xf32, #tpu.memory_space<vmem>>
    %dma_start3A_4398 = tpu.memref_squeeze %dma_start3A_4397 : memref<1x128x128xf32, #tpu.memory_space<vmem>> -> memref<128x128xf32, #tpu.memory_space<vmem>>
    tpu.enqueue_dma source(%dma_start3A_4398 : memref<128x128xf32, #tpu.memory_space<vmem>>) target(%dma_start3A_4394 : memref<128x128xf32, #tpu.memory_space<hbm>>) target_semaphore(%dma_start3A_4392 : memref<!tpu.dma_semaphore, #tpu.memory_space<semaphore_mem>>)
    %dma_wait3A_4399 = arith.constant 0 : i32
    %dma_wait3A_4400 = arith.constant 0 : i32
    %dma_wait3A_4401 = arith.constant 0 : i32
    %dma_wait3A_4402 = arith.constant 0 : i32
    %dma_wait3A_4403 = tpu.memref_slice %arg7[%dma_wait3A_4399, %dma_wait3A_4401, %dma_wait3A_4402] : memref<5x128x128xf32, #tpu.memory_space<vmem>> -> memref<1x128x128xf32, #tpu.memory_space<vmem>>
    %dma_wait3A_4404 = tpu.memref_squeeze %dma_wait3A_4403 : memref<1x128x128xf32, #tpu.memory_space<vmem>> -> memref<128x128xf32, #tpu.memory_space<vmem>>
    %dma_wait3A_4405 = arith.constant 3200 : i32
    %dma_wait3A_4406 = tpu.memref_slice %arg5[%mul3A_2, %dma_wait3A_4405] : memref<4096x3341xf32, #tpu.memory_space<hbm>> -> memref<128x128xf32, #tpu.memory_space<hbm>>
    %dma_wait3A_4407 = tpu.memref_slice %arg10[%dma_wait3A_4400] : memref<5x!tpu.dma_semaphore, #tpu.memory_space<semaphore_mem>> -> memref<1x!tpu.dma_semaphore, #tpu.memory_space<semaphore_mem>>
    %dma_wait3A_4408 = tpu.memref_squeeze %dma_wait3A_4407 : memref<1x!tpu.dma_semaphore, #tpu.memory_space<semaphore_mem>> -> memref<!tpu.dma_semaphore, #tpu.memory_space<semaphore_mem>>
    %dma_wait3A_4409 = arith.constant 3200 : i32
    %dma_wait3A_4410 = tpu.memref_slice %arg5[%mul3A_2, %dma_wait3A_4409] : memref<4096x3341xf32, #tpu.memory_space<hbm>> -> memref<128x128xf32, #tpu.memory_space<hbm>>
    %dma_wait3A_4411 = arith.constant 0 : i32
    %dma_wait3A_4412 = arith.constant 0 : i32
    %dma_wait3A_4413 = tpu.memref_slice %arg7[%dma_wait3A_4399, %dma_wait3A_4411, %dma_wait3A_4412] : memref<5x128x128xf32, #tpu.memory_space<vmem>> -> memref<1x128x128xf32, #tpu.memory_space<vmem>>
    %dma_wait3A_4414 = tpu.memref_squeeze %dma_wait3A_4413 : memref<1x128x128xf32, #tpu.memory_space<vmem>> -> memref<128x128xf32, #tpu.memory_space<vmem>>
    tpu.wait_dma2 semaphore(%dma_wait3A_4408 : memref<!tpu.dma_semaphore, #tpu.memory_space<semaphore_mem>>) src(%dma_wait3A_4414 : memref<128x128xf32, #tpu.memory_space<vmem>>) dst(%dma_wait3A_4410 : memref<128x128xf32, #tpu.memory_space<hbm>>)
    %dma_wait3A_4415 = arith.constant 3328 : i32
    %dma_wait3A_4416 = tpu.memref_slice %arg5[%mul3A_2, %dma_wait3A_4415] : memref<4096x3341xf32, #tpu.memory_space<hbm>> -> memref<128x13xf32, #tpu.memory_space<hbm>>
    %dma_wait3A_4417 = arith.constant 3328 : i32
    %dma_wait3A_4418 = tpu.memref_slice %arg5[%mul3A_2, %dma_wait3A_4417] : memref<4096x3341xf32, #tpu.memory_space<hbm>> -> memref<128x13xf32, #tpu.memory_space<hbm>>
    tpu.wait_dma2 semaphore(%arg11 : memref<!tpu.dma_semaphore, #tpu.memory_space<semaphore_mem>>) src(%arg8 : memref<128x13xf32, #tpu.memory_space<vmem>>) dst(%dma_wait3A_4418 : memref<128x13xf32, #tpu.memory_space<hbm>>)
    return
  }
}

</mosaic_0001>

<sc_bundles>
// kernel: kernel.3.cloned.1.call-start
scs
__scs_entry_jumppad:
0x0: {  	(pc) =	sbr.rel $0x88, $3  }
0x1: {  	(tag) =	ssettag $0x0;
	lr =	simm.s32 $0x1  }
0x2: {  	[smem:$0x3F9E] =	sst lr;
	_ =	strace $0xD0000000  }
0x3: {  	_ = 	snop  }
0x4: {  	_ = 	snop  }
0x5: {  	_ = 	snop  }
0x6: {  	_ = 	snop  }
0x7: {  	_ = 	snop  }
__scs_overlays_trampoline_lowered:
0x8: {  	[smem:$0x3FAD] =	sst s0  }
0x9: {  	[smem:$0x3FAE] =	sst s1  }
0xa: {  	[smem:$0x3FAF] =	sst s2  }
0xb: {  	[smem:$0x3FB0] =	sst s3  }
0xc: {  	[smem:$0x3FB1] =	sst s4  }
0xd: {  	[smem:$0x3FB2] =	sst s5  }
0xe: {  	[smem:$0x3FB3] =	sst s6  }
0xf: {  	[smem:$0x3FB4] =	sst s7  }
0x10: {  	[smem:$0x3FB5] =	sst s8  }
0x11: {  	[smem:$0x3FB6] =	sst s9;
	s0 =	simm.s32 @!p0 $0x0  }
0x12: {  	s1 =	sld [smem:$0x3F9C];
	s0 =	simm.s32 @p0 $0x1  }
0x13: {  	[smem:$0x3FB7] =	sst s0;
	s0 =	simm.s32 @!p1 $0x0  }
0x14: {  	s2 =	sld [smem:$0x3F9B];
	s0 =	simm.s32 @p1 $0x1  }
0x15: {  	[smem:$0x3FB8] =	sst s0;
	s0 =	simm.s32 @!p2 $0x0  }
0x16: {  	s3 =	sld [smem:$0x3FDB];
	s0 =	simm.s32 @p2 $0x1  }
0x17: {  	s4 =	simm.s32 $0x1BF5;
	[smem:$0x3FBA] =	sst s0  }
0x18: {  	s0 =	sld [smem:$0x3F9D];
	_ =	swait.ge [sflag:s4], $0x0  }
0x19: {  	s7 =	sld [smem:$0x3F9E]  }
0x1a: {  	s8 =	sadd.s32 $0xFFFFE003, lr  }
0x1b: {  	s9 =	sadd.s32 $0xFFFFFEF7, lr;
	s5 =	simm.s32 $0xFFFFFFFF;
	p2 =	slt.u32 s8, $0xFFFFF086  }
0x1c: {  	p1 =	slt.u32 s9, $0xF7A;
	s5 =	simm.s32 @!p2 $0x0  }
0x1d: {  	s5 =	simm.s32 @p1 $0x1;
	p0 =	seq.s32 s7, s2  }
0x1e: {  	s7 =	smul.u32 @!p0 $0xF7A, s2;
	p2 =	seq.s32 @!p0 s5, $0x0  }
0x1f: {  	s9 =	smul.u32 $0xF7A, s1;
	s8 =	simm.s32 @!p0 $0x1BF5;
	p2 =	por !p2, p0  }
0x20: {  	[sflag:s8] =	ssyncset.s32 @!p0 $0xFFFFF086;
	s6 =	sadd.s32 @!p0 s3, s7;
	s7 =	simm.s32 @!p0 $0x108  }
0x21: {  	s3 =	sadd.s32 s3, s9;
	s6 =	sadd.s32 @!p0 $0x88, s6;
	s7 =	simm.s32 @p2 $0x1082  }
0x22: {  	[simem:s7], [sflag:s8] =	dma.local @!p0 [hbm:s6], $0xF7A  }
0x23: {  	s9 =	sor.u32 $0xD0000000, s2;
	s6 =	simm.s32 $0x108;
	_ =	swait.ge @!p0 [sflag:s8], $0x0  }
0x24: {  	s3 =	sadd.s32 $0x88, s3;
	s6 =	simm.s32 @!p1 $0x1082;
	[sflag:s4] =	ssyncset.s32 $0xFFFFF086  }
0x25: {  	[simem:s6], [sflag:s4] =	dma.local [hbm:s3], $0xF7A  }
0x26: {  	[smem:$0x3F9E] =	sst s1;
	(tag) =	ssettag s2;
	_ =	strace s9  }
0x27: {  	s1 =	sld [smem:$0x3FAE]  }
0x28: {  	s2 =	sld [smem:$0x3FAF]  }
0x29: {  	s4 =	sld [smem:$0x3FB1]  }
0x2a: {  	p0 =	seq.s32 s5, $0x0;
	s5 =	sld [smem:$0x3FB2]  }
0x2b: {  	s6 =	sld [smem:$0x3FB3]  }
0x2c: {  	s7 =	sld [smem:$0x3FB4]  }
0x2d: {  	s3 =	simm.s32 $0x108;
	s8 =	sld [smem:$0x3FB5]  }
0x2e: {  	s3 =	simm.s32 @!p0 $0x1082;
	s9 =	sld [smem:$0x3FB6]  }
0x2f: {  	lr =	sadd.s32 s0, s3;
	s0 =	sld [smem:$0x3FAD]  }
0x30: {  	s3 =	sld [smem:$0x3FB0]  }
0x31: {  	[smem:$0x3FB9] =	sst s10  }
0x32: {  	s10 =	sld [smem:$0x3FB7];
	_ =	sdelay $0x3  }
0x33: {  	p0 =	seq.s32 s10, $0x1;
	s10 =	sld [smem:$0x3FB9];
	_ =	sdelay $0x3  }
0x34: {  	[smem:$0x3FB9] =	sst s10  }
0x35: {  	s10 =	sld [smem:$0x3FB8];
	_ =	sdelay $0x3  }
0x36: {  	p1 =	seq.s32 s10, $0x1;
	s10 =	sld [smem:$0x3FB9];
	_ =	sdelay $0x3  }
0x37: {  	[smem:$0x3FB9] =	sst s10  }
0x38: {  	s10 =	sld [smem:$0x3FBA]  }
0x39: {  	_ = 	snop;
	(pc) =	sbr.ind lr, $3  }
0x3a: {  	_ = 	snop  }
0x3b: {  	_ = 	snop  }
0x3c: {  	p2 =	seq.s32 s10, $0x1;
	s10 =	sld [smem:$0x3FB9]  }
0x3d: {  	_ =	shalt  }
0x3e: {  	_ =	shalt  }
0x3f: {  	_ =	shalt  }
0x40: {  	_ =	shalt  }
0x41: {  	_ =	shalt  }
0x42: {  	_ =	shalt  }
0x43: {  	_ =	shalt  }
0x44: {  	_ =	shalt  }
0x45: {  	_ =	shalt  }
0x46: {  	_ =	shalt  }
0x47: {  	_ =	shalt  }
0x48: {  	_ =	shalt  }
0x49: {  	_ =	shalt  }
0x4a: {  	_ =	shalt  }
0x4b: {  	_ =	shalt  }
0x4c: {  	_ =	shalt  }
0x4d: {  	_ =	shalt  }
0x4e: {  	_ =	shalt  }
0x4f: {  	_ =	shalt  }
0x50: {  	_ =	shalt  }
0x51: {  	_ =	shalt  }
0x52: {  	_ =	shalt  }
0x53: {  	_ =	shalt  }
0x54: {  	_ =	shalt  }
0x55: {  	_ =	shalt  }
0x56: {  	_ =	shalt  }
0x57: {  	_ =	shalt  }
0x58: {  	_ =	shalt  }
0x59: {  	_ =	shalt  }
0x5a: {  	_ =	shalt  }
0x5b: {  	_ =	shalt  }
0x5c: {  	_ =	shalt  }
0x5d: {  	_ =	shalt  }
0x5e: {  	_ =	shalt  }
0x5f: {  	_ =	shalt  }
0x60: {  	_ =	shalt  }
0x61: {  	_ =	shalt  }
0x62: {  	_ =	shalt  }
0x63: {  	_ =	shalt  }
0x64: {  	_ =	shalt  }
0x65: {  	_ =	shalt  }
0x66: {  	_ =	shalt  }
0x67: {  	_ =	shalt  }
0x68: {  	_ =	shalt  }
0x69: {  	_ =	shalt  }
0x6a: {  	_ =	shalt  }
0x6b: {  	_ =	shalt  }
0x6c: {  	_ =	shalt  }
0x6d: {  	_ =	shalt  }
0x6e: {  	_ =	shalt  }
0x6f: {  	_ =	shalt  }
0x70: {  	_ =	shalt  }
0x71: {  	_ =	shalt  }
0x72: {  	_ =	shalt  }
0x73: {  	_ =	shalt  }
0x74: {  	_ =	shalt  }
0x75: {  	_ =	shalt  }
0x76: {  	_ =	shalt  }
0x77: {  	_ =	shalt  }
0x78: {  	_ =	shalt  }
0x79: {  	_ =	shalt  }
0x7a: {  	_ =	shalt  }
0x7b: {  	_ =	shalt  }
0x7c: {  	_ =	shalt  }
0x7d: {  	_ =	shalt  }
0x7e: {  	_ =	shalt  }
0x7f: {  	_ =	shalt  }
0x80: {  	_ =	shalt  }
0x81: {  	_ =	shalt  }
0x82: {  	_ =	shalt  }
0x83: {  	_ =	shalt  }
0x84: {  	_ =	shalt  }
0x85: {  	_ =	shalt  }
0x86: {  	_ =	shalt  }
0x87: {  	_ =	shalt  }
.Lfunc_end0:
.L_simem_size_0:
called_computation_lowered:
.L_overlay_start_0:
0x88: {  	s2 =	sld [smem:$0x3FD9]  }
0x89: {  	s3 =	sld [smem:$0x3FFE];
	_ =	sdelay $0x1  }
0x8a: {  	s1 =	srdreg.scid  }
0x8b: {  	s0 =	sand.u32 $0x1, s1  }
0x8c: {  	s17 =	sshll.u32 s0, $0xA;
	s2 =	sadd.s32 s3, s2  }
0x8d: {  	s2 =	sadd.s32 s2, s17  }
0x8e: {  	[smem:$0x3FC5] =	sst s2  }
0x8f: {  	_ = 	snop  }
0x90: {  	s2 =	sld [smem:$0x3FC9]  }
0x91: {  	s18 =	sld [smem:$0x3FC7]  }
0x92: {  	s4 =	sld [smem:$0x3FD0];
	(tm) =	ssettm $0x1  }
0x93: {  	s5 =	sld [smem:$0x3FFB];
	_ =	sdelay $0x3  }
0x94: {  	_ =	strace s5  }
0x95: {  	s5 =	sld [smem:$0x3FFC];
	_ =	sdelay $0x3  }
0x96: {  	_ =	strace s5  }
0x97: {  	s5 =	sld [smem:$0x3FFD];
	_ =	sdelay $0x3  }
0x98: {  	_ =	strace s5  }
0x99: {  	_ =	strace $0x8FFFFFFF  }
0x9a: {  	s19 =	sld [smem:$0x3FDB];
	_ =	sdelay $0x1  }
0x9b: {  	s6 =	simm.s32 $_scs_section_size  }
0x9c: {  	s7 =	simm.s32 $_size__tile_overlayer_lowered;
	s8 =	simm.s32 $_tile_overlayer_lowered  }
0x9d: {  	s22 =	simm.s32 $0x1BFF;
	s21 =	sshll.u32 s8, $0x1;
	s5 =	sadd.s32 s6, s19  }
0x9e: {  	s9 =	simm.s32 $0x0;
	s20 =	sshll.u32 s7, $0x1;
	s7 =	sadd.s32 s21, s5  }
0x9f: {  	[timem:s9], [sflag:s22] =	dma.local [hbm:s7], s20  }
0xa0: {  	_ =	swait.ge [sflag:s22], s20  }
0xa1: {  	s6 =	ssub.s32 $0x0, s20;
	[sflag:s22] =	ssyncset.done $0x0  }
0xa2: {  	[sflag:s22] =	ssyncadd.s32 s6;
	_ =	sdelay $0x1  }
0xa3: {  	s23 =	simm.s32 $0x1B8B  }
0xa4: {  	_ =	swait.ge [sflag:s23], $0x1  }
0xa5: {  	[sflag:s23] =	ssyncset.done $0x0  }
0xa6: {  	s25 =	simm.s32 $0x1B8E;
	s24 =	sld [smem:$0x3FFE];
	[sflag:s23] =	ssyncadd.s32 $0xFFFFFFFF  }
0xa7: {  	s26 =	simm.s32 $execute0_lowered;
	[smem:$0x3FD2] =	sst s25  }
0xa8: {  	s7 =	sshll.u32 s26, $0x1;
	_ =	strace $0x80000046;
	[dreg:$0x1] =	wrdreg $0xFFFFFFFF  }
0xa9: {  	s28 =	simm.s32 $_size_execute0_lowered;
	s5 =	sadd.s32 s5, s7;
	[dreg:$0x0] =	wrdreg $0x0  }
0xaa: {  	s7 =	sshll.u32 s28, $0x1;
	[dreg:$0x2] =	wrdreg s5  }
0xab: {  	[dreg:$0x3] =	wrdreg s7  }
0xac: {  	[dreg:$0x4] =	wrdreg $0xC0  }
0xad: {  	_ =	task [dreg:s9], $0x5FFFF  }
0xae: {  	[dreg:$0x1] =	wrdreg $0xFFFFFFFF  }
0xaf: {  	[dreg:$0x0] =	wrdreg $0x60  }
0xb0: {  	[dreg:$0x2] =	wrdreg s2  }
0xb1: {  	[dreg:$0x3] =	wrdreg s4  }
0xb2: {  	[dreg:$0x4] =	wrdreg s18  }
0xb3: {  	[dreg:$0x5] =	wrdreg s24  }
0xb4: {  	[dreg:$0x6] =	wrdreg $0x9  }
0xb5: {  	_ =	task.clear_ibuf [dreg:s9], $0x7FFFF;
	_ =	strace $0x90000046  }
0xb6: {  	s29 =	simm.s32 $0x9;
	_ =	strace $0x80000048  }
0xb7: {  	_ =	swait.ge [sflag:s29], $0x1  }
0xb8: {  	[sflag:s29] =	ssyncadd.s32 $0xFFFFFFFF  }
0xb9: {  	_ =	strace $0x90000048  }
0xba: {  	_ =	sfence  }
0xbb: {  	s30 =	sld [smem:$0x0];
	_ =	sdelay $0x2  }
0xbc: {  	s31 =	sshll.u32 s1, $0xD;
	s1 =	sshrl.u32 s1, $0x2  }
0xbd: {  	s3 =	sand.u32 $0x4000, s31;
	s1 =	sadd.s32 s1, s30  }
0xbe: {  	s0 =	sor.u32 s3, s0;
	s1 =	sshll.u32 s1, $0x11  }
0xbf: {  	s0 =	sor.u32 s1, s0  }
0xc0: {  	s0 =	sadd.s32 $0x8F2B, s0  }
0xc1: {  	[sflag:s0] =	ssyncadd.remote.s32 $0x1  }
0xc2: {  	_ =	sfence.sel $0xFFFF  }
0xc3: {  	[dreg:$0x0] =	wrdreg $0xFFFFFFFF;
	(pc) =	sbr.abs _section_cstart, $3  }
0xc4: {  	[dreg:$0x1] =	wrdreg $0xFFFFFFFF  }
0xc5: {  	_ =	task.clear_ibuf [dreg:s9], $0x2FFFF;
	_ =	strace $0x9FFFFFFF  }
0xc6: {  	(tm) =	ssettm $0x7FFFFFFF  }
0xc7: {  	_ =	shalt  }
tec
execute0_lowered:
.L_overlay_start_1:
0x0: {  	(tag) =	ssettag $0x1  }
0x1: {  	s1 =	srdreg.scid  }
0x2: {  	s0 =	stileid.u32;
	s6 =	sand.u32 $0x1, s1  }
0x3: {  	s12 =	sshll.u32 s0, $0x8;
	s2 =	sshll.u32 s6, $0x7  }
0x4: {  	s5 =	sor.u32 s2, s12  }
0x5: {  	s4 =	rddreg [dreg:$0x0];
	s1 =	sshrl.u32 s5, $0x3  }
0x6: {  	s7 =	rddreg [dreg:$0x1];
	s9 =	smul.u32 $0x6C00, s1  }
0x7: {  	s8 =	rddreg [dreg:$0x3];
	s3 =	simm.s32 $0x0  }
0x8: {  	[smem:$0x7FF] =	sst s3;
	s10 =	sshll.u32 s5, $0x4;
	s9 =	sshrl.u32 s9, $0x3  }
0x9: {  	s2 =	rddreg [dreg:$0x2];
	s7 =	sadd.s32 s7, s10;
	s8 =	sadd.s32 s9, s8  }
0xa: {  	_ =	strace $0x80000047;
	[dreg:$0x5] =	wrdreg s7;
	s13 =	sadd.s32 $0x1100, s8  }
0xb: {  	s14 =	sadd.s32 $0x400, s8;
	[dreg:$0x6] =	wrdreg s13  }
0xc: {  	s15 =	sadd.s32 $0x480, s8;
	[dreg:$0x7] =	wrdreg s14  }
0xd: {  	s16 =	sadd.s32 $0x500, s8;
	[dreg:$0x8] =	wrdreg s15  }
0xe: {  	s17 =	sadd.s32 $0x580, s8;
	[dreg:$0x9] =	wrdreg s16  }
0xf: {  	s18 =	sadd.s32 $0x600, s8;
	[dreg:$0xa] =	wrdreg s17  }
0x10: {  	s19 =	sadd.s32 $0x680, s8;
	[dreg:$0xb] =	wrdreg s18  }
0x11: {  	s20 =	sadd.s32 $0x700, s8;
	[dreg:$0xc] =	wrdreg s19  }
0x12: {  	s21 =	sadd.s32 $0x780, s8;
	[dreg:$0xd] =	wrdreg s20  }
0x13: {  	s22 =	sadd.s32 $0x800, s8;
	[dreg:$0xe] =	wrdreg s21  }
0x14: {  	s23 =	sadd.s32 $0x880, s8;
	[dreg:$0xf] =	wrdreg s22  }
0x15: {  	s24 =	sadd.s32 $0x900, s8;
	[dreg:$0x10] =	wrdreg s23  }
0x16: {  	s25 =	sadd.s32 $0x980, s8;
	[dreg:$0x11] =	wrdreg s24  }
0x17: {  	s26 =	sadd.s32 $0xA00, s8;
	[dreg:$0x12] =	wrdreg s25  }
0x18: {  	s0 =	sadd.s32 $0xA80, s8;
	[dreg:$0x13] =	wrdreg s26  }
0x19: {  	s1 =	sadd.s32 $0xB00, s8;
	[dreg:$0x14] =	wrdreg s0  }
0x1a: {  	s9 =	sadd.s32 $0xB80, s8;
	[dreg:$0x15] =	wrdreg s1  }
0x1b: {  	s10 =	sadd.s32 $0xC00, s8;
	[dreg:$0x16] =	wrdreg s9  }
0x1c: {  	s11 =	sadd.s32 $0xC80, s8;
	[dreg:$0x17] =	wrdreg s10  }
0x1d: {  	s12 =	sadd.s32 $0xD00, s8;
	[dreg:$0x18] =	wrdreg s11  }
0x1e: {  	[dreg:$0x19] =	wrdreg s12;
	s13 =	sadd.s32 $0xD80, s8  }
0x1f: {  	s14 =	sadd.s32 $0xE00, s8;
	[dreg:$0x1a] =	wrdreg s13  }
0x20: {  	s28 =	simm.s32 $0xB00;
	s15 =	sadd.s32 $0xE80, s8;
	[dreg:$0x1b] =	wrdreg s14  }
0x21: {  	s29 =	simm.s32 $0xB80;
	s16 =	sadd.s32 $0xF00, s8;
	[dreg:$0x1c] =	wrdreg s15  }
0x22: {  	s30 =	simm.s32 $0xC80;
	s17 =	sadd.s32 $0xF80, s8;
	[dreg:$0x1d] =	wrdreg s16  }
0x23: {  	s31 =	simm.s32 $0xB;
	s18 =	sadd.s32 $0x1000, s8;
	[dreg:$0x1e] =	wrdreg s17  }
0x24: {  	s6 =	ssub.s32 $0x2, s6;
	s20 =	sadd.s32 $0x1080, s8;
	[dreg:$0x1f] =	wrdreg s18  }
0x25: {  	s4 =	sadd.s32 s4, s5;
	s21 =	simm.s32 $0x8000;
	[smem:$0x7E9] =	sst s20  }
0x26: {  	s7 =	simm.s32 $0xC;
	s22 =	simm.s32 $0x100;
	[smem:$0x7EA] =	sst s21  }
0x27: {  	s19 =	sshrl.u32 s6, $0x1;
	s23 =	simm.s32 $0x180;
	[smem:$0x7EB] =	sst s22  }
0x28: {  	s24 =	simm.s32 $0x200;
	s25 =	simm.s32 $0x280;
	[smem:$0x7EC] =	sst s23  }
0x29: {  	s8 =	simm.s32 $0x400;
	s26 =	simm.s32 $0x300;
	[smem:$0x7ED] =	sst s24  }
0x2a: {  	s9 =	simm.s32 $0x6C00;
	s11 =	simm.s32 $0x380;
	[smem:$0x7EE] =	sst s25  }
0x2b: {  	s10 =	simm.s32 $0xC00;
	s12 =	simm.s32 $0x480;
	[smem:$0x7EF] =	sst s26  }
0x2c: {  	s6 =	ssub.s32 s6, s19;
	[smem:$0x7F0] =	sst s11;
	s11 =	simm.s32 $0x80  }
0x2d: {  	[smem:$0x7F1] =	sst s12;
	s13 =	simm.s32 $0x500;
	s12 =	simm.s32 $0x1000  }
0x2e: {  	s14 =	simm.s32 $0x580;
	s15 =	simm.s32 $0x600;
	s16 =	simm.s32 $0x680  }
0x2f: {  	s17 =	simm.s32 $0x700;
	s18 =	simm.s32 $0x780;
	[smem:$0x7F2] =	sst s13  }
0x30: {  	s19 =	simm.s32 $0x800;
	s20 =	simm.s32 $0x880;
	[smem:$0x7F3] =	sst s14  }
0x31: {  	s21 =	simm.s32 $0x900;
	s22 =	simm.s32 $0x980;
	[smem:$0x7F4] =	sst s15  }
0x32: {  	s23 =	simm.s32 $0xA00;
	s25 =	simm.s32 $0xA80;
	[smem:$0x7F5] =	sst s16  }
0x33: {  	s24 =	simm.s32 $0x9;
	s26 =	simm.s32 $0xA;
	[smem:$0x7F6] =	sst s17  }
0x34: {  	s5 =	smax.u32 s6, $0x1;
	s6 =	simm.s32 $0x15000;
	[smem:$0x7F7] =	sst s18  }
0x35: {  	s13 =	simm.s32 $0x5000;
	s14 =	simm.s32 $0x9000;
	[smem:$0x7F8] =	sst s19  }
0x36: {  	s15 =	simm.s32 $0xD000;
	s16 =	simm.s32 $0x1;
	[smem:$0x7F9] =	sst s20  }
0x37: {  	s17 =	simm.s32 $0x6;
	s18 =	simm.s32 $0x11000;
	[smem:$0x7FA] =	sst s21  }
0x38: {  	s19 =	simm.s32 $0x2;
	s20 =	simm.s32 $0x7;
	[smem:$0x7FB] =	sst s22  }
0x39: {  	s21 =	simm.s32 $0x3;
	s22 =	simm.s32 $0x8;
	[smem:$0x7FC] =	sst s23  }
0x3a: {  	s23 =	simm.s32 $0x4;
	[smem:$0x7FD] =	sst s25;
	s25 =	simm.s32 $0x5  }
.LBB2_1:
0x3b: {  	s1 =	rddreg [dreg:$0x5]  }
0x3c: {  	[tilespmem:s6], [sflag:$0xC] =	stream.linear.gather [hbm4b:s1+s3], $0x4000, $0x38;
	[tilespmem:$0x19000] =	vst v63  }
0x3d: {  	_ =	swait.ge [sflag:s7], $0x4000  }
0x3e: {  	s1 =	rddreg [dreg:$0x6];
	[sflag:s7] =	ssyncset.done $0x0  }
0x3f: {  	s0 =	sld [smem:$0x7EA];
	[sflag:s7] =	ssyncadd.s32 $0xFFFFC000  }
0x40: {  	[hbm4b:s1+s8] =	stream.strided.scatter [tilespmem:s6], [sflag:$0xB], $0x4000, s9, s8, $0x38;
	[tilespmem:$0x19000] =	vst v63  }
0x41: {  	_ = 	snop  }
0x42: {  	[tilespmem:s3], [sflag:$0xC] =	stream.strided.gather [hbm4b:s4+s8], $0xC00, s0, s8, $0x38;
	[tilespmem:$0x19000] =	vst v63  }
0x43: {  	s1 =	sadd.s32 $0x3000, s4  }
0x44: {  	[tilespmem:s10], [sflag:$0xC] =	stream.linear.gather [hbm4b:s1+s3], $0x100, $0x38;
	[tilespmem:$0x19000] =	vst v63  }
0x45: {  	_ =	swait.ge [sflag:s7], $0xD00  }
0x46: {  	[sflag:s7] =	ssyncset.done $0x0  }
0x47: {  	[sflag:s7] =	ssyncadd.s32 $0xFFFFF300  }
0x48: {  	v0 =	vld [tilespmem:$0x80]  }
0x49: {  	v1 =	vld [tilespmem:$0x90]  }
0x4a: {  	v2 =	vld [tilespmem:$0xA0]  }
0x4b: {  	v3 =	vld [tilespmem:$0xB0]  }
0x4c: {  	v4 =	vld [tilespmem:$0xC0]  }
0x4d: {  	v5 =	vld [tilespmem:$0xD0];
	v0 =	vadd.s32 $0x3E8, v0  }
0x4e: {  	v11 =	vld [tilespmem:$0xE0];
	v10 =	vadd.s32 $0x3E8, v1;
	[tilespmem:$0x80] =	vst v0  }
0x4f: {  	v13 =	vld [tilespmem:$0xF0];
	v12 =	vadd.s32 $0x3E8, v2;
	[tilespmem:$0x90] =	vst v10  }
0x50: {  	v15 =	vld [tilespmem:$0x100];
	v14 =	vadd.s32 $0x3E8, v3;
	[tilespmem:$0xA0] =	vst v12  }
0x51: {  	v17 =	vld [tilespmem:$0x110];
	v16 =	vadd.s32 $0x3E8, v4;
	[tilespmem:$0xB0] =	vst v14  }
0x52: {  	v19 =	vld [tilespmem:$0x120];
	v18 =	vadd.s32 $0x3E8, v5;
	[tilespmem:$0xC0] =	vst v16  }
0x53: {  	v21 =	vld [tilespmem:$0x130];
	v20 =	vadd.s32 $0x3E8, v11;
	[tilespmem:$0xD0] =	vst v18  }
0x54: {  	v23 =	vld [tilespmem:$0x140];
	v22 =	vadd.s32 $0x3E8, v13;
	[tilespmem:$0xE0] =	vst v20  }
0x55: {  	v25 =	vld [tilespmem:$0x150];
	v24 =	vadd.s32 $0x7D0, v15;
	[tilespmem:$0xF0] =	vst v22  }
0x56: {  	v27 =	vld [tilespmem:$0x160];
	v26 =	vadd.s32 $0x7D0, v17;
	[tilespmem:$0x100] =	vst v24  }
0x57: {  	v29 =	vld [tilespmem:$0x170];
	v28 =	vadd.s32 $0x7D0, v19;
	[tilespmem:$0x110] =	vst v26  }
0x58: {  	v31 =	vld [tilespmem:$0x180];
	v30 =	vadd.s32 $0x7D0, v21;
	[tilespmem:$0x120] =	vst v28  }
0x59: {  	v33 =	vld [tilespmem:$0x190];
	v32 =	vadd.s32 $0x7D0, v23;
	[tilespmem:$0x130] =	vst v30  }
0x5a: {  	v35 =	vld [tilespmem:$0x1A0];
	v34 =	vadd.s32 $0x7D0, v25;
	[tilespmem:$0x140] =	vst v32  }
0x5b: {  	v37 =	vld [tilespmem:$0x1B0];
	v36 =	vadd.s32 $0x7D0, v27;
	[tilespmem:$0x150] =	vst v34  }
0x5c: {  	v39 =	vld [tilespmem:$0x1C0];
	v38 =	vadd.s32 $0x7D0, v29;
	[tilespmem:$0x160] =	vst v36  }
0x5d: {  	v41 =	vld [tilespmem:$0x1D0];
	v40 =	vadd.s32 $0xBB8, v31;
	[tilespmem:$0x170] =	vst v38  }
0x5e: {  	v43 =	vld [tilespmem:$0x1E0];
	v42 =	vadd.s32 $0xBB8, v33;
	[tilespmem:$0x180] =	vst v40  }
0x5f: {  	v45 =	vld [tilespmem:$0x1F0];
	v44 =	vadd.s32 $0xBB8, v35;
	[tilespmem:$0x190] =	vst v42  }
0x60: {  	v47 =	vld [tilespmem:$0x200];
	v46 =	vadd.s32 $0xBB8, v37;
	[tilespmem:$0x1A0] =	vst v44  }
0x61: {  	v49 =	vld [tilespmem:$0x210];
	v48 =	vadd.s32 $0xBB8, v39;
	[tilespmem:$0x1B0] =	vst v46  }
0x62: {  	v51 =	vld [tilespmem:$0x220];
	v50 =	vadd.s32 $0xBB8, v41;
	[tilespmem:$0x1C0] =	vst v48  }
0x63: {  	v53 =	vld [tilespmem:$0x230];
	v52 =	vadd.s32 $0xBB8, v43;
	[tilespmem:$0x1D0] =	vst v50  }
0x64: {  	v55 =	vld [tilespmem:$0x240];
	v54 =	vadd.s32 $0xBB8, v45;
	[tilespmem:$0x1E0] =	vst v52  }
0x65: {  	v57 =	vld [tilespmem:$0x250];
	v56 =	vadd.s32 $0xFA0, v47;
	[tilespmem:$0x1F0] =	vst v54  }
0x66: {  	v59 =	vld [tilespmem:$0x260];
	v58 =	vadd.s32 $0xFA0, v49;
	[tilespmem:$0x200] =	vst v56  }
0x67: {  	v61 =	vld [tilespmem:$0x270];
	v60 =	vadd.s32 $0xFA0, v51;
	[tilespmem:$0x210] =	vst v58  }
0x68: {  	v63 =	vld [tilespmem:$0x280];
	v62 =	vadd.s32 $0xFA0, v53;
	[tilespmem:$0x220] =	vst v60  }
0x69: {  	v9 =	vld [tilespmem:$0x290];
	v8 =	vadd.s32 $0xFA0, v55;
	[tilespmem:$0x230] =	vst v62  }
0x6a: {  	v11 =	vld [tilespmem:$0x2A0];
	[tilespmem:$0x240] =	vst v8;
	v10 =	vadd.s32 $0xFA0, v57  }
0x6b: {  	v13 =	vld [tilespmem:$0x2B0];
	v12 =	vadd.s32 $0xFA0, v59;
	[tilespmem:$0x250] =	vst v10  }
0x6c: {  	v15 =	vld [tilespmem:$0x2C0];
	v14 =	vadd.s32 $0xFA0, v61;
	[tilespmem:$0x260] =	vst v12  }
0x6d: {  	v17 =	vld [tilespmem:$0x2D0];
	v16 =	vadd.s32 $0x1388, v63;
	[tilespmem:$0x270] =	vst v14  }
0x6e: {  	v19 =	vld [tilespmem:$0x2E0];
	v18 =	vadd.s32 $0x1388, v9;
	[tilespmem:$0x280] =	vst v16  }
0x6f: {  	v21 =	vld [tilespmem:$0x2F0];
	[tilespmem:$0x290] =	vst v18;
	v20 =	vadd.s32 $0x1388, v11  }
0x70: {  	v23 =	vld [tilespmem:$0x300];
	v22 =	vadd.s32 $0x1388, v13;
	[tilespmem:$0x2A0] =	vst v20  }
0x71: {  	v25 =	vld [tilespmem:$0x310];
	v24 =	vadd.s32 $0x1388, v15;
	[tilespmem:$0x2B0] =	vst v22  }
0x72: {  	v27 =	vld [tilespmem:$0x320];
	v26 =	vadd.s32 $0x1388, v17;
	[tilespmem:$0x2C0] =	vst v24  }
0x73: {  	v29 =	vld [tilespmem:$0x330];
	v28 =	vadd.s32 $0x1388, v19;
	[tilespmem:$0x2D0] =	vst v26  }
0x74: {  	v31 =	vld [tilespmem:$0x340];
	v30 =	vadd.s32 $0x1388, v21;
	[tilespmem:$0x2E0] =	vst v28  }
0x75: {  	v33 =	vld [tilespmem:$0x350];
	v32 =	vadd.s32 $0x1770, v23;
	[tilespmem:$0x2F0] =	vst v30  }
0x76: {  	v35 =	vld [tilespmem:$0x360];
	v34 =	vadd.s32 $0x1770, v25;
	[tilespmem:$0x300] =	vst v32  }
0x77: {  	v37 =	vld [tilespmem:$0x370];
	v36 =	vadd.s32 $0x1770, v27;
	[tilespmem:$0x310] =	vst v34  }
0x78: {  	v39 =	vld [tilespmem:$0x380];
	v38 =	vadd.s32 $0x1770, v29;
	[tilespmem:$0x320] =	vst v36  }
0x79: {  	v41 =	vld [tilespmem:$0x390];
	v40 =	vadd.s32 $0x1770, v31;
	[tilespmem:$0x330] =	vst v38  }
0x7a: {  	v43 =	vld [tilespmem:$0x3A0];
	v42 =	vadd.s32 $0x1770, v33;
	[tilespmem:$0x340] =	vst v40  }
0x7b: {  	v45 =	vld [tilespmem:$0x3B0];
	v44 =	vadd.s32 $0x1770, v35;
	[tilespmem:$0x350] =	vst v42  }
0x7c: {  	v46 =	vadd.s32 $0x1770, v37;
	[tilespmem:$0x360] =	vst v44  }
0x7d: {  	v47 =	vadd.s32 $0x1B58, v39;
	[tilespmem:$0x370] =	vst v46  }
0x7e: {  	v48 =	vadd.s32 $0x1B58, v41;
	[tilespmem:$0x380] =	vst v47  }
0x7f: {  	v49 =	vadd.s32 $0x1B58, v43;
	[tilespmem:$0x390] =	vst v48  }
0x80: {  	v50 =	vadd.s32 $0x1B58, v45;
	[tilespmem:$0x3A0] =	vst v49  }
0x81: {  	[tilespmem:$0x3B0] =	vst v50  }
0x82: {  	v0 =	vld [tilespmem:$0x3C0]  }
0x83: {  	v51 =	vld [tilespmem:$0x3D0]  }
0x84: {  	v52 =	vld [tilespmem:$0x3E0]  }
0x85: {  	v53 =	vld [tilespmem:$0x3F0]  }
0x86: {  	v54 =	vld [tilespmem:$0x400]  }
0x87: {  	v55 =	vld [tilespmem:$0x410];
	v0 =	vadd.s32 $0x1B58, v0  }
0x88: {  	v57 =	vld [tilespmem:$0x420];
	v56 =	vadd.s32 $0x1B58, v51;
	[tilespmem:$0x3C0] =	vst v0  }
0x89: {  	v59 =	vld [tilespmem:$0x430];
	v58 =	vadd.s32 $0x1B58, v52;
	[tilespmem:$0x3D0] =	vst v56  }
0x8a: {  	v61 =	vld [tilespmem:$0x440];
	v60 =	vadd.s32 $0x1B58, v53;
	[tilespmem:$0x3E0] =	vst v58  }
0x8b: {  	v63 =	vld [tilespmem:$0x450];
	v62 =	vadd.s32 $0x1F40, v54;
	[tilespmem:$0x3F0] =	vst v60  }
0x8c: {  	v9 =	vld [tilespmem:$0x460];
	v8 =	vadd.s32 $0x1F40, v55;
	[tilespmem:$0x400] =	vst v62  }
0x8d: {  	v11 =	vld [tilespmem:$0x470];
	v10 =	vadd.s32 $0x1F40, v57;
	[tilespmem:$0x410] =	vst v8  }
0x8e: {  	v13 =	vld [tilespmem:$0x480];
	v12 =	vadd.s32 $0x1F40, v59;
	[tilespmem:$0x420] =	vst v10  }
0x8f: {  	v15 =	vld [tilespmem:$0x490];
	v14 =	vadd.s32 $0x1F40, v61;
	[tilespmem:$0x430] =	vst v12  }
0x90: {  	v17 =	vld [tilespmem:$0x4A0];
	v16 =	vadd.s32 $0x1F40, v63;
	[tilespmem:$0x440] =	vst v14  }
0x91: {  	v19 =	vld [tilespmem:$0x4B0];
	v18 =	vadd.s32 $0x1F40, v9;
	[tilespmem:$0x450] =	vst v16  }
0x92: {  	v21 =	vld [tilespmem:$0x4C0];
	v20 =	vadd.s32 $0x1F40, v11;
	[tilespmem:$0x460] =	vst v18  }
0x93: {  	v23 =	vld [tilespmem:$0x4D0];
	v22 =	vadd.s32 $0x2328, v13;
	[tilespmem:$0x470] =	vst v20  }
0x94: {  	v25 =	vld [tilespmem:$0x4E0];
	v24 =	vadd.s32 $0x2328, v15;
	[tilespmem:$0x480] =	vst v22  }
0x95: {  	v27 =	vld [tilespmem:$0x4F0];
	v26 =	vadd.s32 $0x2328, v17;
	[tilespmem:$0x490] =	vst v24  }
0x96: {  	v29 =	vld [tilespmem:$0x500];
	v28 =	vadd.s32 $0x2328, v19;
	[tilespmem:$0x4A0] =	vst v26  }
0x97: {  	v31 =	vld [tilespmem:$0x510];
	v30 =	vadd.s32 $0x2328, v21;
	[tilespmem:$0x4B0] =	vst v28  }
0x98: {  	v33 =	vld [tilespmem:$0x520];
	v32 =	vadd.s32 $0x2328, v23;
	[tilespmem:$0x4C0] =	vst v30  }
0x99: {  	v35 =	vld [tilespmem:$0x530];
	v34 =	vadd.s32 $0x2328, v25;
	[tilespmem:$0x4D0] =	vst v32  }
0x9a: {  	v37 =	vld [tilespmem:$0x540];
	v36 =	vadd.s32 $0x2328, v27;
	[tilespmem:$0x4E0] =	vst v34  }
0x9b: {  	v39 =	vld [tilespmem:$0x550];
	v38 =	vadd.s32 $0x2710, v29;
	[tilespmem:$0x4F0] =	vst v36  }
0x9c: {  	v41 =	vld [tilespmem:$0x560];
	v40 =	vadd.s32 $0x2710, v31;
	[tilespmem:$0x500] =	vst v38  }
0x9d: {  	v43 =	vld [tilespmem:$0x570];
	v42 =	vadd.s32 $0x2710, v33;
	[tilespmem:$0x510] =	vst v40  }
0x9e: {  	v45 =	vld [tilespmem:$0x580];
	v44 =	vadd.s32 $0x2710, v35;
	[tilespmem:$0x520] =	vst v42  }
0x9f: {  	v47 =	vld [tilespmem:$0x590];
	v46 =	vadd.s32 $0x2710, v37;
	[tilespmem:$0x530] =	vst v44  }
0xa0: {  	v49 =	vld [tilespmem:$0x5A0];
	v48 =	vadd.s32 $0x2710, v39;
	[tilespmem:$0x540] =	vst v46  }
0xa1: {  	v50 =	vadd.s32 $0x2710, v41;
	v51 =	vld [tilespmem:$0x5B0];
	[tilespmem:$0x550] =	vst v48  }
0xa2: {  	v52 =	vadd.s32 $0x2710, v43;
	v53 =	vld [tilespmem:$0x5C0];
	[tilespmem:$0x560] =	vst v50  }
0xa3: {  	v54 =	vadd.s32 $0x2AF8, v45;
	v55 =	vld [tilespmem:$0x5D0];
	[tilespmem:$0x570] =	vst v52  }
0xa4: {  	v57 =	vld [tilespmem:$0x5E0];
	[tilespmem:$0x580] =	vst v54;
	v56 =	vadd.s32 $0x2AF8, v47  }
0xa5: {  	v59 =	vld [tilespmem:$0x5F0];
	v58 =	vadd.s32 $0x2AF8, v49;
	[tilespmem:$0x590] =	vst v56  }
0xa6: {  	v61 =	vld [tilespmem:$0x600];
	[tilespmem:$0x5A0] =	vst v58;
	v60 =	vadd.s32 $0x2AF8, v51  }
0xa7: {  	v63 =	vld [tilespmem:$0x610];
	v62 =	vadd.s32 $0x2AF8, v53;
	[tilespmem:$0x5B0] =	vst v60  }
0xa8: {  	v9 =	vld [tilespmem:$0x620];
	v8 =	vadd.s32 $0x2AF8, v55;
	[tilespmem:$0x5C0] =	vst v62  }
0xa9: {  	v11 =	vld [tilespmem:$0x630];
	v10 =	vadd.s32 $0x2AF8, v57;
	[tilespmem:$0x5D0] =	vst v8  }
0xaa: {  	v13 =	vld [tilespmem:$0x640];
	v12 =	vadd.s32 $0x2AF8, v59;
	[tilespmem:$0x5E0] =	vst v10  }
0xab: {  	v15 =	vld [tilespmem:$0x650];
	v14 =	vadd.s32 $0x2EE0, v61;
	[tilespmem:$0x5F0] =	vst v12  }
0xac: {  	v17 =	vld [tilespmem:$0x660];
	v16 =	vadd.s32 $0x2EE0, v63;
	[tilespmem:$0x600] =	vst v14  }
0xad: {  	v19 =	vld [tilespmem:$0x670];
	v18 =	vadd.s32 $0x2EE0, v9;
	[tilespmem:$0x610] =	vst v16  }
0xae: {  	v21 =	vld [tilespmem:$0x680];
	v20 =	vadd.s32 $0x2EE0, v11;
	[tilespmem:$0x620] =	vst v18  }
0xaf: {  	v23 =	vld [tilespmem:$0x690];
	v22 =	vadd.s32 $0x2EE0, v13;
	[tilespmem:$0x630] =	vst v20  }
0xb0: {  	v25 =	vld [tilespmem:$0x6A0];
	v24 =	vadd.s32 $0x2EE0, v15;
	[tilespmem:$0x640] =	vst v22  }
0xb1: {  	v27 =	vld [tilespmem:$0x6B0];
	v26 =	vadd.s32 $0x2EE0, v17;
	[tilespmem:$0x650] =	vst v24  }
0xb2: {  	v29 =	vld [tilespmem:$0x6C0];
	v28 =	vadd.s32 $0x2EE0, v19;
	[tilespmem:$0x660] =	vst v26  }
0xb3: {  	v31 =	vld [tilespmem:$0x6D0];
	v30 =	vadd.s32 $0x32C8, v21;
	[tilespmem:$0x670] =	vst v28  }
0xb4: {  	v33 =	vld [tilespmem:$0x6E0];
	v32 =	vadd.s32 $0x32C8, v23;
	[tilespmem:$0x680] =	vst v30  }
0xb5: {  	v35 =	vld [tilespmem:$0x6F0];
	v34 =	vadd.s32 $0x32C8, v25;
	[tilespmem:$0x690] =	vst v32  }
0xb6: {  	v37 =	vld [tilespmem:$0x700];
	v36 =	vadd.s32 $0x32C8, v27;
	[tilespmem:$0x6A0] =	vst v34  }
0xb7: {  	v39 =	vld [tilespmem:$0x710];
	v38 =	vadd.s32 $0x32C8, v29;
	[tilespmem:$0x6B0] =	vst v36  }
0xb8: {  	v41 =	vld [tilespmem:$0x720];
	v40 =	vadd.s32 $0x32C8, v31;
	[tilespmem:$0x6C0] =	vst v38  }
0xb9: {  	v43 =	vld [tilespmem:$0x730];
	v42 =	vadd.s32 $0x32C8, v33;
	[tilespmem:$0x6D0] =	vst v40  }
0xba: {  	v45 =	vld [tilespmem:$0x740];
	v44 =	vadd.s32 $0x32C8, v35;
	[tilespmem:$0x6E0] =	vst v42  }
0xbb: {  	v47 =	vld [tilespmem:$0x750];
	v46 =	vadd.s32 $0x36B0, v37;
	[tilespmem:$0x6F0] =	vst v44  }
0xbc: {  	v49 =	vld [tilespmem:$0x760];
	v48 =	vadd.s32 $0x36B0, v39;
	[tilespmem:$0x700] =	vst v46  }
0xbd: {  	v50 =	vadd.s32 $0x36B0, v41;
	v51 =	vld [tilespmem:$0x770];
	[tilespmem:$0x710] =	vst v48  }
0xbe: {  	v52 =	vadd.s32 $0x36B0, v43;
	v53 =	vld [tilespmem:$0x780];
	[tilespmem:$0x720] =	vst v50  }
0xbf: {  	v54 =	vadd.s32 $0x36B0, v45;
	v55 =	vld [tilespmem:$0x790];
	[tilespmem:$0x730] =	vst v52  }
0xc0: {  	v57 =	vld [tilespmem:$0x7A0];
	[tilespmem:$0x740] =	vst v54;
	v56 =	vadd.s32 $0x36B0, v47  }
0xc1: {  	v59 =	vld [tilespmem:$0x7B0];
	v58 =	vadd.s32 $0x36B0, v49;
	[tilespmem:$0x750] =	vst v56  }
0xc2: {  	v61 =	vld [tilespmem:$0x7C0];
	[tilespmem:$0x760] =	vst v58;
	v60 =	vadd.s32 $0x36B0, v51  }
0xc3: {  	v63 =	vld [tilespmem:$0x7D0];
	v62 =	vadd.s32 $0x3A98, v53;
	[tilespmem:$0x770] =	vst v60  }
0xc4: {  	v9 =	vld [tilespmem:$0x7E0];
	v8 =	vadd.s32 $0x3A98, v55;
	[tilespmem:$0x780] =	vst v62  }
0xc5: {  	v11 =	vld [tilespmem:$0x7F0];
	v10 =	vadd.s32 $0x3A98, v57;
	[tilespmem:$0x790] =	vst v8  }
0xc6: {  	v13 =	vld [tilespmem:$0x800];
	v12 =	vadd.s32 $0x3A98, v59;
	[tilespmem:$0x7A0] =	vst v10  }
0xc7: {  	v15 =	vld [tilespmem:$0x810];
	v14 =	vadd.s32 $0x3A98, v61;
	[tilespmem:$0x7B0] =	vst v12  }
0xc8: {  	v17 =	vld [tilespmem:$0x820];
	v16 =	vadd.s32 $0x3A98, v63;
	[tilespmem:$0x7C0] =	vst v14  }
0xc9: {  	v19 =	vld [tilespmem:$0x830];
	v18 =	vadd.s32 $0x3A98, v9;
	[tilespmem:$0x7D0] =	vst v16  }
0xca: {  	v21 =	vld [tilespmem:$0x840];
	v20 =	vadd.s32 $0x3A98, v11;
	[tilespmem:$0x7E0] =	vst v18  }
0xcb: {  	v23 =	vld [tilespmem:$0x850];
	v22 =	vadd.s32 $0x3E80, v13;
	[tilespmem:$0x7F0] =	vst v20  }
0xcc: {  	v25 =	vld [tilespmem:$0x860];
	v24 =	vadd.s32 $0x3E80, v15;
	[tilespmem:$0x800] =	vst v22  }
0xcd: {  	v27 =	vld [tilespmem:$0x870];
	v26 =	vadd.s32 $0x3E80, v17;
	[tilespmem:$0x810] =	vst v24  }
0xce: {  	v29 =	vld [tilespmem:$0x880];
	v28 =	vadd.s32 $0x3E80, v19;
	[tilespmem:$0x820] =	vst v26  }
0xcf: {  	v31 =	vld [tilespmem:$0x890];
	v30 =	vadd.s32 $0x3E80, v21;
	[tilespmem:$0x830] =	vst v28  }
0xd0: {  	v33 =	vld [tilespmem:$0x8A0];
	v32 =	vadd.s32 $0x3E80, v23;
	[tilespmem:$0x840] =	vst v30  }
0xd1: {  	v35 =	vld [tilespmem:$0x8B0];
	v34 =	vadd.s32 $0x3E80, v25;
	[tilespmem:$0x850] =	vst v32  }
0xd2: {  	v37 =	vld [tilespmem:$0x8C0];
	v36 =	vadd.s32 $0x3E80, v27;
	[tilespmem:$0x860] =	vst v34  }
0xd3: {  	v39 =	vld [tilespmem:$0x8D0];
	v38 =	vadd.s32 $0x4268, v29;
	[tilespmem:$0x870] =	vst v36  }
0xd4: {  	v41 =	vld [tilespmem:$0x8E0];
	v40 =	vadd.s32 $0x4268, v31;
	[tilespmem:$0x880] =	vst v38  }
0xd5: {  	v43 =	vld [tilespmem:$0x8F0];
	v42 =	vadd.s32 $0x4268, v33;
	[tilespmem:$0x890] =	vst v40  }
0xd6: {  	v45 =	vld [tilespmem:$0x900];
	v44 =	vadd.s32 $0x4268, v35;
	[tilespmem:$0x8A0] =	vst v42  }
0xd7: {  	v47 =	vld [tilespmem:$0x910];
	v46 =	vadd.s32 $0x4268, v37;
	[tilespmem:$0x8B0] =	vst v44  }
0xd8: {  	v49 =	vld [tilespmem:$0x920];
	v48 =	vadd.s32 $0x4268, v39;
	[tilespmem:$0x8C0] =	vst v46  }
0xd9: {  	v50 =	vadd.s32 $0x4268, v41;
	v51 =	vld [tilespmem:$0x930];
	[tilespmem:$0x8D0] =	vst v48  }
0xda: {  	v52 =	vadd.s32 $0x4268, v43;
	v53 =	vld [tilespmem:$0x940];
	[tilespmem:$0x8E0] =	vst v50  }
0xdb: {  	v54 =	vadd.s32 $0x4650, v45;
	v55 =	vld [tilespmem:$0x950];
	[tilespmem:$0x8F0] =	vst v52  }
0xdc: {  	v57 =	vld [tilespmem:$0x960];
	[tilespmem:$0x900] =	vst v54;
	v56 =	vadd.s32 $0x4650, v47  }
0xdd: {  	v59 =	vld [tilespmem:$0x970];
	v58 =	vadd.s32 $0x4650, v49;
	[tilespmem:$0x910] =	vst v56  }
0xde: {  	v61 =	vld [tilespmem:$0x980];
	[tilespmem:$0x920] =	vst v58;
	v60 =	vadd.s32 $0x4650, v51  }
0xdf: {  	v63 =	vld [tilespmem:$0x990];
	v62 =	vadd.s32 $0x4650, v53;
	[tilespmem:$0x930] =	vst v60  }
0xe0: {  	v9 =	vld [tilespmem:$0x9A0];
	v8 =	vadd.s32 $0x4650, v55;
	[tilespmem:$0x940] =	vst v62  }
0xe1: {  	v11 =	vld [tilespmem:$0x9B0];
	v10 =	vadd.s32 $0x4650, v57;
	[tilespmem:$0x950] =	vst v8  }
0xe2: {  	v13 =	vld [tilespmem:$0x9C0];
	v12 =	vadd.s32 $0x4650, v59;
	[tilespmem:$0x960] =	vst v10  }
0xe3: {  	v15 =	vld [tilespmem:$0x9D0];
	v14 =	vadd.s32 $0x4A38, v61;
	[tilespmem:$0x970] =	vst v12  }
0xe4: {  	v17 =	vld [tilespmem:$0x9E0];
	v16 =	vadd.s32 $0x4A38, v63;
	[tilespmem:$0x980] =	vst v14  }
0xe5: {  	v19 =	vld [tilespmem:$0x9F0];
	v18 =	vadd.s32 $0x4A38, v9;
	[tilespmem:$0x990] =	vst v16  }
0xe6: {  	v21 =	vld [tilespmem:$0xA00];
	v20 =	vadd.s32 $0x4A38, v11;
	[tilespmem:$0x9A0] =	vst v18  }
0xe7: {  	v23 =	vld [tilespmem:$0xA10];
	v22 =	vadd.s32 $0x4A38, v13;
	[tilespmem:$0x9B0] =	vst v20  }
0xe8: {  	v25 =	vld [tilespmem:$0xA20];
	v24 =	vadd.s32 $0x4A38, v15;
	[tilespmem:$0x9C0] =	vst v22  }
0xe9: {  	v27 =	vld [tilespmem:$0xA30];
	v26 =	vadd.s32 $0x4A38, v17;
	[tilespmem:$0x9D0] =	vst v24  }
0xea: {  	v29 =	vld [tilespmem:$0xA40];
	v28 =	vadd.s32 $0x4A38, v19;
	[tilespmem:$0x9E0] =	vst v26  }
0xeb: {  	v31 =	vld [tilespmem:$0xA50];
	v30 =	vadd.s32 $0x4E20, v21;
	[tilespmem:$0x9F0] =	vst v28  }
0xec: {  	v33 =	vld [tilespmem:$0xA60];
	v32 =	vadd.s32 $0x4E20, v23;
	[tilespmem:$0xA00] =	vst v30  }
0xed: {  	v35 =	vld [tilespmem:$0xA70];
	v34 =	vadd.s32 $0x4E20, v25;
	[tilespmem:$0xA10] =	vst v32  }
0xee: {  	v37 =	vld [tilespmem:$0xA80];
	v36 =	vadd.s32 $0x4E20, v27;
	[tilespmem:$0xA20] =	vst v34  }
0xef: {  	v39 =	vld [tilespmem:$0xA90];
	v38 =	vadd.s32 $0x4E20, v29;
	[tilespmem:$0xA30] =	vst v36  }
0xf0: {  	v41 =	vld [tilespmem:$0xAA0];
	v40 =	vadd.s32 $0x4E20, v31;
	[tilespmem:$0xA40] =	vst v38  }
0xf1: {  	v43 =	vld [tilespmem:$0xAB0];
	v42 =	vadd.s32 $0x4E20, v33;
	[tilespmem:$0xA50] =	vst v40  }
0xf2: {  	v45 =	vld [tilespmem:$0xAC0];
	v44 =	vadd.s32 $0x4E20, v35;
	[tilespmem:$0xA60] =	vst v42  }
0xf3: {  	v47 =	vld [tilespmem:$0xAD0];
	v46 =	vadd.s32 $0x5208, v37;
	[tilespmem:$0xA70] =	vst v44  }
0xf4: {  	v49 =	vld [tilespmem:$0xAE0];
	v48 =	vadd.s32 $0x5208, v39;
	[tilespmem:$0xA80] =	vst v46  }
0xf5: {  	v50 =	vadd.s32 $0x5208, v41;
	v51 =	vld [tilespmem:$0xAF0];
	[tilespmem:$0xA90] =	vst v48  }
0xf6: {  	v52 =	vadd.s32 $0x5208, v43;
	v53 =	vld [tilespmem:$0xB00];
	[tilespmem:$0xAA0] =	vst v50  }
0xf7: {  	v54 =	vadd.s32 $0x5208, v45;
	v55 =	vld [tilespmem:$0xB10];
	[tilespmem:$0xAB0] =	vst v52  }
0xf8: {  	v57 =	vld [tilespmem:$0xB20];
	[tilespmem:$0xAC0] =	vst v54;
	v56 =	vadd.s32 $0x5208, v47  }
0xf9: {  	v59 =	vld [tilespmem:$0xB30];
	v58 =	vadd.s32 $0x5208, v49;
	[tilespmem:$0xAD0] =	vst v56  }
0xfa: {  	v61 =	vld [tilespmem:$0xB40];
	[tilespmem:$0xAE0] =	vst v58;
	v60 =	vadd.s32 $0x5208, v51  }
0xfb: {  	v63 =	vld [tilespmem:$0xB50];
	v62 =	vadd.s32 $0x55F0, v53;
	[tilespmem:$0xAF0] =	vst v60  }
0xfc: {  	v8 =	vld [tilespmem:$0xB60];
	v7 =	vadd.s32 $0x55F0, v55;
	[tilespmem:$0xB00] =	vst v62  }
0xfd: {  	v10 =	vld [tilespmem:$0xB70];
	v9 =	vadd.s32 $0x55F0, v57;
	[tilespmem:$0xB10] =	vst v7  }
0xfe: {  	v12 =	vld [tilespmem:$0xB80];
	v11 =	vadd.s32 $0x55F0, v59;
	[tilespmem:$0xB20] =	vst v9  }
0xff: {  	v14 =	vld [tilespmem:$0xB90];
	v13 =	vadd.s32 $0x55F0, v61;
	[tilespmem:$0xB30] =	vst v11  }
0x100: {  	v16 =	vld [tilespmem:$0xBA0];
	v15 =	vadd.s32 $0x55F0, v63;
	[tilespmem:$0xB40] =	vst v13  }
0x101: {  	v18 =	vld [tilespmem:$0xBB0];
	[tilespmem:$0xB50] =	vst v15;
	v17 =	vadd.s32 $0x55F0, v8  }
0x102: {  	v20 =	vld [tilespmem:$0xBC0];
	v19 =	vadd.s32 $0x55F0, v10;
	[tilespmem:$0xB60] =	vst v17  }
0x103: {  	v22 =	vld [tilespmem:$0xBD0];
	v21 =	vadd.s32 $0x59D8, v12;
	[tilespmem:$0xB70] =	vst v19  }
0x104: {  	v24 =	vld [tilespmem:$0xBE0];
	v23 =	vadd.s32 $0x59D8, v14;
	[tilespmem:$0xB80] =	vst v21  }
0x105: {  	v26 =	vld [tilespmem:$0xBF0];
	v25 =	vadd.s32 $0x59D8, v16;
	[tilespmem:$0xB90] =	vst v23  }
0x106: {  	v28 =	vld [tilespmem:$0xC00];
	v27 =	vadd.s32 $0x59D8, v18;
	[tilespmem:$0xBA0] =	vst v25  }
0x107: {  	v30 =	vld [tilespmem:$0xC10];
	v29 =	vadd.s32 $0x59D8, v20;
	[tilespmem:$0xBB0] =	vst v27  }
0x108: {  	v32 =	vld [tilespmem:$0xC20];
	v31 =	vadd.s32 $0x59D8, v22;
	[tilespmem:$0xBC0] =	vst v29  }
0x109: {  	v34 =	vld [tilespmem:$0xC30];
	v33 =	vadd.s32 $0x59D8, v24;
	[tilespmem:$0xBD0] =	vst v31  }
0x10a: {  	v36 =	vld [tilespmem:$0xC40];
	v35 =	vadd.s32 $0x59D8, v26;
	[tilespmem:$0xBE0] =	vst v33  }
0x10b: {  	v38 =	vld [tilespmem:$0xC50];
	v37 =	vadd.s32 $0x5DC0, v28;
	[tilespmem:$0xBF0] =	vst v35  }
0x10c: {  	v40 =	vld [tilespmem:$0xC60];
	v39 =	vadd.s32 $0x5DC0, v30;
	[tilespmem:$0xC00] =	vst v37  }
0x10d: {  	v42 =	vld [tilespmem:$0xC70];
	v41 =	vadd.s32 $0x5DC0, v32;
	[tilespmem:$0xC10] =	vst v39  }
0x10e: {  	v44 =	vld [tilespmem:$0xC80];
	v43 =	vadd.s32 $0x5DC0, v34;
	[tilespmem:$0xC20] =	vst v41  }
0x10f: {  	v46 =	vld [tilespmem:$0xC90];
	v45 =	vadd.s32 $0x5DC0, v36;
	[tilespmem:$0xC30] =	vst v43  }
0x110: {  	v48 =	vld [tilespmem:$0xCA0];
	v47 =	vadd.s32 $0x5DC0, v38;
	[tilespmem:$0xC40] =	vst v45  }
0x111: {  	v50 =	vld [tilespmem:$0xCB0];
	v49 =	vadd.s32 $0x5DC0, v40;
	[tilespmem:$0xC50] =	vst v47  }
0x112: {  	v52 =	vld [tilespmem:$0xCC0];
	v51 =	vadd.s32 $0x5DC0, v42;
	[tilespmem:$0xC60] =	vst v49  }
0x113: {  	v54 =	vld [tilespmem:$0xCD0];
	v53 =	vadd.s32 $0x61A8, v44;
	[tilespmem:$0xC70] =	vst v51  }
0x114: {  	v56 =	vld [tilespmem:$0xCE0];
	v55 =	vadd.s32 $0x61A8, v46;
	[tilespmem:$0xC80] =	vst v53  }
0x115: {  	v58 =	vld [tilespmem:$0xCF0];
	v57 =	vadd.s32 $0x61A8, v48;
	[tilespmem:$0xC90] =	vst v55  }
0x116: {  	v59 =	vadd.s32 $0x61A8, v50;
	[tilespmem:$0xCA0] =	vst v57  }
0x117: {  	v60 =	vadd.s32 $0x61A8, v52;
	[tilespmem:$0xCB0] =	vst v59  }
0x118: {  	v61 =	vadd.s32 $0x61A8, v54;
	[tilespmem:$0xCC0] =	vst v60  }
0x119: {  	[tilespmem:$0xCD0] =	vst v61;
	v62 =	vadd.s32 $0x61A8, v56  }
0x11a: {  	v63 =	vadd.s32 $0x61A8, v58;
	[tilespmem:$0xCE0] =	vst v62  }
0x11b: {  	[tilespmem:$0xCF0] =	vst v63  }
0x11c: {  	[tilespmem:s12], [sflag:$0x1] =	stream.indirect.gather [hbm4b:s2+s11], $0x80, s3, s11, $0xb8;
	[tilespmem:$0x19000] =	vst v63  }
0x11d: {  	s0 =	sld [smem:$0x7EB]  }
0x11e: {  	[tilespmem:s13], [sflag:$0x2] =	stream.indirect.gather [hbm4b:s2+s11], $0x80, s11, s11, $0xb8;
	[tilespmem:$0x19000] =	vst v63  }
0x11f: {  	s1 =	sld [smem:$0x7EC]  }
0x120: {  	[tilespmem:s14], [sflag:$0x3] =	stream.indirect.gather [hbm4b:s2+s11], $0x80, s0, s11, $0xb8;
	[tilespmem:$0x19000] =	vst v63  }
0x121: {  	_ = 	snop  }
0x122: {  	[tilespmem:s15], [sflag:$0x4] =	stream.indirect.gather [hbm4b:s2+s11], $0x80, s1, s11, $0xb8;
	[tilespmem:$0x19000] =	vst v63  }
0x123: {  	_ =	swait.ge [sflag:s16], $0x4000  }
0x124: {  	[sflag:s16] =	ssyncset.done $0x0  }
0x125: {  	s1 =	rddreg [dreg:$0x7];
	[sflag:s16] =	ssyncadd.s32 $0xFFFFC000  }
0x126: {  	[hbm4b:s1+s8] =	stream.strided.scatter [tilespmem:s12], [sflag:$0x6], $0x4000, s9, s8, $0x38;
	[tilespmem:$0x19000] =	vst v63  }
0x127: {  	_ =	swait.ge [sflag:s17], $0x4000  }
0x128: {  	s1 =	sld [smem:$0x7ED]  }
0x129: {  	[sflag:s17] =	ssyncset.done $0x0  }
0x12a: {  	[sflag:s17] =	ssyncadd.s32 $0xFFFFC000  }
0x12b: {  	[tilespmem:s18], [sflag:$0x5] =	stream.indirect.gather [hbm4b:s2+s11], $0x80, s1, s11, $0xb8;
	[tilespmem:$0x19000] =	vst v63  }
0x12c: {  	_ =	swait.ge [sflag:s19], $0x4000  }
0x12d: {  	[sflag:s19] =	ssyncset.done $0x0  }
0x12e: {  	s1 =	rddreg [dreg:$0x8];
	[sflag:s19] =	ssyncadd.s32 $0xFFFFC000  }
0x12f: {  	[hbm4b:s1+s8] =	stream.strided.scatter [tilespmem:s13], [sflag:$0x7], $0x4000, s9, s8, $0x38;
	[tilespmem:$0x19000] =	vst v63  }
0x130: {  	_ =	swait.ge [sflag:s20], $0x4000  }
0x131: {  	s1 =	sld [smem:$0x7EE]  }
0x132: {  	[sflag:s20] =	ssyncset.done $0x0  }
0x133: {  	[sflag:s20] =	ssyncadd.s32 $0xFFFFC000  }
0x134: {  	[tilespmem:s12], [sflag:$0x1] =	stream.indirect.gather [hbm4b:s2+s11], $0x80, s1, s11, $0xb8;
	[tilespmem:$0x19000] =	vst v63  }
0x135: {  	_ =	swait.ge [sflag:s21], $0x4000  }
0x136: {  	[sflag:s21] =	ssyncset.done $0x0  }
0x137: {  	s1 =	rddreg [dreg:$0x9];
	[sflag:s21] =	ssyncadd.s32 $0xFFFFC000  }
0x138: {  	[hbm4b:s1+s8] =	stream.strided.scatter [tilespmem:s14], [sflag:$0x8], $0x4000, s9, s8, $0x38;
	[tilespmem:$0x19000] =	vst v63  }
0x139: {  	_ =	swait.ge [sflag:s22], $0x4000  }
0x13a: {  	s1 =	sld [smem:$0x7EF]  }
0x13b: {  	[sflag:s22] =	ssyncset.done $0x0  }
0x13c: {  	[sflag:s22] =	ssyncadd.s32 $0xFFFFC000  }
0x13d: {  	[tilespmem:s13], [sflag:$0x2] =	stream.indirect.gather [hbm4b:s2+s11], $0x80, s1, s11, $0xb8;
	[tilespmem:$0x19000] =	vst v63  }
0x13e: {  	_ =	swait.ge [sflag:s23], $0x4000  }
0x13f: {  	[sflag:s23] =	ssyncset.done $0x0  }
0x140: {  	s1 =	rddreg [dreg:$0xa];
	[sflag:s23] =	ssyncadd.s32 $0xFFFFC000  }
0x141: {  	[hbm4b:s1+s8] =	stream.strided.scatter [tilespmem:s15], [sflag:$0x9], $0x4000, s9, s8, $0x38;
	[tilespmem:$0x19000] =	vst v63  }
0x142: {  	_ =	swait.ge [sflag:s24], $0x4000  }
0x143: {  	s1 =	sld [smem:$0x7F0]  }
0x144: {  	[sflag:s24] =	ssyncset.done $0x0  }
0x145: {  	[sflag:s24] =	ssyncadd.s32 $0xFFFFC000  }
0x146: {  	[tilespmem:s14], [sflag:$0x3] =	stream.indirect.gather [hbm4b:s2+s11], $0x80, s1, s11, $0xb8;
	[tilespmem:$0x19000] =	vst v63  }
0x147: {  	_ =	swait.ge [sflag:s25], $0x4000  }
0x148: {  	[sflag:s25] =	ssyncset.done $0x0  }
0x149: {  	s1 =	rddreg [dreg:$0xb];
	[sflag:s25] =	ssyncadd.s32 $0xFFFFC000  }
0x14a: {  	[hbm4b:s1+s8] =	stream.strided.scatter [tilespmem:s18], [sflag:$0xA], $0x4000, s9, s8, $0x38;
	[tilespmem:$0x19000] =	vst v63  }
0x14b: {  	_ =	swait.ge [sflag:s26], $0x4000  }
0x14c: {  	[sflag:s26] =	ssyncset.done $0x0  }
0x14d: {  	[sflag:s26] =	ssyncadd.s32 $0xFFFFC000  }
0x14e: {  	[tilespmem:s15], [sflag:$0x4] =	stream.indirect.gather [hbm4b:s2+s11], $0x80, s8, s11, $0xb8;
	[tilespmem:$0x19000] =	vst v63  }
0x14f: {  	_ =	swait.ge [sflag:s16], $0x4000  }
0x150: {  	[sflag:s16] =	ssyncset.done $0x0  }
0x151: {  	s1 =	rddreg [dreg:$0xc];
	[sflag:s16] =	ssyncadd.s32 $0xFFFFC000  }
0x152: {  	[hbm4b:s1+s8] =	stream.strided.scatter [tilespmem:s12], [sflag:$0x6], $0x4000, s9, s8, $0x38;
	[tilespmem:$0x19000] =	vst v63  }
0x153: {  	_ =	swait.ge [sflag:s17], $0x4000  }
0x154: {  	s1 =	sld [smem:$0x7F1]  }
0x155: {  	[sflag:s17] =	ssyncset.done $0x0  }
0x156: {  	[sflag:s17] =	ssyncadd.s32 $0xFFFFC000  }
0x157: {  	[tilespmem:s18], [sflag:$0x5] =	stream.indirect.gather [hbm4b:s2+s11], $0x80, s1, s11, $0xb8;
	[tilespmem:$0x19000] =	vst v63  }
0x158: {  	_ =	swait.ge [sflag:s19], $0x4000  }
0x159: {  	[sflag:s19] =	ssyncset.done $0x0  }
0x15a: {  	s1 =	rddreg [dreg:$0xd];
	[sflag:s19] =	ssyncadd.s32 $0xFFFFC000  }
0x15b: {  	[hbm4b:s1+s8] =	stream.strided.scatter [tilespmem:s13], [sflag:$0x7], $0x4000, s9, s8, $0x38;
	[tilespmem:$0x19000] =	vst v63  }
0x15c: {  	_ =	swait.ge [sflag:s20], $0x4000  }
0x15d: {  	s1 =	sld [smem:$0x7F2]  }
0x15e: {  	[sflag:s20] =	ssyncset.done $0x0  }
0x15f: {  	[sflag:s20] =	ssyncadd.s32 $0xFFFFC000  }
0x160: {  	[tilespmem:s12], [sflag:$0x1] =	stream.indirect.gather [hbm4b:s2+s11], $0x80, s1, s11, $0xb8;
	[tilespmem:$0x19000] =	vst v63  }
0x161: {  	_ =	swait.ge [sflag:s21], $0x4000  }
0x162: {  	[sflag:s21] =	ssyncset.done $0x0  }
0x163: {  	s1 =	rddreg [dreg:$0xe];
	[sflag:s21] =	ssyncadd.s32 $0xFFFFC000  }
0x164: {  	[hbm4b:s1+s8] =	stream.strided.scatter [tilespmem:s14], [sflag:$0x8], $0x4000, s9, s8, $0x38;
	[tilespmem:$0x19000] =	vst v63  }
0x165: {  	_ =	swait.ge [sflag:s22], $0x4000  }
0x166: {  	s1 =	sld [smem:$0x7F3]  }
0x167: {  	[sflag:s22] =	ssyncset.done $0x0  }
0x168: {  	[sflag:s22] =	ssyncadd.s32 $0xFFFFC000  }
0x169: {  	[tilespmem:s13], [sflag:$0x2] =	stream.indirect.gather [hbm4b:s2+s11], $0x80, s1, s11, $0xb8;
	[tilespmem:$0x19000] =	vst v63  }
0x16a: {  	_ =	swait.ge [sflag:s23], $0x4000  }
0x16b: {  	[sflag:s23] =	ssyncset.done $0x0  }
0x16c: {  	s1 =	rddreg [dreg:$0xf];
	[sflag:s23] =	ssyncadd.s32 $0xFFFFC000  }
0x16d: {  	[hbm4b:s1+s8] =	stream.strided.scatter [tilespmem:s15], [sflag:$0x9], $0x4000, s9, s8, $0x38;
	[tilespmem:$0x19000] =	vst v63  }
0x16e: {  	_ =	swait.ge [sflag:s24], $0x4000  }
0x16f: {  	s1 =	sld [smem:$0x7F4]  }
0x170: {  	[sflag:s24] =	ssyncset.done $0x0  }
0x171: {  	[sflag:s24] =	ssyncadd.s32 $0xFFFFC000  }
0x172: {  	[tilespmem:s14], [sflag:$0x3] =	stream.indirect.gather [hbm4b:s2+s11], $0x80, s1, s11, $0xb8;
	[tilespmem:$0x19000] =	vst v63  }
0x173: {  	_ =	swait.ge [sflag:s25], $0x4000  }
0x174: {  	[sflag:s25] =	ssyncset.done $0x0  }
0x175: {  	s1 =	rddreg [dreg:$0x10];
	[sflag:s25] =	ssyncadd.s32 $0xFFFFC000  }
0x176: {  	[hbm4b:s1+s8] =	stream.strided.scatter [tilespmem:s18], [sflag:$0xA], $0x4000, s9, s8, $0x38;
	[tilespmem:$0x19000] =	vst v63  }
0x177: {  	_ =	swait.ge [sflag:s26], $0x4000  }
0x178: {  	s1 =	sld [smem:$0x7F5]  }
0x179: {  	[sflag:s26] =	ssyncset.done $0x0  }
0x17a: {  	[sflag:s26] =	ssyncadd.s32 $0xFFFFC000  }
0x17b: {  	[tilespmem:s15], [sflag:$0x4] =	stream.indirect.gather [hbm4b:s2+s11], $0x80, s1, s11, $0xb8;
	[tilespmem:$0x19000] =	vst v63  }
0x17c: {  	_ =	swait.ge [sflag:s16], $0x4000  }
0x17d: {  	[sflag:s16] =	ssyncset.done $0x0  }
0x17e: {  	s1 =	rddreg [dreg:$0x11];
	[sflag:s16] =	ssyncadd.s32 $0xFFFFC000  }
0x17f: {  	[hbm4b:s1+s8] =	stream.strided.scatter [tilespmem:s12], [sflag:$0x6], $0x4000, s9, s8, $0x38;
	[tilespmem:$0x19000] =	vst v63  }
0x180: {  	_ =	swait.ge [sflag:s17], $0x4000  }
0x181: {  	s1 =	sld [smem:$0x7F6]  }
0x182: {  	[sflag:s17] =	ssyncset.done $0x0  }
0x183: {  	[sflag:s17] =	ssyncadd.s32 $0xFFFFC000  }
0x184: {  	[tilespmem:s18], [sflag:$0x5] =	stream.indirect.gather [hbm4b:s2+s11], $0x80, s1, s11, $0xb8;
	[tilespmem:$0x19000] =	vst v63  }
0x185: {  	_ =	swait.ge [sflag:s19], $0x4000  }
0x186: {  	[sflag:s19] =	ssyncset.done $0x0  }
0x187: {  	s1 =	rddreg [dreg:$0x12];
	[sflag:s19] =	ssyncadd.s32 $0xFFFFC000  }
0x188: {  	[hbm4b:s1+s8] =	stream.strided.scatter [tilespmem:s13], [sflag:$0x7], $0x4000, s9, s8, $0x38;
	[tilespmem:$0x19000] =	vst v63  }
0x189: {  	_ =	swait.ge [sflag:s20], $0x4000  }
0x18a: {  	s1 =	sld [smem:$0x7F7]  }
0x18b: {  	[sflag:s20] =	ssyncset.done $0x0  }
0x18c: {  	[sflag:s20] =	ssyncadd.s32 $0xFFFFC000  }
0x18d: {  	[tilespmem:s12], [sflag:$0x1] =	stream.indirect.gather [hbm4b:s2+s11], $0x80, s1, s11, $0xb8;
	[tilespmem:$0x19000] =	vst v63  }
0x18e: {  	_ =	swait.ge [sflag:s21], $0x4000  }
0x18f: {  	[sflag:s21] =	ssyncset.done $0x0  }
0x190: {  	s1 =	rddreg [dreg:$0x13];
	[sflag:s21] =	ssyncadd.s32 $0xFFFFC000  }
0x191: {  	[hbm4b:s1+s8] =	stream.strided.scatter [tilespmem:s14], [sflag:$0x8], $0x4000, s9, s8, $0x38;
	[tilespmem:$0x19000] =	vst v63  }
0x192: {  	_ =	swait.ge [sflag:s22], $0x4000  }
0x193: {  	s1 =	sld [smem:$0x7F8]  }
0x194: {  	[sflag:s22] =	ssyncset.done $0x0  }
0x195: {  	[sflag:s22] =	ssyncadd.s32 $0xFFFFC000  }
0x196: {  	[tilespmem:s13], [sflag:$0x2] =	stream.indirect.gather [hbm4b:s2+s11], $0x80, s1, s11, $0xb8;
	[tilespmem:$0x19000] =	vst v63  }
0x197: {  	_ =	swait.ge [sflag:s23], $0x4000  }
0x198: {  	[sflag:s23] =	ssyncset.done $0x0  }
0x199: {  	s1 =	rddreg [dreg:$0x14];
	[sflag:s23] =	ssyncadd.s32 $0xFFFFC000  }
0x19a: {  	[hbm4b:s1+s8] =	stream.strided.scatter [tilespmem:s15], [sflag:$0x9], $0x4000, s9, s8, $0x38;
	[tilespmem:$0x19000] =	vst v63  }
0x19b: {  	_ =	swait.ge [sflag:s24], $0x4000  }
0x19c: {  	s1 =	sld [smem:$0x7F9]  }
0x19d: {  	[sflag:s24] =	ssyncset.done $0x0  }
0x19e: {  	[sflag:s24] =	ssyncadd.s32 $0xFFFFC000  }
0x19f: {  	[tilespmem:s14], [sflag:$0x3] =	stream.indirect.gather [hbm4b:s2+s11], $0x80, s1, s11, $0xb8;
	[tilespmem:$0x19000] =	vst v63  }
0x1a0: {  	_ =	swait.ge [sflag:s25], $0x4000  }
0x1a1: {  	[sflag:s25] =	ssyncset.done $0x0  }
0x1a2: {  	s1 =	rddreg [dreg:$0x15];
	[sflag:s25] =	ssyncadd.s32 $0xFFFFC000  }
0x1a3: {  	[hbm4b:s1+s8] =	stream.strided.scatter [tilespmem:s18], [sflag:$0xA], $0x4000, s9, s8, $0x38;
	[tilespmem:$0x19000] =	vst v63  }
0x1a4: {  	_ =	swait.ge [sflag:s26], $0x4000  }
0x1a5: {  	s1 =	sld [smem:$0x7FA]  }
0x1a6: {  	[sflag:s26] =	ssyncset.done $0x0  }
0x1a7: {  	[sflag:s26] =	ssyncadd.s32 $0xFFFFC000  }
0x1a8: {  	[tilespmem:s15], [sflag:$0x4] =	stream.indirect.gather [hbm4b:s2+s11], $0x80, s1, s11, $0xb8;
	[tilespmem:$0x19000] =	vst v63  }
0x1a9: {  	_ =	swait.ge [sflag:s16], $0x4000  }
0x1aa: {  	[sflag:s16] =	ssyncset.done $0x0  }
0x1ab: {  	s1 =	rddreg [dreg:$0x16];
	[sflag:s16] =	ssyncadd.s32 $0xFFFFC000  }
0x1ac: {  	[hbm4b:s1+s8] =	stream.strided.scatter [tilespmem:s12], [sflag:$0x6], $0x4000, s9, s8, $0x38;
	[tilespmem:$0x19000] =	vst v63  }
0x1ad: {  	_ =	swait.ge [sflag:s17], $0x4000  }
0x1ae: {  	s1 =	sld [smem:$0x7FB]  }
0x1af: {  	[sflag:s17] =	ssyncset.done $0x0  }
0x1b0: {  	[sflag:s17] =	ssyncadd.s32 $0xFFFFC000  }
0x1b1: {  	[tilespmem:s18], [sflag:$0x5] =	stream.indirect.gather [hbm4b:s2+s11], $0x80, s1, s11, $0xb8;
	[tilespmem:$0x19000] =	vst v63  }
0x1b2: {  	_ =	swait.ge [sflag:s19], $0x4000  }
0x1b3: {  	[sflag:s19] =	ssyncset.done $0x0  }
0x1b4: {  	s1 =	rddreg [dreg:$0x17];
	[sflag:s19] =	ssyncadd.s32 $0xFFFFC000  }
0x1b5: {  	[hbm4b:s1+s8] =	stream.strided.scatter [tilespmem:s13], [sflag:$0x7], $0x4000, s9, s8, $0x38;
	[tilespmem:$0x19000] =	vst v63  }
0x1b6: {  	_ =	swait.ge [sflag:s20], $0x4000  }
0x1b7: {  	s1 =	sld [smem:$0x7FC]  }
0x1b8: {  	[sflag:s20] =	ssyncset.done $0x0  }
0x1b9: {  	[sflag:s20] =	ssyncadd.s32 $0xFFFFC000  }
0x1ba: {  	[tilespmem:s12], [sflag:$0x1] =	stream.indirect.gather [hbm4b:s2+s11], $0x80, s1, s11, $0xb8;
	[tilespmem:$0x19000] =	vst v63  }
0x1bb: {  	_ =	swait.ge [sflag:s21], $0x4000  }
0x1bc: {  	[sflag:s21] =	ssyncset.done $0x0  }
0x1bd: {  	s1 =	rddreg [dreg:$0x18];
	[sflag:s21] =	ssyncadd.s32 $0xFFFFC000  }
0x1be: {  	[hbm4b:s1+s8] =	stream.strided.scatter [tilespmem:s14], [sflag:$0x8], $0x4000, s9, s8, $0x38;
	[tilespmem:$0x19000] =	vst v63  }
0x1bf: {  	_ =	swait.ge [sflag:s22], $0x4000  }
0x1c0: {  	s1 =	sld [smem:$0x7FD]  }
0x1c1: {  	[sflag:s22] =	ssyncset.done $0x0  }
0x1c2: {  	[sflag:s22] =	ssyncadd.s32 $0xFFFFC000  }
0x1c3: {  	[tilespmem:s13], [sflag:$0x2] =	stream.indirect.gather [hbm4b:s2+s11], $0x80, s1, s11, $0xb8;
	[tilespmem:$0x19000] =	vst v63  }
0x1c4: {  	_ =	swait.ge [sflag:s23], $0x4000  }
0x1c5: {  	[sflag:s23] =	ssyncset.done $0x0  }
0x1c6: {  	s1 =	rddreg [dreg:$0x19];
	[sflag:s23] =	ssyncadd.s32 $0xFFFFC000  }
0x1c7: {  	[hbm4b:s1+s8] =	stream.strided.scatter [tilespmem:s15], [sflag:$0x9], $0x4000, s9, s8, $0x38;
	[tilespmem:$0x19000] =	vst v63  }
0x1c8: {  	_ =	swait.ge [sflag:s24], $0x4000  }
0x1c9: {  	[sflag:s24] =	ssyncset.done $0x0  }
0x1ca: {  	[sflag:s24] =	ssyncadd.s32 $0xFFFFC000  }
0x1cb: {  	[tilespmem:s14], [sflag:$0x3] =	stream.indirect.gather [hbm4b:s2+s11], $0x80, s28, s11, $0xb8;
	[tilespmem:$0x19000] =	vst v63  }
0x1cc: {  	_ =	swait.ge [sflag:s25], $0x4000  }
0x1cd: {  	[sflag:s25] =	ssyncset.done $0x0  }
0x1ce: {  	s1 =	rddreg [dreg:$0x1a];
	[sflag:s25] =	ssyncadd.s32 $0xFFFFC000  }
0x1cf: {  	[hbm4b:s1+s8] =	stream.strided.scatter [tilespmem:s18], [sflag:$0xA], $0x4000, s9, s8, $0x38;
	[tilespmem:$0x19000] =	vst v63  }
0x1d0: {  	_ =	swait.ge [sflag:s26], $0x4000  }
0x1d1: {  	[sflag:s26] =	ssyncset.done $0x0  }
0x1d2: {  	[sflag:s26] =	ssyncadd.s32 $0xFFFFC000  }
0x1d3: {  	[tilespmem:s15], [sflag:$0x4] =	stream.indirect.gather [hbm4b:s2+s11], $0x80, s29, s11, $0xb8;
	[tilespmem:$0x19000] =	vst v63  }
0x1d4: {  	_ =	swait.ge [sflag:s16], $0x4000  }
0x1d5: {  	[sflag:s16] =	ssyncset.done $0x0  }
0x1d6: {  	s1 =	rddreg [dreg:$0x1b];
	[sflag:s16] =	ssyncadd.s32 $0xFFFFC000  }
0x1d7: {  	[hbm4b:s1+s8] =	stream.strided.scatter [tilespmem:s12], [sflag:$0x6], $0x4000, s9, s8, $0x38;
	[tilespmem:$0x19000] =	vst v63  }
0x1d8: {  	_ =	swait.ge [sflag:s17], $0x4000  }
0x1d9: {  	[sflag:s17] =	ssyncset.done $0x0  }
0x1da: {  	[sflag:s17] =	ssyncadd.s32 $0xFFFFC000  }
0x1db: {  	[tilespmem:s18], [sflag:$0x5] =	stream.indirect.gather [hbm4b:s2+s11], $0x80, s10, s11, $0xb8;
	[tilespmem:$0x19000] =	vst v63  }
0x1dc: {  	_ =	swait.ge [sflag:s19], $0x4000  }
0x1dd: {  	[sflag:s19] =	ssyncset.done $0x0  }
0x1de: {  	s1 =	rddreg [dreg:$0x1c];
	[sflag:s19] =	ssyncadd.s32 $0xFFFFC000  }
0x1df: {  	[hbm4b:s1+s8] =	stream.strided.scatter [tilespmem:s13], [sflag:$0x7], $0x4000, s9, s8, $0x38;
	[tilespmem:$0x19000] =	vst v63  }
0x1e0: {  	_ =	swait.ge [sflag:s20], $0x4000  }
0x1e1: {  	[sflag:s20] =	ssyncset.done $0x0  }
0x1e2: {  	[sflag:s20] =	ssyncadd.s32 $0xFFFFC000  }
0x1e3: {  	[tilespmem:s12], [sflag:$0x1] =	stream.indirect.gather [hbm4b:s2+s11], $0x80, s30, s11, $0xb8;
	[tilespmem:$0x19000] =	vst v63  }
0x1e4: {  	_ =	swait.ge [sflag:s21], $0x4000  }
0x1e5: {  	[sflag:s21] =	ssyncset.done $0x0  }
0x1e6: {  	s1 =	rddreg [dreg:$0x1d];
	[sflag:s21] =	ssyncadd.s32 $0xFFFFC000  }
0x1e7: {  	[hbm4b:s1+s8] =	stream.strided.scatter [tilespmem:s14], [sflag:$0x8], $0x4000, s9, s8, $0x38;
	[tilespmem:$0x19000] =	vst v63  }
0x1e8: {  	_ =	swait.ge [sflag:s22], $0x4000  }
0x1e9: {  	[sflag:s22] =	ssyncset.done $0x0  }
0x1ea: {  	[sflag:s22] =	ssyncadd.s32 $0xFFFFC000  }
0x1eb: {  	_ =	swait.ge [sflag:s23], $0x4000  }
0x1ec: {  	[sflag:s23] =	ssyncset.done $0x0  }
0x1ed: {  	s1 =	rddreg [dreg:$0x1e];
	[sflag:s23] =	ssyncadd.s32 $0xFFFFC000  }
0x1ee: {  	[hbm4b:s1+s8] =	stream.strided.scatter [tilespmem:s15], [sflag:$0x9], $0x4000, s9, s8, $0x38;
	[tilespmem:$0x19000] =	vst v63  }
0x1ef: {  	_ =	swait.ge [sflag:s24], $0x4000  }
0x1f0: {  	[sflag:s24] =	ssyncset.done $0x0  }
0x1f1: {  	[sflag:s24] =	ssyncadd.s32 $0xFFFFC000  }
0x1f2: {  	_ =	swait.ge [sflag:s25], $0x4000  }
0x1f3: {  	[sflag:s25] =	ssyncset.done $0x0  }
0x1f4: {  	s1 =	rddreg [dreg:$0x1f];
	[sflag:s25] =	ssyncadd.s32 $0xFFFFC000  }
0x1f5: {  	[hbm4b:s1+s8] =	stream.strided.scatter [tilespmem:s18], [sflag:$0xA], $0x4000, s9, s8, $0x38;
	[tilespmem:$0x19000] =	vst v63  }
0x1f6: {  	_ =	swait.ge [sflag:s26], $0x4000  }
0x1f7: {  	[sflag:s26] =	ssyncset.done $0x0  }
0x1f8: {  	[sflag:s26] =	ssyncadd.s32 $0xFFFFC000  }
0x1f9: {  	_ =	swait.ge [sflag:s16], $0x4000  }
0x1fa: {  	s1 =	sld [smem:$0x7E9]  }
0x1fb: {  	[sflag:s16] =	ssyncset.done $0x0  }
0x1fc: {  	[sflag:s16] =	ssyncadd.s32 $0xFFFFC000  }
0x1fd: {  	[hbm4b:s1+s8] =	stream.strided.scatter [tilespmem:s12], [sflag:$0x6], $0x4000, s9, s8, $0x38;
	[tilespmem:$0x19000] =	vst v63  }
0x1fe: {  	p0 =	sne.s32 s5, $0x1;
	_ =	swait.ge [sflag:s17], $0x4000  }
.Ltmp0:
0x1ff: {  	[sflag:s17] =	ssyncset.done $0x0;
	(pc) =	sbr.rel @p0 .LBB2_1-.Ltmp0, $4  }
0x200: {  	[sflag:s17] =	ssyncadd.s32 $0xFFFFC000  }
0x201: {  	_ =	swait.ge [sflag:s31], $0x4000  }
0x202: {  	[sflag:s31] =	ssyncset.done $0x0  }
0x203: {  	s5 =	sadd.s32 $0xFFFFFFFF, s5;
	[sflag:s31] =	ssyncadd.s32 $0xFFFFC000  }
0x204: {  	_ =	sfence.sel $0x180000  }
0x205: {  	[bflag:$0x0] =	sbarrier.arrive $0xFFFF  }
0x206: {  	_ =	strace $0x90000047  }
0x207: {  	s0 =	stileid.u32;
	[bflag:$0x2] =	sbarrier.arrive $0xFFFF  }
0x208: {  	p0 =	sne.s32 s0, $0x0;
	s0 =	rddreg [dreg:$0x4]  }
0x209: {  	s0 =	sadd.s32 @!p0 $0x100000, s0  }
0x20a: {  	[sflag:s0] =	ssyncadd.tile.s32 @!p0 $0x1;
	_ =	shalt  }
.Lfunc_end2:
_tile_overlayer_lowered:
.L_overlay_start_2:
0x20b: {  	(tag) =	ssettag $0x2  }
0x20c: {  	s0 =	rddreg [dreg:$0x0];
	s2 =	stileid.u32  }
0x20d: {  	s1 =	rddreg [dreg:$0x1];
	p0 =	sne.s32 s2, $0x0  }
0x20e: {  	s3 =	rddreg [dreg:$0x2];
	[bflag:$0x3] =	sbarrier.arrive $0xFFFF;
	s2 =	simm.s32 @!p0 $0x1C0C  }
0x20f: {  	[timem:s3], [sflag:s2] =	dma.local @!p0 [hbm:s0], s1  }
0x210: {  	s0 =	simm.s32 @!p0 $0xC  }
0x211: {  	_ =	swait.ge @!p0 [sflag:s0], s1  }
0x212: {  	s1 =	ssub.s32 @!p0 $0x0, s1;
	[sflag:s0] =	ssyncset.done @!p0 $0x0  }
0x213: {  	[sflag:s0] =	ssyncadd.s32 @!p0 s1  }
0x214: {  	[bflag:$0x3] =	sbarrier.arrive $0xFFFF  }
0x215: {  	_ =	shalt  }

</sc_bundles>
